<compile_context>
chip_gen: v7x
topology: tpu7x:2x2x1
jax: 0.10.2.dev20260603
libtpu: 0.0.44.dev20260713+nightly
codegen_flags: <defaults>
</compile_context>

<pallas_src>
import jax
import jax.numpy as jnp
from jax import lax
from jax.experimental import pallas as pl
from jax.experimental.pallas import tpu as pltpu
from jax.experimental.pallas import tpu_sc as plsc

MAX_TOKENS = 100000
SEQ = 200
DIM = 128
B = 1024

NC = 2
NS = 16
NW = NC * NS
ROWS = B * SEQ
ROWS_PER_W = ROWS // NW
CHUNK = 128
NBUF = 5
NCHUNKS = ROWS_PER_W // CHUNK
LANES = 8


def _rsqrt(x):
    xi = plsc.bitcast(x, jnp.int32)
    yi = jnp.int32(0x5F3759DF) - (xi >> 1)
    y = plsc.bitcast(yi, jnp.float32)
    xh = x * 0.5
    for _ in range(2):
        y = y * (1.5 - xh * y * y)
    return y


def _tree_sum(vs):
    while len(vs) > 1:
        vs = [vs[i] + vs[i + 1] for i in range(0, len(vs) - 1, 2)] + (
            [vs[-1]] if len(vs) % 2 else [])
    return vs[0]


def _body(tok_hbm, table_hbm, pos_hbm, gamma_hbm, beta_hbm, out_hbm,
          idx_v, rows_v, pos_v, *sems):
    gsem = sems[:NBUF]
    wsem = sems[NBUF:]
    wid = lax.axis_index("s") * NC + lax.axis_index("c")
    base_row = wid * ROWS_PER_W

    pltpu.sync_copy(tok_hbm.at[pl.ds(base_row, ROWS_PER_W)], idx_v)
    pltpu.sync_copy(pos_hbm, pos_v)
    del gamma_hbm, beta_hbm

    def start_gather(c, b):
        pltpu.async_copy(
            table_hbm.at[idx_v.at[pl.ds(c * CHUNK, CHUNK)]],
            rows_v.at[b], gsem[b])

    def wait_gather(b):
        pltpu.make_async_copy(
            table_hbm.at[idx_v.at[pl.ds(0, CHUNK)]],
            rows_v.at[b], gsem[b]).wait()

    def wait_wb(b):
        pltpu.make_async_copy(
            rows_v.at[b], out_hbm.at[pl.ds(0, CHUNK)], wsem[b]).wait()

    start_gather(0, 0)
    start_gather(1, 1)

    def chunk_compute(b, p0):
        def row_body(r, p):
            vs = [rows_v[b, r, pl.ds(16 * k, 16)] + pos_v[p, pl.ds(16 * k, 16)]
                  for k in range(LANES)]
            s1 = _tree_sum(vs)
            s2 = _tree_sum([v * v for v in vs])
            tot = jnp.broadcast_to(jnp.sum(s1), (16,))
            tot2 = jnp.broadcast_to(jnp.sum(s2), (16,))
            mean = tot * (1.0 / DIM)
            var = tot2 * (1.0 / DIM) - mean * mean
            rstd = _rsqrt(var + 1e-5)
            for k in range(LANES):
                rows_v[b, r, pl.ds(16 * k, 16)] = (vs[k] - mean) * rstd
            p1 = p + 1
            return jnp.where(p1 > SEQ, 1, p1)
        return plsc.parallel_loop(0, CHUNK, unroll=2, carry=p0)(row_body)

    def outer(i, p):
        for b in range(NBUF):
            g = NBUF * i + b
            wait_gather(b)
            b2 = (b + 2) % NBUF
            @pl.when(g + 2 < NCHUNKS)
            def _():
                @pl.when(g >= 3)
                def _():
                    wait_wb(b2)
                start_gather(g + 2, b2)
            p = chunk_compute(b, p)
            pltpu.async_copy(
                rows_v.at[b],
                out_hbm.at[pl.ds(base_row + g * CHUNK, CHUNK)], wsem[b])
        return p

    lax.fori_loop(0, NCHUNKS // NBUF, outer, jnp.int32(1))

    for b in range(NBUF):
        wait_wb(b)


def kernel(tokens, tok_table, pos_table, gamma, beta):
    tokens_flat = tokens.reshape(ROWS).astype(jnp.int32)
    mesh = plsc.VectorSubcoreMesh(
        core_axis_name="c", subcore_axis_name="s",
        num_cores=NC, num_subcores=NS)
    scratch = [
        pltpu.VMEM((ROWS_PER_W,), jnp.int32),
        pltpu.VMEM((NBUF, CHUNK, DIM), jnp.float32),
        pltpu.VMEM((SEQ + 1, DIM), jnp.float32),
    ] + [pltpu.SemaphoreType.DMA] * (2 * NBUF)
    out = pl.kernel(
        _body,
        out_type=jax.ShapeDtypeStruct((ROWS, DIM), jnp.float32),
        mesh=mesh,
        scratch_types=scratch,
        compiler_params=pltpu.CompilerParams(needs_layout_passes=False),
    )(tokens_flat, tok_table, pos_table, gamma, beta)
    return out.reshape(B, SEQ, DIM)

# --- scband reference (transcript-rebuilt; emitter-appended) ---
"""Pipeline reference for scband-embedding-layer-798863917271 (READ-ONLY COPY).

The authoritative reference and input builder live on the scoring server;
editing this copy changes nothing except your own understanding.
"""

import jax, jax.numpy as jnp
import numpy as np

MAX_TOKENS = 100000
SEQ = 200
DIM = 128
B = 1024


def setup_inputs(seed: int = 0) -> dict:
    key = jax.random.key(seed)
    k1, k2, k3 = jax.random.split(key, 3)
    tokens = jax.random.randint(k1, (B, SEQ), 0, MAX_TOKENS)
    # token_embedding: nn.Embedding(max_tokens + 2, embed_dim)
    tok_table = jax.random.normal(k2, (MAX_TOKENS + 2, DIM), dtype=jnp.float32)
    # position_embedding: nn.Embedding(seq_length + 1, embed_dim, padding_idx=0)
    pos_table = jax.random.normal(k3, (SEQ + 1, DIM), dtype=jnp.float32)
    pos_table = pos_table.at[0].set(0.0)  # padding_idx row zeroed as in nn.Embedding init
    gamma = jnp.ones((DIM,), dtype=jnp.float32)
    beta = jnp.zeros((DIM,), dtype=jnp.float32)
    return {"tokens": tokens, "tok_table": tok_table, "pos_table": pos_table, "gamma": gamma, "beta": beta}


def reference(tokens, tok_table, pos_table, gamma, beta):
    # pos = arange(seq_length) + 1, expanded to tokens' shape
    pos = jnp.arange(SEQ, dtype=jnp.int32) + 1
    pos = jnp.broadcast_to(pos[None, :], tokens.shape)
    emb = jnp.take(tok_table, tokens, axis=0) + jnp.take(pos_table, pos, axis=0)
    # LayerNorm over last dim (eps=1e-5, elementwise affine)
    mean = jnp.mean(emb, axis=-1, keepdims=True)
    var = jnp.var(emb, axis=-1, keepdims=True)
    normed = (emb - mean) / jnp.sqrt(var + 1e-5)
    out = normed * gamma + beta
    # dropout rate = 0.0 -> identity
    return out

if __name__ == "__main__":
    import jax
    _d = setup_inputs()
    print(jax.jit(kernel)(*tuple(_d.values())))

</pallas_src>

<mosaic_0001>
#map = affine_map<(d0, d1) -> (0)>
#map1 = affine_map<(d0, d1) -> (0, 0)>
module attributes {stable_mosaic.version = 14 : i64} {
  func.func @_body(%arg0: i32, %arg1: i32, %arg2: memref<204800xi32, #tpu.memory_space<hbm>>, %arg3: memref<100002x128xf32, #tpu.memory_space<hbm>>, %arg4: memref<201x128xf32, #tpu.memory_space<hbm>>, %arg5: memref<128xf32, #tpu.memory_space<hbm>>, %arg6: memref<128xf32, #tpu.memory_space<hbm>>, %arg7: memref<204800x128xf32, #tpu.memory_space<hbm>>, %arg8: memref<6400xi32, #tpu.memory_space<vmem>>, %arg9: memref<5x128x128xf32, #tpu.memory_space<vmem>>, %arg10: memref<201x128xf32, #tpu.memory_space<vmem>>, %arg11: memref<!tpu.dma_semaphore, #tpu.memory_space<semaphore_mem>>, %arg12: memref<!tpu.dma_semaphore, #tpu.memory_space<semaphore_mem>>, %arg13: memref<!tpu.dma_semaphore, #tpu.memory_space<semaphore_mem>>, %arg14: memref<!tpu.dma_semaphore, #tpu.memory_space<semaphore_mem>>, %arg15: memref<!tpu.dma_semaphore, #tpu.memory_space<semaphore_mem>>, %arg16: memref<!tpu.dma_semaphore, #tpu.memory_space<semaphore_mem>>, %arg17: memref<!tpu.dma_semaphore, #tpu.memory_space<semaphore_mem>>, %arg18: memref<!tpu.dma_semaphore, #tpu.memory_space<semaphore_mem>>, %arg19: memref<!tpu.dma_semaphore, #tpu.memory_space<semaphore_mem>>, %arg20: memref<!tpu.dma_semaphore, #tpu.memory_space<semaphore_mem>>) attributes {dimension_semantics = [#tpu.dimension_semantics<core_parallel>, #tpu.dimension_semantics<subcore_parallel>], iteration_bounds = array<i64: 2, 16>, scalar_prefetch = 0 : i64, scratch_operands = 13 : i64, tpu.core_type = #tpu.core_type<sc_vector_subcore>, window_params = [{transform_indices = #map}, {transform_indices = #map1}, {transform_indices = #map1}, {transform_indices = #map}, {transform_indices = #map}, {transform_indices = #map1}]} {
    %mul3A = arith.constant 2 : i32
    %mul3A_0 = arith.muli %arg1, %mul3A : i32
    %add3A = arith.addi %mul3A_0, %arg0 : i32
    %mul3A_1 = arith.constant 6400 : i32
    %mul3A_2 = arith.muli %add3A, %mul3A_1 : i32
    "tpu.region"() ({
      %run_scoped3A = tpu.sem_alloc : memref<!tpu.dma_semaphore, #tpu.memory_space<semaphore_mem>>
      %dma_start3A_102 = tpu.memref_slice %arg2[%mul3A_2] : memref<204800xi32, #tpu.memory_space<hbm>> -> memref<6400xi32, #tpu.memory_space<hbm>>
      %dma_start3A_103 = tpu.memref_slice %arg2[%mul3A_2] : memref<204800xi32, #tpu.memory_space<hbm>> -> memref<6400xi32, #tpu.memory_space<hbm>>
      tpu.enqueue_dma source(%dma_start3A_103 : memref<6400xi32, #tpu.memory_space<hbm>>) target(%arg8 : memref<6400xi32, #tpu.memory_space<vmem>>) target_semaphore(%run_scoped3A : memref<!tpu.dma_semaphore, #tpu.memory_space<semaphore_mem>>)
      %dma_wait3A_104 = tpu.memref_slice %arg2[%mul3A_2] : memref<204800xi32, #tpu.memory_space<hbm>> -> memref<6400xi32, #tpu.memory_space<hbm>>
      %dma_wait3A_105 = tpu.memref_slice %arg2[%mul3A_2] : memref<204800xi32, #tpu.memory_space<hbm>> -> memref<6400xi32, #tpu.memory_space<hbm>>
      tpu.wait_dma2 semaphore(%run_scoped3A : memref<!tpu.dma_semaphore, #tpu.memory_space<semaphore_mem>>) src(%dma_wait3A_105 : memref<6400xi32, #tpu.memory_space<hbm>>) dst(%arg8 : memref<6400xi32, #tpu.memory_space<vmem>>)
      tpu.yield
    }) : () -> ()
    "tpu.region"() ({
      %run_scoped3A = tpu.sem_alloc : memref<!tpu.dma_semaphore, #tpu.memory_space<semaphore_mem>>
      tpu.enqueue_dma source(%arg4 : memref<201x128xf32, #tpu.memory_space<hbm>>) target(%arg10 : memref<201x128xf32, #tpu.memory_space<vmem>>) target_semaphore(%run_scoped3A : memref<!tpu.dma_semaphore, #tpu.memory_space<semaphore_mem>>)
      tpu.wait_dma2 semaphore(%run_scoped3A : memref<!tpu.dma_semaphore, #tpu.memory_space<semaphore_mem>>) src(%arg4 : memref<201x128xf32, #tpu.memory_space<hbm>>) dst(%arg10 : memref<201x128xf32, #tpu.memory_space<vmem>>)
      tpu.yield
    }) : () -> ()
    %dma_start3A = arith.constant 0 : i32
    %dma_start3A_3 = arith.constant 0 : i32
    %dma_start3A_4 = arith.constant 0 : i32
    %dma_start3A_5 = tpu.memref_slice %arg9[%dma_start3A, %dma_start3A_3, %dma_start3A_4] : memref<5x128x128xf32, #tpu.memory_space<vmem>> -> memref<1x128x128xf32, #tpu.memory_space<vmem>>
    %dma_start3A_6 = tpu.memref_squeeze %dma_start3A_5 : memref<1x128x128xf32, #tpu.memory_space<vmem>> -> memref<128x128xf32, #tpu.memory_space<vmem>>
    %dma_start3A_7 = arith.constant 0 : i32
    %dma_start3A_8 = tpu.memref_slice %arg8[%dma_start3A_7] : memref<6400xi32, #tpu.memory_space<vmem>> -> memref<128xi32, #tpu.memory_space<vmem>>
    %dma_start3A_9 = arith.constant 0 : i32
    %dma_start3A_10 = arith.constant 0 : i32
    %dma_start3A_11 = tpu.memref_slice %arg3[%dma_start3A_9, %dma_start3A_10] : memref<100002x128xf32, #tpu.memory_space<hbm>> -> memref<100002x128xf32, #tpu.memory_space<hbm>>
    tpu.enqueue_indirect_dma source(%dma_start3A_11 : memref<100002x128xf32, #tpu.memory_space<hbm>>) target(%dma_start3A_6 : memref<128x128xf32, #tpu.memory_space<vmem>>) offsets(%dma_start3A_8 : memref<128xi32, #tpu.memory_space<vmem>>) semaphore(%arg11 : memref<!tpu.dma_semaphore, #tpu.memory_space<semaphore_mem>>)
    %dma_start3A_12 = arith.constant 1 : i32
    %dma_start3A_13 = arith.constant 0 : i32
    %dma_start3A_14 = arith.constant 0 : i32
    %dma_start3A_15 = tpu.memref_slice %arg9[%dma_start3A_12, %dma_start3A_13, %dma_start3A_14] : memref<5x128x128xf32, #tpu.memory_space<vmem>> -> memref<1x128x128xf32, #tpu.memory_space<vmem>>
    %dma_start3A_16 = tpu.memref_squeeze %dma_start3A_15 : memref<1x128x128xf32, #tpu.memory_space<vmem>> -> memref<128x128xf32, #tpu.memory_space<vmem>>
    %dma_start3A_17 = arith.constant 128 : i32
    %dma_start3A_18 = tpu.memref_slice %arg8[%dma_start3A_17] : memref<6400xi32, #tpu.memory_space<vmem>> -> memref<128xi32, #tpu.memory_space<vmem>>
    %dma_start3A_19 = arith.constant 0 : i32
    %dma_start3A_20 = arith.constant 0 : i32
    %dma_start3A_21 = tpu.memref_slice %arg3[%dma_start3A_19, %dma_start3A_20] : memref<100002x128xf32, #tpu.memory_space<hbm>> -> memref<100002x128xf32, #tpu.memory_space<hbm>>
    tpu.enqueue_indirect_dma source(%dma_start3A_21 : memref<100002x128xf32, #tpu.memory_space<hbm>>) target(%dma_start3A_16 : memref<128x128xf32, #tpu.memory_space<vmem>>) offsets(%dma_start3A_18 : memref<128xi32, #tpu.memory_space<vmem>>) semaphore(%arg12 : memref<!tpu.dma_semaphore, #tpu.memory_space<semaphore_mem>>)
    %scan3A = arith.constant 1 : i32
    %scan3A_22 = arith.constant 0 : i32
    %scan3A_23 = arith.constant 10 : i32
    %scan3A_24 = arith.addi %scan3A_22, %scan3A_23 : i32
    %scan3A_25 = arith.constant 1 : i32
    %scan3A_26 = scf.for %scan3A_102 = %scan3A_22 to %scan3A_24 step %scan3A_25 iter_args(%scan3A_103 = %scan3A) -> (i32)  : i32 {
      %mul3A_104 = arith.constant 5 : i32
      %mul3A_105 = arith.muli %mul3A_104, %scan3A_102 : i32
      %add3A_106 = arith.constant 0 : i32
      %add3A_107 = arith.addi %mul3A_105, %add3A_106 : i32
      %dma_wait3A_108 = arith.constant 0 : i32
      %dma_wait3A_109 = arith.constant 0 : i32
      %dma_wait3A_110 = arith.constant 0 : i32
      %dma_wait3A_111 = tpu.memref_slice %arg9[%dma_wait3A_108, %dma_wait3A_109, %dma_wait3A_110] : memref<5x128x128xf32, #tpu.memory_space<vmem>> -> memref<1x128x128xf32, #tpu.memory_space<vmem>>
      %dma_wait3A_112 = tpu.memref_squeeze %dma_wait3A_111 : memref<1x128x128xf32, #tpu.memory_space<vmem>> -> memref<128x128xf32, #tpu.memory_space<vmem>>
      %dma_wait3A_113 = arith.constant 0 : i32
      %dma_wait3A_114 = tpu.memref_slice %arg8[%dma_wait3A_113] : memref<6400xi32, #tpu.memory_space<vmem>> -> memref<128xi32, #tpu.memory_space<vmem>>
      %dma_wait3A_115 = arith.constant 0 : i32
      %dma_wait3A_116 = arith.constant 0 : i32
      %dma_wait3A_117 = tpu.memref_slice %arg3[%dma_wait3A_115, %dma_wait3A_116] : memref<100002x128xf32, #tpu.memory_space<hbm>> -> memref<100002x128xf32, #tpu.memory_space<hbm>>
      tpu.wait_indirect_dma semaphore(%arg11 : memref<!tpu.dma_semaphore, #tpu.memory_space<semaphore_mem>>) src(%dma_wait3A_117 : memref<100002x128xf32, #tpu.memory_space<hbm>>) dst(%dma_wait3A_112 : memref<128x128xf32, #tpu.memory_space<vmem>>)
      %add3A_118 = arith.constant 2 : i32
      %add3A_119 = arith.addi %add3A_107, %add3A_118 : i32
      %lt3A = arith.constant 50 : i32
      %lt3A_120 = arith.cmpi slt, %add3A_119, %lt3A : i32
      %convert_element_type3A = arith.extui %lt3A_120 : i1 to i32
      %cond3A = arith.constant 0 : i32
      %cond3A_121 = arith.cmpi ne, %convert_element_type3A, %cond3A : i32
      scf.if %cond3A_121 {
        %ge3A = arith.constant 3 : i32
        %ge3A_305 = arith.cmpi sge, %add3A_107, %ge3A : i32
        %convert_element_type3A_306 = arith.extui %ge3A_305 : i1 to i32
        %cond3A_307 = arith.constant 0 : i32
        %cond3A_308 = arith.cmpi ne, %convert_element_type3A_306, %cond3A_307 : i32
        scf.if %cond3A_308 {
          %dma_wait3A_322 = arith.constant 2 : i32
          %dma_wait3A_323 = arith.constant 0 : i32
          %dma_wait3A_324 = arith.constant 0 : i32
          %dma_wait3A_325 = tpu.memref_slice %arg9[%dma_wait3A_322, %dma_wait3A_323, %dma_wait3A_324] : memref<5x128x128xf32, #tpu.memory_space<vmem>> -> memref<1x128x128xf32, #tpu.memory_space<vmem>>
          %dma_wait3A_326 = tpu.memref_squeeze %dma_wait3A_325 : memref<1x128x128xf32, #tpu.memory_space<vmem>> -> memref<128x128xf32, #tpu.memory_space<vmem>>
          %dma_wait3A_327 = arith.constant 0 : i32
          %dma_wait3A_328 = arith.constant 0 : i32
          %dma_wait3A_329 = tpu.memref_slice %arg7[%dma_wait3A_327, %dma_wait3A_328] : memref<204800x128xf32, #tpu.memory_space<hbm>> -> memref<128x128xf32, #tpu.memory_space<hbm>>
          %dma_wait3A_330 = arith.constant 0 : i32
          %dma_wait3A_331 = arith.constant 0 : i32
          %dma_wait3A_332 = tpu.memref_slice %arg7[%dma_wait3A_330, %dma_wait3A_331] : memref<204800x128xf32, #tpu.memory_space<hbm>> -> memref<128x128xf32, #tpu.memory_space<hbm>>
          %dma_wait3A_333 = arith.constant 0 : i32
          %dma_wait3A_334 = arith.constant 0 : i32
          %dma_wait3A_335 = tpu.memref_slice %arg9[%dma_wait3A_322, %dma_wait3A_333, %dma_wait3A_334] : memref<5x128x128xf32, #tpu.memory_space<vmem>> -> memref<1x128x128xf32, #tpu.memory_space<vmem>>
          %dma_wait3A_336 = tpu.memref_squeeze %dma_wait3A_335 : memref<1x128x128xf32, #tpu.memory_space<vmem>> -> memref<128x128xf32, #tpu.memory_space<vmem>>
          tpu.wait_dma2 semaphore(%arg18 : memref<!tpu.dma_semaphore, #tpu.memory_space<semaphore_mem>>) src(%dma_wait3A_336 : memref<128x128xf32, #tpu.memory_space<vmem>>) dst(%dma_wait3A_332 : memref<128x128xf32, #tpu.memory_space<hbm>>)
        } else {
        }
        %add3A_309 = arith.constant 2 : i32
        %add3A_310 = arith.addi %add3A_107, %add3A_309 : i32
        %mul3A_311 = arith.constant 128 : i32
        %mul3A_312 = arith.muli %add3A_310, %mul3A_311 : i32
        %dma_start3A_313 = arith.constant 2 : i32
        %dma_start3A_314 = arith.constant 0 : i32
        %dma_start3A_315 = arith.constant 0 : i32
        %dma_start3A_316 = tpu.memref_slice %arg9[%dma_start3A_313, %dma_start3A_314, %dma_start3A_315] : memref<5x128x128xf32, #tpu.memory_space<vmem>> -> memref<1x128x128xf32, #tpu.memory_space<vmem>>
        %dma_start3A_317 = tpu.memref_squeeze %dma_start3A_316 : memref<1x128x128xf32, #tpu.memory_space<vmem>> -> memref<128x128xf32, #tpu.memory_space<vmem>>
        %dma_start3A_318 = tpu.memref_slice %arg8[%mul3A_312] : memref<6400xi32, #tpu.memory_space<vmem>> -> memref<128xi32, #tpu.memory_space<vmem>>
        %dma_start3A_319 = arith.constant 0 : i32
        %dma_start3A_320 = arith.constant 0 : i32
        %dma_start3A_321 = tpu.memref_slice %arg3[%dma_start3A_319, %dma_start3A_320] : memref<100002x128xf32, #tpu.memory_space<hbm>> -> memref<100002x128xf32, #tpu.memory_space<hbm>>
        tpu.enqueue_indirect_dma source(%dma_start3A_321 : memref<100002x128xf32, #tpu.memory_space<hbm>>) target(%dma_start3A_317 : memref<128x128xf32, #tpu.memory_space<vmem>>) offsets(%dma_start3A_318 : memref<128xi32, #tpu.memory_space<vmem>>) semaphore(%arg13 : memref<!tpu.dma_semaphore, #tpu.memory_space<semaphore_mem>>)
      } else {
      }
      %parallel_loop3A = arith.constant 0 : i32
      %parallel_loop3A_122 = arith.constant 128 : i32
      %parallel_loop3A_123 = arith.constant 1 : i32
      %parallel_loop3A_124 = scf.for %parallel_loop3A_305 = %parallel_loop3A to %parallel_loop3A_122 step %parallel_loop3A_123 iter_args(%parallel_loop3A_306 = %scan3A_103) -> (i32)  : i32 {
        %parallel_loop3A_307 = arith.constant 0 : i32
        %parallel_loop3A_308 = arith.index_cast %parallel_loop3A_307 : i32 to index
        %parallel_loop3A_309 = arith.index_cast %parallel_loop3A_305 : i32 to index
        %parallel_loop3A_310 = arith.constant 0 : index
        %parallel_loop3A_311 = tpu.vector_load %arg9[%parallel_loop3A_308, %parallel_loop3A_309, %parallel_loop3A_310] {strides = array<i32>} : memref<5x128x128xf32, #tpu.memory_space<vmem>>, vector<16xf32>,
        %parallel_loop3A_312 = arith.index_cast %parallel_loop3A_306 : i32 to index
        %parallel_loop3A_313 = arith.constant 0 : index
        %parallel_loop3A_314 = tpu.vector_load %arg10[%parallel_loop3A_312, %parallel_loop3A_313] {strides = array<i32>} : memref<201x128xf32, #tpu.memory_space<vmem>>, vector<16xf32>,
        %parallel_loop3A_315 = arith.addf %parallel_loop3A_311, %parallel_loop3A_314 : vector<16xf32>
        %parallel_loop3A_316 = arith.constant 0 : i32
        %parallel_loop3A_317 = arith.index_cast %parallel_loop3A_316 : i32 to index
        %parallel_loop3A_318 = arith.index_cast %parallel_loop3A_305 : i32 to index
        %parallel_loop3A_319 = arith.constant 16 : index
        %parallel_loop3A_320 = tpu.vector_load %arg9[%parallel_loop3A_317, %parallel_loop3A_318, %parallel_loop3A_319] {strides = array<i32>} : memref<5x128x128xf32, #tpu.memory_space<vmem>>, vector<16xf32>,
        %parallel_loop3A_321 = arith.index_cast %parallel_loop3A_306 : i32 to index
        %parallel_loop3A_322 = arith.constant 16 : index
        %parallel_loop3A_323 = tpu.vector_load %arg10[%parallel_loop3A_321, %parallel_loop3A_322] {strides = array<i32>} : memref<201x128xf32, #tpu.memory_space<vmem>>, vector<16xf32>,
        %parallel_loop3A_324 = arith.addf %parallel_loop3A_320, %parallel_loop3A_323 : vector<16xf32>
        %parallel_loop3A_325 = arith.constant 0 : i32
        %parallel_loop3A_326 = arith.index_cast %parallel_loop3A_325 : i32 to index
        %parallel_loop3A_327 = arith.index_cast %parallel_loop3A_305 : i32 to index
        %parallel_loop3A_328 = arith.constant 32 : index
        %parallel_loop3A_329 = tpu.vector_load %arg9[%parallel_loop3A_326, %parallel_loop3A_327, %parallel_loop3A_328] {strides = array<i32>} : memref<5x128x128xf32, #tpu.memory_space<vmem>>, vector<16xf32>,
        %parallel_loop3A_330 = arith.index_cast %parallel_loop3A_306 : i32 to index
        %parallel_loop3A_331 = arith.constant 32 : index
        %parallel_loop3A_332 = tpu.vector_load %arg10[%parallel_loop3A_330, %parallel_loop3A_331] {strides = array<i32>} : memref<201x128xf32, #tpu.memory_space<vmem>>, vector<16xf32>,
        %parallel_loop3A_333 = arith.addf %parallel_loop3A_329, %parallel_loop3A_332 : vector<16xf32>
        %parallel_loop3A_334 = arith.constant 0 : i32
        %parallel_loop3A_335 = arith.index_cast %parallel_loop3A_334 : i32 to index
        %parallel_loop3A_336 = arith.index_cast %parallel_loop3A_305 : i32 to index
        %parallel_loop3A_337 = arith.constant 48 : index
        %parallel_loop3A_338 = tpu.vector_load %arg9[%parallel_loop3A_335, %parallel_loop3A_336, %parallel_loop3A_337] {strides = array<i32>} : memref<5x128x128xf32, #tpu.memory_space<vmem>>, vector<16xf32>,
        %parallel_loop3A_339 = arith.index_cast %parallel_loop3A_306 : i32 to index
        %parallel_loop3A_340 = arith.constant 48 : index
        %parallel_loop3A_341 = tpu.vector_load %arg10[%parallel_loop3A_339, %parallel_loop3A_340] {strides = array<i32>} : memref<201x128xf32, #tpu.memory_space<vmem>>, vector<16xf32>,
        %parallel_loop3A_342 = arith.addf %parallel_loop3A_338, %parallel_loop3A_341 : vector<16xf32>
        %parallel_loop3A_343 = arith.constant 0 : i32
        %parallel_loop3A_344 = arith.index_cast %parallel_loop3A_343 : i32 to index
        %parallel_loop3A_345 = arith.index_cast %parallel_loop3A_305 : i32 to index
        %parallel_loop3A_346 = arith.constant 64 : index
        %parallel_loop3A_347 = tpu.vector_load %arg9[%parallel_loop3A_344, %parallel_loop3A_345, %parallel_loop3A_346] {strides = array<i32>} : memref<5x128x128xf32, #tpu.memory_space<vmem>>, vector<16xf32>,
        %parallel_loop3A_348 = arith.index_cast %parallel_loop3A_306 : i32 to index
        %parallel_loop3A_349 = arith.constant 64 : index
        %parallel_loop3A_350 = tpu.vector_load %arg10[%parallel_loop3A_348, %parallel_loop3A_349] {strides = array<i32>} : memref<201x128xf32, #tpu.memory_space<vmem>>, vector<16xf32>,
        %parallel_loop3A_351 = arith.addf %parallel_loop3A_347, %parallel_loop3A_350 : vector<16xf32>
        %parallel_loop3A_352 = arith.constant 0 : i32
        %parallel_loop3A_353 = arith.index_cast %parallel_loop3A_352 : i32 to index
        %parallel_loop3A_354 = arith.index_cast %parallel_loop3A_305 : i32 to index
        %parallel_loop3A_355 = arith.constant 80 : index
        %parallel_loop3A_356 = tpu.vector_load %arg9[%parallel_loop3A_353, %parallel_loop3A_354, %parallel_loop3A_355] {strides = array<i32>} : memref<5x128x128xf32, #tpu.memory_space<vmem>>, vector<16xf32>,
        %parallel_loop3A_357 = arith.index_cast %parallel_loop3A_306 : i32 to index
        %parallel_loop3A_358 = arith.constant 80 : index
        %parallel_loop3A_359 = tpu.vector_load %arg10[%parallel_loop3A_357, %parallel_loop3A_358] {strides = array<i32>} : memref<201x128xf32, #tpu.memory_space<vmem>>, vector<16xf32>,
        %parallel_loop3A_360 = arith.addf %parallel_loop3A_356, %parallel_loop3A_359 : vector<16xf32>
        %parallel_loop3A_361 = arith.constant 0 : i32
        %parallel_loop3A_362 = arith.index_cast %parallel_loop3A_361 : i32 to index
        %parallel_loop3A_363 = arith.index_cast %parallel_loop3A_305 : i32 to index
        %parallel_loop3A_364 = arith.constant 96 : index
        %parallel_loop3A_365 = tpu.vector_load %arg9[%parallel_loop3A_362, %parallel_loop3A_363, %parallel_loop3A_364] {strides = array<i32>} : memref<5x128x128xf32, #tpu.memory_space<vmem>>, vector<16xf32>,
        %parallel_loop3A_366 = arith.index_cast %parallel_loop3A_306 : i32 to index
        %parallel_loop3A_367 = arith.constant 96 : index
        %parallel_loop3A_368 = tpu.vector_load %arg10[%parallel_loop3A_366, %parallel_loop3A_367] {strides = array<i32>} : memref<201x128xf32, #tpu.memory_space<vmem>>, vector<16xf32>,
        %parallel_loop3A_369 = arith.addf %parallel_loop3A_365, %parallel_loop3A_368 : vector<16xf32>
        %parallel_loop3A_370 = arith.constant 0 : i32
        %parallel_loop3A_371 = arith.index_cast %parallel_loop3A_370 : i32 to index
        %parallel_loop3A_372 = arith.index_cast %parallel_loop3A_305 : i32 to index
        %parallel_loop3A_373 = arith.constant 112 : index
        %parallel_loop3A_374 = tpu.vector_load %arg9[%parallel_loop3A_371, %parallel_loop3A_372, %parallel_loop3A_373] {strides = array<i32>} : memref<5x128x128xf32, #tpu.memory_space<vmem>>, vector<16xf32>,
        %parallel_loop3A_375 = arith.index_cast %parallel_loop3A_306 : i32 to index
        %parallel_loop3A_376 = arith.constant 112 : index
        %parallel_loop3A_377 = tpu.vector_load %arg10[%parallel_loop3A_375, %parallel_loop3A_376] {strides = array<i32>} : memref<201x128xf32, #tpu.memory_space<vmem>>, vector<16xf32>,
        %parallel_loop3A_378 = arith.addf %parallel_loop3A_374, %parallel_loop3A_377 : vector<16xf32>
        %parallel_loop3A_379 = arith.addf %parallel_loop3A_315, %parallel_loop3A_324 : vector<16xf32>
        %parallel_loop3A_380 = arith.addf %parallel_loop3A_333, %parallel_loop3A_342 : vector<16xf32>
        %parallel_loop3A_381 = arith.addf %parallel_loop3A_351, %parallel_loop3A_360 : vector<16xf32>
        %parallel_loop3A_382 = arith.addf %parallel_loop3A_369, %parallel_loop3A_378 : vector<16xf32>
        %parallel_loop3A_383 = arith.addf %parallel_loop3A_379, %parallel_loop3A_380 : vector<16xf32>
        %parallel_loop3A_384 = arith.addf %parallel_loop3A_381, %parallel_loop3A_382 : vector<16xf32>
        %parallel_loop3A_385 = arith.addf %parallel_loop3A_383, %parallel_loop3A_384 : vector<16xf32>
        %parallel_loop3A_386 = arith.mulf %parallel_loop3A_315, %parallel_loop3A_315 : vector<16xf32>
        %parallel_loop3A_387 = arith.mulf %parallel_loop3A_324, %parallel_loop3A_324 : vector<16xf32>
        %parallel_loop3A_388 = arith.mulf %parallel_loop3A_333, %parallel_loop3A_333 : vector<16xf32>
        %parallel_loop3A_389 = arith.mulf %parallel_loop3A_342, %parallel_loop3A_342 : vector<16xf32>
        %parallel_loop3A_390 = arith.mulf %parallel_loop3A_351, %parallel_loop3A_351 : vector<16xf32>
        %parallel_loop3A_391 = arith.mulf %parallel_loop3A_360, %parallel_loop3A_360 : vector<16xf32>
        %parallel_loop3A_392 = arith.mulf %parallel_loop3A_369, %parallel_loop3A_369 : vector<16xf32>
        %parallel_loop3A_393 = arith.mulf %parallel_loop3A_378, %parallel_loop3A_378 : vector<16xf32>
        %parallel_loop3A_394 = arith.addf %parallel_loop3A_386, %parallel_loop3A_387 : vector<16xf32>
        %parallel_loop3A_395 = arith.addf %parallel_loop3A_388, %parallel_loop3A_389 : vector<16xf32>
        %parallel_loop3A_396 = arith.addf %parallel_loop3A_390, %parallel_loop3A_391 : vector<16xf32>
        %parallel_loop3A_397 = arith.addf %parallel_loop3A_392, %parallel_loop3A_393 : vector<16xf32>
        %parallel_loop3A_398 = arith.addf %parallel_loop3A_394, %parallel_loop3A_395 : vector<16xf32>
        %parallel_loop3A_399 = arith.addf %parallel_loop3A_396, %parallel_loop3A_397 : vector<16xf32>
        %parallel_loop3A_400 = arith.addf %parallel_loop3A_398, %parallel_loop3A_399 : vector<16xf32>
        %parallel_loop3A_401 = arith.constant true
        %parallel_loop3A_402 = vector.broadcast %parallel_loop3A_401 : i1 to vector<16xi1>
        %parallel_loop3A_403 = tpu.scan <sum>, %parallel_loop3A_385 masked %parallel_loop3A_402 : vector<16xf32>, vector<16xi1> -> vector<16xf32>
        %parallel_loop3A_404 = vector.extract %parallel_loop3A_403[15] : f32 from vector<16xf32>
        %parallel_loop3A_405 = vector.broadcast %parallel_loop3A_404 : f32 to vector<16xf32>
        %parallel_loop3A_406 = arith.constant true
        %parallel_loop3A_407 = vector.broadcast %parallel_loop3A_406 : i1 to vector<16xi1>
        %parallel_loop3A_408 = tpu.scan <sum>, %parallel_loop3A_400 masked %parallel_loop3A_407 : vector<16xf32>, vector<16xi1> -> vector<16xf32>
        %parallel_loop3A_409 = vector.extract %parallel_loop3A_408[15] : f32 from vector<16xf32>
        %parallel_loop3A_410 = vector.broadcast %parallel_loop3A_409 : f32 to vector<16xf32>
        %parallel_loop3A_411 = arith.constant 7.812500e-03 : f32
        %parallel_loop3A_412 = vector.broadcast %parallel_loop3A_411 : f32 to vector<16xf32>
        %parallel_loop3A_413 = arith.mulf %parallel_loop3A_405, %parallel_loop3A_412 : vector<16xf32>
        %parallel_loop3A_414 = arith.constant 7.812500e-03 : f32
        %parallel_loop3A_415 = vector.broadcast %parallel_loop3A_414 : f32 to vector<16xf32>
        %parallel_loop3A_416 = arith.mulf %parallel_loop3A_410, %parallel_loop3A_415 : vector<16xf32>
        %parallel_loop3A_417 = arith.mulf %parallel_loop3A_413, %parallel_loop3A_413 : vector<16xf32>
        %parallel_loop3A_418 = arith.subf %parallel_loop3A_416, %parallel_loop3A_417 : vector<16xf32>
        %parallel_loop3A_419 = arith.constant 9.99999974E-6 : f32
        %parallel_loop3A_420 = vector.broadcast %parallel_loop3A_419 : f32 to vector<16xf32>
        %parallel_loop3A_421 = arith.addf %parallel_loop3A_418, %parallel_loop3A_420 : vector<16xf32>
        %parallel_loop3A_422 = vector.bitcast %parallel_loop3A_421 : vector<16xf32> to vector<16xi32>
        %parallel_loop3A_423 = arith.constant 1 : i32
        %parallel_loop3A_424 = vector.broadcast %parallel_loop3A_423 : i32 to vector<16xi32>
        %parallel_loop3A_425 = arith.shrsi %parallel_loop3A_422, %parallel_loop3A_424 : vector<16xi32>
        %parallel_loop3A_426 = arith.constant 1597463007 : i32
        %parallel_loop3A_427 = vector.broadcast %parallel_loop3A_426 : i32 to vector<16xi32>
        %parallel_loop3A_428 = arith.subi %parallel_loop3A_427, %parallel_loop3A_425 : vector<16xi32>
        %parallel_loop3A_429 = vector.bitcast %parallel_loop3A_428 : vector<16xi32> to vector<16xf32>
        %parallel_loop3A_430 = arith.constant 5.000000e-01 : f32
        %parallel_loop3A_431 = vector.broadcast %parallel_loop3A_430 : f32 to vector<16xf32>
        %parallel_loop3A_432 = arith.mulf %parallel_loop3A_421, %parallel_loop3A_431 : vector<16xf32>
        %parallel_loop3A_433 = arith.mulf %parallel_loop3A_432, %parallel_loop3A_429 : vector<16xf32>
        %parallel_loop3A_434 = arith.mulf %parallel_loop3A_433, %parallel_loop3A_429 : vector<16xf32>
        %parallel_loop3A_435 = arith.constant 1.500000e+00 : f32
        %parallel_loop3A_436 = vector.broadcast %parallel_loop3A_435 : f32 to vector<16xf32>
        %parallel_loop3A_437 = arith.subf %parallel_loop3A_436, %parallel_loop3A_434 : vector<16xf32>
        %parallel_loop3A_438 = arith.mulf %parallel_loop3A_429, %parallel_loop3A_437 : vector<16xf32>
        %parallel_loop3A_439 = arith.mulf %parallel_loop3A_432, %parallel_loop3A_438 : vector<16xf32>
        %parallel_loop3A_440 = arith.mulf %parallel_loop3A_439, %parallel_loop3A_438 : vector<16xf32>
        %parallel_loop3A_441 = arith.constant 1.500000e+00 : f32
        %parallel_loop3A_442 = vector.broadcast %parallel_loop3A_441 : f32 to vector<16xf32>
        %parallel_loop3A_443 = arith.subf %parallel_loop3A_442, %parallel_loop3A_440 : vector<16xf32>
        %parallel_loop3A_444 = arith.mulf %parallel_loop3A_438, %parallel_loop3A_443 : vector<16xf32>
        %parallel_loop3A_445 = arith.subf %parallel_loop3A_315, %parallel_loop3A_413 : vector<16xf32>
        %parallel_loop3A_446 = arith.mulf %parallel_loop3A_445, %parallel_loop3A_444 : vector<16xf32>
        %parallel_loop3A_447 = arith.constant 0 : i32
        %parallel_loop3A_448 = arith.index_cast %parallel_loop3A_447 : i32 to index
        %parallel_loop3A_449 = arith.index_cast %parallel_loop3A_305 : i32 to index
        %parallel_loop3A_450 = arith.constant 0 : index
        %parallel_loop3A_451 = tpu.vector_load %arg9[%parallel_loop3A_448, %parallel_loop3A_449, %parallel_loop3A_450] {strides = array<i32>} : memref<5x128x128xf32, #tpu.memory_space<vmem>>, vector<16xf32>,
        tpu.vector_store %arg9[%parallel_loop3A_448, %parallel_loop3A_449, %parallel_loop3A_450], %parallel_loop3A_446 {strides = array<i32>} : memref<5x128x128xf32, #tpu.memory_space<vmem>>, vector<16xf32>,
        %parallel_loop3A_452 = arith.subf %parallel_loop3A_324, %parallel_loop3A_413 : vector<16xf32>
        %parallel_loop3A_453 = arith.mulf %parallel_loop3A_452, %parallel_loop3A_444 : vector<16xf32>
        %parallel_loop3A_454 = arith.constant 0 : i32
        %parallel_loop3A_455 = arith.index_cast %parallel_loop3A_454 : i32 to index
        %parallel_loop3A_456 = arith.index_cast %parallel_loop3A_305 : i32 to index
        %parallel_loop3A_457 = arith.constant 16 : index
        %parallel_loop3A_458 = tpu.vector_load %arg9[%parallel_loop3A_455, %parallel_loop3A_456, %parallel_loop3A_457] {strides = array<i32>} : memref<5x128x128xf32, #tpu.memory_space<vmem>>, vector<16xf32>,
        tpu.vector_store %arg9[%parallel_loop3A_455, %parallel_loop3A_456, %parallel_loop3A_457], %parallel_loop3A_453 {strides = array<i32>} : memref<5x128x128xf32, #tpu.memory_space<vmem>>, vector<16xf32>,
        %parallel_loop3A_459 = arith.subf %parallel_loop3A_333, %parallel_loop3A_413 : vector<16xf32>
        %parallel_loop3A_460 = arith.mulf %parallel_loop3A_459, %parallel_loop3A_444 : vector<16xf32>
        %parallel_loop3A_461 = arith.constant 0 : i32
        %parallel_loop3A_462 = arith.index_cast %parallel_loop3A_461 : i32 to index
        %parallel_loop3A_463 = arith.index_cast %parallel_loop3A_305 : i32 to index
        %parallel_loop3A_464 = arith.constant 32 : index
        %parallel_loop3A_465 = tpu.vector_load %arg9[%parallel_loop3A_462, %parallel_loop3A_463, %parallel_loop3A_464] {strides = array<i32>} : memref<5x128x128xf32, #tpu.memory_space<vmem>>, vector<16xf32>,
        tpu.vector_store %arg9[%parallel_loop3A_462, %parallel_loop3A_463, %parallel_loop3A_464], %parallel_loop3A_460 {strides = array<i32>} : memref<5x128x128xf32, #tpu.memory_space<vmem>>, vector<16xf32>,
        %parallel_loop3A_466 = arith.subf %parallel_loop3A_342, %parallel_loop3A_413 : vector<16xf32>
        %parallel_loop3A_467 = arith.mulf %parallel_loop3A_466, %parallel_loop3A_444 : vector<16xf32>
        %parallel_loop3A_468 = arith.constant 0 : i32
        %parallel_loop3A_469 = arith.index_cast %parallel_loop3A_468 : i32 to index
        %parallel_loop3A_470 = arith.index_cast %parallel_loop3A_305 : i32 to index
        %parallel_loop3A_471 = arith.constant 48 : index
        %parallel_loop3A_472 = tpu.vector_load %arg9[%parallel_loop3A_469, %parallel_loop3A_470, %parallel_loop3A_471] {strides = array<i32>} : memref<5x128x128xf32, #tpu.memory_space<vmem>>, vector<16xf32>,
        tpu.vector_store %arg9[%parallel_loop3A_469, %parallel_loop3A_470, %parallel_loop3A_471], %parallel_loop3A_467 {strides = array<i32>} : memref<5x128x128xf32, #tpu.memory_space<vmem>>, vector<16xf32>,
        %parallel_loop3A_473 = arith.subf %parallel_loop3A_351, %parallel_loop3A_413 : vector<16xf32>
        %parallel_loop3A_474 = arith.mulf %parallel_loop3A_473, %parallel_loop3A_444 : vector<16xf32>
        %parallel_loop3A_475 = arith.constant 0 : i32
        %parallel_loop3A_476 = arith.index_cast %parallel_loop3A_475 : i32 to index
        %parallel_loop3A_477 = arith.index_cast %parallel_loop3A_305 : i32 to index
        %parallel_loop3A_478 = arith.constant 64 : index
        %parallel_loop3A_479 = tpu.vector_load %arg9[%parallel_loop3A_476, %parallel_loop3A_477, %parallel_loop3A_478] {strides = array<i32>} : memref<5x128x128xf32, #tpu.memory_space<vmem>>, vector<16xf32>,
        tpu.vector_store %arg9[%parallel_loop3A_476, %parallel_loop3A_477, %parallel_loop3A_478], %parallel_loop3A_474 {strides = array<i32>} : memref<5x128x128xf32, #tpu.memory_space<vmem>>, vector<16xf32>,
        %parallel_loop3A_480 = arith.subf %parallel_loop3A_360, %parallel_loop3A_413 : vector<16xf32>
        %parallel_loop3A_481 = arith.mulf %parallel_loop3A_480, %parallel_loop3A_444 : vector<16xf32>
        %parallel_loop3A_482 = arith.constant 0 : i32
        %parallel_loop3A_483 = arith.index_cast %parallel_loop3A_482 : i32 to index
        %parallel_loop3A_484 = arith.index_cast %parallel_loop3A_305 : i32 to index
        %parallel_loop3A_485 = arith.constant 80 : index
        %parallel_loop3A_486 = tpu.vector_load %arg9[%parallel_loop3A_483, %parallel_loop3A_484, %parallel_loop3A_485] {strides = array<i32>} : memref<5x128x128xf32, #tpu.memory_space<vmem>>, vector<16xf32>,
        tpu.vector_store %arg9[%parallel_loop3A_483, %parallel_loop3A_484, %parallel_loop3A_485], %parallel_loop3A_481 {strides = array<i32>} : memref<5x128x128xf32, #tpu.memory_space<vmem>>, vector<16xf32>,
        %parallel_loop3A_487 = arith.subf %parallel_loop3A_369, %parallel_loop3A_413 : vector<16xf32>
        %parallel_loop3A_488 = arith.mulf %parallel_loop3A_487, %parallel_loop3A_444 : vector<16xf32>
        %parallel_loop3A_489 = arith.constant 0 : i32
        %parallel_loop3A_490 = arith.index_cast %parallel_loop3A_489 : i32 to index
        %parallel_loop3A_491 = arith.index_cast %parallel_loop3A_305 : i32 to index
        %parallel_loop3A_492 = arith.constant 96 : index
        %parallel_loop3A_493 = tpu.vector_load %arg9[%parallel_loop3A_490, %parallel_loop3A_491, %parallel_loop3A_492] {strides = array<i32>} : memref<5x128x128xf32, #tpu.memory_space<vmem>>, vector<16xf32>,
        tpu.vector_store %arg9[%parallel_loop3A_490, %parallel_loop3A_491, %parallel_loop3A_492], %parallel_loop3A_488 {strides = array<i32>} : memref<5x128x128xf32, #tpu.memory_space<vmem>>, vector<16xf32>,
        %parallel_loop3A_494 = arith.subf %parallel_loop3A_378, %parallel_loop3A_413 : vector<16xf32>
        %parallel_loop3A_495 = arith.mulf %parallel_loop3A_494, %parallel_loop3A_444 : vector<16xf32>
        %parallel_loop3A_496 = arith.constant 0 : i32
        %parallel_loop3A_497 = arith.index_cast %parallel_loop3A_496 : i32 to index
        %parallel_loop3A_498 = arith.index_cast %parallel_loop3A_305 : i32 to index
        %parallel_loop3A_499 = arith.constant 112 : index
        %parallel_loop3A_500 = tpu.vector_load %arg9[%parallel_loop3A_497, %parallel_loop3A_498, %parallel_loop3A_499] {strides = array<i32>} : memref<5x128x128xf32, #tpu.memory_space<vmem>>, vector<16xf32>,
        tpu.vector_store %arg9[%parallel_loop3A_497, %parallel_loop3A_498, %parallel_loop3A_499], %parallel_loop3A_495 {strides = array<i32>} : memref<5x128x128xf32, #tpu.memory_space<vmem>>, vector<16xf32>,
        %parallel_loop3A_501 = arith.constant 1 : i32
        %parallel_loop3A_502 = arith.addi %parallel_loop3A_306, %parallel_loop3A_501 : i32
        %parallel_loop3A_503 = arith.constant 200 : i32
        %parallel_loop3A_504 = arith.cmpi sgt, %parallel_loop3A_502, %parallel_loop3A_503 : i32
        %parallel_loop3A_505 = arith.constant 1 : i32
        %parallel_loop3A_506 = arith.select %parallel_loop3A_504, %parallel_loop3A_505, %parallel_loop3A_502 : i32
        scf.yield %parallel_loop3A_506 : i32
      } {sc.loop_unroll_factor = 2 : i64, sc.parallel_access}
      %mul3A_125 = arith.constant 128 : i32
      %mul3A_126 = arith.muli %add3A_107, %mul3A_125 : i32
      %add3A_127 = arith.addi %mul3A_2, %mul3A_126 : i32
      %dma_start3A_128 = arith.constant 0 : i32
      %dma_start3A_129 = arith.constant 0 : i32
      %dma_start3A_130 = arith.constant 0 : i32
      %dma_start3A_131 = tpu.memref_slice %arg9[%dma_start3A_128, %dma_start3A_129, %dma_start3A_130] : memref<5x128x128xf32, #tpu.memory_space<vmem>> -> memref<1x128x128xf32, #tpu.memory_space<vmem>>
      %dma_start3A_132 = tpu.memref_squeeze %dma_start3A_131 : memref<1x128x128xf32, #tpu.memory_space<vmem>> -> memref<128x128xf32, #tpu.memory_space<vmem>>
      %dma_start3A_133 = arith.constant 0 : i32
      %dma_start3A_134 = tpu.memref_slice %arg7[%add3A_127, %dma_start3A_133] : memref<204800x128xf32, #tpu.memory_space<hbm>> -> memref<128x128xf32, #tpu.memory_space<hbm>>
      %dma_start3A_135 = arith.constant 0 : i32
      %dma_start3A_136 = tpu.memref_slice %arg7[%add3A_127, %dma_start3A_135] : memref<204800x128xf32, #tpu.memory_space<hbm>> -> memref<128x128xf32, #tpu.memory_space<hbm>>
      %dma_start3A_137 = arith.constant 0 : i32
      %dma_start3A_138 = arith.constant 0 : i32
      %dma_start3A_139 = tpu.memref_slice %arg9[%dma_start3A_128, %dma_start3A_137, %dma_start3A_138] : memref<5x128x128xf32, #tpu.memory_space<vmem>> -> memref<1x128x128xf32, #tpu.memory_space<vmem>>
      %dma_start3A_140 = tpu.memref_squeeze %dma_start3A_139 : memref<1x128x128xf32, #tpu.memory_space<vmem>> -> memref<128x128xf32, #tpu.memory_space<vmem>>
      tpu.enqueue_dma source(%dma_start3A_140 : memref<128x128xf32, #tpu.memory_space<vmem>>) target(%dma_start3A_136 : memref<128x128xf32, #tpu.memory_space<hbm>>) target_semaphore(%arg16 : memref<!tpu.dma_semaphore, #tpu.memory_space<semaphore_mem>>)
      %mul3A_141 = arith.constant 5 : i32
      %mul3A_142 = arith.muli %mul3A_141, %scan3A_102 : i32
      %add3A_143 = arith.constant 1 : i32
      %add3A_144 = arith.addi %mul3A_142, %add3A_143 : i32
      %dma_wait3A_145 = arith.constant 1 : i32
      %dma_wait3A_146 = arith.constant 0 : i32
      %dma_wait3A_147 = arith.constant 0 : i32
      %dma_wait3A_148 = tpu.memref_slice %arg9[%dma_wait3A_145, %dma_wait3A_146, %dma_wait3A_147] : memref<5x128x128xf32, #tpu.memory_space<vmem>> -> memref<1x128x128xf32, #tpu.memory_space<vmem>>
      %dma_wait3A_149 = tpu.memref_squeeze %dma_wait3A_148 : memref<1x128x128xf32, #tpu.memory_space<vmem>> -> memref<128x128xf32, #tpu.memory_space<vmem>>
      %dma_wait3A_150 = arith.constant 0 : i32
      %dma_wait3A_151 = tpu.memref_slice %arg8[%dma_wait3A_150] : memref<6400xi32, #tpu.memory_space<vmem>> -> memref<128xi32, #tpu.memory_space<vmem>>
      %dma_wait3A_152 = arith.constant 0 : i32
      %dma_wait3A_153 = arith.constant 0 : i32
      %dma_wait3A_154 = tpu.memref_slice %arg3[%dma_wait3A_152, %dma_wait3A_153] : memref<100002x128xf32, #tpu.memory_space<hbm>> -> memref<100002x128xf32, #tpu.memory_space<hbm>>
      tpu.wait_indirect_dma semaphore(%arg12 : memref<!tpu.dma_semaphore, #tpu.memory_space<semaphore_mem>>) src(%dma_wait3A_154 : memref<100002x128xf32, #tpu.memory_space<hbm>>) dst(%dma_wait3A_149 : memref<128x128xf32, #tpu.memory_space<vmem>>)
      %add3A_155 = arith.constant 2 : i32
      %add3A_156 = arith.addi %add3A_144, %add3A_155 : i32
      %lt3A_157 = arith.constant 50 : i32
      %lt3A_158 = arith.cmpi slt, %add3A_156, %lt3A_157 : i32
      %convert_element_type3A_159 = arith.extui %lt3A_158 : i1 to i32
      %cond3A_160 = arith.constant 0 : i32
      %cond3A_161 = arith.cmpi ne, %convert_element_type3A_159, %cond3A_160 : i32
      scf.if %cond3A_161 {
        %ge3A = arith.constant 3 : i32
        %ge3A_305 = arith.cmpi sge, %add3A_144, %ge3A : i32
        %convert_element_type3A_306 = arith.extui %ge3A_305 : i1 to i32
        %cond3A_307 = arith.constant 0 : i32
        %cond3A_308 = arith.cmpi ne, %convert_element_type3A_306, %cond3A_307 : i32
        scf.if %cond3A_308 {
          %dma_wait3A_322 = arith.constant 3 : i32
          %dma_wait3A_323 = arith.constant 0 : i32
          %dma_wait3A_324 = arith.constant 0 : i32
          %dma_wait3A_325 = tpu.memref_slice %arg9[%dma_wait3A_322, %dma_wait3A_323, %dma_wait3A_324] : memref<5x128x128xf32, #tpu.memory_space<vmem>> -> memref<1x128x128xf32, #tpu.memory_space<vmem>>
          %dma_wait3A_326 = tpu.memref_squeeze %dma_wait3A_325 : memref<1x128x128xf32, #tpu.memory_space<vmem>> -> memref<128x128xf32, #tpu.memory_space<vmem>>
          %dma_wait3A_327 = arith.constant 0 : i32
          %dma_wait3A_328 = arith.constant 0 : i32
          %dma_wait3A_329 = tpu.memref_slice %arg7[%dma_wait3A_327, %dma_wait3A_328] : memref<204800x128xf32, #tpu.memory_space<hbm>> -> memref<128x128xf32, #tpu.memory_space<hbm>>
          %dma_wait3A_330 = arith.constant 0 : i32
          %dma_wait3A_331 = arith.constant 0 : i32
          %dma_wait3A_332 = tpu.memref_slice %arg7[%dma_wait3A_330, %dma_wait3A_331] : memref<204800x128xf32, #tpu.memory_space<hbm>> -> memref<128x128xf32, #tpu.memory_space<hbm>>
          %dma_wait3A_333 = arith.constant 0 : i32
          %dma_wait3A_334 = arith.constant 0 : i32
          %dma_wait3A_335 = tpu.memref_slice %arg9[%dma_wait3A_322, %dma_wait3A_333, %dma_wait3A_334] : memref<5x128x128xf32, #tpu.memory_space<vmem>> -> memref<1x128x128xf32, #tpu.memory_space<vmem>>
          %dma_wait3A_336 = tpu.memref_squeeze %dma_wait3A_335 : memref<1x128x128xf32, #tpu.memory_space<vmem>> -> memref<128x128xf32, #tpu.memory_space<vmem>>
          tpu.wait_dma2 semaphore(%arg19 : memref<!tpu.dma_semaphore, #tpu.memory_space<semaphore_mem>>) src(%dma_wait3A_336 : memref<128x128xf32, #tpu.memory_space<vmem>>) dst(%dma_wait3A_332 : memref<128x128xf32, #tpu.memory_space<hbm>>)
        } else {
        }
        %add3A_309 = arith.constant 2 : i32
        %add3A_310 = arith.addi %add3A_144, %add3A_309 : i32
        %mul3A_311 = arith.constant 128 : i32
        %mul3A_312 = arith.muli %add3A_310, %mul3A_311 : i32
        %dma_start3A_313 = arith.constant 3 : i32
        %dma_start3A_314 = arith.constant 0 : i32
        %dma_start3A_315 = arith.constant 0 : i32
        %dma_start3A_316 = tpu.memref_slice %arg9[%dma_start3A_313, %dma_start3A_314, %dma_start3A_315] : memref<5x128x128xf32, #tpu.memory_space<vmem>> -> memref<1x128x128xf32, #tpu.memory_space<vmem>>
        %dma_start3A_317 = tpu.memref_squeeze %dma_start3A_316 : memref<1x128x128xf32, #tpu.memory_space<vmem>> -> memref<128x128xf32, #tpu.memory_space<vmem>>
        %dma_start3A_318 = tpu.memref_slice %arg8[%mul3A_312] : memref<6400xi32, #tpu.memory_space<vmem>> -> memref<128xi32, #tpu.memory_space<vmem>>
        %dma_start3A_319 = arith.constant 0 : i32
        %dma_start3A_320 = arith.constant 0 : i32
        %dma_start3A_321 = tpu.memref_slice %arg3[%dma_start3A_319, %dma_start3A_320] : memref<100002x128xf32, #tpu.memory_space<hbm>> -> memref<100002x128xf32, #tpu.memory_space<hbm>>
        tpu.enqueue_indirect_dma source(%dma_start3A_321 : memref<100002x128xf32, #tpu.memory_space<hbm>>) target(%dma_start3A_317 : memref<128x128xf32, #tpu.memory_space<vmem>>) offsets(%dma_start3A_318 : memref<128xi32, #tpu.memory_space<vmem>>) semaphore(%arg14 : memref<!tpu.dma_semaphore, #tpu.memory_space<semaphore_mem>>)
      } else {
      }
      %parallel_loop3A_162 = arith.constant 0 : i32
      %parallel_loop3A_163 = arith.constant 128 : i32
      %parallel_loop3A_164 = arith.constant 1 : i32
      %parallel_loop3A_165 = scf.for %parallel_loop3A_305 = %parallel_loop3A_162 to %parallel_loop3A_163 step %parallel_loop3A_164 iter_args(%parallel_loop3A_306 = %parallel_loop3A_124) -> (i32)  : i32 {
        %parallel_loop3A_307 = arith.constant 1 : i32
        %parallel_loop3A_308 = arith.index_cast %parallel_loop3A_307 : i32 to index
        %parallel_loop3A_309 = arith.index_cast %parallel_loop3A_305 : i32 to index
        %parallel_loop3A_310 = arith.constant 0 : index
        %parallel_loop3A_311 = tpu.vector_load %arg9[%parallel_loop3A_308, %parallel_loop3A_309, %parallel_loop3A_310] {strides = array<i32>} : memref<5x128x128xf32, #tpu.memory_space<vmem>>, vector<16xf32>,
        %parallel_loop3A_312 = arith.index_cast %parallel_loop3A_306 : i32 to index
        %parallel_loop3A_313 = arith.constant 0 : index
        %parallel_loop3A_314 = tpu.vector_load %arg10[%parallel_loop3A_312, %parallel_loop3A_313] {strides = array<i32>} : memref<201x128xf32, #tpu.memory_space<vmem>>, vector<16xf32>,
        %parallel_loop3A_315 = arith.addf %parallel_loop3A_311, %parallel_loop3A_314 : vector<16xf32>
        %parallel_loop3A_316 = arith.constant 1 : i32
        %parallel_loop3A_317 = arith.index_cast %parallel_loop3A_316 : i32 to index
        %parallel_loop3A_318 = arith.index_cast %parallel_loop3A_305 : i32 to index
        %parallel_loop3A_319 = arith.constant 16 : index
        %parallel_loop3A_320 = tpu.vector_load %arg9[%parallel_loop3A_317, %parallel_loop3A_318, %parallel_loop3A_319] {strides = array<i32>} : memref<5x128x128xf32, #tpu.memory_space<vmem>>, vector<16xf32>,
        %parallel_loop3A_321 = arith.index_cast %parallel_loop3A_306 : i32 to index
        %parallel_loop3A_322 = arith.constant 16 : index
        %parallel_loop3A_323 = tpu.vector_load %arg10[%parallel_loop3A_321, %parallel_loop3A_322] {strides = array<i32>} : memref<201x128xf32, #tpu.memory_space<vmem>>, vector<16xf32>,
        %parallel_loop3A_324 = arith.addf %parallel_loop3A_320, %parallel_loop3A_323 : vector<16xf32>
        %parallel_loop3A_325 = arith.constant 1 : i32
        %parallel_loop3A_326 = arith.index_cast %parallel_loop3A_325 : i32 to index
        %parallel_loop3A_327 = arith.index_cast %parallel_loop3A_305 : i32 to index
        %parallel_loop3A_328 = arith.constant 32 : index
        %parallel_loop3A_329 = tpu.vector_load %arg9[%parallel_loop3A_326, %parallel_loop3A_327, %parallel_loop3A_328] {strides = array<i32>} : memref<5x128x128xf32, #tpu.memory_space<vmem>>, vector<16xf32>,
        %parallel_loop3A_330 = arith.index_cast %parallel_loop3A_306 : i32 to index
        %parallel_loop3A_331 = arith.constant 32 : index
        %parallel_loop3A_332 = tpu.vector_load %arg10[%parallel_loop3A_330, %parallel_loop3A_331] {strides = array<i32>} : memref<201x128xf32, #tpu.memory_space<vmem>>, vector<16xf32>,
        %parallel_loop3A_333 = arith.addf %parallel_loop3A_329, %parallel_loop3A_332 : vector<16xf32>
        %parallel_loop3A_334 = arith.constant 1 : i32
        %parallel_loop3A_335 = arith.index_cast %parallel_loop3A_334 : i32 to index
        %parallel_loop3A_336 = arith.index_cast %parallel_loop3A_305 : i32 to index
        %parallel_loop3A_337 = arith.constant 48 : index
        %parallel_loop3A_338 = tpu.vector_load %arg9[%parallel_loop3A_335, %parallel_loop3A_336, %parallel_loop3A_337] {strides = array<i32>} : memref<5x128x128xf32, #tpu.memory_space<vmem>>, vector<16xf32>,
        %parallel_loop3A_339 = arith.index_cast %parallel_loop3A_306 : i32 to index
        %parallel_loop3A_340 = arith.constant 48 : index
        %parallel_loop3A_341 = tpu.vector_load %arg10[%parallel_loop3A_339, %parallel_loop3A_340] {strides = array<i32>} : memref<201x128xf32, #tpu.memory_space<vmem>>, vector<16xf32>,
        %parallel_loop3A_342 = arith.addf %parallel_loop3A_338, %parallel_loop3A_341 : vector<16xf32>
        %parallel_loop3A_343 = arith.constant 1 : i32
        %parallel_loop3A_344 = arith.index_cast %parallel_loop3A_343 : i32 to index
        %parallel_loop3A_345 = arith.index_cast %parallel_loop3A_305 : i32 to index
        %parallel_loop3A_346 = arith.constant 64 : index
        %parallel_loop3A_347 = tpu.vector_load %arg9[%parallel_loop3A_344, %parallel_loop3A_345, %parallel_loop3A_346] {strides = array<i32>} : memref<5x128x128xf32, #tpu.memory_space<vmem>>, vector<16xf32>,
        %parallel_loop3A_348 = arith.index_cast %parallel_loop3A_306 : i32 to index
        %parallel_loop3A_349 = arith.constant 64 : index
        %parallel_loop3A_350 = tpu.vector_load %arg10[%parallel_loop3A_348, %parallel_loop3A_349] {strides = array<i32>} : memref<201x128xf32, #tpu.memory_space<vmem>>, vector<16xf32>,
        %parallel_loop3A_351 = arith.addf %parallel_loop3A_347, %parallel_loop3A_350 : vector<16xf32>
        %parallel_loop3A_352 = arith.constant 1 : i32
        %parallel_loop3A_353 = arith.index_cast %parallel_loop3A_352 : i32 to index
        %parallel_loop3A_354 = arith.index_cast %parallel_loop3A_305 : i32 to index
        %parallel_loop3A_355 = arith.constant 80 : index
        %parallel_loop3A_356 = tpu.vector_load %arg9[%parallel_loop3A_353, %parallel_loop3A_354, %parallel_loop3A_355] {strides = array<i32>} : memref<5x128x128xf32, #tpu.memory_space<vmem>>, vector<16xf32>,
        %parallel_loop3A_357 = arith.index_cast %parallel_loop3A_306 : i32 to index
        %parallel_loop3A_358 = arith.constant 80 : index
        %parallel_loop3A_359 = tpu.vector_load %arg10[%parallel_loop3A_357, %parallel_loop3A_358] {strides = array<i32>} : memref<201x128xf32, #tpu.memory_space<vmem>>, vector<16xf32>,
        %parallel_loop3A_360 = arith.addf %parallel_loop3A_356, %parallel_loop3A_359 : vector<16xf32>
        %parallel_loop3A_361 = arith.constant 1 : i32
        %parallel_loop3A_362 = arith.index_cast %parallel_loop3A_361 : i32 to index
        %parallel_loop3A_363 = arith.index_cast %parallel_loop3A_305 : i32 to index
        %parallel_loop3A_364 = arith.constant 96 : index
        %parallel_loop3A_365 = tpu.vector_load %arg9[%parallel_loop3A_362, %parallel_loop3A_363, %parallel_loop3A_364] {strides = array<i32>} : memref<5x128x128xf32, #tpu.memory_space<vmem>>, vector<16xf32>,
        %parallel_loop3A_366 = arith.index_cast %parallel_loop3A_306 : i32 to index
        %parallel_loop3A_367 = arith.constant 96 : index
        %parallel_loop3A_368 = tpu.vector_load %arg10[%parallel_loop3A_366, %parallel_loop3A_367] {strides = array<i32>} : memref<201x128xf32, #tpu.memory_space<vmem>>, vector<16xf32>,
        %parallel_loop3A_369 = arith.addf %parallel_loop3A_365, %parallel_loop3A_368 : vector<16xf32>
        %parallel_loop3A_370 = arith.constant 1 : i32
        %parallel_loop3A_371 = arith.index_cast %parallel_loop3A_370 : i32 to index
        %parallel_loop3A_372 = arith.index_cast %parallel_loop3A_305 : i32 to index
        %parallel_loop3A_373 = arith.constant 112 : index
        %parallel_loop3A_374 = tpu.vector_load %arg9[%parallel_loop3A_371, %parallel_loop3A_372, %parallel_loop3A_373] {strides = array<i32>} : memref<5x128x128xf32, #tpu.memory_space<vmem>>, vector<16xf32>,
        %parallel_loop3A_375 = arith.index_cast %parallel_loop3A_306 : i32 to index
        %parallel_loop3A_376 = arith.constant 112 : index
        %parallel_loop3A_377 = tpu.vector_load %arg10[%parallel_loop3A_375, %parallel_loop3A_376] {strides = array<i32>} : memref<201x128xf32, #tpu.memory_space<vmem>>, vector<16xf32>,
        %parallel_loop3A_378 = arith.addf %parallel_loop3A_374, %parallel_loop3A_377 : vector<16xf32>
        %parallel_loop3A_379 = arith.addf %parallel_loop3A_315, %parallel_loop3A_324 : vector<16xf32>
        %parallel_loop3A_380 = arith.addf %parallel_loop3A_333, %parallel_loop3A_342 : vector<16xf32>
        %parallel_loop3A_381 = arith.addf %parallel_loop3A_351, %parallel_loop3A_360 : vector<16xf32>
        %parallel_loop3A_382 = arith.addf %parallel_loop3A_369, %parallel_loop3A_378 : vector<16xf32>
        %parallel_loop3A_383 = arith.addf %parallel_loop3A_379, %parallel_loop3A_380 : vector<16xf32>
        %parallel_loop3A_384 = arith.addf %parallel_loop3A_381, %parallel_loop3A_382 : vector<16xf32>
        %parallel_loop3A_385 = arith.addf %parallel_loop3A_383, %parallel_loop3A_384 : vector<16xf32>
        %parallel_loop3A_386 = arith.mulf %parallel_loop3A_315, %parallel_loop3A_315 : vector<16xf32>
        %parallel_loop3A_387 = arith.mulf %parallel_loop3A_324, %parallel_loop3A_324 : vector<16xf32>
        %parallel_loop3A_388 = arith.mulf %parallel_loop3A_333, %parallel_loop3A_333 : vector<16xf32>
        %parallel_loop3A_389 = arith.mulf %parallel_loop3A_342, %parallel_loop3A_342 : vector<16xf32>
        %parallel_loop3A_390 = arith.mulf %parallel_loop3A_351, %parallel_loop3A_351 : vector<16xf32>
        %parallel_loop3A_391 = arith.mulf %parallel_loop3A_360, %parallel_loop3A_360 : vector<16xf32>
        %parallel_loop3A_392 = arith.mulf %parallel_loop3A_369, %parallel_loop3A_369 : vector<16xf32>
        %parallel_loop3A_393 = arith.mulf %parallel_loop3A_378, %parallel_loop3A_378 : vector<16xf32>
        %parallel_loop3A_394 = arith.addf %parallel_loop3A_386, %parallel_loop3A_387 : vector<16xf32>
        %parallel_loop3A_395 = arith.addf %parallel_loop3A_388, %parallel_loop3A_389 : vector<16xf32>
        %parallel_loop3A_396 = arith.addf %parallel_loop3A_390, %parallel_loop3A_391 : vector<16xf32>
        %parallel_loop3A_397 = arith.addf %parallel_loop3A_392, %parallel_loop3A_393 : vector<16xf32>
        %parallel_loop3A_398 = arith.addf %parallel_loop3A_394, %parallel_loop3A_395 : vector<16xf32>
        %parallel_loop3A_399 = arith.addf %parallel_loop3A_396, %parallel_loop3A_397 : vector<16xf32>
        %parallel_loop3A_400 = arith.addf %parallel_loop3A_398, %parallel_loop3A_399 : vector<16xf32>
        %parallel_loop3A_401 = arith.constant true
        %parallel_loop3A_402 = vector.broadcast %parallel_loop3A_401 : i1 to vector<16xi1>
        %parallel_loop3A_403 = tpu.scan <sum>, %parallel_loop3A_385 masked %parallel_loop3A_402 : vector<16xf32>, vector<16xi1> -> vector<16xf32>
        %parallel_loop3A_404 = vector.extract %parallel_loop3A_403[15] : f32 from vector<16xf32>
        %parallel_loop3A_405 = vector.broadcast %parallel_loop3A_404 : f32 to vector<16xf32>
        %parallel_loop3A_406 = arith.constant true
        %parallel_loop3A_407 = vector.broadcast %parallel_loop3A_406 : i1 to vector<16xi1>
        %parallel_loop3A_408 = tpu.scan <sum>, %parallel_loop3A_400 masked %parallel_loop3A_407 : vector<16xf32>, vector<16xi1> -> vector<16xf32>
        %parallel_loop3A_409 = vector.extract %parallel_loop3A_408[15] : f32 from vector<16xf32>
        %parallel_loop3A_410 = vector.broadcast %parallel_loop3A_409 : f32 to vector<16xf32>
        %parallel_loop3A_411 = arith.constant 7.812500e-03 : f32
        %parallel_loop3A_412 = vector.broadcast %parallel_loop3A_411 : f32 to vector<16xf32>
        %parallel_loop3A_413 = arith.mulf %parallel_loop3A_405, %parallel_loop3A_412 : vector<16xf32>
        %parallel_loop3A_414 = arith.constant 7.812500e-03 : f32
        %parallel_loop3A_415 = vector.broadcast %parallel_loop3A_414 : f32 to vector<16xf32>
        %parallel_loop3A_416 = arith.mulf %parallel_loop3A_410, %parallel_loop3A_415 : vector<16xf32>
        %parallel_loop3A_417 = arith.mulf %parallel_loop3A_413, %parallel_loop3A_413 : vector<16xf32>
        %parallel_loop3A_418 = arith.subf %parallel_loop3A_416, %parallel_loop3A_417 : vector<16xf32>
        %parallel_loop3A_419 = arith.constant 9.99999974E-6 : f32
        %parallel_loop3A_420 = vector.broadcast %parallel_loop3A_419 : f32 to vector<16xf32>
        %parallel_loop3A_421 = arith.addf %parallel_loop3A_418, %parallel_loop3A_420 : vector<16xf32>
        %parallel_loop3A_422 = vector.bitcast %parallel_loop3A_421 : vector<16xf32> to vector<16xi32>
        %parallel_loop3A_423 = arith.constant 1 : i32
        %parallel_loop3A_424 = vector.broadcast %parallel_loop3A_423 : i32 to vector<16xi32>
        %parallel_loop3A_425 = arith.shrsi %parallel_loop3A_422, %parallel_loop3A_424 : vector<16xi32>
        %parallel_loop3A_426 = arith.constant 1597463007 : i32
        %parallel_loop3A_427 = vector.broadcast %parallel_loop3A_426 : i32 to vector<16xi32>
        %parallel_loop3A_428 = arith.subi %parallel_loop3A_427, %parallel_loop3A_425 : vector<16xi32>
        %parallel_loop3A_429 = vector.bitcast %parallel_loop3A_428 : vector<16xi32> to vector<16xf32>
        %parallel_loop3A_430 = arith.constant 5.000000e-01 : f32
        %parallel_loop3A_431 = vector.broadcast %parallel_loop3A_430 : f32 to vector<16xf32>
        %parallel_loop3A_432 = arith.mulf %parallel_loop3A_421, %parallel_loop3A_431 : vector<16xf32>
        %parallel_loop3A_433 = arith.mulf %parallel_loop3A_432, %parallel_loop3A_429 : vector<16xf32>
        %parallel_loop3A_434 = arith.mulf %parallel_loop3A_433, %parallel_loop3A_429 : vector<16xf32>
        %parallel_loop3A_435 = arith.constant 1.500000e+00 : f32
        %parallel_loop3A_436 = vector.broadcast %parallel_loop3A_435 : f32 to vector<16xf32>
        %parallel_loop3A_437 = arith.subf %parallel_loop3A_436, %parallel_loop3A_434 : vector<16xf32>
        %parallel_loop3A_438 = arith.mulf %parallel_loop3A_429, %parallel_loop3A_437 : vector<16xf32>
        %parallel_loop3A_439 = arith.mulf %parallel_loop3A_432, %parallel_loop3A_438 : vector<16xf32>
        %parallel_loop3A_440 = arith.mulf %parallel_loop3A_439, %parallel_loop3A_438 : vector<16xf32>
        %parallel_loop3A_441 = arith.constant 1.500000e+00 : f32
        %parallel_loop3A_442 = vector.broadcast %parallel_loop3A_441 : f32 to vector<16xf32>
        %parallel_loop3A_443 = arith.subf %parallel_loop3A_442, %parallel_loop3A_440 : vector<16xf32>
        %parallel_loop3A_444 = arith.mulf %parallel_loop3A_438, %parallel_loop3A_443 : vector<16xf32>
        %parallel_loop3A_445 = arith.subf %parallel_loop3A_315, %parallel_loop3A_413 : vector<16xf32>
        %parallel_loop3A_446 = arith.mulf %parallel_loop3A_445, %parallel_loop3A_444 : vector<16xf32>
        %parallel_loop3A_447 = arith.constant 1 : i32
        %parallel_loop3A_448 = arith.index_cast %parallel_loop3A_447 : i32 to index
        %parallel_loop3A_449 = arith.index_cast %parallel_loop3A_305 : i32 to index
        %parallel_loop3A_450 = arith.constant 0 : index
        %parallel_loop3A_451 = tpu.vector_load %arg9[%parallel_loop3A_448, %parallel_loop3A_449, %parallel_loop3A_450] {strides = array<i32>} : memref<5x128x128xf32, #tpu.memory_space<vmem>>, vector<16xf32>,
        tpu.vector_store %arg9[%parallel_loop3A_448, %parallel_loop3A_449, %parallel_loop3A_450], %parallel_loop3A_446 {strides = array<i32>} : memref<5x128x128xf32, #tpu.memory_space<vmem>>, vector<16xf32>,
        %parallel_loop3A_452 = arith.subf %parallel_loop3A_324, %parallel_loop3A_413 : vector<16xf32>
        %parallel_loop3A_453 = arith.mulf %parallel_loop3A_452, %parallel_loop3A_444 : vector<16xf32>
        %parallel_loop3A_454 = arith.constant 1 : i32
        %parallel_loop3A_455 = arith.index_cast %parallel_loop3A_454 : i32 to index
        %parallel_loop3A_456 = arith.index_cast %parallel_loop3A_305 : i32 to index
        %parallel_loop3A_457 = arith.constant 16 : index
        %parallel_loop3A_458 = tpu.vector_load %arg9[%parallel_loop3A_455, %parallel_loop3A_456, %parallel_loop3A_457] {strides = array<i32>} : memref<5x128x128xf32, #tpu.memory_space<vmem>>, vector<16xf32>,
        tpu.vector_store %arg9[%parallel_loop3A_455, %parallel_loop3A_456, %parallel_loop3A_457], %parallel_loop3A_453 {strides = array<i32>} : memref<5x128x128xf32, #tpu.memory_space<vmem>>, vector<16xf32>,
        %parallel_loop3A_459 = arith.subf %parallel_loop3A_333, %parallel_loop3A_413 : vector<16xf32>
        %parallel_loop3A_460 = arith.mulf %parallel_loop3A_459, %parallel_loop3A_444 : vector<16xf32>
        %parallel_loop3A_461 = arith.constant 1 : i32
        %parallel_loop3A_462 = arith.index_cast %parallel_loop3A_461 : i32 to index
        %parallel_loop3A_463 = arith.index_cast %parallel_loop3A_305 : i32 to index
        %parallel_loop3A_464 = arith.constant 32 : index
        %parallel_loop3A_465 = tpu.vector_load %arg9[%parallel_loop3A_462, %parallel_loop3A_463, %parallel_loop3A_464] {strides = array<i32>} : memref<5x128x128xf32, #tpu.memory_space<vmem>>, vector<16xf32>,
        tpu.vector_store %arg9[%parallel_loop3A_462, %parallel_loop3A_463, %parallel_loop3A_464], %parallel_loop3A_460 {strides = array<i32>} : memref<5x128x128xf32, #tpu.memory_space<vmem>>, vector<16xf32>,
        %parallel_loop3A_466 = arith.subf %parallel_loop3A_342, %parallel_loop3A_413 : vector<16xf32>
        %parallel_loop3A_467 = arith.mulf %parallel_loop3A_466, %parallel_loop3A_444 : vector<16xf32>
        %parallel_loop3A_468 = arith.constant 1 : i32
        %parallel_loop3A_469 = arith.index_cast %parallel_loop3A_468 : i32 to index
        %parallel_loop3A_470 = arith.index_cast %parallel_loop3A_305 : i32 to index
        %parallel_loop3A_471 = arith.constant 48 : index
        %parallel_loop3A_472 = tpu.vector_load %arg9[%parallel_loop3A_469, %parallel_loop3A_470, %parallel_loop3A_471] {strides = array<i32>} : memref<5x128x128xf32, #tpu.memory_space<vmem>>, vector<16xf32>,
        tpu.vector_store %arg9[%parallel_loop3A_469, %parallel_loop3A_470, %parallel_loop3A_471], %parallel_loop3A_467 {strides = array<i32>} : memref<5x128x128xf32, #tpu.memory_space<vmem>>, vector<16xf32>,
        %parallel_loop3A_473 = arith.subf %parallel_loop3A_351, %parallel_loop3A_413 : vector<16xf32>
        %parallel_loop3A_474 = arith.mulf %parallel_loop3A_473, %parallel_loop3A_444 : vector<16xf32>
        %parallel_loop3A_475 = arith.constant 1 : i32
        %parallel_loop3A_476 = arith.index_cast %parallel_loop3A_475 : i32 to index
        %parallel_loop3A_477 = arith.index_cast %parallel_loop3A_305 : i32 to index
        %parallel_loop3A_478 = arith.constant 64 : index
        %parallel_loop3A_479 = tpu.vector_load %arg9[%parallel_loop3A_476, %parallel_loop3A_477, %parallel_loop3A_478] {strides = array<i32>} : memref<5x128x128xf32, #tpu.memory_space<vmem>>, vector<16xf32>,
        tpu.vector_store %arg9[%parallel_loop3A_476, %parallel_loop3A_477, %parallel_loop3A_478], %parallel_loop3A_474 {strides = array<i32>} : memref<5x128x128xf32, #tpu.memory_space<vmem>>, vector<16xf32>,
        %parallel_loop3A_480 = arith.subf %parallel_loop3A_360, %parallel_loop3A_413 : vector<16xf32>
        %parallel_loop3A_481 = arith.mulf %parallel_loop3A_480, %parallel_loop3A_444 : vector<16xf32>
        %parallel_loop3A_482 = arith.constant 1 : i32
        %parallel_loop3A_483 = arith.index_cast %parallel_loop3A_482 : i32 to index
        %parallel_loop3A_484 = arith.index_cast %parallel_loop3A_305 : i32 to index
        %parallel_loop3A_485 = arith.constant 80 : index
        %parallel_loop3A_486 = tpu.vector_load %arg9[%parallel_loop3A_483, %parallel_loop3A_484, %parallel_loop3A_485] {strides = array<i32>} : memref<5x128x128xf32, #tpu.memory_space<vmem>>, vector<16xf32>,
        tpu.vector_store %arg9[%parallel_loop3A_483, %parallel_loop3A_484, %parallel_loop3A_485], %parallel_loop3A_481 {strides = array<i32>} : memref<5x128x128xf32, #tpu.memory_space<vmem>>, vector<16xf32>,
        %parallel_loop3A_487 = arith.subf %parallel_loop3A_369, %parallel_loop3A_413 : vector<16xf32>
        %parallel_loop3A_488 = arith.mulf %parallel_loop3A_487, %parallel_loop3A_444 : vector<16xf32>
        %parallel_loop3A_489 = arith.constant 1 : i32
        %parallel_loop3A_490 = arith.index_cast %parallel_loop3A_489 : i32 to index
        %parallel_loop3A_491 = arith.index_cast %parallel_loop3A_305 : i32 to index
        %parallel_loop3A_492 = arith.constant 96 : index
        %parallel_loop3A_493 = tpu.vector_load %arg9[%parallel_loop3A_490, %parallel_loop3A_491, %parallel_loop3A_492] {strides = array<i32>} : memref<5x128x128xf32, #tpu.memory_space<vmem>>, vector<16xf32>,
        tpu.vector_store %arg9[%parallel_loop3A_490, %parallel_loop3A_491, %parallel_loop3A_492], %parallel_loop3A_488 {strides = array<i32>} : memref<5x128x128xf32, #tpu.memory_space<vmem>>, vector<16xf32>,
        %parallel_loop3A_494 = arith.subf %parallel_loop3A_378, %parallel_loop3A_413 : vector<16xf32>
        %parallel_loop3A_495 = arith.mulf %parallel_loop3A_494, %parallel_loop3A_444 : vector<16xf32>
        %parallel_loop3A_496 = arith.constant 1 : i32
        %parallel_loop3A_497 = arith.index_cast %parallel_loop3A_496 : i32 to index
        %parallel_loop3A_498 = arith.index_cast %parallel_loop3A_305 : i32 to index
        %parallel_loop3A_499 = arith.constant 112 : index
        %parallel_loop3A_500 = tpu.vector_load %arg9[%parallel_loop3A_497, %parallel_loop3A_498, %parallel_loop3A_499] {strides = array<i32>} : memref<5x128x128xf32, #tpu.memory_space<vmem>>, vector<16xf32>,
        tpu.vector_store %arg9[%parallel_loop3A_497, %parallel_loop3A_498, %parallel_loop3A_499], %parallel_loop3A_495 {strides = array<i32>} : memref<5x128x128xf32, #tpu.memory_space<vmem>>, vector<16xf32>,
        %parallel_loop3A_501 = arith.constant 1 : i32
        %parallel_loop3A_502 = arith.addi %parallel_loop3A_306, %parallel_loop3A_501 : i32
        %parallel_loop3A_503 = arith.constant 200 : i32
        %parallel_loop3A_504 = arith.cmpi sgt, %parallel_loop3A_502, %parallel_loop3A_503 : i32
        %parallel_loop3A_505 = arith.constant 1 : i32
        %parallel_loop3A_506 = arith.select %parallel_loop3A_504, %parallel_loop3A_505, %parallel_loop3A_502 : i32
        scf.yield %parallel_loop3A_506 : i32
      } {sc.loop_unroll_factor = 2 : i64, sc.parallel_access}
      %mul3A_166 = arith.constant 128 : i32
      %mul3A_167 = arith.muli %add3A_144, %mul3A_166 : i32
      %add3A_168 = arith.addi %mul3A_2, %mul3A_167 : i32
      %dma_start3A_169 = arith.constant 1 : i32
      %dma_start3A_170 = arith.constant 0 : i32
      %dma_start3A_171 = arith.constant 0 : i32
      %dma_start3A_172 = tpu.memref_slice %arg9[%dma_start3A_169, %dma_start3A_170, %dma_start3A_171] : memref<5x128x128xf32, #tpu.memory_space<vmem>> -> memref<1x128x128xf32, #tpu.memory_space<vmem>>
      %dma_start3A_173 = tpu.memref_squeeze %dma_start3A_172 : memref<1x128x128xf32, #tpu.memory_space<vmem>> -> memref<128x128xf32, #tpu.memory_space<vmem>>
      %dma_start3A_174 = arith.constant 0 : i32
      %dma_start3A_175 = tpu.memref_slice %arg7[%add3A_168, %dma_start3A_174] : memref<204800x128xf32, #tpu.memory_space<hbm>> -> memref<128x128xf32, #tpu.memory_space<hbm>>
      %dma_start3A_176 = arith.constant 0 : i32
      %dma_start3A_177 = tpu.memref_slice %arg7[%add3A_168, %dma_start3A_176] : memref<204800x128xf32, #tpu.memory_space<hbm>> -> memref<128x128xf32, #tpu.memory_space<hbm>>
      %dma_start3A_178 = arith.constant 0 : i32
      %dma_start3A_179 = arith.constant 0 : i32
      %dma_start3A_180 = tpu.memref_slice %arg9[%dma_start3A_169, %dma_start3A_178, %dma_start3A_179] : memref<5x128x128xf32, #tpu.memory_space<vmem>> -> memref<1x128x128xf32, #tpu.memory_space<vmem>>
      %dma_start3A_181 = tpu.memref_squeeze %dma_start3A_180 : memref<1x128x128xf32, #tpu.memory_space<vmem>> -> memref<128x128xf32, #tpu.memory_space<vmem>>
      tpu.enqueue_dma source(%dma_start3A_181 : memref<128x128xf32, #tpu.memory_space<vmem>>) target(%dma_start3A_177 : memref<128x128xf32, #tpu.memory_space<hbm>>) target_semaphore(%arg17 : memref<!tpu.dma_semaphore, #tpu.memory_space<semaphore_mem>>)
      %mul3A_182 = arith.constant 5 : i32
      %mul3A_183 = arith.muli %mul3A_182, %scan3A_102 : i32
      %add3A_184 = arith.constant 2 : i32
      %add3A_185 = arith.addi %mul3A_183, %add3A_184 : i32
      %dma_wait3A_186 = arith.constant 2 : i32
      %dma_wait3A_187 = arith.constant 0 : i32
      %dma_wait3A_188 = arith.constant 0 : i32
      %dma_wait3A_189 = tpu.memref_slice %arg9[%dma_wait3A_186, %dma_wait3A_187, %dma_wait3A_188] : memref<5x128x128xf32, #tpu.memory_space<vmem>> -> memref<1x128x128xf32, #tpu.memory_space<vmem>>
      %dma_wait3A_190 = tpu.memref_squeeze %dma_wait3A_189 : memref<1x128x128xf32, #tpu.memory_space<vmem>> -> memref<128x128xf32, #tpu.memory_space<vmem>>
      %dma_wait3A_191 = arith.constant 0 : i32
      %dma_wait3A_192 = tpu.memref_slice %arg8[%dma_wait3A_191] : memref<6400xi32, #tpu.memory_space<vmem>> -> memref<128xi32, #tpu.memory_space<vmem>>
      %dma_wait3A_193 = arith.constant 0 : i32
      %dma_wait3A_194 = arith.constant 0 : i32
      %dma_wait3A_195 = tpu.memref_slice %arg3[%dma_wait3A_193, %dma_wait3A_194] : memref<100002x128xf32, #tpu.memory_space<hbm>> -> memref<100002x128xf32, #tpu.memory_space<hbm>>
      tpu.wait_indirect_dma semaphore(%arg13 : memref<!tpu.dma_semaphore, #tpu.memory_space<semaphore_mem>>) src(%dma_wait3A_195 : memref<100002x128xf32, #tpu.memory_space<hbm>>) dst(%dma_wait3A_190 : memref<128x128xf32, #tpu.memory_space<vmem>>)
      %add3A_196 = arith.constant 2 : i32
      %add3A_197 = arith.addi %add3A_185, %add3A_196 : i32
      %lt3A_198 = arith.constant 50 : i32
      %lt3A_199 = arith.cmpi slt, %add3A_197, %lt3A_198 : i32
      %convert_element_type3A_200 = arith.extui %lt3A_199 : i1 to i32
      %cond3A_201 = arith.constant 0 : i32
      %cond3A_202 = arith.cmpi ne, %convert_element_type3A_200, %cond3A_201 : i32
      scf.if %cond3A_202 {
        %ge3A = arith.constant 3 : i32
        %ge3A_305 = arith.cmpi sge, %add3A_185, %ge3A : i32
        %convert_element_type3A_306 = arith.extui %ge3A_305 : i1 to i32
        %cond3A_307 = arith.constant 0 : i32
        %cond3A_308 = arith.cmpi ne, %convert_element_type3A_306, %cond3A_307 : i32
        scf.if %cond3A_308 {
          %dma_wait3A_322 = arith.constant 4 : i32
          %dma_wait3A_323 = arith.constant 0 : i32
          %dma_wait3A_324 = arith.constant 0 : i32
          %dma_wait3A_325 = tpu.memref_slice %arg9[%dma_wait3A_322, %dma_wait3A_323, %dma_wait3A_324] : memref<5x128x128xf32, #tpu.memory_space<vmem>> -> memref<1x128x128xf32, #tpu.memory_space<vmem>>
          %dma_wait3A_326 = tpu.memref_squeeze %dma_wait3A_325 : memref<1x128x128xf32, #tpu.memory_space<vmem>> -> memref<128x128xf32, #tpu.memory_space<vmem>>
          %dma_wait3A_327 = arith.constant 0 : i32
          %dma_wait3A_328 = arith.constant 0 : i32
          %dma_wait3A_329 = tpu.memref_slice %arg7[%dma_wait3A_327, %dma_wait3A_328] : memref<204800x128xf32, #tpu.memory_space<hbm>> -> memref<128x128xf32, #tpu.memory_space<hbm>>
          %dma_wait3A_330 = arith.constant 0 : i32
          %dma_wait3A_331 = arith.constant 0 : i32
          %dma_wait3A_332 = tpu.memref_slice %arg7[%dma_wait3A_330, %dma_wait3A_331] : memref<204800x128xf32, #tpu.memory_space<hbm>> -> memref<128x128xf32, #tpu.memory_space<hbm>>
          %dma_wait3A_333 = arith.constant 0 : i32
          %dma_wait3A_334 = arith.constant 0 : i32
          %dma_wait3A_335 = tpu.memref_slice %arg9[%dma_wait3A_322, %dma_wait3A_333, %dma_wait3A_334] : memref<5x128x128xf32, #tpu.memory_space<vmem>> -> memref<1x128x128xf32, #tpu.memory_space<vmem>>
          %dma_wait3A_336 = tpu.memref_squeeze %dma_wait3A_335 : memref<1x128x128xf32, #tpu.memory_space<vmem>> -> memref<128x128xf32, #tpu.memory_space<vmem>>
          tpu.wait_dma2 semaphore(%arg20 : memref<!tpu.dma_semaphore, #tpu.memory_space<semaphore_mem>>) src(%dma_wait3A_336 : memref<128x128xf32, #tpu.memory_space<vmem>>) dst(%dma_wait3A_332 : memref<128x128xf32, #tpu.memory_space<hbm>>)
        } else {
        }
        %add3A_309 = arith.constant 2 : i32
        %add3A_310 = arith.addi %add3A_185, %add3A_309 : i32
        %mul3A_311 = arith.constant 128 : i32
        %mul3A_312 = arith.muli %add3A_310, %mul3A_311 : i32
        %dma_start3A_313 = arith.constant 4 : i32
        %dma_start3A_314 = arith.constant 0 : i32
        %dma_start3A_315 = arith.constant 0 : i32
        %dma_start3A_316 = tpu.memref_slice %arg9[%dma_start3A_313, %dma_start3A_314, %dma_start3A_315] : memref<5x128x128xf32, #tpu.memory_space<vmem>> -> memref<1x128x128xf32, #tpu.memory_space<vmem>>
        %dma_start3A_317 = tpu.memref_squeeze %dma_start3A_316 : memref<1x128x128xf32, #tpu.memory_space<vmem>> -> memref<128x128xf32, #tpu.memory_space<vmem>>
        %dma_start3A_318 = tpu.memref_slice %arg8[%mul3A_312] : memref<6400xi32, #tpu.memory_space<vmem>> -> memref<128xi32, #tpu.memory_space<vmem>>
        %dma_start3A_319 = arith.constant 0 : i32
        %dma_start3A_320 = arith.constant 0 : i32
        %dma_start3A_321 = tpu.memref_slice %arg3[%dma_start3A_319, %dma_start3A_320] : memref<100002x128xf32, #tpu.memory_space<hbm>> -> memref<100002x128xf32, #tpu.memory_space<hbm>>
        tpu.enqueue_indirect_dma source(%dma_start3A_321 : memref<100002x128xf32, #tpu.memory_space<hbm>>) target(%dma_start3A_317 : memref<128x128xf32, #tpu.memory_space<vmem>>) offsets(%dma_start3A_318 : memref<128xi32, #tpu.memory_space<vmem>>) semaphore(%arg15 : memref<!tpu.dma_semaphore, #tpu.memory_space<semaphore_mem>>)
      } else {
      }
      %parallel_loop3A_203 = arith.constant 0 : i32
      %parallel_loop3A_204 = arith.constant 128 : i32
      %parallel_loop3A_205 = arith.constant 1 : i32
      %parallel_loop3A_206 = scf.for %parallel_loop3A_305 = %parallel_loop3A_203 to %parallel_loop3A_204 step %parallel_loop3A_205 iter_args(%parallel_loop3A_306 = %parallel_loop3A_165) -> (i32)  : i32 {
        %parallel_loop3A_307 = arith.constant 2 : i32
        %parallel_loop3A_308 = arith.index_cast %parallel_loop3A_307 : i32 to index
        %parallel_loop3A_309 = arith.index_cast %parallel_loop3A_305 : i32 to index
        %parallel_loop3A_310 = arith.constant 0 : index
        %parallel_loop3A_311 = tpu.vector_load %arg9[%parallel_loop3A_308, %parallel_loop3A_309, %parallel_loop3A_310] {strides = array<i32>} : memref<5x128x128xf32, #tpu.memory_space<vmem>>, vector<16xf32>,
        %parallel_loop3A_312 = arith.index_cast %parallel_loop3A_306 : i32 to index
        %parallel_loop3A_313 = arith.constant 0 : index
        %parallel_loop3A_314 = tpu.vector_load %arg10[%parallel_loop3A_312, %parallel_loop3A_313] {strides = array<i32>} : memref<201x128xf32, #tpu.memory_space<vmem>>, vector<16xf32>,
        %parallel_loop3A_315 = arith.addf %parallel_loop3A_311, %parallel_loop3A_314 : vector<16xf32>
        %parallel_loop3A_316 = arith.constant 2 : i32
        %parallel_loop3A_317 = arith.index_cast %parallel_loop3A_316 : i32 to index
        %parallel_loop3A_318 = arith.index_cast %parallel_loop3A_305 : i32 to index
        %parallel_loop3A_319 = arith.constant 16 : index
        %parallel_loop3A_320 = tpu.vector_load %arg9[%parallel_loop3A_317, %parallel_loop3A_318, %parallel_loop3A_319] {strides = array<i32>} : memref<5x128x128xf32, #tpu.memory_space<vmem>>, vector<16xf32>,
        %parallel_loop3A_321 = arith.index_cast %parallel_loop3A_306 : i32 to index
        %parallel_loop3A_322 = arith.constant 16 : index
        %parallel_loop3A_323 = tpu.vector_load %arg10[%parallel_loop3A_321, %parallel_loop3A_322] {strides = array<i32>} : memref<201x128xf32, #tpu.memory_space<vmem>>, vector<16xf32>,
        %parallel_loop3A_324 = arith.addf %parallel_loop3A_320, %parallel_loop3A_323 : vector<16xf32>
        %parallel_loop3A_325 = arith.constant 2 : i32
        %parallel_loop3A_326 = arith.index_cast %parallel_loop3A_325 : i32 to index
        %parallel_loop3A_327 = arith.index_cast %parallel_loop3A_305 : i32 to index
        %parallel_loop3A_328 = arith.constant 32 : index
        %parallel_loop3A_329 = tpu.vector_load %arg9[%parallel_loop3A_326, %parallel_loop3A_327, %parallel_loop3A_328] {strides = array<i32>} : memref<5x128x128xf32, #tpu.memory_space<vmem>>, vector<16xf32>,
        %parallel_loop3A_330 = arith.index_cast %parallel_loop3A_306 : i32 to index
        %parallel_loop3A_331 = arith.constant 32 : index
        %parallel_loop3A_332 = tpu.vector_load %arg10[%parallel_loop3A_330, %parallel_loop3A_331] {strides = array<i32>} : memref<201x128xf32, #tpu.memory_space<vmem>>, vector<16xf32>,
        %parallel_loop3A_333 = arith.addf %parallel_loop3A_329, %parallel_loop3A_332 : vector<16xf32>
        %parallel_loop3A_334 = arith.constant 2 : i32
        %parallel_loop3A_335 = arith.index_cast %parallel_loop3A_334 : i32 to index
        %parallel_loop3A_336 = arith.index_cast %parallel_loop3A_305 : i32 to index
        %parallel_loop3A_337 = arith.constant 48 : index
        %parallel_loop3A_338 = tpu.vector_load %arg9[%parallel_loop3A_335, %parallel_loop3A_336, %parallel_loop3A_337] {strides = array<i32>} : memref<5x128x128xf32, #tpu.memory_space<vmem>>, vector<16xf32>,
        %parallel_loop3A_339 = arith.index_cast %parallel_loop3A_306 : i32 to index
        %parallel_loop3A_340 = arith.constant 48 : index
        %parallel_loop3A_341 = tpu.vector_load %arg10[%parallel_loop3A_339, %parallel_loop3A_340] {strides = array<i32>} : memref<201x128xf32, #tpu.memory_space<vmem>>, vector<16xf32>,
        %parallel_loop3A_342 = arith.addf %parallel_loop3A_338, %parallel_loop3A_341 : vector<16xf32>
        %parallel_loop3A_343 = arith.constant 2 : i32
        %parallel_loop3A_344 = arith.index_cast %parallel_loop3A_343 : i32 to index
        %parallel_loop3A_345 = arith.index_cast %parallel_loop3A_305 : i32 to index
        %parallel_loop3A_346 = arith.constant 64 : index
        %parallel_loop3A_347 = tpu.vector_load %arg9[%parallel_loop3A_344, %parallel_loop3A_345, %parallel_loop3A_346] {strides = array<i32>} : memref<5x128x128xf32, #tpu.memory_space<vmem>>, vector<16xf32>,
        %parallel_loop3A_348 = arith.index_cast %parallel_loop3A_306 : i32 to index
        %parallel_loop3A_349 = arith.constant 64 : index
        %parallel_loop3A_350 = tpu.vector_load %arg10[%parallel_loop3A_348, %parallel_loop3A_349] {strides = array<i32>} : memref<201x128xf32, #tpu.memory_space<vmem>>, vector<16xf32>,
        %parallel_loop3A_351 = arith.addf %parallel_loop3A_347, %parallel_loop3A_350 : vector<16xf32>
        %parallel_loop3A_352 = arith.constant 2 : i32
        %parallel_loop3A_353 = arith.index_cast %parallel_loop3A_352 : i32 to index
        %parallel_loop3A_354 = arith.index_cast %parallel_loop3A_305 : i32 to index
        %parallel_loop3A_355 = arith.constant 80 : index
        %parallel_loop3A_356 = tpu.vector_load %arg9[%parallel_loop3A_353, %parallel_loop3A_354, %parallel_loop3A_355] {strides = array<i32>} : memref<5x128x128xf32, #tpu.memory_space<vmem>>, vector<16xf32>,
        %parallel_loop3A_357 = arith.index_cast %parallel_loop3A_306 : i32 to index
        %parallel_loop3A_358 = arith.constant 80 : index
        %parallel_loop3A_359 = tpu.vector_load %arg10[%parallel_loop3A_357, %parallel_loop3A_358] {strides = array<i32>} : memref<201x128xf32, #tpu.memory_space<vmem>>, vector<16xf32>,
        %parallel_loop3A_360 = arith.addf %parallel_loop3A_356, %parallel_loop3A_359 : vector<16xf32>
        %parallel_loop3A_361 = arith.constant 2 : i32
        %parallel_loop3A_362 = arith.index_cast %parallel_loop3A_361 : i32 to index
        %parallel_loop3A_363 = arith.index_cast %parallel_loop3A_305 : i32 to index
        %parallel_loop3A_364 = arith.constant 96 : index
        %parallel_loop3A_365 = tpu.vector_load %arg9[%parallel_loop3A_362, %parallel_loop3A_363, %parallel_loop3A_364] {strides = array<i32>} : memref<5x128x128xf32, #tpu.memory_space<vmem>>, vector<16xf32>,
        %parallel_loop3A_366 = arith.index_cast %parallel_loop3A_306 : i32 to index
        %parallel_loop3A_367 = arith.constant 96 : index
        %parallel_loop3A_368 = tpu.vector_load %arg10[%parallel_loop3A_366, %parallel_loop3A_367] {strides = array<i32>} : memref<201x128xf32, #tpu.memory_space<vmem>>, vector<16xf32>,
        %parallel_loop3A_369 = arith.addf %parallel_loop3A_365, %parallel_loop3A_368 : vector<16xf32>
        %parallel_loop3A_370 = arith.constant 2 : i32
        %parallel_loop3A_371 = arith.index_cast %parallel_loop3A_370 : i32 to index
        %parallel_loop3A_372 = arith.index_cast %parallel_loop3A_305 : i32 to index
        %parallel_loop3A_373 = arith.constant 112 : index
        %parallel_loop3A_374 = tpu.vector_load %arg9[%parallel_loop3A_371, %parallel_loop3A_372, %parallel_loop3A_373] {strides = array<i32>} : memref<5x128x128xf32, #tpu.memory_space<vmem>>, vector<16xf32>,
        %parallel_loop3A_375 = arith.index_cast %parallel_loop3A_306 : i32 to index
        %parallel_loop3A_376 = arith.constant 112 : index
        %parallel_loop3A_377 = tpu.vector_load %arg10[%parallel_loop3A_375, %parallel_loop3A_376] {strides = array<i32>} : memref<201x128xf32, #tpu.memory_space<vmem>>, vector<16xf32>,
        %parallel_loop3A_378 = arith.addf %parallel_loop3A_374, %parallel_loop3A_377 : vector<16xf32>
        %parallel_loop3A_379 = arith.addf %parallel_loop3A_315, %parallel_loop3A_324 : vector<16xf32>
        %parallel_loop3A_380 = arith.addf %parallel_loop3A_333, %parallel_loop3A_342 : vector<16xf32>
        %parallel_loop3A_381 = arith.addf %parallel_loop3A_351, %parallel_loop3A_360 : vector<16xf32>
        %parallel_loop3A_382 = arith.addf %parallel_loop3A_369, %parallel_loop3A_378 : vector<16xf32>
        %parallel_loop3A_383 = arith.addf %parallel_loop3A_379, %parallel_loop3A_380 : vector<16xf32>
        %parallel_loop3A_384 = arith.addf %parallel_loop3A_381, %parallel_loop3A_382 : vector<16xf32>
        %parallel_loop3A_385 = arith.addf %parallel_loop3A_383, %parallel_loop3A_384 : vector<16xf32>
        %parallel_loop3A_386 = arith.mulf %parallel_loop3A_315, %parallel_loop3A_315 : vector<16xf32>
        %parallel_loop3A_387 = arith.mulf %parallel_loop3A_324, %parallel_loop3A_324 : vector<16xf32>
        %parallel_loop3A_388 = arith.mulf %parallel_loop3A_333, %parallel_loop3A_333 : vector<16xf32>
        %parallel_loop3A_389 = arith.mulf %parallel_loop3A_342, %parallel_loop3A_342 : vector<16xf32>
        %parallel_loop3A_390 = arith.mulf %parallel_loop3A_351, %parallel_loop3A_351 : vector<16xf32>
        %parallel_loop3A_391 = arith.mulf %parallel_loop3A_360, %parallel_loop3A_360 : vector<16xf32>
        %parallel_loop3A_392 = arith.mulf %parallel_loop3A_369, %parallel_loop3A_369 : vector<16xf32>
        %parallel_loop3A_393 = arith.mulf %parallel_loop3A_378, %parallel_loop3A_378 : vector<16xf32>
        %parallel_loop3A_394 = arith.addf %parallel_loop3A_386, %parallel_loop3A_387 : vector<16xf32>
        %parallel_loop3A_395 = arith.addf %parallel_loop3A_388, %parallel_loop3A_389 : vector<16xf32>
        %parallel_loop3A_396 = arith.addf %parallel_loop3A_390, %parallel_loop3A_391 : vector<16xf32>
        %parallel_loop3A_397 = arith.addf %parallel_loop3A_392, %parallel_loop3A_393 : vector<16xf32>
        %parallel_loop3A_398 = arith.addf %parallel_loop3A_394, %parallel_loop3A_395 : vector<16xf32>
        %parallel_loop3A_399 = arith.addf %parallel_loop3A_396, %parallel_loop3A_397 : vector<16xf32>
        %parallel_loop3A_400 = arith.addf %parallel_loop3A_398, %parallel_loop3A_399 : vector<16xf32>
        %parallel_loop3A_401 = arith.constant true
        %parallel_loop3A_402 = vector.broadcast %parallel_loop3A_401 : i1 to vector<16xi1>
        %parallel_loop3A_403 = tpu.scan <sum>, %parallel_loop3A_385 masked %parallel_loop3A_402 : vector<16xf32>, vector<16xi1> -> vector<16xf32>
        %parallel_loop3A_404 = vector.extract %parallel_loop3A_403[15] : f32 from vector<16xf32>
        %parallel_loop3A_405 = vector.broadcast %parallel_loop3A_404 : f32 to vector<16xf32>
        %parallel_loop3A_406 = arith.constant true
        %parallel_loop3A_407 = vector.broadcast %parallel_loop3A_406 : i1 to vector<16xi1>
        %parallel_loop3A_408 = tpu.scan <sum>, %parallel_loop3A_400 masked %parallel_loop3A_407 : vector<16xf32>, vector<16xi1> -> vector<16xf32>
        %parallel_loop3A_409 = vector.extract %parallel_loop3A_408[15] : f32 from vector<16xf32>
        %parallel_loop3A_410 = vector.broadcast %parallel_loop3A_409 : f32 to vector<16xf32>
        %parallel_loop3A_411 = arith.constant 7.812500e-03 : f32
        %parallel_loop3A_412 = vector.broadcast %parallel_loop3A_411 : f32 to vector<16xf32>
        %parallel_loop3A_413 = arith.mulf %parallel_loop3A_405, %parallel_loop3A_412 : vector<16xf32>
        %parallel_loop3A_414 = arith.constant 7.812500e-03 : f32
        %parallel_loop3A_415 = vector.broadcast %parallel_loop3A_414 : f32 to vector<16xf32>
        %parallel_loop3A_416 = arith.mulf %parallel_loop3A_410, %parallel_loop3A_415 : vector<16xf32>
        %parallel_loop3A_417 = arith.mulf %parallel_loop3A_413, %parallel_loop3A_413 : vector<16xf32>
        %parallel_loop3A_418 = arith.subf %parallel_loop3A_416, %parallel_loop3A_417 : vector<16xf32>
        %parallel_loop3A_419 = arith.constant 9.99999974E-6 : f32
        %parallel_loop3A_420 = vector.broadcast %parallel_loop3A_419 : f32 to vector<16xf32>
        %parallel_loop3A_421 = arith.addf %parallel_loop3A_418, %parallel_loop3A_420 : vector<16xf32>
        %parallel_loop3A_422 = vector.bitcast %parallel_loop3A_421 : vector<16xf32> to vector<16xi32>
        %parallel_loop3A_423 = arith.constant 1 : i32
        %parallel_loop3A_424 = vector.broadcast %parallel_loop3A_423 : i32 to vector<16xi32>
        %parallel_loop3A_425 = arith.shrsi %parallel_loop3A_422, %parallel_loop3A_424 : vector<16xi32>
        %parallel_loop3A_426 = arith.constant 1597463007 : i32
        %parallel_loop3A_427 = vector.broadcast %parallel_loop3A_426 : i32 to vector<16xi32>
        %parallel_loop3A_428 = arith.subi %parallel_loop3A_427, %parallel_loop3A_425 : vector<16xi32>
        %parallel_loop3A_429 = vector.bitcast %parallel_loop3A_428 : vector<16xi32> to vector<16xf32>
        %parallel_loop3A_430 = arith.constant 5.000000e-01 : f32
        %parallel_loop3A_431 = vector.broadcast %parallel_loop3A_430 : f32 to vector<16xf32>
        %parallel_loop3A_432 = arith.mulf %parallel_loop3A_421, %parallel_loop3A_431 : vector<16xf32>
        %parallel_loop3A_433 = arith.mulf %parallel_loop3A_432, %parallel_loop3A_429 : vector<16xf32>
        %parallel_loop3A_434 = arith.mulf %parallel_loop3A_433, %parallel_loop3A_429 : vector<16xf32>
        %parallel_loop3A_435 = arith.constant 1.500000e+00 : f32
        %parallel_loop3A_436 = vector.broadcast %parallel_loop3A_435 : f32 to vector<16xf32>
        %parallel_loop3A_437 = arith.subf %parallel_loop3A_436, %parallel_loop3A_434 : vector<16xf32>
        %parallel_loop3A_438 = arith.mulf %parallel_loop3A_429, %parallel_loop3A_437 : vector<16xf32>
        %parallel_loop3A_439 = arith.mulf %parallel_loop3A_432, %parallel_loop3A_438 : vector<16xf32>
        %parallel_loop3A_440 = arith.mulf %parallel_loop3A_439, %parallel_loop3A_438 : vector<16xf32>
        %parallel_loop3A_441 = arith.constant 1.500000e+00 : f32
        %parallel_loop3A_442 = vector.broadcast %parallel_loop3A_441 : f32 to vector<16xf32>
        %parallel_loop3A_443 = arith.subf %parallel_loop3A_442, %parallel_loop3A_440 : vector<16xf32>
        %parallel_loop3A_444 = arith.mulf %parallel_loop3A_438, %parallel_loop3A_443 : vector<16xf32>
        %parallel_loop3A_445 = arith.subf %parallel_loop3A_315, %parallel_loop3A_413 : vector<16xf32>
        %parallel_loop3A_446 = arith.mulf %parallel_loop3A_445, %parallel_loop3A_444 : vector<16xf32>
        %parallel_loop3A_447 = arith.constant 2 : i32
        %parallel_loop3A_448 = arith.index_cast %parallel_loop3A_447 : i32 to index
        %parallel_loop3A_449 = arith.index_cast %parallel_loop3A_305 : i32 to index
        %parallel_loop3A_450 = arith.constant 0 : index
        %parallel_loop3A_451 = tpu.vector_load %arg9[%parallel_loop3A_448, %parallel_loop3A_449, %parallel_loop3A_450] {strides = array<i32>} : memref<5x128x128xf32, #tpu.memory_space<vmem>>, vector<16xf32>,
        tpu.vector_store %arg9[%parallel_loop3A_448, %parallel_loop3A_449, %parallel_loop3A_450], %parallel_loop3A_446 {strides = array<i32>} : memref<5x128x128xf32, #tpu.memory_space<vmem>>, vector<16xf32>,
        %parallel_loop3A_452 = arith.subf %parallel_loop3A_324, %parallel_loop3A_413 : vector<16xf32>
        %parallel_loop3A_453 = arith.mulf %parallel_loop3A_452, %parallel_loop3A_444 : vector<16xf32>
        %parallel_loop3A_454 = arith.constant 2 : i32
        %parallel_loop3A_455 = arith.index_cast %parallel_loop3A_454 : i32 to index
        %parallel_loop3A_456 = arith.index_cast %parallel_loop3A_305 : i32 to index
        %parallel_loop3A_457 = arith.constant 16 : index
        %parallel_loop3A_458 = tpu.vector_load %arg9[%parallel_loop3A_455, %parallel_loop3A_456, %parallel_loop3A_457] {strides = array<i32>} : memref<5x128x128xf32, #tpu.memory_space<vmem>>, vector<16xf32>,
        tpu.vector_store %arg9[%parallel_loop3A_455, %parallel_loop3A_456, %parallel_loop3A_457], %parallel_loop3A_453 {strides = array<i32>} : memref<5x128x128xf32, #tpu.memory_space<vmem>>, vector<16xf32>,
        %parallel_loop3A_459 = arith.subf %parallel_loop3A_333, %parallel_loop3A_413 : vector<16xf32>
        %parallel_loop3A_460 = arith.mulf %parallel_loop3A_459, %parallel_loop3A_444 : vector<16xf32>
        %parallel_loop3A_461 = arith.constant 2 : i32
        %parallel_loop3A_462 = arith.index_cast %parallel_loop3A_461 : i32 to index
        %parallel_loop3A_463 = arith.index_cast %parallel_loop3A_305 : i32 to index
        %parallel_loop3A_464 = arith.constant 32 : index
        %parallel_loop3A_465 = tpu.vector_load %arg9[%parallel_loop3A_462, %parallel_loop3A_463, %parallel_loop3A_464] {strides = array<i32>} : memref<5x128x128xf32, #tpu.memory_space<vmem>>, vector<16xf32>,
        tpu.vector_store %arg9[%parallel_loop3A_462, %parallel_loop3A_463, %parallel_loop3A_464], %parallel_loop3A_460 {strides = array<i32>} : memref<5x128x128xf32, #tpu.memory_space<vmem>>, vector<16xf32>,
        %parallel_loop3A_466 = arith.subf %parallel_loop3A_342, %parallel_loop3A_413 : vector<16xf32>
        %parallel_loop3A_467 = arith.mulf %parallel_loop3A_466, %parallel_loop3A_444 : vector<16xf32>
        %parallel_loop3A_468 = arith.constant 2 : i32
        %parallel_loop3A_469 = arith.index_cast %parallel_loop3A_468 : i32 to index
        %parallel_loop3A_470 = arith.index_cast %parallel_loop3A_305 : i32 to index
        %parallel_loop3A_471 = arith.constant 48 : index
        %parallel_loop3A_472 = tpu.vector_load %arg9[%parallel_loop3A_469, %parallel_loop3A_470, %parallel_loop3A_471] {strides = array<i32>} : memref<5x128x128xf32, #tpu.memory_space<vmem>>, vector<16xf32>,
        tpu.vector_store %arg9[%parallel_loop3A_469, %parallel_loop3A_470, %parallel_loop3A_471], %parallel_loop3A_467 {strides = array<i32>} : memref<5x128x128xf32, #tpu.memory_space<vmem>>, vector<16xf32>,
        %parallel_loop3A_473 = arith.subf %parallel_loop3A_351, %parallel_loop3A_413 : vector<16xf32>
        %parallel_loop3A_474 = arith.mulf %parallel_loop3A_473, %parallel_loop3A_444 : vector<16xf32>
        %parallel_loop3A_475 = arith.constant 2 : i32
        %parallel_loop3A_476 = arith.index_cast %parallel_loop3A_475 : i32 to index
        %parallel_loop3A_477 = arith.index_cast %parallel_loop3A_305 : i32 to index
        %parallel_loop3A_478 = arith.constant 64 : index
        %parallel_loop3A_479 = tpu.vector_load %arg9[%parallel_loop3A_476, %parallel_loop3A_477, %parallel_loop3A_478] {strides = array<i32>} : memref<5x128x128xf32, #tpu.memory_space<vmem>>, vector<16xf32>,
        tpu.vector_store %arg9[%parallel_loop3A_476, %parallel_loop3A_477, %parallel_loop3A_478], %parallel_loop3A_474 {strides = array<i32>} : memref<5x128x128xf32, #tpu.memory_space<vmem>>, vector<16xf32>,
        %parallel_loop3A_480 = arith.subf %parallel_loop3A_360, %parallel_loop3A_413 : vector<16xf32>
        %parallel_loop3A_481 = arith.mulf %parallel_loop3A_480, %parallel_loop3A_444 : vector<16xf32>
        %parallel_loop3A_482 = arith.constant 2 : i32
        %parallel_loop3A_483 = arith.index_cast %parallel_loop3A_482 : i32 to index
        %parallel_loop3A_484 = arith.index_cast %parallel_loop3A_305 : i32 to index
        %parallel_loop3A_485 = arith.constant 80 : index
        %parallel_loop3A_486 = tpu.vector_load %arg9[%parallel_loop3A_483, %parallel_loop3A_484, %parallel_loop3A_485] {strides = array<i32>} : memref<5x128x128xf32, #tpu.memory_space<vmem>>, vector<16xf32>,
        tpu.vector_store %arg9[%parallel_loop3A_483, %parallel_loop3A_484, %parallel_loop3A_485], %parallel_loop3A_481 {strides = array<i32>} : memref<5x128x128xf32, #tpu.memory_space<vmem>>, vector<16xf32>,
        %parallel_loop3A_487 = arith.subf %parallel_loop3A_369, %parallel_loop3A_413 : vector<16xf32>
        %parallel_loop3A_488 = arith.mulf %parallel_loop3A_487, %parallel_loop3A_444 : vector<16xf32>
        %parallel_loop3A_489 = arith.constant 2 : i32
        %parallel_loop3A_490 = arith.index_cast %parallel_loop3A_489 : i32 to index
        %parallel_loop3A_491 = arith.index_cast %parallel_loop3A_305 : i32 to index
        %parallel_loop3A_492 = arith.constant 96 : index
        %parallel_loop3A_493 = tpu.vector_load %arg9[%parallel_loop3A_490, %parallel_loop3A_491, %parallel_loop3A_492] {strides = array<i32>} : memref<5x128x128xf32, #tpu.memory_space<vmem>>, vector<16xf32>,
        tpu.vector_store %arg9[%parallel_loop3A_490, %parallel_loop3A_491, %parallel_loop3A_492], %parallel_loop3A_488 {strides = array<i32>} : memref<5x128x128xf32, #tpu.memory_space<vmem>>, vector<16xf32>,
        %parallel_loop3A_494 = arith.subf %parallel_loop3A_378, %parallel_loop3A_413 : vector<16xf32>
        %parallel_loop3A_495 = arith.mulf %parallel_loop3A_494, %parallel_loop3A_444 : vector<16xf32>
        %parallel_loop3A_496 = arith.constant 2 : i32
        %parallel_loop3A_497 = arith.index_cast %parallel_loop3A_496 : i32 to index
        %parallel_loop3A_498 = arith.index_cast %parallel_loop3A_305 : i32 to index
        %parallel_loop3A_499 = arith.constant 112 : index
        %parallel_loop3A_500 = tpu.vector_load %arg9[%parallel_loop3A_497, %parallel_loop3A_498, %parallel_loop3A_499] {strides = array<i32>} : memref<5x128x128xf32, #tpu.memory_space<vmem>>, vector<16xf32>,
        tpu.vector_store %arg9[%parallel_loop3A_497, %parallel_loop3A_498, %parallel_loop3A_499], %parallel_loop3A_495 {strides = array<i32>} : memref<5x128x128xf32, #tpu.memory_space<vmem>>, vector<16xf32>,
        %parallel_loop3A_501 = arith.constant 1 : i32
        %parallel_loop3A_502 = arith.addi %parallel_loop3A_306, %parallel_loop3A_501 : i32
        %parallel_loop3A_503 = arith.constant 200 : i32
        %parallel_loop3A_504 = arith.cmpi sgt, %parallel_loop3A_502, %parallel_loop3A_503 : i32
        %parallel_loop3A_505 = arith.constant 1 : i32
        %parallel_loop3A_506 = arith.select %parallel_loop3A_504, %parallel_loop3A_505, %parallel_loop3A_502 : i32
        scf.yield %parallel_loop3A_506 : i32
      } {sc.loop_unroll_factor = 2 : i64, sc.parallel_access}
      %mul3A_207 = arith.constant 128 : i32
      %mul3A_208 = arith.muli %add3A_185, %mul3A_207 : i32
      %add3A_209 = arith.addi %mul3A_2, %mul3A_208 : i32
      %dma_start3A_210 = arith.constant 2 : i32
      %dma_start3A_211 = arith.constant 0 : i32
      %dma_start3A_212 = arith.constant 0 : i32
      %dma_start3A_213 = tpu.memref_slice %arg9[%dma_start3A_210, %dma_start3A_211, %dma_start3A_212] : memref<5x128x128xf32, #tpu.memory_space<vmem>> -> memref<1x128x128xf32, #tpu.memory_space<vmem>>
      %dma_start3A_214 = tpu.memref_squeeze %dma_start3A_213 : memref<1x128x128xf32, #tpu.memory_space<vmem>> -> memref<128x128xf32, #tpu.memory_space<vmem>>
      %dma_start3A_215 = arith.constant 0 : i32
      %dma_start3A_216 = tpu.memref_slice %arg7[%add3A_209, %dma_start3A_215] : memref<204800x128xf32, #tpu.memory_space<hbm>> -> memref<128x128xf32, #tpu.memory_space<hbm>>
      %dma_start3A_217 = arith.constant 0 : i32
      %dma_start3A_218 = tpu.memref_slice %arg7[%add3A_209, %dma_start3A_217] : memref<204800x128xf32, #tpu.memory_space<hbm>> -> memref<128x128xf32, #tpu.memory_space<hbm>>
      %dma_start3A_219 = arith.constant 0 : i32
      %dma_start3A_220 = arith.constant 0 : i32
      %dma_start3A_221 = tpu.memref_slice %arg9[%dma_start3A_210, %dma_start3A_219, %dma_start3A_220] : memref<5x128x128xf32, #tpu.memory_space<vmem>> -> memref<1x128x128xf32, #tpu.memory_space<vmem>>
      %dma_start3A_222 = tpu.memref_squeeze %dma_start3A_221 : memref<1x128x128xf32, #tpu.memory_space<vmem>> -> memref<128x128xf32, #tpu.memory_space<vmem>>
      tpu.enqueue_dma source(%dma_start3A_222 : memref<128x128xf32, #tpu.memory_space<vmem>>) target(%dma_start3A_218 : memref<128x128xf32, #tpu.memory_space<hbm>>) target_semaphore(%arg18 : memref<!tpu.dma_semaphore, #tpu.memory_space<semaphore_mem>>)
      %mul3A_223 = arith.constant 5 : i32
      %mul3A_224 = arith.muli %mul3A_223, %scan3A_102 : i32
      %add3A_225 = arith.constant 3 : i32
      %add3A_226 = arith.addi %mul3A_224, %add3A_225 : i32
      %dma_wait3A_227 = arith.constant 3 : i32
      %dma_wait3A_228 = arith.constant 0 : i32
      %dma_wait3A_229 = arith.constant 0 : i32
      %dma_wait3A_230 = tpu.memref_slice %arg9[%dma_wait3A_227, %dma_wait3A_228, %dma_wait3A_229] : memref<5x128x128xf32, #tpu.memory_space<vmem>> -> memref<1x128x128xf32, #tpu.memory_space<vmem>>
      %dma_wait3A_231 = tpu.memref_squeeze %dma_wait3A_230 : memref<1x128x128xf32, #tpu.memory_space<vmem>> -> memref<128x128xf32, #tpu.memory_space<vmem>>
      %dma_wait3A_232 = arith.constant 0 : i32
      %dma_wait3A_233 = tpu.memref_slice %arg8[%dma_wait3A_232] : memref<6400xi32, #tpu.memory_space<vmem>> -> memref<128xi32, #tpu.memory_space<vmem>>
      %dma_wait3A_234 = arith.constant 0 : i32
      %dma_wait3A_235 = arith.constant 0 : i32
      %dma_wait3A_236 = tpu.memref_slice %arg3[%dma_wait3A_234, %dma_wait3A_235] : memref<100002x128xf32, #tpu.memory_space<hbm>> -> memref<100002x128xf32, #tpu.memory_space<hbm>>
      tpu.wait_indirect_dma semaphore(%arg14 : memref<!tpu.dma_semaphore, #tpu.memory_space<semaphore_mem>>) src(%dma_wait3A_236 : memref<100002x128xf32, #tpu.memory_space<hbm>>) dst(%dma_wait3A_231 : memref<128x128xf32, #tpu.memory_space<vmem>>)
      %add3A_237 = arith.constant 2 : i32
      %add3A_238 = arith.addi %add3A_226, %add3A_237 : i32
      %lt3A_239 = arith.constant 50 : i32
      %lt3A_240 = arith.cmpi slt, %add3A_238, %lt3A_239 : i32
      %convert_element_type3A_241 = arith.extui %lt3A_240 : i1 to i32
      %cond3A_242 = arith.constant 0 : i32
      %cond3A_243 = arith.cmpi ne, %convert_element_type3A_241, %cond3A_242 : i32
      scf.if %cond3A_243 {
        %ge3A = arith.constant 3 : i32
        %ge3A_305 = arith.cmpi sge, %add3A_226, %ge3A : i32
        %convert_element_type3A_306 = arith.extui %ge3A_305 : i1 to i32
        %cond3A_307 = arith.constant 0 : i32
        %cond3A_308 = arith.cmpi ne, %convert_element_type3A_306, %cond3A_307 : i32
        scf.if %cond3A_308 {
          %dma_wait3A_322 = arith.constant 0 : i32
          %dma_wait3A_323 = arith.constant 0 : i32
          %dma_wait3A_324 = arith.constant 0 : i32
          %dma_wait3A_325 = tpu.memref_slice %arg9[%dma_wait3A_322, %dma_wait3A_323, %dma_wait3A_324] : memref<5x128x128xf32, #tpu.memory_space<vmem>> -> memref<1x128x128xf32, #tpu.memory_space<vmem>>
          %dma_wait3A_326 = tpu.memref_squeeze %dma_wait3A_325 : memref<1x128x128xf32, #tpu.memory_space<vmem>> -> memref<128x128xf32, #tpu.memory_space<vmem>>
          %dma_wait3A_327 = arith.constant 0 : i32
          %dma_wait3A_328 = arith.constant 0 : i32
          %dma_wait3A_329 = tpu.memref_slice %arg7[%dma_wait3A_327, %dma_wait3A_328] : memref<204800x128xf32, #tpu.memory_space<hbm>> -> memref<128x128xf32, #tpu.memory_space<hbm>>
          %dma_wait3A_330 = arith.constant 0 : i32
          %dma_wait3A_331 = arith.constant 0 : i32
          %dma_wait3A_332 = tpu.memref_slice %arg7[%dma_wait3A_330, %dma_wait3A_331] : memref<204800x128xf32, #tpu.memory_space<hbm>> -> memref<128x128xf32, #tpu.memory_space<hbm>>
          %dma_wait3A_333 = arith.constant 0 : i32
          %dma_wait3A_334 = arith.constant 0 : i32
          %dma_wait3A_335 = tpu.memref_slice %arg9[%dma_wait3A_322, %dma_wait3A_333, %dma_wait3A_334] : memref<5x128x128xf32, #tpu.memory_space<vmem>> -> memref<1x128x128xf32, #tpu.memory_space<vmem>>
          %dma_wait3A_336 = tpu.memref_squeeze %dma_wait3A_335 : memref<1x128x128xf32, #tpu.memory_space<vmem>> -> memref<128x128xf32, #tpu.memory_space<vmem>>
          tpu.wait_dma2 semaphore(%arg16 : memref<!tpu.dma_semaphore, #tpu.memory_space<semaphore_mem>>) src(%dma_wait3A_336 : memref<128x128xf32, #tpu.memory_space<vmem>>) dst(%dma_wait3A_332 : memref<128x128xf32, #tpu.memory_space<hbm>>)
        } else {
        }
        %add3A_309 = arith.constant 2 : i32
        %add3A_310 = arith.addi %add3A_226, %add3A_309 : i32
        %mul3A_311 = arith.constant 128 : i32
        %mul3A_312 = arith.muli %add3A_310, %mul3A_311 : i32
        %dma_start3A_313 = arith.constant 0 : i32
        %dma_start3A_314 = arith.constant 0 : i32
        %dma_start3A_315 = arith.constant 0 : i32
        %dma_start3A_316 = tpu.memref_slice %arg9[%dma_start3A_313, %dma_start3A_314, %dma_start3A_315] : memref<5x128x128xf32, #tpu.memory_space<vmem>> -> memref<1x128x128xf32, #tpu.memory_space<vmem>>
        %dma_start3A_317 = tpu.memref_squeeze %dma_start3A_316 : memref<1x128x128xf32, #tpu.memory_space<vmem>> -> memref<128x128xf32, #tpu.memory_space<vmem>>
        %dma_start3A_318 = tpu.memref_slice %arg8[%mul3A_312] : memref<6400xi32, #tpu.memory_space<vmem>> -> memref<128xi32, #tpu.memory_space<vmem>>
        %dma_start3A_319 = arith.constant 0 : i32
        %dma_start3A_320 = arith.constant 0 : i32
        %dma_start3A_321 = tpu.memref_slice %arg3[%dma_start3A_319, %dma_start3A_320] : memref<100002x128xf32, #tpu.memory_space<hbm>> -> memref<100002x128xf32, #tpu.memory_space<hbm>>
        tpu.enqueue_indirect_dma source(%dma_start3A_321 : memref<100002x128xf32, #tpu.memory_space<hbm>>) target(%dma_start3A_317 : memref<128x128xf32, #tpu.memory_space<vmem>>) offsets(%dma_start3A_318 : memref<128xi32, #tpu.memory_space<vmem>>) semaphore(%arg11 : memref<!tpu.dma_semaphore, #tpu.memory_space<semaphore_mem>>)
      } else {
      }
      %parallel_loop3A_244 = arith.constant 0 : i32
      %parallel_loop3A_245 = arith.constant 128 : i32
      %parallel_loop3A_246 = arith.constant 1 : i32
      %parallel_loop3A_247 = scf.for %parallel_loop3A_305 = %parallel_loop3A_244 to %parallel_loop3A_245 step %parallel_loop3A_246 iter_args(%parallel_loop3A_306 = %parallel_loop3A_206) -> (i32)  : i32 {
        %parallel_loop3A_307 = arith.constant 3 : i32
        %parallel_loop3A_308 = arith.index_cast %parallel_loop3A_307 : i32 to index
        %parallel_loop3A_309 = arith.index_cast %parallel_loop3A_305 : i32 to index
        %parallel_loop3A_310 = arith.constant 0 : index
        %parallel_loop3A_311 = tpu.vector_load %arg9[%parallel_loop3A_308, %parallel_loop3A_309, %parallel_loop3A_310] {strides = array<i32>} : memref<5x128x128xf32, #tpu.memory_space<vmem>>, vector<16xf32>,
        %parallel_loop3A_312 = arith.index_cast %parallel_loop3A_306 : i32 to index
        %parallel_loop3A_313 = arith.constant 0 : index
        %parallel_loop3A_314 = tpu.vector_load %arg10[%parallel_loop3A_312, %parallel_loop3A_313] {strides = array<i32>} : memref<201x128xf32, #tpu.memory_space<vmem>>, vector<16xf32>,
        %parallel_loop3A_315 = arith.addf %parallel_loop3A_311, %parallel_loop3A_314 : vector<16xf32>
        %parallel_loop3A_316 = arith.constant 3 : i32
        %parallel_loop3A_317 = arith.index_cast %parallel_loop3A_316 : i32 to index
        %parallel_loop3A_318 = arith.index_cast %parallel_loop3A_305 : i32 to index
        %parallel_loop3A_319 = arith.constant 16 : index
        %parallel_loop3A_320 = tpu.vector_load %arg9[%parallel_loop3A_317, %parallel_loop3A_318, %parallel_loop3A_319] {strides = array<i32>} : memref<5x128x128xf32, #tpu.memory_space<vmem>>, vector<16xf32>,
        %parallel_loop3A_321 = arith.index_cast %parallel_loop3A_306 : i32 to index
        %parallel_loop3A_322 = arith.constant 16 : index
        %parallel_loop3A_323 = tpu.vector_load %arg10[%parallel_loop3A_321, %parallel_loop3A_322] {strides = array<i32>} : memref<201x128xf32, #tpu.memory_space<vmem>>, vector<16xf32>,
        %parallel_loop3A_324 = arith.addf %parallel_loop3A_320, %parallel_loop3A_323 : vector<16xf32>
        %parallel_loop3A_325 = arith.constant 3 : i32
        %parallel_loop3A_326 = arith.index_cast %parallel_loop3A_325 : i32 to index
        %parallel_loop3A_327 = arith.index_cast %parallel_loop3A_305 : i32 to index
        %parallel_loop3A_328 = arith.constant 32 : index
        %parallel_loop3A_329 = tpu.vector_load %arg9[%parallel_loop3A_326, %parallel_loop3A_327, %parallel_loop3A_328] {strides = array<i32>} : memref<5x128x128xf32, #tpu.memory_space<vmem>>, vector<16xf32>,
        %parallel_loop3A_330 = arith.index_cast %parallel_loop3A_306 : i32 to index
        %parallel_loop3A_331 = arith.constant 32 : index
        %parallel_loop3A_332 = tpu.vector_load %arg10[%parallel_loop3A_330, %parallel_loop3A_331] {strides = array<i32>} : memref<201x128xf32, #tpu.memory_space<vmem>>, vector<16xf32>,
        %parallel_loop3A_333 = arith.addf %parallel_loop3A_329, %parallel_loop3A_332 : vector<16xf32>
        %parallel_loop3A_334 = arith.constant 3 : i32
        %parallel_loop3A_335 = arith.index_cast %parallel_loop3A_334 : i32 to index
        %parallel_loop3A_336 = arith.index_cast %parallel_loop3A_305 : i32 to index
        %parallel_loop3A_337 = arith.constant 48 : index
        %parallel_loop3A_338 = tpu.vector_load %arg9[%parallel_loop3A_335, %parallel_loop3A_336, %parallel_loop3A_337] {strides = array<i32>} : memref<5x128x128xf32, #tpu.memory_space<vmem>>, vector<16xf32>,
        %parallel_loop3A_339 = arith.index_cast %parallel_loop3A_306 : i32 to index
        %parallel_loop3A_340 = arith.constant 48 : index
        %parallel_loop3A_341 = tpu.vector_load %arg10[%parallel_loop3A_339, %parallel_loop3A_340] {strides = array<i32>} : memref<201x128xf32, #tpu.memory_space<vmem>>, vector<16xf32>,
        %parallel_loop3A_342 = arith.addf %parallel_loop3A_338, %parallel_loop3A_341 : vector<16xf32>
        %parallel_loop3A_343 = arith.constant 3 : i32
        %parallel_loop3A_344 = arith.index_cast %parallel_loop3A_343 : i32 to index
        %parallel_loop3A_345 = arith.index_cast %parallel_loop3A_305 : i32 to index
        %parallel_loop3A_346 = arith.constant 64 : index
        %parallel_loop3A_347 = tpu.vector_load %arg9[%parallel_loop3A_344, %parallel_loop3A_345, %parallel_loop3A_346] {strides = array<i32>} : memref<5x128x128xf32, #tpu.memory_space<vmem>>, vector<16xf32>,
        %parallel_loop3A_348 = arith.index_cast %parallel_loop3A_306 : i32 to index
        %parallel_loop3A_349 = arith.constant 64 : index
        %parallel_loop3A_350 = tpu.vector_load %arg10[%parallel_loop3A_348, %parallel_loop3A_349] {strides = array<i32>} : memref<201x128xf32, #tpu.memory_space<vmem>>, vector<16xf32>,
        %parallel_loop3A_351 = arith.addf %parallel_loop3A_347, %parallel_loop3A_350 : vector<16xf32>
        %parallel_loop3A_352 = arith.constant 3 : i32
        %parallel_loop3A_353 = arith.index_cast %parallel_loop3A_352 : i32 to index
        %parallel_loop3A_354 = arith.index_cast %parallel_loop3A_305 : i32 to index
        %parallel_loop3A_355 = arith.constant 80 : index
        %parallel_loop3A_356 = tpu.vector_load %arg9[%parallel_loop3A_353, %parallel_loop3A_354, %parallel_loop3A_355] {strides = array<i32>} : memref<5x128x128xf32, #tpu.memory_space<vmem>>, vector<16xf32>,
        %parallel_loop3A_357 = arith.index_cast %parallel_loop3A_306 : i32 to index
        %parallel_loop3A_358 = arith.constant 80 : index
        %parallel_loop3A_359 = tpu.vector_load %arg10[%parallel_loop3A_357, %parallel_loop3A_358] {strides = array<i32>} : memref<201x128xf32, #tpu.memory_space<vmem>>, vector<16xf32>,
        %parallel_loop3A_360 = arith.addf %parallel_loop3A_356, %parallel_loop3A_359 : vector<16xf32>
        %parallel_loop3A_361 = arith.constant 3 : i32
        %parallel_loop3A_362 = arith.index_cast %parallel_loop3A_361 : i32 to index
        %parallel_loop3A_363 = arith.index_cast %parallel_loop3A_305 : i32 to index
        %parallel_loop3A_364 = arith.constant 96 : index
        %parallel_loop3A_365 = tpu.vector_load %arg9[%parallel_loop3A_362, %parallel_loop3A_363, %parallel_loop3A_364] {strides = array<i32>} : memref<5x128x128xf32, #tpu.memory_space<vmem>>, vector<16xf32>,
        %parallel_loop3A_366 = arith.index_cast %parallel_loop3A_306 : i32 to index
        %parallel_loop3A_367 = arith.constant 96 : index
        %parallel_loop3A_368 = tpu.vector_load %arg10[%parallel_loop3A_366, %parallel_loop3A_367] {strides = array<i32>} : memref<201x128xf32, #tpu.memory_space<vmem>>, vector<16xf32>,
        %parallel_loop3A_369 = arith.addf %parallel_loop3A_365, %parallel_loop3A_368 : vector<16xf32>
        %parallel_loop3A_370 = arith.constant 3 : i32
        %parallel_loop3A_371 = arith.index_cast %parallel_loop3A_370 : i32 to index
        %parallel_loop3A_372 = arith.index_cast %parallel_loop3A_305 : i32 to index
        %parallel_loop3A_373 = arith.constant 112 : index
        %parallel_loop3A_374 = tpu.vector_load %arg9[%parallel_loop3A_371, %parallel_loop3A_372, %parallel_loop3A_373] {strides = array<i32>} : memref<5x128x128xf32, #tpu.memory_space<vmem>>, vector<16xf32>,
        %parallel_loop3A_375 = arith.index_cast %parallel_loop3A_306 : i32 to index
        %parallel_loop3A_376 = arith.constant 112 : index
        %parallel_loop3A_377 = tpu.vector_load %arg10[%parallel_loop3A_375, %parallel_loop3A_376] {strides = array<i32>} : memref<201x128xf32, #tpu.memory_space<vmem>>, vector<16xf32>,
        %parallel_loop3A_378 = arith.addf %parallel_loop3A_374, %parallel_loop3A_377 : vector<16xf32>
        %parallel_loop3A_379 = arith.addf %parallel_loop3A_315, %parallel_loop3A_324 : vector<16xf32>
        %parallel_loop3A_380 = arith.addf %parallel_loop3A_333, %parallel_loop3A_342 : vector<16xf32>
        %parallel_loop3A_381 = arith.addf %parallel_loop3A_351, %parallel_loop3A_360 : vector<16xf32>
        %parallel_loop3A_382 = arith.addf %parallel_loop3A_369, %parallel_loop3A_378 : vector<16xf32>
        %parallel_loop3A_383 = arith.addf %parallel_loop3A_379, %parallel_loop3A_380 : vector<16xf32>
        %parallel_loop3A_384 = arith.addf %parallel_loop3A_381, %parallel_loop3A_382 : vector<16xf32>
        %parallel_loop3A_385 = arith.addf %parallel_loop3A_383, %parallel_loop3A_384 : vector<16xf32>
        %parallel_loop3A_386 = arith.mulf %parallel_loop3A_315, %parallel_loop3A_315 : vector<16xf32>
        %parallel_loop3A_387 = arith.mulf %parallel_loop3A_324, %parallel_loop3A_324 : vector<16xf32>
        %parallel_loop3A_388 = arith.mulf %parallel_loop3A_333, %parallel_loop3A_333 : vector<16xf32>
        %parallel_loop3A_389 = arith.mulf %parallel_loop3A_342, %parallel_loop3A_342 : vector<16xf32>
        %parallel_loop3A_390 = arith.mulf %parallel_loop3A_351, %parallel_loop3A_351 : vector<16xf32>
        %parallel_loop3A_391 = arith.mulf %parallel_loop3A_360, %parallel_loop3A_360 : vector<16xf32>
        %parallel_loop3A_392 = arith.mulf %parallel_loop3A_369, %parallel_loop3A_369 : vector<16xf32>
        %parallel_loop3A_393 = arith.mulf %parallel_loop3A_378, %parallel_loop3A_378 : vector<16xf32>
        %parallel_loop3A_394 = arith.addf %parallel_loop3A_386, %parallel_loop3A_387 : vector<16xf32>
        %parallel_loop3A_395 = arith.addf %parallel_loop3A_388, %parallel_loop3A_389 : vector<16xf32>
        %parallel_loop3A_396 = arith.addf %parallel_loop3A_390, %parallel_loop3A_391 : vector<16xf32>
        %parallel_loop3A_397 = arith.addf %parallel_loop3A_392, %parallel_loop3A_393 : vector<16xf32>
        %parallel_loop3A_398 = arith.addf %parallel_loop3A_394, %parallel_loop3A_395 : vector<16xf32>
        %parallel_loop3A_399 = arith.addf %parallel_loop3A_396, %parallel_loop3A_397 : vector<16xf32>
        %parallel_loop3A_400 = arith.addf %parallel_loop3A_398, %parallel_loop3A_399 : vector<16xf32>
        %parallel_loop3A_401 = arith.constant true
        %parallel_loop3A_402 = vector.broadcast %parallel_loop3A_401 : i1 to vector<16xi1>
        %parallel_loop3A_403 = tpu.scan <sum>, %parallel_loop3A_385 masked %parallel_loop3A_402 : vector<16xf32>, vector<16xi1> -> vector<16xf32>
        %parallel_loop3A_404 = vector.extract %parallel_loop3A_403[15] : f32 from vector<16xf32>
        %parallel_loop3A_405 = vector.broadcast %parallel_loop3A_404 : f32 to vector<16xf32>
        %parallel_loop3A_406 = arith.constant true
        %parallel_loop3A_407 = vector.broadcast %parallel_loop3A_406 : i1 to vector<16xi1>
        %parallel_loop3A_408 = tpu.scan <sum>, %parallel_loop3A_400 masked %parallel_loop3A_407 : vector<16xf32>, vector<16xi1> -> vector<16xf32>
        %parallel_loop3A_409 = vector.extract %parallel_loop3A_408[15] : f32 from vector<16xf32>
        %parallel_loop3A_410 = vector.broadcast %parallel_loop3A_409 : f32 to vector<16xf32>
        %parallel_loop3A_411 = arith.constant 7.812500e-03 : f32
        %parallel_loop3A_412 = vector.broadcast %parallel_loop3A_411 : f32 to vector<16xf32>
        %parallel_loop3A_413 = arith.mulf %parallel_loop3A_405, %parallel_loop3A_412 : vector<16xf32>
        %parallel_loop3A_414 = arith.constant 7.812500e-03 : f32
        %parallel_loop3A_415 = vector.broadcast %parallel_loop3A_414 : f32 to vector<16xf32>
        %parallel_loop3A_416 = arith.mulf %parallel_loop3A_410, %parallel_loop3A_415 : vector<16xf32>
        %parallel_loop3A_417 = arith.mulf %parallel_loop3A_413, %parallel_loop3A_413 : vector<16xf32>
        %parallel_loop3A_418 = arith.subf %parallel_loop3A_416, %parallel_loop3A_417 : vector<16xf32>
        %parallel_loop3A_419 = arith.constant 9.99999974E-6 : f32
        %parallel_loop3A_420 = vector.broadcast %parallel_loop3A_419 : f32 to vector<16xf32>
        %parallel_loop3A_421 = arith.addf %parallel_loop3A_418, %parallel_loop3A_420 : vector<16xf32>
        %parallel_loop3A_422 = vector.bitcast %parallel_loop3A_421 : vector<16xf32> to vector<16xi32>
        %parallel_loop3A_423 = arith.constant 1 : i32
        %parallel_loop3A_424 = vector.broadcast %parallel_loop3A_423 : i32 to vector<16xi32>
        %parallel_loop3A_425 = arith.shrsi %parallel_loop3A_422, %parallel_loop3A_424 : vector<16xi32>
        %parallel_loop3A_426 = arith.constant 1597463007 : i32
        %parallel_loop3A_427 = vector.broadcast %parallel_loop3A_426 : i32 to vector<16xi32>
        %parallel_loop3A_428 = arith.subi %parallel_loop3A_427, %parallel_loop3A_425 : vector<16xi32>
        %parallel_loop3A_429 = vector.bitcast %parallel_loop3A_428 : vector<16xi32> to vector<16xf32>
        %parallel_loop3A_430 = arith.constant 5.000000e-01 : f32
        %parallel_loop3A_431 = vector.broadcast %parallel_loop3A_430 : f32 to vector<16xf32>
        %parallel_loop3A_432 = arith.mulf %parallel_loop3A_421, %parallel_loop3A_431 : vector<16xf32>
        %parallel_loop3A_433 = arith.mulf %parallel_loop3A_432, %parallel_loop3A_429 : vector<16xf32>
        %parallel_loop3A_434 = arith.mulf %parallel_loop3A_433, %parallel_loop3A_429 : vector<16xf32>
        %parallel_loop3A_435 = arith.constant 1.500000e+00 : f32
        %parallel_loop3A_436 = vector.broadcast %parallel_loop3A_435 : f32 to vector<16xf32>
        %parallel_loop3A_437 = arith.subf %parallel_loop3A_436, %parallel_loop3A_434 : vector<16xf32>
        %parallel_loop3A_438 = arith.mulf %parallel_loop3A_429, %parallel_loop3A_437 : vector<16xf32>
        %parallel_loop3A_439 = arith.mulf %parallel_loop3A_432, %parallel_loop3A_438 : vector<16xf32>
        %parallel_loop3A_440 = arith.mulf %parallel_loop3A_439, %parallel_loop3A_438 : vector<16xf32>
        %parallel_loop3A_441 = arith.constant 1.500000e+00 : f32
        %parallel_loop3A_442 = vector.broadcast %parallel_loop3A_441 : f32 to vector<16xf32>
        %parallel_loop3A_443 = arith.subf %parallel_loop3A_442, %parallel_loop3A_440 : vector<16xf32>
        %parallel_loop3A_444 = arith.mulf %parallel_loop3A_438, %parallel_loop3A_443 : vector<16xf32>
        %parallel_loop3A_445 = arith.subf %parallel_loop3A_315, %parallel_loop3A_413 : vector<16xf32>
        %parallel_loop3A_446 = arith.mulf %parallel_loop3A_445, %parallel_loop3A_444 : vector<16xf32>
        %parallel_loop3A_447 = arith.constant 3 : i32
        %parallel_loop3A_448 = arith.index_cast %parallel_loop3A_447 : i32 to index
        %parallel_loop3A_449 = arith.index_cast %parallel_loop3A_305 : i32 to index
        %parallel_loop3A_450 = arith.constant 0 : index
        %parallel_loop3A_451 = tpu.vector_load %arg9[%parallel_loop3A_448, %parallel_loop3A_449, %parallel_loop3A_450] {strides = array<i32>} : memref<5x128x128xf32, #tpu.memory_space<vmem>>, vector<16xf32>,
        tpu.vector_store %arg9[%parallel_loop3A_448, %parallel_loop3A_449, %parallel_loop3A_450], %parallel_loop3A_446 {strides = array<i32>} : memref<5x128x128xf32, #tpu.memory_space<vmem>>, vector<16xf32>,
        %parallel_loop3A_452 = arith.subf %parallel_loop3A_324, %parallel_loop3A_413 : vector<16xf32>
        %parallel_loop3A_453 = arith.mulf %parallel_loop3A_452, %parallel_loop3A_444 : vector<16xf32>
        %parallel_loop3A_454 = arith.constant 3 : i32
        %parallel_loop3A_455 = arith.index_cast %parallel_loop3A_454 : i32 to index
        %parallel_loop3A_456 = arith.index_cast %parallel_loop3A_305 : i32 to index
        %parallel_loop3A_457 = arith.constant 16 : index
        %parallel_loop3A_458 = tpu.vector_load %arg9[%parallel_loop3A_455, %parallel_loop3A_456, %parallel_loop3A_457] {strides = array<i32>} : memref<5x128x128xf32, #tpu.memory_space<vmem>>, vector<16xf32>,
        tpu.vector_store %arg9[%parallel_loop3A_455, %parallel_loop3A_456, %parallel_loop3A_457], %parallel_loop3A_453 {strides = array<i32>} : memref<5x128x128xf32, #tpu.memory_space<vmem>>, vector<16xf32>,
        %parallel_loop3A_459 = arith.subf %parallel_loop3A_333, %parallel_loop3A_413 : vector<16xf32>
        %parallel_loop3A_460 = arith.mulf %parallel_loop3A_459, %parallel_loop3A_444 : vector<16xf32>
        %parallel_loop3A_461 = arith.constant 3 : i32
        %parallel_loop3A_462 = arith.index_cast %parallel_loop3A_461 : i32 to index
        %parallel_loop3A_463 = arith.index_cast %parallel_loop3A_305 : i32 to index
        %parallel_loop3A_464 = arith.constant 32 : index
        %parallel_loop3A_465 = tpu.vector_load %arg9[%parallel_loop3A_462, %parallel_loop3A_463, %parallel_loop3A_464] {strides = array<i32>} : memref<5x128x128xf32, #tpu.memory_space<vmem>>, vector<16xf32>,
        tpu.vector_store %arg9[%parallel_loop3A_462, %parallel_loop3A_463, %parallel_loop3A_464], %parallel_loop3A_460 {strides = array<i32>} : memref<5x128x128xf32, #tpu.memory_space<vmem>>, vector<16xf32>,
        %parallel_loop3A_466 = arith.subf %parallel_loop3A_342, %parallel_loop3A_413 : vector<16xf32>
        %parallel_loop3A_467 = arith.mulf %parallel_loop3A_466, %parallel_loop3A_444 : vector<16xf32>
        %parallel_loop3A_468 = arith.constant 3 : i32
        %parallel_loop3A_469 = arith.index_cast %parallel_loop3A_468 : i32 to index
        %parallel_loop3A_470 = arith.index_cast %parallel_loop3A_305 : i32 to index
        %parallel_loop3A_471 = arith.constant 48 : index
        %parallel_loop3A_472 = tpu.vector_load %arg9[%parallel_loop3A_469, %parallel_loop3A_470, %parallel_loop3A_471] {strides = array<i32>} : memref<5x128x128xf32, #tpu.memory_space<vmem>>, vector<16xf32>,
        tpu.vector_store %arg9[%parallel_loop3A_469, %parallel_loop3A_470, %parallel_loop3A_471], %parallel_loop3A_467 {strides = array<i32>} : memref<5x128x128xf32, #tpu.memory_space<vmem>>, vector<16xf32>,
        %parallel_loop3A_473 = arith.subf %parallel_loop3A_351, %parallel_loop3A_413 : vector<16xf32>
        %parallel_loop3A_474 = arith.mulf %parallel_loop3A_473, %parallel_loop3A_444 : vector<16xf32>
        %parallel_loop3A_475 = arith.constant 3 : i32
        %parallel_loop3A_476 = arith.index_cast %parallel_loop3A_475 : i32 to index
        %parallel_loop3A_477 = arith.index_cast %parallel_loop3A_305 : i32 to index
        %parallel_loop3A_478 = arith.constant 64 : index
        %parallel_loop3A_479 = tpu.vector_load %arg9[%parallel_loop3A_476, %parallel_loop3A_477, %parallel_loop3A_478] {strides = array<i32>} : memref<5x128x128xf32, #tpu.memory_space<vmem>>, vector<16xf32>,
        tpu.vector_store %arg9[%parallel_loop3A_476, %parallel_loop3A_477, %parallel_loop3A_478], %parallel_loop3A_474 {strides = array<i32>} : memref<5x128x128xf32, #tpu.memory_space<vmem>>, vector<16xf32>,
        %parallel_loop3A_480 = arith.subf %parallel_loop3A_360, %parallel_loop3A_413 : vector<16xf32>
        %parallel_loop3A_481 = arith.mulf %parallel_loop3A_480, %parallel_loop3A_444 : vector<16xf32>
        %parallel_loop3A_482 = arith.constant 3 : i32
        %parallel_loop3A_483 = arith.index_cast %parallel_loop3A_482 : i32 to index
        %parallel_loop3A_484 = arith.index_cast %parallel_loop3A_305 : i32 to index
        %parallel_loop3A_485 = arith.constant 80 : index
        %parallel_loop3A_486 = tpu.vector_load %arg9[%parallel_loop3A_483, %parallel_loop3A_484, %parallel_loop3A_485] {strides = array<i32>} : memref<5x128x128xf32, #tpu.memory_space<vmem>>, vector<16xf32>,
        tpu.vector_store %arg9[%parallel_loop3A_483, %parallel_loop3A_484, %parallel_loop3A_485], %parallel_loop3A_481 {strides = array<i32>} : memref<5x128x128xf32, #tpu.memory_space<vmem>>, vector<16xf32>,
        %parallel_loop3A_487 = arith.subf %parallel_loop3A_369, %parallel_loop3A_413 : vector<16xf32>
        %parallel_loop3A_488 = arith.mulf %parallel_loop3A_487, %parallel_loop3A_444 : vector<16xf32>
        %parallel_loop3A_489 = arith.constant 3 : i32
        %parallel_loop3A_490 = arith.index_cast %parallel_loop3A_489 : i32 to index
        %parallel_loop3A_491 = arith.index_cast %parallel_loop3A_305 : i32 to index
        %parallel_loop3A_492 = arith.constant 96 : index
        %parallel_loop3A_493 = tpu.vector_load %arg9[%parallel_loop3A_490, %parallel_loop3A_491, %parallel_loop3A_492] {strides = array<i32>} : memref<5x128x128xf32, #tpu.memory_space<vmem>>, vector<16xf32>,
        tpu.vector_store %arg9[%parallel_loop3A_490, %parallel_loop3A_491, %parallel_loop3A_492], %parallel_loop3A_488 {strides = array<i32>} : memref<5x128x128xf32, #tpu.memory_space<vmem>>, vector<16xf32>,
        %parallel_loop3A_494 = arith.subf %parallel_loop3A_378, %parallel_loop3A_413 : vector<16xf32>
        %parallel_loop3A_495 = arith.mulf %parallel_loop3A_494, %parallel_loop3A_444 : vector<16xf32>
        %parallel_loop3A_496 = arith.constant 3 : i32
        %parallel_loop3A_497 = arith.index_cast %parallel_loop3A_496 : i32 to index
        %parallel_loop3A_498 = arith.index_cast %parallel_loop3A_305 : i32 to index
        %parallel_loop3A_499 = arith.constant 112 : index
        %parallel_loop3A_500 = tpu.vector_load %arg9[%parallel_loop3A_497, %parallel_loop3A_498, %parallel_loop3A_499] {strides = array<i32>} : memref<5x128x128xf32, #tpu.memory_space<vmem>>, vector<16xf32>,
        tpu.vector_store %arg9[%parallel_loop3A_497, %parallel_loop3A_498, %parallel_loop3A_499], %parallel_loop3A_495 {strides = array<i32>} : memref<5x128x128xf32, #tpu.memory_space<vmem>>, vector<16xf32>,
        %parallel_loop3A_501 = arith.constant 1 : i32
        %parallel_loop3A_502 = arith.addi %parallel_loop3A_306, %parallel_loop3A_501 : i32
        %parallel_loop3A_503 = arith.constant 200 : i32
        %parallel_loop3A_504 = arith.cmpi sgt, %parallel_loop3A_502, %parallel_loop3A_503 : i32
        %parallel_loop3A_505 = arith.constant 1 : i32
        %parallel_loop3A_506 = arith.select %parallel_loop3A_504, %parallel_loop3A_505, %parallel_loop3A_502 : i32
        scf.yield %parallel_loop3A_506 : i32
      } {sc.loop_unroll_factor = 2 : i64, sc.parallel_access}
      %mul3A_248 = arith.constant 128 : i32
      %mul3A_249 = arith.muli %add3A_226, %mul3A_248 : i32
      %add3A_250 = arith.addi %mul3A_2, %mul3A_249 : i32
      %dma_start3A_251 = arith.constant 3 : i32
      %dma_start3A_252 = arith.constant 0 : i32
      %dma_start3A_253 = arith.constant 0 : i32
      %dma_start3A_254 = tpu.memref_slice %arg9[%dma_start3A_251, %dma_start3A_252, %dma_start3A_253] : memref<5x128x128xf32, #tpu.memory_space<vmem>> -> memref<1x128x128xf32, #tpu.memory_space<vmem>>
      %dma_start3A_255 = tpu.memref_squeeze %dma_start3A_254 : memref<1x128x128xf32, #tpu.memory_space<vmem>> -> memref<128x128xf32, #tpu.memory_space<vmem>>
      %dma_start3A_256 = arith.constant 0 : i32
      %dma_start3A_257 = tpu.memref_slice %arg7[%add3A_250, %dma_start3A_256] : memref<204800x128xf32, #tpu.memory_space<hbm>> -> memref<128x128xf32, #tpu.memory_space<hbm>>
      %dma_start3A_258 = arith.constant 0 : i32
      %dma_start3A_259 = tpu.memref_slice %arg7[%add3A_250, %dma_start3A_258] : memref<204800x128xf32, #tpu.memory_space<hbm>> -> memref<128x128xf32, #tpu.memory_space<hbm>>
      %dma_start3A_260 = arith.constant 0 : i32
      %dma_start3A_261 = arith.constant 0 : i32
      %dma_start3A_262 = tpu.memref_slice %arg9[%dma_start3A_251, %dma_start3A_260, %dma_start3A_261] : memref<5x128x128xf32, #tpu.memory_space<vmem>> -> memref<1x128x128xf32, #tpu.memory_space<vmem>>
      %dma_start3A_263 = tpu.memref_squeeze %dma_start3A_262 : memref<1x128x128xf32, #tpu.memory_space<vmem>> -> memref<128x128xf32, #tpu.memory_space<vmem>>
      tpu.enqueue_dma source(%dma_start3A_263 : memref<128x128xf32, #tpu.memory_space<vmem>>) target(%dma_start3A_259 : memref<128x128xf32, #tpu.memory_space<hbm>>) target_semaphore(%arg19 : memref<!tpu.dma_semaphore, #tpu.memory_space<semaphore_mem>>)
      %mul3A_264 = arith.constant 5 : i32
      %mul3A_265 = arith.muli %mul3A_264, %scan3A_102 : i32
      %add3A_266 = arith.constant 4 : i32
      %add3A_267 = arith.addi %mul3A_265, %add3A_266 : i32
      %dma_wait3A_268 = arith.constant 4 : i32
      %dma_wait3A_269 = arith.constant 0 : i32
      %dma_wait3A_270 = arith.constant 0 : i32
      %dma_wait3A_271 = tpu.memref_slice %arg9[%dma_wait3A_268, %dma_wait3A_269, %dma_wait3A_270] : memref<5x128x128xf32, #tpu.memory_space<vmem>> -> memref<1x128x128xf32, #tpu.memory_space<vmem>>
      %dma_wait3A_272 = tpu.memref_squeeze %dma_wait3A_271 : memref<1x128x128xf32, #tpu.memory_space<vmem>> -> memref<128x128xf32, #tpu.memory_space<vmem>>
      %dma_wait3A_273 = arith.constant 0 : i32
      %dma_wait3A_274 = tpu.memref_slice %arg8[%dma_wait3A_273] : memref<6400xi32, #tpu.memory_space<vmem>> -> memref<128xi32, #tpu.memory_space<vmem>>
      %dma_wait3A_275 = arith.constant 0 : i32
      %dma_wait3A_276 = arith.constant 0 : i32
      %dma_wait3A_277 = tpu.memref_slice %arg3[%dma_wait3A_275, %dma_wait3A_276] : memref<100002x128xf32, #tpu.memory_space<hbm>> -> memref<100002x128xf32, #tpu.memory_space<hbm>>
      tpu.wait_indirect_dma semaphore(%arg15 : memref<!tpu.dma_semaphore, #tpu.memory_space<semaphore_mem>>) src(%dma_wait3A_277 : memref<100002x128xf32, #tpu.memory_space<hbm>>) dst(%dma_wait3A_272 : memref<128x128xf32, #tpu.memory_space<vmem>>)
      %add3A_278 = arith.constant 2 : i32
      %add3A_279 = arith.addi %add3A_267, %add3A_278 : i32
      %lt3A_280 = arith.constant 50 : i32
      %lt3A_281 = arith.cmpi slt, %add3A_279, %lt3A_280 : i32
      %convert_element_type3A_282 = arith.extui %lt3A_281 : i1 to i32
      %cond3A_283 = arith.constant 0 : i32
      %cond3A_284 = arith.cmpi ne, %convert_element_type3A_282, %cond3A_283 : i32
      scf.if %cond3A_284 {
        %ge3A = arith.constant 3 : i32
        %ge3A_305 = arith.cmpi sge, %add3A_267, %ge3A : i32
        %convert_element_type3A_306 = arith.extui %ge3A_305 : i1 to i32
        %cond3A_307 = arith.constant 0 : i32
        %cond3A_308 = arith.cmpi ne, %convert_element_type3A_306, %cond3A_307 : i32
        scf.if %cond3A_308 {
          %dma_wait3A_322 = arith.constant 1 : i32
          %dma_wait3A_323 = arith.constant 0 : i32
          %dma_wait3A_324 = arith.constant 0 : i32
          %dma_wait3A_325 = tpu.memref_slice %arg9[%dma_wait3A_322, %dma_wait3A_323, %dma_wait3A_324] : memref<5x128x128xf32, #tpu.memory_space<vmem>> -> memref<1x128x128xf32, #tpu.memory_space<vmem>>
          %dma_wait3A_326 = tpu.memref_squeeze %dma_wait3A_325 : memref<1x128x128xf32, #tpu.memory_space<vmem>> -> memref<128x128xf32, #tpu.memory_space<vmem>>
          %dma_wait3A_327 = arith.constant 0 : i32
          %dma_wait3A_328 = arith.constant 0 : i32
          %dma_wait3A_329 = tpu.memref_slice %arg7[%dma_wait3A_327, %dma_wait3A_328] : memref<204800x128xf32, #tpu.memory_space<hbm>> -> memref<128x128xf32, #tpu.memory_space<hbm>>
          %dma_wait3A_330 = arith.constant 0 : i32
          %dma_wait3A_331 = arith.constant 0 : i32
          %dma_wait3A_332 = tpu.memref_slice %arg7[%dma_wait3A_330, %dma_wait3A_331] : memref<204800x128xf32, #tpu.memory_space<hbm>> -> memref<128x128xf32, #tpu.memory_space<hbm>>
          %dma_wait3A_333 = arith.constant 0 : i32
          %dma_wait3A_334 = arith.constant 0 : i32
          %dma_wait3A_335 = tpu.memref_slice %arg9[%dma_wait3A_322, %dma_wait3A_333, %dma_wait3A_334] : memref<5x128x128xf32, #tpu.memory_space<vmem>> -> memref<1x128x128xf32, #tpu.memory_space<vmem>>
          %dma_wait3A_336 = tpu.memref_squeeze %dma_wait3A_335 : memref<1x128x128xf32, #tpu.memory_space<vmem>> -> memref<128x128xf32, #tpu.memory_space<vmem>>
          tpu.wait_dma2 semaphore(%arg17 : memref<!tpu.dma_semaphore, #tpu.memory_space<semaphore_mem>>) src(%dma_wait3A_336 : memref<128x128xf32, #tpu.memory_space<vmem>>) dst(%dma_wait3A_332 : memref<128x128xf32, #tpu.memory_space<hbm>>)
        } else {
        }
        %add3A_309 = arith.constant 2 : i32
        %add3A_310 = arith.addi %add3A_267, %add3A_309 : i32
        %mul3A_311 = arith.constant 128 : i32
        %mul3A_312 = arith.muli %add3A_310, %mul3A_311 : i32
        %dma_start3A_313 = arith.constant 1 : i32
        %dma_start3A_314 = arith.constant 0 : i32
        %dma_start3A_315 = arith.constant 0 : i32
        %dma_start3A_316 = tpu.memref_slice %arg9[%dma_start3A_313, %dma_start3A_314, %dma_start3A_315] : memref<5x128x128xf32, #tpu.memory_space<vmem>> -> memref<1x128x128xf32, #tpu.memory_space<vmem>>
        %dma_start3A_317 = tpu.memref_squeeze %dma_start3A_316 : memref<1x128x128xf32, #tpu.memory_space<vmem>> -> memref<128x128xf32, #tpu.memory_space<vmem>>
        %dma_start3A_318 = tpu.memref_slice %arg8[%mul3A_312] : memref<6400xi32, #tpu.memory_space<vmem>> -> memref<128xi32, #tpu.memory_space<vmem>>
        %dma_start3A_319 = arith.constant 0 : i32
        %dma_start3A_320 = arith.constant 0 : i32
        %dma_start3A_321 = tpu.memref_slice %arg3[%dma_start3A_319, %dma_start3A_320] : memref<100002x128xf32, #tpu.memory_space<hbm>> -> memref<100002x128xf32, #tpu.memory_space<hbm>>
        tpu.enqueue_indirect_dma source(%dma_start3A_321 : memref<100002x128xf32, #tpu.memory_space<hbm>>) target(%dma_start3A_317 : memref<128x128xf32, #tpu.memory_space<vmem>>) offsets(%dma_start3A_318 : memref<128xi32, #tpu.memory_space<vmem>>) semaphore(%arg12 : memref<!tpu.dma_semaphore, #tpu.memory_space<semaphore_mem>>)
      } else {
      }
      %parallel_loop3A_285 = arith.constant 0 : i32
      %parallel_loop3A_286 = arith.constant 128 : i32
      %parallel_loop3A_287 = arith.constant 1 : i32
      %parallel_loop3A_288 = scf.for %parallel_loop3A_305 = %parallel_loop3A_285 to %parallel_loop3A_286 step %parallel_loop3A_287 iter_args(%parallel_loop3A_306 = %parallel_loop3A_247) -> (i32)  : i32 {
        %parallel_loop3A_307 = arith.constant 4 : i32
        %parallel_loop3A_308 = arith.index_cast %parallel_loop3A_307 : i32 to index
        %parallel_loop3A_309 = arith.index_cast %parallel_loop3A_305 : i32 to index
        %parallel_loop3A_310 = arith.constant 0 : index
        %parallel_loop3A_311 = tpu.vector_load %arg9[%parallel_loop3A_308, %parallel_loop3A_309, %parallel_loop3A_310] {strides = array<i32>} : memref<5x128x128xf32, #tpu.memory_space<vmem>>, vector<16xf32>,
        %parallel_loop3A_312 = arith.index_cast %parallel_loop3A_306 : i32 to index
        %parallel_loop3A_313 = arith.constant 0 : index
        %parallel_loop3A_314 = tpu.vector_load %arg10[%parallel_loop3A_312, %parallel_loop3A_313] {strides = array<i32>} : memref<201x128xf32, #tpu.memory_space<vmem>>, vector<16xf32>,
        %parallel_loop3A_315 = arith.addf %parallel_loop3A_311, %parallel_loop3A_314 : vector<16xf32>
        %parallel_loop3A_316 = arith.constant 4 : i32
        %parallel_loop3A_317 = arith.index_cast %parallel_loop3A_316 : i32 to index
        %parallel_loop3A_318 = arith.index_cast %parallel_loop3A_305 : i32 to index
        %parallel_loop3A_319 = arith.constant 16 : index
        %parallel_loop3A_320 = tpu.vector_load %arg9[%parallel_loop3A_317, %parallel_loop3A_318, %parallel_loop3A_319] {strides = array<i32>} : memref<5x128x128xf32, #tpu.memory_space<vmem>>, vector<16xf32>,
        %parallel_loop3A_321 = arith.index_cast %parallel_loop3A_306 : i32 to index
        %parallel_loop3A_322 = arith.constant 16 : index
        %parallel_loop3A_323 = tpu.vector_load %arg10[%parallel_loop3A_321, %parallel_loop3A_322] {strides = array<i32>} : memref<201x128xf32, #tpu.memory_space<vmem>>, vector<16xf32>,
        %parallel_loop3A_324 = arith.addf %parallel_loop3A_320, %parallel_loop3A_323 : vector<16xf32>
        %parallel_loop3A_325 = arith.constant 4 : i32
        %parallel_loop3A_326 = arith.index_cast %parallel_loop3A_325 : i32 to index
        %parallel_loop3A_327 = arith.index_cast %parallel_loop3A_305 : i32 to index
        %parallel_loop3A_328 = arith.constant 32 : index
        %parallel_loop3A_329 = tpu.vector_load %arg9[%parallel_loop3A_326, %parallel_loop3A_327, %parallel_loop3A_328] {strides = array<i32>} : memref<5x128x128xf32, #tpu.memory_space<vmem>>, vector<16xf32>,
        %parallel_loop3A_330 = arith.index_cast %parallel_loop3A_306 : i32 to index
        %parallel_loop3A_331 = arith.constant 32 : index
        %parallel_loop3A_332 = tpu.vector_load %arg10[%parallel_loop3A_330, %parallel_loop3A_331] {strides = array<i32>} : memref<201x128xf32, #tpu.memory_space<vmem>>, vector<16xf32>,
        %parallel_loop3A_333 = arith.addf %parallel_loop3A_329, %parallel_loop3A_332 : vector<16xf32>
        %parallel_loop3A_334 = arith.constant 4 : i32
        %parallel_loop3A_335 = arith.index_cast %parallel_loop3A_334 : i32 to index
        %parallel_loop3A_336 = arith.index_cast %parallel_loop3A_305 : i32 to index
        %parallel_loop3A_337 = arith.constant 48 : index
        %parallel_loop3A_338 = tpu.vector_load %arg9[%parallel_loop3A_335, %parallel_loop3A_336, %parallel_loop3A_337] {strides = array<i32>} : memref<5x128x128xf32, #tpu.memory_space<vmem>>, vector<16xf32>,
        %parallel_loop3A_339 = arith.index_cast %parallel_loop3A_306 : i32 to index
        %parallel_loop3A_340 = arith.constant 48 : index
        %parallel_loop3A_341 = tpu.vector_load %arg10[%parallel_loop3A_339, %parallel_loop3A_340] {strides = array<i32>} : memref<201x128xf32, #tpu.memory_space<vmem>>, vector<16xf32>,
        %parallel_loop3A_342 = arith.addf %parallel_loop3A_338, %parallel_loop3A_341 : vector<16xf32>
        %parallel_loop3A_343 = arith.constant 4 : i32
        %parallel_loop3A_344 = arith.index_cast %parallel_loop3A_343 : i32 to index
        %parallel_loop3A_345 = arith.index_cast %parallel_loop3A_305 : i32 to index
        %parallel_loop3A_346 = arith.constant 64 : index
        %parallel_loop3A_347 = tpu.vector_load %arg9[%parallel_loop3A_344, %parallel_loop3A_345, %parallel_loop3A_346] {strides = array<i32>} : memref<5x128x128xf32, #tpu.memory_space<vmem>>, vector<16xf32>,
        %parallel_loop3A_348 = arith.index_cast %parallel_loop3A_306 : i32 to index
        %parallel_loop3A_349 = arith.constant 64 : index
        %parallel_loop3A_350 = tpu.vector_load %arg10[%parallel_loop3A_348, %parallel_loop3A_349] {strides = array<i32>} : memref<201x128xf32, #tpu.memory_space<vmem>>, vector<16xf32>,
        %parallel_loop3A_351 = arith.addf %parallel_loop3A_347, %parallel_loop3A_350 : vector<16xf32>
        %parallel_loop3A_352 = arith.constant 4 : i32
        %parallel_loop3A_353 = arith.index_cast %parallel_loop3A_352 : i32 to index
        %parallel_loop3A_354 = arith.index_cast %parallel_loop3A_305 : i32 to index
        %parallel_loop3A_355 = arith.constant 80 : index
        %parallel_loop3A_356 = tpu.vector_load %arg9[%parallel_loop3A_353, %parallel_loop3A_354, %parallel_loop3A_355] {strides = array<i32>} : memref<5x128x128xf32, #tpu.memory_space<vmem>>, vector<16xf32>,
        %parallel_loop3A_357 = arith.index_cast %parallel_loop3A_306 : i32 to index
        %parallel_loop3A_358 = arith.constant 80 : index
        %parallel_loop3A_359 = tpu.vector_load %arg10[%parallel_loop3A_357, %parallel_loop3A_358] {strides = array<i32>} : memref<201x128xf32, #tpu.memory_space<vmem>>, vector<16xf32>,
        %parallel_loop3A_360 = arith.addf %parallel_loop3A_356, %parallel_loop3A_359 : vector<16xf32>
        %parallel_loop3A_361 = arith.constant 4 : i32
        %parallel_loop3A_362 = arith.index_cast %parallel_loop3A_361 : i32 to index
        %parallel_loop3A_363 = arith.index_cast %parallel_loop3A_305 : i32 to index
        %parallel_loop3A_364 = arith.constant 96 : index
        %parallel_loop3A_365 = tpu.vector_load %arg9[%parallel_loop3A_362, %parallel_loop3A_363, %parallel_loop3A_364] {strides = array<i32>} : memref<5x128x128xf32, #tpu.memory_space<vmem>>, vector<16xf32>,
        %parallel_loop3A_366 = arith.index_cast %parallel_loop3A_306 : i32 to index
        %parallel_loop3A_367 = arith.constant 96 : index
        %parallel_loop3A_368 = tpu.vector_load %arg10[%parallel_loop3A_366, %parallel_loop3A_367] {strides = array<i32>} : memref<201x128xf32, #tpu.memory_space<vmem>>, vector<16xf32>,
        %parallel_loop3A_369 = arith.addf %parallel_loop3A_365, %parallel_loop3A_368 : vector<16xf32>
        %parallel_loop3A_370 = arith.constant 4 : i32
        %parallel_loop3A_371 = arith.index_cast %parallel_loop3A_370 : i32 to index
        %parallel_loop3A_372 = arith.index_cast %parallel_loop3A_305 : i32 to index
        %parallel_loop3A_373 = arith.constant 112 : index
        %parallel_loop3A_374 = tpu.vector_load %arg9[%parallel_loop3A_371, %parallel_loop3A_372, %parallel_loop3A_373] {strides = array<i32>} : memref<5x128x128xf32, #tpu.memory_space<vmem>>, vector<16xf32>,
        %parallel_loop3A_375 = arith.index_cast %parallel_loop3A_306 : i32 to index
        %parallel_loop3A_376 = arith.constant 112 : index
        %parallel_loop3A_377 = tpu.vector_load %arg10[%parallel_loop3A_375, %parallel_loop3A_376] {strides = array<i32>} : memref<201x128xf32, #tpu.memory_space<vmem>>, vector<16xf32>,
        %parallel_loop3A_378 = arith.addf %parallel_loop3A_374, %parallel_loop3A_377 : vector<16xf32>
        %parallel_loop3A_379 = arith.addf %parallel_loop3A_315, %parallel_loop3A_324 : vector<16xf32>
        %parallel_loop3A_380 = arith.addf %parallel_loop3A_333, %parallel_loop3A_342 : vector<16xf32>
        %parallel_loop3A_381 = arith.addf %parallel_loop3A_351, %parallel_loop3A_360 : vector<16xf32>
        %parallel_loop3A_382 = arith.addf %parallel_loop3A_369, %parallel_loop3A_378 : vector<16xf32>
        %parallel_loop3A_383 = arith.addf %parallel_loop3A_379, %parallel_loop3A_380 : vector<16xf32>
        %parallel_loop3A_384 = arith.addf %parallel_loop3A_381, %parallel_loop3A_382 : vector<16xf32>
        %parallel_loop3A_385 = arith.addf %parallel_loop3A_383, %parallel_loop3A_384 : vector<16xf32>
        %parallel_loop3A_386 = arith.mulf %parallel_loop3A_315, %parallel_loop3A_315 : vector<16xf32>
        %parallel_loop3A_387 = arith.mulf %parallel_loop3A_324, %parallel_loop3A_324 : vector<16xf32>
        %parallel_loop3A_388 = arith.mulf %parallel_loop3A_333, %parallel_loop3A_333 : vector<16xf32>
        %parallel_loop3A_389 = arith.mulf %parallel_loop3A_342, %parallel_loop3A_342 : vector<16xf32>
        %parallel_loop3A_390 = arith.mulf %parallel_loop3A_351, %parallel_loop3A_351 : vector<16xf32>
        %parallel_loop3A_391 = arith.mulf %parallel_loop3A_360, %parallel_loop3A_360 : vector<16xf32>
        %parallel_loop3A_392 = arith.mulf %parallel_loop3A_369, %parallel_loop3A_369 : vector<16xf32>
        %parallel_loop3A_393 = arith.mulf %parallel_loop3A_378, %parallel_loop3A_378 : vector<16xf32>
        %parallel_loop3A_394 = arith.addf %parallel_loop3A_386, %parallel_loop3A_387 : vector<16xf32>
        %parallel_loop3A_395 = arith.addf %parallel_loop3A_388, %parallel_loop3A_389 : vector<16xf32>
        %parallel_loop3A_396 = arith.addf %parallel_loop3A_390, %parallel_loop3A_391 : vector<16xf32>
        %parallel_loop3A_397 = arith.addf %parallel_loop3A_392, %parallel_loop3A_393 : vector<16xf32>
        %parallel_loop3A_398 = arith.addf %parallel_loop3A_394, %parallel_loop3A_395 : vector<16xf32>
        %parallel_loop3A_399 = arith.addf %parallel_loop3A_396, %parallel_loop3A_397 : vector<16xf32>
        %parallel_loop3A_400 = arith.addf %parallel_loop3A_398, %parallel_loop3A_399 : vector<16xf32>
        %parallel_loop3A_401 = arith.constant true
        %parallel_loop3A_402 = vector.broadcast %parallel_loop3A_401 : i1 to vector<16xi1>
        %parallel_loop3A_403 = tpu.scan <sum>, %parallel_loop3A_385 masked %parallel_loop3A_402 : vector<16xf32>, vector<16xi1> -> vector<16xf32>
        %parallel_loop3A_404 = vector.extract %parallel_loop3A_403[15] : f32 from vector<16xf32>
        %parallel_loop3A_405 = vector.broadcast %parallel_loop3A_404 : f32 to vector<16xf32>
        %parallel_loop3A_406 = arith.constant true
        %parallel_loop3A_407 = vector.broadcast %parallel_loop3A_406 : i1 to vector<16xi1>
        %parallel_loop3A_408 = tpu.scan <sum>, %parallel_loop3A_400 masked %parallel_loop3A_407 : vector<16xf32>, vector<16xi1> -> vector<16xf32>
        %parallel_loop3A_409 = vector.extract %parallel_loop3A_408[15] : f32 from vector<16xf32>
        %parallel_loop3A_410 = vector.broadcast %parallel_loop3A_409 : f32 to vector<16xf32>
        %parallel_loop3A_411 = arith.constant 7.812500e-03 : f32
        %parallel_loop3A_412 = vector.broadcast %parallel_loop3A_411 : f32 to vector<16xf32>
        %parallel_loop3A_413 = arith.mulf %parallel_loop3A_405, %parallel_loop3A_412 : vector<16xf32>
        %parallel_loop3A_414 = arith.constant 7.812500e-03 : f32
        %parallel_loop3A_415 = vector.broadcast %parallel_loop3A_414 : f32 to vector<16xf32>
        %parallel_loop3A_416 = arith.mulf %parallel_loop3A_410, %parallel_loop3A_415 : vector<16xf32>
        %parallel_loop3A_417 = arith.mulf %parallel_loop3A_413, %parallel_loop3A_413 : vector<16xf32>
        %parallel_loop3A_418 = arith.subf %parallel_loop3A_416, %parallel_loop3A_417 : vector<16xf32>
        %parallel_loop3A_419 = arith.constant 9.99999974E-6 : f32
        %parallel_loop3A_420 = vector.broadcast %parallel_loop3A_419 : f32 to vector<16xf32>
        %parallel_loop3A_421 = arith.addf %parallel_loop3A_418, %parallel_loop3A_420 : vector<16xf32>
        %parallel_loop3A_422 = vector.bitcast %parallel_loop3A_421 : vector<16xf32> to vector<16xi32>
        %parallel_loop3A_423 = arith.constant 1 : i32
        %parallel_loop3A_424 = vector.broadcast %parallel_loop3A_423 : i32 to vector<16xi32>
        %parallel_loop3A_425 = arith.shrsi %parallel_loop3A_422, %parallel_loop3A_424 : vector<16xi32>
        %parallel_loop3A_426 = arith.constant 1597463007 : i32
        %parallel_loop3A_427 = vector.broadcast %parallel_loop3A_426 : i32 to vector<16xi32>
        %parallel_loop3A_428 = arith.subi %parallel_loop3A_427, %parallel_loop3A_425 : vector<16xi32>
        %parallel_loop3A_429 = vector.bitcast %parallel_loop3A_428 : vector<16xi32> to vector<16xf32>
        %parallel_loop3A_430 = arith.constant 5.000000e-01 : f32
        %parallel_loop3A_431 = vector.broadcast %parallel_loop3A_430 : f32 to vector<16xf32>
        %parallel_loop3A_432 = arith.mulf %parallel_loop3A_421, %parallel_loop3A_431 : vector<16xf32>
        %parallel_loop3A_433 = arith.mulf %parallel_loop3A_432, %parallel_loop3A_429 : vector<16xf32>
        %parallel_loop3A_434 = arith.mulf %parallel_loop3A_433, %parallel_loop3A_429 : vector<16xf32>
        %parallel_loop3A_435 = arith.constant 1.500000e+00 : f32
        %parallel_loop3A_436 = vector.broadcast %parallel_loop3A_435 : f32 to vector<16xf32>
        %parallel_loop3A_437 = arith.subf %parallel_loop3A_436, %parallel_loop3A_434 : vector<16xf32>
        %parallel_loop3A_438 = arith.mulf %parallel_loop3A_429, %parallel_loop3A_437 : vector<16xf32>
        %parallel_loop3A_439 = arith.mulf %parallel_loop3A_432, %parallel_loop3A_438 : vector<16xf32>
        %parallel_loop3A_440 = arith.mulf %parallel_loop3A_439, %parallel_loop3A_438 : vector<16xf32>
        %parallel_loop3A_441 = arith.constant 1.500000e+00 : f32
        %parallel_loop3A_442 = vector.broadcast %parallel_loop3A_441 : f32 to vector<16xf32>
        %parallel_loop3A_443 = arith.subf %parallel_loop3A_442, %parallel_loop3A_440 : vector<16xf32>
        %parallel_loop3A_444 = arith.mulf %parallel_loop3A_438, %parallel_loop3A_443 : vector<16xf32>
        %parallel_loop3A_445 = arith.subf %parallel_loop3A_315, %parallel_loop3A_413 : vector<16xf32>
        %parallel_loop3A_446 = arith.mulf %parallel_loop3A_445, %parallel_loop3A_444 : vector<16xf32>
        %parallel_loop3A_447 = arith.constant 4 : i32
        %parallel_loop3A_448 = arith.index_cast %parallel_loop3A_447 : i32 to index
        %parallel_loop3A_449 = arith.index_cast %parallel_loop3A_305 : i32 to index
        %parallel_loop3A_450 = arith.constant 0 : index
        %parallel_loop3A_451 = tpu.vector_load %arg9[%parallel_loop3A_448, %parallel_loop3A_449, %parallel_loop3A_450] {strides = array<i32>} : memref<5x128x128xf32, #tpu.memory_space<vmem>>, vector<16xf32>,
        tpu.vector_store %arg9[%parallel_loop3A_448, %parallel_loop3A_449, %parallel_loop3A_450], %parallel_loop3A_446 {strides = array<i32>} : memref<5x128x128xf32, #tpu.memory_space<vmem>>, vector<16xf32>,
        %parallel_loop3A_452 = arith.subf %parallel_loop3A_324, %parallel_loop3A_413 : vector<16xf32>
        %parallel_loop3A_453 = arith.mulf %parallel_loop3A_452, %parallel_loop3A_444 : vector<16xf32>
        %parallel_loop3A_454 = arith.constant 4 : i32
        %parallel_loop3A_455 = arith.index_cast %parallel_loop3A_454 : i32 to index
        %parallel_loop3A_456 = arith.index_cast %parallel_loop3A_305 : i32 to index
        %parallel_loop3A_457 = arith.constant 16 : index
        %parallel_loop3A_458 = tpu.vector_load %arg9[%parallel_loop3A_455, %parallel_loop3A_456, %parallel_loop3A_457] {strides = array<i32>} : memref<5x128x128xf32, #tpu.memory_space<vmem>>, vector<16xf32>,
        tpu.vector_store %arg9[%parallel_loop3A_455, %parallel_loop3A_456, %parallel_loop3A_457], %parallel_loop3A_453 {strides = array<i32>} : memref<5x128x128xf32, #tpu.memory_space<vmem>>, vector<16xf32>,
        %parallel_loop3A_459 = arith.subf %parallel_loop3A_333, %parallel_loop3A_413 : vector<16xf32>
        %parallel_loop3A_460 = arith.mulf %parallel_loop3A_459, %parallel_loop3A_444 : vector<16xf32>
        %parallel_loop3A_461 = arith.constant 4 : i32
        %parallel_loop3A_462 = arith.index_cast %parallel_loop3A_461 : i32 to index
        %parallel_loop3A_463 = arith.index_cast %parallel_loop3A_305 : i32 to index
        %parallel_loop3A_464 = arith.constant 32 : index
        %parallel_loop3A_465 = tpu.vector_load %arg9[%parallel_loop3A_462, %parallel_loop3A_463, %parallel_loop3A_464] {strides = array<i32>} : memref<5x128x128xf32, #tpu.memory_space<vmem>>, vector<16xf32>,
        tpu.vector_store %arg9[%parallel_loop3A_462, %parallel_loop3A_463, %parallel_loop3A_464], %parallel_loop3A_460 {strides = array<i32>} : memref<5x128x128xf32, #tpu.memory_space<vmem>>, vector<16xf32>,
        %parallel_loop3A_466 = arith.subf %parallel_loop3A_342, %parallel_loop3A_413 : vector<16xf32>
        %parallel_loop3A_467 = arith.mulf %parallel_loop3A_466, %parallel_loop3A_444 : vector<16xf32>
        %parallel_loop3A_468 = arith.constant 4 : i32
        %parallel_loop3A_469 = arith.index_cast %parallel_loop3A_468 : i32 to index
        %parallel_loop3A_470 = arith.index_cast %parallel_loop3A_305 : i32 to index
        %parallel_loop3A_471 = arith.constant 48 : index
        %parallel_loop3A_472 = tpu.vector_load %arg9[%parallel_loop3A_469, %parallel_loop3A_470, %parallel_loop3A_471] {strides = array<i32>} : memref<5x128x128xf32, #tpu.memory_space<vmem>>, vector<16xf32>,
        tpu.vector_store %arg9[%parallel_loop3A_469, %parallel_loop3A_470, %parallel_loop3A_471], %parallel_loop3A_467 {strides = array<i32>} : memref<5x128x128xf32, #tpu.memory_space<vmem>>, vector<16xf32>,
        %parallel_loop3A_473 = arith.subf %parallel_loop3A_351, %parallel_loop3A_413 : vector<16xf32>
        %parallel_loop3A_474 = arith.mulf %parallel_loop3A_473, %parallel_loop3A_444 : vector<16xf32>
        %parallel_loop3A_475 = arith.constant 4 : i32
        %parallel_loop3A_476 = arith.index_cast %parallel_loop3A_475 : i32 to index
        %parallel_loop3A_477 = arith.index_cast %parallel_loop3A_305 : i32 to index
        %parallel_loop3A_478 = arith.constant 64 : index
        %parallel_loop3A_479 = tpu.vector_load %arg9[%parallel_loop3A_476, %parallel_loop3A_477, %parallel_loop3A_478] {strides = array<i32>} : memref<5x128x128xf32, #tpu.memory_space<vmem>>, vector<16xf32>,
        tpu.vector_store %arg9[%parallel_loop3A_476, %parallel_loop3A_477, %parallel_loop3A_478], %parallel_loop3A_474 {strides = array<i32>} : memref<5x128x128xf32, #tpu.memory_space<vmem>>, vector<16xf32>,
        %parallel_loop3A_480 = arith.subf %parallel_loop3A_360, %parallel_loop3A_413 : vector<16xf32>
        %parallel_loop3A_481 = arith.mulf %parallel_loop3A_480, %parallel_loop3A_444 : vector<16xf32>
        %parallel_loop3A_482 = arith.constant 4 : i32
        %parallel_loop3A_483 = arith.index_cast %parallel_loop3A_482 : i32 to index
        %parallel_loop3A_484 = arith.index_cast %parallel_loop3A_305 : i32 to index
        %parallel_loop3A_485 = arith.constant 80 : index
        %parallel_loop3A_486 = tpu.vector_load %arg9[%parallel_loop3A_483, %parallel_loop3A_484, %parallel_loop3A_485] {strides = array<i32>} : memref<5x128x128xf32, #tpu.memory_space<vmem>>, vector<16xf32>,
        tpu.vector_store %arg9[%parallel_loop3A_483, %parallel_loop3A_484, %parallel_loop3A_485], %parallel_loop3A_481 {strides = array<i32>} : memref<5x128x128xf32, #tpu.memory_space<vmem>>, vector<16xf32>,
        %parallel_loop3A_487 = arith.subf %parallel_loop3A_369, %parallel_loop3A_413 : vector<16xf32>
        %parallel_loop3A_488 = arith.mulf %parallel_loop3A_487, %parallel_loop3A_444 : vector<16xf32>
        %parallel_loop3A_489 = arith.constant 4 : i32
        %parallel_loop3A_490 = arith.index_cast %parallel_loop3A_489 : i32 to index
        %parallel_loop3A_491 = arith.index_cast %parallel_loop3A_305 : i32 to index
        %parallel_loop3A_492 = arith.constant 96 : index
        %parallel_loop3A_493 = tpu.vector_load %arg9[%parallel_loop3A_490, %parallel_loop3A_491, %parallel_loop3A_492] {strides = array<i32>} : memref<5x128x128xf32, #tpu.memory_space<vmem>>, vector<16xf32>,
        tpu.vector_store %arg9[%parallel_loop3A_490, %parallel_loop3A_491, %parallel_loop3A_492], %parallel_loop3A_488 {strides = array<i32>} : memref<5x128x128xf32, #tpu.memory_space<vmem>>, vector<16xf32>,
        %parallel_loop3A_494 = arith.subf %parallel_loop3A_378, %parallel_loop3A_413 : vector<16xf32>
        %parallel_loop3A_495 = arith.mulf %parallel_loop3A_494, %parallel_loop3A_444 : vector<16xf32>
        %parallel_loop3A_496 = arith.constant 4 : i32
        %parallel_loop3A_497 = arith.index_cast %parallel_loop3A_496 : i32 to index
        %parallel_loop3A_498 = arith.index_cast %parallel_loop3A_305 : i32 to index
        %parallel_loop3A_499 = arith.constant 112 : index
        %parallel_loop3A_500 = tpu.vector_load %arg9[%parallel_loop3A_497, %parallel_loop3A_498, %parallel_loop3A_499] {strides = array<i32>} : memref<5x128x128xf32, #tpu.memory_space<vmem>>, vector<16xf32>,
        tpu.vector_store %arg9[%parallel_loop3A_497, %parallel_loop3A_498, %parallel_loop3A_499], %parallel_loop3A_495 {strides = array<i32>} : memref<5x128x128xf32, #tpu.memory_space<vmem>>, vector<16xf32>,
        %parallel_loop3A_501 = arith.constant 1 : i32
        %parallel_loop3A_502 = arith.addi %parallel_loop3A_306, %parallel_loop3A_501 : i32
        %parallel_loop3A_503 = arith.constant 200 : i32
        %parallel_loop3A_504 = arith.cmpi sgt, %parallel_loop3A_502, %parallel_loop3A_503 : i32
        %parallel_loop3A_505 = arith.constant 1 : i32
        %parallel_loop3A_506 = arith.select %parallel_loop3A_504, %parallel_loop3A_505, %parallel_loop3A_502 : i32
        scf.yield %parallel_loop3A_506 : i32
      } {sc.loop_unroll_factor = 2 : i64, sc.parallel_access}
      %mul3A_289 = arith.constant 128 : i32
      %mul3A_290 = arith.muli %add3A_267, %mul3A_289 : i32
      %add3A_291 = arith.addi %mul3A_2, %mul3A_290 : i32
      %dma_start3A_292 = arith.constant 4 : i32
      %dma_start3A_293 = arith.constant 0 : i32
      %dma_start3A_294 = arith.constant 0 : i32
      %dma_start3A_295 = tpu.memref_slice %arg9[%dma_start3A_292, %dma_start3A_293, %dma_start3A_294] : memref<5x128x128xf32, #tpu.memory_space<vmem>> -> memref<1x128x128xf32, #tpu.memory_space<vmem>>
      %dma_start3A_296 = tpu.memref_squeeze %dma_start3A_295 : memref<1x128x128xf32, #tpu.memory_space<vmem>> -> memref<128x128xf32, #tpu.memory_space<vmem>>
      %dma_start3A_297 = arith.constant 0 : i32
      %dma_start3A_298 = tpu.memref_slice %arg7[%add3A_291, %dma_start3A_297] : memref<204800x128xf32, #tpu.memory_space<hbm>> -> memref<128x128xf32, #tpu.memory_space<hbm>>
      %dma_start3A_299 = arith.constant 0 : i32
      %dma_start3A_300 = tpu.memref_slice %arg7[%add3A_291, %dma_start3A_299] : memref<204800x128xf32, #tpu.memory_space<hbm>> -> memref<128x128xf32, #tpu.memory_space<hbm>>
      %dma_start3A_301 = arith.constant 0 : i32
      %dma_start3A_302 = arith.constant 0 : i32
      %dma_start3A_303 = tpu.memref_slice %arg9[%dma_start3A_292, %dma_start3A_301, %dma_start3A_302] : memref<5x128x128xf32, #tpu.memory_space<vmem>> -> memref<1x128x128xf32, #tpu.memory_space<vmem>>
      %dma_start3A_304 = tpu.memref_squeeze %dma_start3A_303 : memref<1x128x128xf32, #tpu.memory_space<vmem>> -> memref<128x128xf32, #tpu.memory_space<vmem>>
      tpu.enqueue_dma source(%dma_start3A_304 : memref<128x128xf32, #tpu.memory_space<vmem>>) target(%dma_start3A_300 : memref<128x128xf32, #tpu.memory_space<hbm>>) target_semaphore(%arg20 : memref<!tpu.dma_semaphore, #tpu.memory_space<semaphore_mem>>)
      scf.yield %parallel_loop3A_288 : i32
    }
    %scan3A_27 = arith.constant 10 : i32
    %dma_wait3A = arith.constant 0 : i32
    %dma_wait3A_28 = arith.constant 0 : i32
    %dma_wait3A_29 = arith.constant 0 : i32
    %dma_wait3A_30 = tpu.memref_slice %arg9[%dma_wait3A, %dma_wait3A_28, %dma_wait3A_29] : memref<5x128x128xf32, #tpu.memory_space<vmem>> -> memref<1x128x128xf32, #tpu.memory_space<vmem>>
    %dma_wait3A_31 = tpu.memref_squeeze %dma_wait3A_30 : memref<1x128x128xf32, #tpu.memory_space<vmem>> -> memref<128x128xf32, #tpu.memory_space<vmem>>
    %dma_wait3A_32 = arith.constant 0 : i32
    %dma_wait3A_33 = arith.constant 0 : i32
    %dma_wait3A_34 = tpu.memref_slice %arg7[%dma_wait3A_32, %dma_wait3A_33] : memref<204800x128xf32, #tpu.memory_space<hbm>> -> memref<128x128xf32, #tpu.memory_space<hbm>>
    %dma_wait3A_35 = arith.constant 0 : i32
    %dma_wait3A_36 = arith.constant 0 : i32
    %dma_wait3A_37 = tpu.memref_slice %arg7[%dma_wait3A_35, %dma_wait3A_36] : memref<204800x128xf32, #tpu.memory_space<hbm>> -> memref<128x128xf32, #tpu.memory_space<hbm>>
    %dma_wait3A_38 = arith.constant 0 : i32
    %dma_wait3A_39 = arith.constant 0 : i32
    %dma_wait3A_40 = tpu.memref_slice %arg9[%dma_wait3A, %dma_wait3A_38, %dma_wait3A_39] : memref<5x128x128xf32, #tpu.memory_space<vmem>> -> memref<1x128x128xf32, #tpu.memory_space<vmem>>
    %dma_wait3A_41 = tpu.memref_squeeze %dma_wait3A_40 : memref<1x128x128xf32, #tpu.memory_space<vmem>> -> memref<128x128xf32, #tpu.memory_space<vmem>>
    tpu.wait_dma2 semaphore(%arg16 : memref<!tpu.dma_semaphore, #tpu.memory_space<semaphore_mem>>) src(%dma_wait3A_41 : memref<128x128xf32, #tpu.memory_space<vmem>>) dst(%dma_wait3A_37 : memref<128x128xf32, #tpu.memory_space<hbm>>)
    %dma_wait3A_42 = arith.constant 1 : i32
    %dma_wait3A_43 = arith.constant 0 : i32
    %dma_wait3A_44 = arith.constant 0 : i32
    %dma_wait3A_45 = tpu.memref_slice %arg9[%dma_wait3A_42, %dma_wait3A_43, %dma_wait3A_44] : memref<5x128x128xf32, #tpu.memory_space<vmem>> -> memref<1x128x128xf32, #tpu.memory_space<vmem>>
    %dma_wait3A_46 = tpu.memref_squeeze %dma_wait3A_45 : memref<1x128x128xf32, #tpu.memory_space<vmem>> -> memref<128x128xf32, #tpu.memory_space<vmem>>
    %dma_wait3A_47 = arith.constant 0 : i32
    %dma_wait3A_48 = arith.constant 0 : i32
    %dma_wait3A_49 = tpu.memref_slice %arg7[%dma_wait3A_47, %dma_wait3A_48] : memref<204800x128xf32, #tpu.memory_space<hbm>> -> memref<128x128xf32, #tpu.memory_space<hbm>>
    %dma_wait3A_50 = arith.constant 0 : i32
    %dma_wait3A_51 = arith.constant 0 : i32
    %dma_wait3A_52 = tpu.memref_slice %arg7[%dma_wait3A_50, %dma_wait3A_51] : memref<204800x128xf32, #tpu.memory_space<hbm>> -> memref<128x128xf32, #tpu.memory_space<hbm>>
    %dma_wait3A_53 = arith.constant 0 : i32
    %dma_wait3A_54 = arith.constant 0 : i32
    %dma_wait3A_55 = tpu.memref_slice %arg9[%dma_wait3A_42, %dma_wait3A_53, %dma_wait3A_54] : memref<5x128x128xf32, #tpu.memory_space<vmem>> -> memref<1x128x128xf32, #tpu.memory_space<vmem>>
    %dma_wait3A_56 = tpu.memref_squeeze %dma_wait3A_55 : memref<1x128x128xf32, #tpu.memory_space<vmem>> -> memref<128x128xf32, #tpu.memory_space<vmem>>
    tpu.wait_dma2 semaphore(%arg17 : memref<!tpu.dma_semaphore, #tpu.memory_space<semaphore_mem>>) src(%dma_wait3A_56 : memref<128x128xf32, #tpu.memory_space<vmem>>) dst(%dma_wait3A_52 : memref<128x128xf32, #tpu.memory_space<hbm>>)
    %dma_wait3A_57 = arith.constant 2 : i32
    %dma_wait3A_58 = arith.constant 0 : i32
    %dma_wait3A_59 = arith.constant 0 : i32
    %dma_wait3A_60 = tpu.memref_slice %arg9[%dma_wait3A_57, %dma_wait3A_58, %dma_wait3A_59] : memref<5x128x128xf32, #tpu.memory_space<vmem>> -> memref<1x128x128xf32, #tpu.memory_space<vmem>>
    %dma_wait3A_61 = tpu.memref_squeeze %dma_wait3A_60 : memref<1x128x128xf32, #tpu.memory_space<vmem>> -> memref<128x128xf32, #tpu.memory_space<vmem>>
    %dma_wait3A_62 = arith.constant 0 : i32
    %dma_wait3A_63 = arith.constant 0 : i32
    %dma_wait3A_64 = tpu.memref_slice %arg7[%dma_wait3A_62, %dma_wait3A_63] : memref<204800x128xf32, #tpu.memory_space<hbm>> -> memref<128x128xf32, #tpu.memory_space<hbm>>
    %dma_wait3A_65 = arith.constant 0 : i32
    %dma_wait3A_66 = arith.constant 0 : i32
    %dma_wait3A_67 = tpu.memref_slice %arg7[%dma_wait3A_65, %dma_wait3A_66] : memref<204800x128xf32, #tpu.memory_space<hbm>> -> memref<128x128xf32, #tpu.memory_space<hbm>>
    %dma_wait3A_68 = arith.constant 0 : i32
    %dma_wait3A_69 = arith.constant 0 : i32
    %dma_wait3A_70 = tpu.memref_slice %arg9[%dma_wait3A_57, %dma_wait3A_68, %dma_wait3A_69] : memref<5x128x128xf32, #tpu.memory_space<vmem>> -> memref<1x128x128xf32, #tpu.memory_space<vmem>>
    %dma_wait3A_71 = tpu.memref_squeeze %dma_wait3A_70 : memref<1x128x128xf32, #tpu.memory_space<vmem>> -> memref<128x128xf32, #tpu.memory_space<vmem>>
    tpu.wait_dma2 semaphore(%arg18 : memref<!tpu.dma_semaphore, #tpu.memory_space<semaphore_mem>>) src(%dma_wait3A_71 : memref<128x128xf32, #tpu.memory_space<vmem>>) dst(%dma_wait3A_67 : memref<128x128xf32, #tpu.memory_space<hbm>>)
    %dma_wait3A_72 = arith.constant 3 : i32
    %dma_wait3A_73 = arith.constant 0 : i32
    %dma_wait3A_74 = arith.constant 0 : i32
    %dma_wait3A_75 = tpu.memref_slice %arg9[%dma_wait3A_72, %dma_wait3A_73, %dma_wait3A_74] : memref<5x128x128xf32, #tpu.memory_space<vmem>> -> memref<1x128x128xf32, #tpu.memory_space<vmem>>
    %dma_wait3A_76 = tpu.memref_squeeze %dma_wait3A_75 : memref<1x128x128xf32, #tpu.memory_space<vmem>> -> memref<128x128xf32, #tpu.memory_space<vmem>>
    %dma_wait3A_77 = arith.constant 0 : i32
    %dma_wait3A_78 = arith.constant 0 : i32
    %dma_wait3A_79 = tpu.memref_slice %arg7[%dma_wait3A_77, %dma_wait3A_78] : memref<204800x128xf32, #tpu.memory_space<hbm>> -> memref<128x128xf32, #tpu.memory_space<hbm>>
    %dma_wait3A_80 = arith.constant 0 : i32
    %dma_wait3A_81 = arith.constant 0 : i32
    %dma_wait3A_82 = tpu.memref_slice %arg7[%dma_wait3A_80, %dma_wait3A_81] : memref<204800x128xf32, #tpu.memory_space<hbm>> -> memref<128x128xf32, #tpu.memory_space<hbm>>
    %dma_wait3A_83 = arith.constant 0 : i32
    %dma_wait3A_84 = arith.constant 0 : i32
    %dma_wait3A_85 = tpu.memref_slice %arg9[%dma_wait3A_72, %dma_wait3A_83, %dma_wait3A_84] : memref<5x128x128xf32, #tpu.memory_space<vmem>> -> memref<1x128x128xf32, #tpu.memory_space<vmem>>
    %dma_wait3A_86 = tpu.memref_squeeze %dma_wait3A_85 : memref<1x128x128xf32, #tpu.memory_space<vmem>> -> memref<128x128xf32, #tpu.memory_space<vmem>>
    tpu.wait_dma2 semaphore(%arg19 : memref<!tpu.dma_semaphore, #tpu.memory_space<semaphore_mem>>) src(%dma_wait3A_86 : memref<128x128xf32, #tpu.memory_space<vmem>>) dst(%dma_wait3A_82 : memref<128x128xf32, #tpu.memory_space<hbm>>)
    %dma_wait3A_87 = arith.constant 4 : i32
    %dma_wait3A_88 = arith.constant 0 : i32
    %dma_wait3A_89 = arith.constant 0 : i32
    %dma_wait3A_90 = tpu.memref_slice %arg9[%dma_wait3A_87, %dma_wait3A_88, %dma_wait3A_89] : memref<5x128x128xf32, #tpu.memory_space<vmem>> -> memref<1x128x128xf32, #tpu.memory_space<vmem>>
    %dma_wait3A_91 = tpu.memref_squeeze %dma_wait3A_90 : memref<1x128x128xf32, #tpu.memory_space<vmem>> -> memref<128x128xf32, #tpu.memory_space<vmem>>
    %dma_wait3A_92 = arith.constant 0 : i32
    %dma_wait3A_93 = arith.constant 0 : i32
    %dma_wait3A_94 = tpu.memref_slice %arg7[%dma_wait3A_92, %dma_wait3A_93] : memref<204800x128xf32, #tpu.memory_space<hbm>> -> memref<128x128xf32, #tpu.memory_space<hbm>>
    %dma_wait3A_95 = arith.constant 0 : i32
    %dma_wait3A_96 = arith.constant 0 : i32
    %dma_wait3A_97 = tpu.memref_slice %arg7[%dma_wait3A_95, %dma_wait3A_96] : memref<204800x128xf32, #tpu.memory_space<hbm>> -> memref<128x128xf32, #tpu.memory_space<hbm>>
    %dma_wait3A_98 = arith.constant 0 : i32
    %dma_wait3A_99 = arith.constant 0 : i32
    %dma_wait3A_100 = tpu.memref_slice %arg9[%dma_wait3A_87, %dma_wait3A_98, %dma_wait3A_99] : memref<5x128x128xf32, #tpu.memory_space<vmem>> -> memref<1x128x128xf32, #tpu.memory_space<vmem>>
    %dma_wait3A_101 = tpu.memref_squeeze %dma_wait3A_100 : memref<1x128x128xf32, #tpu.memory_space<vmem>> -> memref<128x128xf32, #tpu.memory_space<vmem>>
    tpu.wait_dma2 semaphore(%arg20 : memref<!tpu.dma_semaphore, #tpu.memory_space<semaphore_mem>>) src(%dma_wait3A_101 : memref<128x128xf32, #tpu.memory_space<vmem>>) dst(%dma_wait3A_97 : memref<128x128xf32, #tpu.memory_space<hbm>>)
    return
  }
}

</mosaic_0001>

<sc_bundles>
// kernel: kernel.3.cloned.1.call-start
scs
__scs_entry_jumppad:
0x0: {  	(pc) =	sbr.rel $0x88, $3  }
0x1: {  	(tag) =	ssettag $0x0;
	lr =	simm.s32 $0x1  }
0x2: {  	[smem:$0x3F9C] =	sst lr;
	_ =	strace $0xD0000000  }
0x3: {  	_ = 	snop  }
0x4: {  	_ = 	snop  }
0x5: {  	_ = 	snop  }
0x6: {  	_ = 	snop  }
0x7: {  	_ = 	snop  }
__scs_overlays_trampoline_lowered:
0x8: {  	[smem:$0x3FAB] =	sst s0  }
0x9: {  	[smem:$0x3FAC] =	sst s1  }
0xa: {  	[smem:$0x3FAD] =	sst s2  }
0xb: {  	[smem:$0x3FAE] =	sst s3  }
0xc: {  	[smem:$0x3FAF] =	sst s4  }
0xd: {  	[smem:$0x3FB0] =	sst s5  }
0xe: {  	[smem:$0x3FB1] =	sst s6  }
0xf: {  	[smem:$0x3FB2] =	sst s7  }
0x10: {  	[smem:$0x3FB3] =	sst s8  }
0x11: {  	[smem:$0x3FB4] =	sst s9;
	s0 =	simm.s32 @!p0 $0x0  }
0x12: {  	s1 =	sld [smem:$0x3F9A];
	s0 =	simm.s32 @p0 $0x1  }
0x13: {  	[smem:$0x3FB5] =	sst s0;
	s0 =	simm.s32 @!p1 $0x0  }
0x14: {  	s2 =	sld [smem:$0x3F99];
	s0 =	simm.s32 @p1 $0x1  }
0x15: {  	[smem:$0x3FB6] =	sst s0;
	s0 =	simm.s32 @!p2 $0x0  }
0x16: {  	s3 =	sld [smem:$0x3FDB];
	s0 =	simm.s32 @p2 $0x1  }
0x17: {  	s4 =	simm.s32 $0x1BF5;
	[smem:$0x3FB8] =	sst s0  }
0x18: {  	s0 =	sld [smem:$0x3F9B];
	_ =	swait.ge [sflag:s4], $0x0  }
0x19: {  	s7 =	sld [smem:$0x3F9C]  }
0x1a: {  	s8 =	sadd.s32 $0xFFFFE003, lr  }
0x1b: {  	s9 =	sadd.s32 $0xFFFFFEF7, lr;
	s5 =	simm.s32 $0xFFFFFFFF;
	p2 =	slt.u32 s8, $0xFFFFF086  }
0x1c: {  	p1 =	slt.u32 s9, $0xF7A;
	s5 =	simm.s32 @!p2 $0x0  }
0x1d: {  	s5 =	simm.s32 @p1 $0x1;
	p0 =	seq.s32 s7, s2  }
0x1e: {  	s7 =	smul.u32 @!p0 $0xF7A, s2;
	p2 =	seq.s32 @!p0 s5, $0x0  }
0x1f: {  	s9 =	smul.u32 $0xF7A, s1;
	s8 =	simm.s32 @!p0 $0x1BF5;
	p2 =	por !p2, p0  }
0x20: {  	[sflag:s8] =	ssyncset.s32 @!p0 $0xFFFFF086;
	s6 =	sadd.s32 @!p0 s3, s7;
	s7 =	simm.s32 @!p0 $0x108  }
0x21: {  	s3 =	sadd.s32 s3, s9;
	s6 =	sadd.s32 @!p0 $0x88, s6;
	s7 =	simm.s32 @p2 $0x1082  }
0x22: {  	[simem:s7], [sflag:s8] =	dma.local @!p0 [hbm:s6], $0xF7A  }
0x23: {  	s9 =	sor.u32 $0xD0000000, s2;
	s6 =	simm.s32 $0x108;
	_ =	swait.ge @!p0 [sflag:s8], $0x0  }
0x24: {  	s3 =	sadd.s32 $0x88, s3;
	s6 =	simm.s32 @!p1 $0x1082;
	[sflag:s4] =	ssyncset.s32 $0xFFFFF086  }
0x25: {  	[simem:s6], [sflag:s4] =	dma.local [hbm:s3], $0xF7A  }
0x26: {  	[smem:$0x3F9C] =	sst s1;
	(tag) =	ssettag s2;
	_ =	strace s9  }
0x27: {  	s1 =	sld [smem:$0x3FAC]  }
0x28: {  	s2 =	sld [smem:$0x3FAD]  }
0x29: {  	s4 =	sld [smem:$0x3FAF]  }
0x2a: {  	p0 =	seq.s32 s5, $0x0;
	s5 =	sld [smem:$0x3FB0]  }
0x2b: {  	s6 =	sld [smem:$0x3FB1]  }
0x2c: {  	s7 =	sld [smem:$0x3FB2]  }
0x2d: {  	s3 =	simm.s32 $0x108;
	s8 =	sld [smem:$0x3FB3]  }
0x2e: {  	s3 =	simm.s32 @!p0 $0x1082;
	s9 =	sld [smem:$0x3FB4]  }
0x2f: {  	lr =	sadd.s32 s0, s3;
	s0 =	sld [smem:$0x3FAB]  }
0x30: {  	s3 =	sld [smem:$0x3FAE]  }
0x31: {  	[smem:$0x3FB7] =	sst s10  }
0x32: {  	s10 =	sld [smem:$0x3FB5];
	_ =	sdelay $0x3  }
0x33: {  	p0 =	seq.s32 s10, $0x1;
	s10 =	sld [smem:$0x3FB7];
	_ =	sdelay $0x3  }
0x34: {  	[smem:$0x3FB7] =	sst s10  }
0x35: {  	s10 =	sld [smem:$0x3FB6];
	_ =	sdelay $0x3  }
0x36: {  	p1 =	seq.s32 s10, $0x1;
	s10 =	sld [smem:$0x3FB7];
	_ =	sdelay $0x3  }
0x37: {  	[smem:$0x3FB7] =	sst s10  }
0x38: {  	s10 =	sld [smem:$0x3FB8]  }
0x39: {  	_ = 	snop;
	(pc) =	sbr.ind lr, $3  }
0x3a: {  	_ = 	snop  }
0x3b: {  	_ = 	snop  }
0x3c: {  	p2 =	seq.s32 s10, $0x1;
	s10 =	sld [smem:$0x3FB7]  }
0x3d: {  	_ =	shalt  }
0x3e: {  	_ =	shalt  }
0x3f: {  	_ =	shalt  }
0x40: {  	_ =	shalt  }
0x41: {  	_ =	shalt  }
0x42: {  	_ =	shalt  }
0x43: {  	_ =	shalt  }
0x44: {  	_ =	shalt  }
0x45: {  	_ =	shalt  }
0x46: {  	_ =	shalt  }
0x47: {  	_ =	shalt  }
0x48: {  	_ =	shalt  }
0x49: {  	_ =	shalt  }
0x4a: {  	_ =	shalt  }
0x4b: {  	_ =	shalt  }
0x4c: {  	_ =	shalt  }
0x4d: {  	_ =	shalt  }
0x4e: {  	_ =	shalt  }
0x4f: {  	_ =	shalt  }
0x50: {  	_ =	shalt  }
0x51: {  	_ =	shalt  }
0x52: {  	_ =	shalt  }
0x53: {  	_ =	shalt  }
0x54: {  	_ =	shalt  }
0x55: {  	_ =	shalt  }
0x56: {  	_ =	shalt  }
0x57: {  	_ =	shalt  }
0x58: {  	_ =	shalt  }
0x59: {  	_ =	shalt  }
0x5a: {  	_ =	shalt  }
0x5b: {  	_ =	shalt  }
0x5c: {  	_ =	shalt  }
0x5d: {  	_ =	shalt  }
0x5e: {  	_ =	shalt  }
0x5f: {  	_ =	shalt  }
0x60: {  	_ =	shalt  }
0x61: {  	_ =	shalt  }
0x62: {  	_ =	shalt  }
0x63: {  	_ =	shalt  }
0x64: {  	_ =	shalt  }
0x65: {  	_ =	shalt  }
0x66: {  	_ =	shalt  }
0x67: {  	_ =	shalt  }
0x68: {  	_ =	shalt  }
0x69: {  	_ =	shalt  }
0x6a: {  	_ =	shalt  }
0x6b: {  	_ =	shalt  }
0x6c: {  	_ =	shalt  }
0x6d: {  	_ =	shalt  }
0x6e: {  	_ =	shalt  }
0x6f: {  	_ =	shalt  }
0x70: {  	_ =	shalt  }
0x71: {  	_ =	shalt  }
0x72: {  	_ =	shalt  }
0x73: {  	_ =	shalt  }
0x74: {  	_ =	shalt  }
0x75: {  	_ =	shalt  }
0x76: {  	_ =	shalt  }
0x77: {  	_ =	shalt  }
0x78: {  	_ =	shalt  }
0x79: {  	_ =	shalt  }
0x7a: {  	_ =	shalt  }
0x7b: {  	_ =	shalt  }
0x7c: {  	_ =	shalt  }
0x7d: {  	_ =	shalt  }
0x7e: {  	_ =	shalt  }
0x7f: {  	_ =	shalt  }
0x80: {  	_ =	shalt  }
0x81: {  	_ =	shalt  }
0x82: {  	_ =	shalt  }
0x83: {  	_ =	shalt  }
0x84: {  	_ =	shalt  }
0x85: {  	_ =	shalt  }
0x86: {  	_ =	shalt  }
0x87: {  	_ =	shalt  }
.Lfunc_end0:
.L_simem_size_0:
called_computation_lowered:
.L_overlay_start_0:
0x88: {  	s2 =	sld [smem:$0x3FD9]  }
0x89: {  	s3 =	sld [smem:$0x3FFE];
	_ =	sdelay $0x1  }
0x8a: {  	s1 =	srdreg.scid  }
0x8b: {  	s0 =	sand.u32 $0x1, s1  }
0x8c: {  	s17 =	sshll.u32 s0, $0xA;
	s2 =	sadd.s32 s3, s2  }
0x8d: {  	s2 =	sadd.s32 s2, s17  }
0x8e: {  	[smem:$0x3FC3] =	sst s2  }
0x8f: {  	_ = 	snop  }
0x90: {  	s2 =	sld [smem:$0x3FC8]  }
0x91: {  	s18 =	sld [smem:$0x3FC7]  }
0x92: {  	s4 =	sld [smem:$0x3FD0];
	(tm) =	ssettm $0x1  }
0x93: {  	s5 =	sld [smem:$0x3FFB];
	_ =	sdelay $0x3  }
0x94: {  	_ =	strace s5  }
0x95: {  	s5 =	sld [smem:$0x3FFC];
	_ =	sdelay $0x3  }
0x96: {  	_ =	strace s5  }
0x97: {  	s5 =	sld [smem:$0x3FFD];
	_ =	sdelay $0x3  }
0x98: {  	_ =	strace s5  }
0x99: {  	_ =	strace $0x8FFFFFFF  }
0x9a: {  	s19 =	sld [smem:$0x3FDB];
	_ =	sdelay $0x1  }
0x9b: {  	s6 =	simm.s32 $_scs_section_size  }
0x9c: {  	s7 =	simm.s32 $_size__tile_overlayer_lowered;
	s8 =	simm.s32 $_tile_overlayer_lowered  }
0x9d: {  	s22 =	simm.s32 $0x1BFF;
	s21 =	sshll.u32 s8, $0x1;
	s5 =	sadd.s32 s6, s19  }
0x9e: {  	s9 =	simm.s32 $0x0;
	s20 =	sshll.u32 s7, $0x1;
	s7 =	sadd.s32 s21, s5  }
0x9f: {  	[timem:s9], [sflag:s22] =	dma.local [hbm:s7], s20  }
0xa0: {  	_ =	swait.ge [sflag:s22], s20  }
0xa1: {  	s6 =	ssub.s32 $0x0, s20;
	[sflag:s22] =	ssyncset.done $0x0  }
0xa2: {  	[sflag:s22] =	ssyncadd.s32 s6;
	_ =	sdelay $0x1  }
0xa3: {  	s23 =	simm.s32 $0x1B8B  }
0xa4: {  	_ =	swait.ge [sflag:s23], $0x1  }
0xa5: {  	[sflag:s23] =	ssyncset.done $0x0  }
0xa6: {  	s25 =	simm.s32 $0x1B8E;
	s24 =	sld [smem:$0x3FFE];
	[sflag:s23] =	ssyncadd.s32 $0xFFFFFFFF  }
0xa7: {  	s26 =	simm.s32 $execute0_lowered;
	[smem:$0x3FD2] =	sst s25  }
0xa8: {  	s7 =	sshll.u32 s26, $0x1;
	_ =	strace $0x80000046;
	[dreg:$0x1] =	wrdreg $0xFFFFFFFF  }
0xa9: {  	s28 =	simm.s32 $_size_execute0_lowered;
	s5 =	sadd.s32 s5, s7;
	[dreg:$0x0] =	wrdreg $0x0  }
0xaa: {  	s7 =	sshll.u32 s28, $0x1;
	[dreg:$0x2] =	wrdreg s5  }
0xab: {  	[dreg:$0x3] =	wrdreg s7  }
0xac: {  	[dreg:$0x4] =	wrdreg $0xC0  }
0xad: {  	_ =	task [dreg:s9], $0x5FFFF  }
0xae: {  	[dreg:$0x1] =	wrdreg $0xFFFFFFFF  }
0xaf: {  	[dreg:$0x0] =	wrdreg $0x60  }
0xb0: {  	[dreg:$0x2] =	wrdreg s24  }
0xb1: {  	[dreg:$0x3] =	wrdreg s2  }
0xb2: {  	[dreg:$0x4] =	wrdreg s18  }
0xb3: {  	[dreg:$0x5] =	wrdreg s4  }
0xb4: {  	[dreg:$0x6] =	wrdreg $0x9  }
0xb5: {  	_ =	task.clear_ibuf [dreg:s9], $0x7FFFF;
	_ =	strace $0x90000046  }
0xb6: {  	s29 =	simm.s32 $0x9;
	_ =	strace $0x80000048  }
0xb7: {  	_ =	swait.ge [sflag:s29], $0x1  }
0xb8: {  	[sflag:s29] =	ssyncadd.s32 $0xFFFFFFFF  }
0xb9: {  	_ =	strace $0x90000048  }
0xba: {  	_ =	sfence  }
0xbb: {  	s30 =	sld [smem:$0x0];
	_ =	sdelay $0x2  }
0xbc: {  	s31 =	sshll.u32 s1, $0xD;
	s1 =	sshrl.u32 s1, $0x2  }
0xbd: {  	s3 =	sand.u32 $0x4000, s31;
	s1 =	sadd.s32 s1, s30  }
0xbe: {  	s0 =	sor.u32 s3, s0;
	s1 =	sshll.u32 s1, $0x11  }
0xbf: {  	s0 =	sor.u32 s1, s0  }
0xc0: {  	s0 =	sadd.s32 $0x8F2B, s0  }
0xc1: {  	[sflag:s0] =	ssyncadd.remote.s32 $0x1  }
0xc2: {  	_ =	sfence.sel $0xFFFF  }
0xc3: {  	[dreg:$0x0] =	wrdreg $0xFFFFFFFF;
	(pc) =	sbr.abs _section_cstart, $3  }
0xc4: {  	[dreg:$0x1] =	wrdreg $0xFFFFFFFF  }
0xc5: {  	_ =	task.clear_ibuf [dreg:s9], $0x2FFFF;
	_ =	strace $0x9FFFFFFF  }
0xc6: {  	(tm) =	ssettm $0x7FFFFFFF  }
0xc7: {  	_ =	shalt  }
tec
execute0_lowered:
.L_overlay_start_1:
0x0: {  	(tag) =	ssettag $0x1  }
0x1: {  	s0 =	rddreg [dreg:$0x0]  }
0x2: {  	s2 =	srdreg.scid;
	s1 =	rddreg [dreg:$0x1]  }
0x3: {  	s3 =	stileid.u32;
	s4 =	rddreg [dreg:$0x3]  }
0x4: {  	s6 =	simm.s32 $0x0;
	s13 =	simm.s32 $0x80;
	s14 =	simm.s32 $0x1900  }
0x5: {  	s15 =	simm.s32 $0x5900;
	s16 =	simm.s32 $0x1;
	s17 =	simm.s32 $0x9900  }
0x6: {  	s18 =	simm.s32 $0x2;
	s2 =	sand.u32 $0x1, s2;
	s3 =	sshll.u32 s3, $0x1  }
0x7: {  	s19 =	simm.s32 $0xD900;
	s20 =	simm.s32 $0x3;
	s3 =	sor.u32 s2, s3  }
0x8: {  	s21 =	simm.s32 $0x11900;
	s2 =	ssub.s32 $0x2, s2;
	s5 =	smul.u32 $0x1900, s3  }
0x9: {  	s22 =	simm.s32 $0x4;
	s23 =	simm.s32 $0x5;
	s8 =	sshrl.u32 s2, $0x1  }
0xa: {  	[smem:$0x7FF] =	sst s6;
	s2 =	ssub.s32 s2, s8;
	s7 =	sshrl.u32 s5, $0x3  }
0xb: {  	s31 =	smax.u32 s2, $0x1;
	s0 =	sadd.s32 s7, s0;
	s7 =	smul.u32 $0xC8000, s3  }
0xc: {  	_ =	strace $0x80000047;
	[dreg:$0x6] =	wrdreg s31;
	s0 =	sadd.s32 $0x400, s0  }
0xd: {  	s30 =	simm.s32 $0x0;
	[dreg:$0x5] =	wrdreg s0;
	s9 =	sor.u32 $0x4000, s7  }
.LBB2_1:
0xe: {  	s0 =	rddreg [dreg:$0x5];
	s2 =	simm.s32 $0xB  }
0xf: {  	[tilespmem:s6], [sflag:$0xB] =	stream.linear.gather [hbm4b:s0+s6], $0x1900, $0x38;
	[tilespmem:$0x1C100] =	vst v63  }
0x10: {  	_ =	swait.ge [sflag:s2], $0x1900  }
0x11: {  	[sflag:s2] =	ssyncset.done $0x0  }
0x12: {  	[sflag:s2] =	ssyncadd.s32 $0xFFFFE700  }
0x13: {  	s3 =	simm.s32 $0x15900;
	s29 =	rddreg [dreg:$0x2]  }
0x14: {  	[tilespmem:s3], [sflag:$0xB] =	stream.linear.gather [hbm4b:s29+s6], $0x6480, $0x38;
	[tilespmem:$0x1C100] =	vst v63  }
0x15: {  	_ =	swait.ge [sflag:s2], $0x6480  }
0x16: {  	[sflag:s2] =	ssyncset.done $0x0  }
0x17: {  	[sflag:s2] =	ssyncadd.s32 $0xFFFF9B80  }
0x18: {  	[tilespmem:s14], [sflag:$0x1] =	stream.indirect.gather [hbm4b:s1+s13], $0x80, s6, s13, $0xb8;
	[tilespmem:$0x1C100] =	vst v63  }
0x19: {  	s10 =	simm.s32 $0x1;
	s31 =	simm.s32 $0x0  }
0x1a: {  	[tilespmem:s15], [sflag:$0x2] =	stream.indirect.gather [hbm4b:s1+s13], $0x80, s13, s13, $0xb8;
	[tilespmem:$0x1C100] =	vst v63  }
.LBB2_2:
0x1b: {  	_ =	swait.ge [sflag:s16], $0x4000  }
0x1c: {  	s0 =	smul.u32 $0x5, s31;
	p0 =	seq.s32 s31, $0x0;
	[sflag:s16] =	ssyncset.done $0x0  }
0x1d: {  	s2 =	simm.s32 @!p0 $0x8;
	[sflag:s16] =	ssyncadd.s32 $0xFFFFC000  }
0x1e: {  	s3 =	sadd.s32 $0x2, s0;
	_ =	swait.ge @!p0 [sflag:s2], $0x4000  }
0x1f: {  	s8 =	sshll.u32 s3, $0x7;
	[sflag:s2] =	ssyncset.done @!p0 $0x0  }
0x20: {  	s24 =	sand.u32 $0x3FFFFF80, s8;
	s8 =	simm.s32 $0x1980;
	[sflag:s2] =	ssyncadd.s32 @!p0 $0xFFFFC000  }
0x21: {  	[tilespmem:s17], [sflag:$0x3] =	stream.indirect.gather [hbm4b:s1+s13], $0x80, s24, s13, $0xb8;
	[tilespmem:$0x1C100] =	vst v63  }
0x22: {  	v0 =	vld [tilespmem:s8+$0xFFFFFF80]  }
0x23: {  	v1 =	vld [tilespmem:s8+$0xFFFFFF90]  }
0x24: {  	v2 =	vld [tilespmem:s8+$0xFFFFFFA0]  }
0x25: {  	v3 =	vld [tilespmem:s8+$0xFFFFFFB0]  }
0x26: {  	v4 =	vld [tilespmem:s8+$0xFFFFFFC0]  }
0x27: {  	v5 =	vld [tilespmem:s8+$0xFFFFFFD0]  }
0x28: {  	s25 =	sshll.u32 s10, $0x9;
	v7 =	vld [tilespmem:s8+$0xFFFFFFE0]  }
0x29: {  	s2 =	sshra.s32 s25, $0x2;
	v8 =	vld [tilespmem:s8+$0xFFFFFFF0]  }
0x2a: {  	v6 =	vld [tilespmem:s2+$0x15900]  }
0x2b: {  	v9 =	vld [tilespmem:s2+$0x15910]  }
0x2c: {  	v10 =	vld [tilespmem:s2+$0x15920]  }
0x2d: {  	v11 =	vld [tilespmem:s2+$0x15930]  }
0x2e: {  	v12 =	vld [tilespmem:s2+$0x15940]  }
0x2f: {  	s10 =	sadd.s32 $0x1, s10;
	v13 =	vld [tilespmem:s2+$0x15950]  }
0x30: {  	p1 =	sgt.s32 s10, $0xC8;
	v14 =	vld [tilespmem:s2+$0x15960]  }
0x31: {  	s10 =	simm.s32 @p1 $0x1;
	v16 =	vld [tilespmem:s2+$0x15970]  }
0x32: {  	s12 =	sshll.u32 s10, $0x9  }
0x33: {  	s12 =	sshra.s32 s12, $0x2;
	v27 =	vld [tilespmem:s8+$0x70];
	v15 =	vadd.f32 v6, v0;
	v1 =	vadd.f32 v9, v1  }
0x34: {  	v28 =	vld [tilespmem:s12+$0x15920];
	v2 =	vadd.f32 v10, v2;
	v3 =	vadd.f32 v11, v3  }
0x35: {  	v29 =	vld [tilespmem:s12+$0x15930];
	v0 =	vadd.f32 v12, v4;
	v6 =	vadd.f32 v13, v5  }
0x36: {  	v30 =	vld [tilespmem:s12+$0x15940];
	v5 =	vadd.f32 v14, v7;
	v4 =	vadd.f32 v16, v8  }
0x37: {  	v31 =	vld [tilespmem:s12+$0x15950];
	v10 =	vadd.f32 v1, v15;
	v13 =	vadd.f32 v3, v2  }
0x38: {  	v32 =	vld [tilespmem:s12+$0x15960];
	v8 =	vadd.f32 v6, v0;
	v14 =	vadd.f32 v4, v5  }
0x39: {  	s2 =	simm.s32 $0x1A80;
	v33 =	vld [tilespmem:s12+$0x15970]  }
0x3a: {  	v17 =	vld [tilespmem:s2+$0xFFFFFF80];
	v10 =	vadd.f32 v13, v10;
	v8 =	vadd.f32 v14, v8  }
0x3b: {  	v19 =	vld [tilespmem:s2+$0xFFFFFF90];
	v9 =	vmul.f32 v15, v15;
	v11 =	vmul.f32 v1, v1  }
0x3c: {  	v21 =	vld [tilespmem:s2+$0xFFFFFFA0];
	v12 =	vmul.f32 v2, v2;
	v18 =	vmul.f32 v3, v3;
	v8 =	vadd.f32 v8, v10  }
0x3d: {  	s10 =	sadd.s32 $0x1, s10;
	v22 =	vld [tilespmem:s2+$0xFFFFFFB0];
	v7 =	vmul.f32 v0, v0;
	v16 =	vmul.f32 v4, v4  }
0x3e: {  	p1 =	sgt.s32 s10, $0xC8;
	v23 =	vld [tilespmem:s2+$0xFFFFFFC0];
	v9 =	vadd.f32 v11, v9;
	v11 =	vmul.f32 v6, v6;
	v13 =	vmul.f32 v5, v5;
	(xrf2) =	vadd.scan.msk.f32 $0xffff, v8  }
0x3f: {  	s10 =	simm.s32 @p1 $0x1;
	v24 =	vld [tilespmem:s2+$0xFFFFFFD0];
	v12 =	vadd.f32 v18, v12  }
0x40: {  	s24 =	sshll.u32 s10, $0x9;
	v25 =	vld [tilespmem:s2+$0xFFFFFFE0];
	v7 =	vadd.f32 v11, v7;
	v13 =	vadd.f32 v16, v13  }
0x41: {  	s24 =	sshra.s32 s24, $0x2;
	v26 =	vld [tilespmem:s2+$0xFFFFFFF0]  }
0x42: {  	v34 =	vld [tilespmem:s24+$0x15900];
	v9 =	vadd.f32 v12, v9;
	v7 =	vadd.f32 v13, v7  }
0x43: {  	v35 =	vld [tilespmem:s24+$0x15910]  }
0x44: {  	v37 =	vld [tilespmem:s24+$0x15920];
	v7 =	vadd.f32 v7, v9  }
0x45: {  	v38 =	vld [tilespmem:s24+$0x15930]  }
0x46: {  	v42 =	vld [tilespmem:s24+$0x15940]  }
0x47: {  	v14 =	vld [tilespmem:s8+$0x10]  }
0x48: {  	v18 =	vld [tilespmem:s8+$0x60];
	(xrf2) =	vadd.scan.msk.f32 $0xffff, v7;
	v7, _, _ =	vpop (xrf2)  }
0x49: {  	v11 =	vld [tilespmem:s8+$0x0];
	v7 =	vmul.f32 $7.812500000e-03, v7  }
0x4a: {  	v12 =	vld [tilespmem:s8+$0x20]  }
0x4b: {  	v10 =	vld [tilespmem:s8+$0x30];
	v36 =	vmul.f32 v7, v7;
	v7 =	vbroadcast v7, $0xF  }
0x4c: {  	v16 =	vld [tilespmem:s8+$0x50]  }
0x4d: {  	v8 =	vld [tilespmem:s12+$0x15900];
	v15 =	vsub.f32 v15, v7  }
0x4e: {  	v9 =	vld [tilespmem:s12+$0x15910];
	v1 =	vsub.f32 v1, v7  }
0x4f: {  	v13 =	vld [tilespmem:s8+$0x40];
	v2 =	vsub.f32 v2, v7;
	[tilespmem:$0x1FEF0] =	vst v15  }
0x50: {  	v3 =	vsub.f32 v3, v7;
	v43 =	vld [tilespmem:s24+$0x15950];
	[tilespmem:$0x1FF00] =	vst v1  }
0x51: {  	v63 =	vadd.f32 v34, v17;
	v1 =	vld [tilespmem:s24+$0x15960];
	[tilespmem:$0x1FF10] =	vst v2  }
0x52: {  	v21 =	vadd.f32 v37, v21;
	v17 =	vadd.f32 v38, v22;
	s12 =	simm.s32 $0x1B80;
	v2 =	vld [tilespmem:s24+$0x15970];
	[tilespmem:$0x1FF20] =	vst v3  }
0x53: {  	v8 =	vadd.f32 v8, v11;
	v14 =	vadd.f32 v9, v14;
	v3 =	vld [tilespmem:s12+$0xFFFFFF80]  }
0x54: {  	v62 =	vadd.f32 v29, v10;
	v11 =	vadd.f32 v30, v13;
	v44 =	vld [tilespmem:s12+$0xFFFFFF90]  }
0x55: {  	v9 =	vadd.f32 v28, v12;
	v28 =	vmul.f32 v8, v8;
	v45 =	vmul.f32 v14, v14;
	v30 =	vld [tilespmem:s12+$0xFFFFFFA0]  }
0x56: {  	v13 =	vadd.f32 v33, v27;
	v15 =	vadd.f32 v31, v16;
	v31 =	vld [tilespmem:s12+$0xFFFFFFB0]  }
0x57: {  	v12 =	vadd.f32 v32, v18;
	v28 =	vadd.f32 v45, v28;
	v45 =	vld [tilespmem:s12+$0xFFFFFFC0]  }
0x58: {  	v60 =	vadd.f32 v17, v21;
	v47 =	vmul.f32 v62, v62;
	v46 =	vmul.f32 v9, v9;
	v48 =	vld [tilespmem:s12+$0xFFFFFFD0]  }
0x59: {  	v29 =	vadd.f32 v14, v8;
	v57 =	vadd.f32 v13, v12;
	v49 =	vld [tilespmem:s12+$0xFFFFFFE0]  }
0x5a: {  	v37 =	vadd.f32 v47, v46;
	v20, _, _ =	vpop (xrf2);
	v16 =	vadd.f32 v62, v9;
	v50 =	vld [tilespmem:s12+$0xFFFFFFF0]  }
0x5b: {  	v20 =	vmul.f32 $7.812500000e-03, v20;
	v0 =	vsub.f32 v0, v7;
	v27 =	vadd.f32 v15, v11;
	v46 =	vld [tilespmem:s2+$0x0]  }
0x5c: {  	s10 =	sadd.s32 $0x1, s10;
	v55 =	vmul.f32 v17, v17;
	v29 =	vadd.f32 v16, v29;
	v16 =	vadd.f32 v35, v19;
	v52 =	vld [tilespmem:s2+$0x10]  }
0x5d: {  	p1 =	sgt.s32 s10, $0xC8;
	v20 =	vsub.f32 v20, v36;
	v19 =	vadd.f32 v42, v23;
	v42 =	vmul.f32 v21, v21;
	v35 =	vld [tilespmem:s2+$0x20]  }
0x5e: {  	s10 =	simm.s32 @p1 $0x1;
	v58 =	vmul.f32 v63, v63;
	v59 =	vadd.f32 v16, v63;
	v27 =	vadd.f32 v57, v27;
	v54 =	vld [tilespmem:s2+$0x30]  }
0x5f: {  	s26 =	sshll.u32 s10, $0x9;
	v32 =	vmul.f32 v11, v11;
	v47 =	vld [tilespmem:s2+$0x40];
	v42 =	vadd.f32 v55, v42;
	v22 =	vadd.f32 v43, v24  }
0x60: {  	s25 =	sshra.s32 s26, $0x2;
	v53 =	vmul.f32 v16, v16;
	v56 =	vld [tilespmem:s2+$0x60];
	v10 =	vadd.f32 v1, v25;
	v24 =	vadd.f32 v2, v26  }
0x61: {  	v38 =	vadd.f32 v60, v59;
	v59 =	vld [tilespmem:s25+$0x15920];
	v25 =	vmul.f32 v19, v19;
	v26 =	vmul.f32 v22, v22  }
0x62: {  	v60 =	vld [tilespmem:s25+$0x15930];
	v1 =	vadd.f32 v53, v58;
	v61 =	vmul.f32 v10, v10;
	v57 =	vmul.f32 v24, v24  }
0x63: {  	v33 =	vmul.f32 v15, v15;
	v53 =	vld [tilespmem:s2+$0x50];
	v2 =	vadd.f32 v22, v19;
	v36 =	vadd.f32 v24, v10  }
0x64: {  	v51 =	vmul.f32 v13, v13;
	v58 =	vld [tilespmem:s2+$0x70];
	v25 =	vadd.f32 v26, v25;
	v39 =	vadd.f32 v57, v61  }
0x65: {  	v34 =	vmul.f32 v12, v12;
	s24 =	sadd.s32 $0x1, s10;
	v1 =	vadd.f32 v42, v1;
	v26 =	vadd.f32 v33, v32;
	v32 =	vld [tilespmem:s25+$0x15900]  }
0x66: {  	p1 =	sgt.s32 s24, $0xC8;
	v57 =	vld [tilespmem:s25+$0x15910];
	v2 =	vadd.f32 v36, v2;
	v25 =	vadd.f32 v39, v25  }
0x67: {  	v28 =	vadd.f32 v37, v28;
	s24 =	simm.s32 @p1 $0x1;
	v33 =	vadd.f32 v51, v34;
	v61 =	vld [tilespmem:s25+$0x15940]  }
0x68: {  	s28 =	sshll.u32 s24, $0x9;
	v2 =	vadd.f32 v2, v38;
	v38 =	vadd.f32 v25, v1;
	v1 =	vld [tilespmem:s25+$0x15950];
	[tilespmem:$0x1FF30] =	vst v0  }
0x69: {  	v20 =	vadd.f32 $9.999999740e-06, v20;
	s10 =	sshra.s32 s28, $0x2;
	v26 =	vadd.f32 v33, v26;
	v0 =	vld [tilespmem:s25+$0x15960]  }
0x6a: {  	v27 =	vadd.f32 v27, v29;
	v29 =	vadd.f32 v59, v35;
	v40 =	vld [tilespmem:s10+$0x15900]  }
0x6b: {  	v28 =	vadd.f32 v26, v28;
	v25 =	vadd.f32 v32, v46;
	v43 =	vld [tilespmem:s10+$0x15910]  }
0x6c: {  	v26 =	vadd.f32 v60, v54;
	v32 =	vadd.f32 v57, v52;
	v36 =	vld [tilespmem:s25+$0x15970]  }
0x6d: {  	v33 =	vadd.f32 v61, v47;
	v57 =	vmul.f32 v29, v29;
	v59 =	vld [tilespmem:s10+$0x15920];
	v39 =	vmul.f32 v25, v25  }
0x6e: {  	v60 =	vld [tilespmem:s10+$0x15930];
	v52 =	vadd.f32 v32, v25;
	v41 =	vmul.f32 v32, v32;
	v34 =	vadd.f32 v1, v53  }
0x6f: {  	v47 =	vmul.f32 v26, v26;
	v1 =	vadd.f32 v26, v29;
	v23 =	vadd.f32 v40, v3  }
0x70: {  	v54 =	vadd.f32 v41, v39;
	v39 =	vadd.f32 v43, v44  }
0x71: {  	v53 =	vadd.f32 v47, v57;
	v35 =	vadd.f32 v0, v56;
	v0 =	vld [tilespmem:s10+$0x15940];
	[tilespmem:$0x1FF90] =	vst v23  }
0x72: {  	v37 =	vadd.f32 v36, v58;
	v42 =	vadd.f32 v59, v30;
	v3 =	vld [tilespmem:s10+$0x15950];
	[tilespmem:$0x1FFB0] =	vst v39  }
0x73: {  	(xrf2) =	vadd.scan.msk.f32 $0xffff, v27;
	v18 =	vadd.f32 v60, v31;
	v58 =	vadd.f32 v34, v33;
	v41 =	vld [tilespmem:s10+$0x15960]  }
0x74: {  	v51 =	vadd.f32 v1, v52;
	v1 =	vadd.f32 v37, v35;
	v30 =	vld [tilespmem:s10+$0x15970]  }
0x75: {  	v43 =	vmul.f32 v23, v23;
	v27 =	vadd.f32 v39, v23;
	v31 =	vmul.f32 v39, v39  }
0x76: {  	v56 =	vmul.f32 v33, v33;
	v39 =	vadd.f32 v18, v42;
	v57 =	vadd.f32 v1, v58  }
0x77: {  	v60 =	vmul.f32 v42, v42;
	v31 =	vadd.f32 v31, v43;
	v0 =	vadd.f32 v0, v45  }
0x78: {  	(xrf2) =	vadd.scan.msk.f32 $0xffff, v2;
	v40 =	vmul.f32 v18, v18;
	v27 =	vadd.f32 v39, v27;
	v1 =	vadd.f32 v3, v48  }
0x79: {  	[tilespmem:$0x1FFF0] =	vst v18;
	v18 =	vadd.f32 v41, v49;
	v41 =	vmul.f32 v0, v0;
	v2 =	vadd.f32 v30, v50  }
0x7a: {  	[tilespmem:$0x1FFD0] =	vst v42;
	v45 =	vadd.f32 v40, v60;
	v30 =	vadd.f32 v1, v0;
	v42 =	vmul.f32 v1, v1  }
0x7b: {  	(xrf2) =	vadd.scan.msk.f32 $0xffff, v38;
	v43 =	vmul.f32 v18, v18;
	v46 =	vadd.f32 v2, v18;
	v47 =	vmul.f32 v2, v2  }
0x7c: {  	v61 =	vmul.f32 v34, v34;
	[tilespmem:$0x1FEC0] =	vst v0;
	v0 =	vsub.f32 v6, v7;
	v49 =	vadd.f32 v42, v41  }
0x7d: {  	(xrf2) =	vadd.scan.msk.f32 $0xffff, v28;
	v52 =	vmul.f32 v35, v35;
	v28 =	vadd.f32 v46, v30;
	v30 =	vadd.f32 v47, v43;
	v41, _, _ =	vpop (xrf2)  }
0x7e: {  	v51 =	vadd.f32 v57, v51;
	[tilespmem:$0x1FF40] =	vst v0;
	v0 =	vsub.f32 v4, v7;
	v6 =	vmul.f32 $7.812500000e-03, v41  }
0x7f: {  	v60 =	vmul.f32 v37, v37;
	v27 =	vadd.f32 v28, v27;
	v28 =	vadd.f32 v30, v49  }
0x80: {  	v30 =	vadd.f32 v53, v54;
	v54 =	vsub.f32 v5, v7;
	v5 =	vbroadcast v6, $0xF  }
0x81: {  	v20 =	vbroadcast v20, $0xF;
	v56 =	vadd.f32 v61, v56;
	v61 =	vadd.f32 v60, v52;
	[tilespmem:$0x1FED0] =	vst v1  }
0x82: {  	v31 =	vadd.f32 v45, v31;
	(xrf2) =	vadd.scan.msk.f32 $0xffff, v51;
	[tilespmem:$0x1FF50] =	vst v0;
	v0 =	vsub.f32 v8, v5  }
0x83: {  	s10 =	simm.s32 $0x1C80;
	v38 =	vadd.f32 v61, v56;
	[tilespmem:$0x1FEE0] =	vst v2  }
0x84: {  	v60 =	vld [tilespmem:s10+$0xFFFFFF80];
	v28 =	vadd.f32 v28, v31;
	(xrf2) =	vadd.scan.msk.f32 $0xffff, v27;
	[tilespmem:$0x1FF60] =	vst v0;
	v0 =	vsub.f32 v14, v5  }
0x85: {  	v58 =	vmul.f32 $5.000000000e-01, v20;
	v40 =	vshra.s32 v20, $0x1  }
0x86: {  	v20, _, _ =	vpop (xrf2);
	v4 =	vadd.f32 v38, v30;
	(xrf2) =	vadd.scan.msk.f32 $0xffff, v28;
	[tilespmem:$0x1FF80] =	vst v0;
	v0 =	vsub.f32 v9, v5  }
0x87: {  	v20 =	vmul.f32 $7.812500000e-03, v20  }
0x88: {  	v6 =	vmul.f32 v6, v6;
	v8, _, _ =	vpop (xrf2);
	(xrf2) =	vadd.scan.msk.f32 $0xffff, v4;
	v46 =	vld [tilespmem:s10+$0xFFFFFF90];
	[tilespmem:$0x1FFC0] =	vst v0;
	v0 =	vsub.f32 v62, v5  }
0x89: {  	v7 =	vmul.f32 v20, v20;
	v2 =	vsub.f32 v11, v5;
	v8 =	vmul.f32 $7.812500000e-03, v8  }
0x8a: {  	v31 =	vsub.f32 v12, v5;
	v30 =	vsub.f32 v13, v5;
	v4 =	vbroadcast v20, $0xF;
	[tilespmem:$0x1FFE0] =	vst v0  }
0x8b: {  	v3 =	vmov v18;
	v28 =	vsub.f32 v15, v5;
	v18 =	vsub.f32 v8, v7;
	v9, _, _ =	vpop (xrf2);
	v61 =	vld [tilespmem:s10+$0xFFFFFFA0]  }
0x8c: {  	v20 =	vsub.f32 v63, v4;
	v27 =	vsub.f32 v16, v4;
	v7 =	vmul.f32 $7.812500000e-03, v9;
	v5, _, _ =	vpop (xrf2);
	v43 =	vld [tilespmem:s12+$0x0]  }
0x8d: {  	v12 =	vsub.f32 v21, v4;
	v17 =	vsub.f32 v17, v4;
	v5 =	vmul.f32 $7.812500000e-03, v5;
	v23 =	vld [tilespmem:s12+$0x10]  }
0x8e: {  	s24 =	sadd.s32 $0x1, s24;
	v42 =	vsub.s32 $0x5F3759DF, v40;
	v13 =	vsub.f32 v19, v4;
	v45 =	vsub.f32 v7, v6;
	v44 =	vld [tilespmem:s12+$0x20];
	v6, _, _ =	vpop (xrf2)  }
0x8f: {  	p1 =	sgt.s32 s24, $0xC8;
	v16 =	vsub.f32 v22, v4;
	v21 =	vld [tilespmem:s12+$0x30];
	v19 =	vbroadcast v5, $0xF;
	v1 =	vmul.f32 $7.812500000e-03, v6  }
0x90: {  	s24 =	simm.s32 @p1 $0x1;
	v8 =	vmul.f32 v42, v58;
	v10 =	vsub.f32 v10, v4;
	v9 =	vsub.f32 v24, v4;
	v47 =	vld [tilespmem:s12+$0x40];
	v7, _, _ =	vpop (xrf2)  }
0x91: {  	s29 =	sshll.u32 s24, $0x9;
	v22 =	vld [tilespmem:s12+$0x50];
	v4 =	vsub.f32 v29, v19;
	v48 =	vmul.f32 v1, v1;
	v29 =	vmul.f32 $7.812500000e-03, v7  }
0x92: {  	s25 =	sshra.s32 s29, $0x2;
	v24 =	vmul.f32 v42, v8;
	v51 =	vadd.f32 $9.999999740e-06, v18;
	v15 =	vld [tilespmem:s12+$0x60];
	v7 =	vsub.f32 v26, v19;
	v26, _, _ =	vpop (xrf2)  }
0x93: {  	v11 =	vld [tilespmem:s25+$0x15910];
	v49 =	vmul.f32 v5, v5;
	v26 =	vmul.f32 $7.812500000e-03, v26;
	v0 =	vsub.f32 v29, v48  }
0x94: {  	v50 =	vsub.f32 $1.500000000e+00, v24;
	v6 =	vsub.f32 v25, v19;
	v25 =	vld [tilespmem:s25+$0x15900]  }
0x95: {  	v14 =	vld [tilespmem:s25+$0x15920];
	v8 =	vsub.f32 v32, v19;
	[tilespmem:$0x1FF70] =	vst v0;
	v0 =	vsub.f32 v26, v49  }
0x96: {  	v5 =	vsub.f32 v33, v19;
	v34 =	vsub.f32 v34, v19;
	v29 =	vld [tilespmem:s25+$0x15930]  }
0x97: {  	s24 =	sadd.s32 $0x1, s24;
	v33 =	vsub.f32 v35, v19;
	v32 =	vsub.f32 v37, v19;
	v19 =	vld [tilespmem:s25+$0x15940];
	[tilespmem:$0x1FFA0] =	vst v0  }
0x98: {  	p1 =	sgt.s32 s24, $0xC8;
	v39 =	vmul.f32 v42, v50;
	v26 =	vld [tilespmem:s25+$0x15950]  }
0x99: {  	s24 =	simm.s32 @p1 $0x1;
	v52 =	vadd.f32 $9.999999740e-06, v45;
	v37 =	vbroadcast v51, $0xF;
	v24 =	vadd.f32 v25, v43;
	v25 =	vld [tilespmem:s25+$0x15960]  }
0x9a: {  	s26 =	sshll.u32 s24, $0x9;
	v41 =	vmul.f32 v39, v58;
	v23 =	vadd.f32 v11, v23  }
0x9b: {  	s26 =	sshra.s32 s26, $0x2;
	v38 =	vbroadcast v52, $0xF;
	v50 =	vmul.f32 $5.000000000e-01, v37  }
0x9c: {  	v41 =	vmul.f32 v41, v39;
	v18 =	vadd.f32 v14, v44;
	v53 =	vmul.f32 v23, v23;
	v40 =	vld [tilespmem:s26+$0x15900]  }
0x9d: {  	v58 =	vld [tilespmem:s26+$0x15910];
	v11 =	vadd.f32 v29, v21;
	v29 =	vmul.f32 v24, v24;
	v14 =	vadd.f32 v19, v47  }
0x9e: {  	v43 =	vmul.f32 $5.000000000e-01, v38;
	v19 =	vadd.f32 v26, v22;
	v15 =	vadd.f32 v25, v15  }
0x9f: {  	v0 =	vld [tilespmem:$0x1FEF0];
	v63 =	vadd.f32 v53, v29;
	v25 =	vshra.s32 v37, $0x1;
	v29 =	vshra.s32 v38, $0x1  }
0xa0: {  	v55 =	vld [tilespmem:s26+$0x15920];
	v26 =	vadd.f32 v23, v24;
	v22 =	vadd.f32 v11, v18;
	v37 =	vsub.s32 $0x5F3759DF, v29  }
0xa1: {  	v49 =	vld [tilespmem:s10+$0xFFFFFFD0];
	v29 =	vsub.s32 $0x5F3759DF, v25;
	v25 =	vadd.f32 v40, v60;
	v53 =	vmul.f32 v37, v43  }
0xa2: {  	v60 =	vadd.f32 v22, v26;
	v26 =	vadd.f32 v58, v46;
	v46 =	vld [tilespmem:s26+$0x15950]  }
0xa3: {  	v41 =	vsub.f32 $1.500000000e+00, v41;
	v40 =	vmul.f32 v37, v53  }
0xa4: {  	v48 =	vmul.f32 v11, v11;
	v58 =	vmul.f32 v18, v18  }
0xa5: {  	v39 =	vmul.f32 v41, v39;
	v40 =	vsub.f32 $1.500000000e+00, v40  }
0xa6: {  	v22 =	vadd.f32 v55, v61;
	v61 =	vadd.f32 v48, v58  }
0xa7: {  	v48 =	vmul.f32 v37, v40;
	v37 =	vadd.f32 v46, v49;
	v49 =	vmul.f32 v39, v0;
	v0 =	vld [tilespmem:$0x1FF00];
	_ =	sdelay $0x1  }
0xa8: {  	v59 =	vld [tilespmem:s12+$0x70]  }
0xa9: {  	v47 =	vld [tilespmem:s10+$0xFFFFFFC0]  }
0xaa: {  	v38 =	vld [tilespmem:s26+$0x15940]  }
0xab: {  	v51 =	vmul.f32 v39, v0;
	v0 =	vld [tilespmem:$0x1FF10]  }
0xac: {  	v21 =	vld [tilespmem:s25+$0x15970]  }
0xad: {  	v62 =	vld [tilespmem:s10+$0xFFFFFFB0];
	v52 =	vmul.f32 v29, v50  }
0xae: {  	v44 =	vld [tilespmem:s26+$0x15930]  }
0xaf: {  	v45 =	vld [tilespmem:s26+$0x15960];
	v35 =	vmul.f32 v29, v52  }
0xb0: {  	v38 =	vadd.f32 v38, v47;
	v47 =	vmul.f32 v39, v0;
	v0 =	vld [tilespmem:$0x1FF20]  }
0xb1: {  	v21 =	vadd.f32 v21, v59;
	v59 =	vld [tilespmem:s10+$0xFFFFFFE0];
	v55 =	vsub.f32 $1.500000000e+00, v35  }
0xb2: {  	v36 =	vld [tilespmem:s10+$0xFFFFFFF0]  }
0xb3: {  	v52 =	vmul.f32 v29, v55;
	v29 =	vadd.f32 v44, v62;
	v40 =	vld [tilespmem:s26+$0x15970]  }
0xb4: {  	v56 =	vadd.f32 v19, v14;
	v57 =	vadd.f32 v21, v15;
	v44 =	vmul.f32 v22, v22  }
0xb5: {  	v46 =	vmul.f32 v29, v29;
	v58 =	vmul.f32 v39, v0;
	v0 =	vld [tilespmem:$0x1FF30]  }
0xb6: {  	v57 =	vadd.f32 v57, v56;
	v35 =	vadd.f32 v45, v59  }
0xb7: {  	v59 =	vmul.f32 v38, v38;
	v56 =	vmul.f32 v37, v37;
	v46 =	vadd.f32 v46, v44  }
0xb8: {  	v44 =	vmul.f32 v14, v14;
	v36 =	vadd.f32 v40, v36;
	v40 =	vmul.f32 v19, v19;
	_ =	sdelay $0x1  }
0xb9: {  	v59 =	vadd.f32 v56, v59;
	v56 =	vadd.f32 v40, v44;
	v44 =	vmul.f32 v39, v0;
	v0 =	vld [tilespmem:$0x1FF40];
	_ =	sdelay $0x1  }
0xba: {  	[tilespmem:s8+$0xFFFFFF80] =	vst v49  }
0xbb: {  	v53 =	vadd.f32 v26, v25;
	v62 =	vadd.f32 v29, v22;
	[tilespmem:s8+$0xFFFFFF90] =	vst v51  }
0xbc: {  	[tilespmem:s8+$0xFFFFFFA0] =	vst v47  }
0xbd: {  	v53 =	vadd.f32 v62, v53;
	v62 =	vmul.f32 v39, v0;
	v0 =	vld [tilespmem:$0x1FF50]  }
0xbe: {  	v54 =	vmul.f32 v39, v54;
	[tilespmem:s8+$0xFFFFFFB0] =	vst v58  }
0xbf: {  	v45 =	vmul.f32 v48, v43;
	[tilespmem:s8+$0xFFFFFFC0] =	vst v44  }
0xc0: {  	[tilespmem:s8+$0xFFFFFFE0] =	vst v54  }
0xc1: {  	v45 =	vmul.f32 v45, v48;
	[tilespmem:s8+$0xFFFFFFD0] =	vst v62  }
0xc2: {  	v47 =	vmul.f32 v39, v0;
	v0 =	vld [tilespmem:$0x1FF60]  }
0xc3: {  	v41 =	vmul.f32 v25, v25;
	v42 =	vmul.f32 v26, v26;
	v45 =	vsub.f32 $1.500000000e+00, v45  }
0xc4: {  	v50 =	vmul.f32 v52, v50  }
0xc5: {  	v55 =	vadd.f32 v42, v41;
	v43 =	vadd.f32 v37, v38;
	v45 =	vmul.f32 v45, v48  }
0xc6: {  	v50 =	vmul.f32 v50, v52;
	v41 =	vadd.f32 v36, v35;
	v42 =	vmul.f32 v36, v36  }
0xc7: {  	v48 =	vadd.f32 v57, v60;
	v51 =	vmul.f32 v35, v35;
	v60 =	vmul.f32 v45, v0;
	v0 =	vld [tilespmem:$0x1FF70]  }
0xc8: {  	v50 =	vsub.f32 $1.500000000e+00, v50  }
0xc9: {  	v58 =	vadd.f32 v41, v43;
	v41 =	vadd.f32 v42, v51;
	_ =	sdelay $0x1  }
0xca: {  	v39 =	vmul.f32 v50, v52;
	v50 =	vadd.f32 v41, v59;
	[tilespmem:s8+$0xFFFFFFF0] =	vst v47  }
0xcb: {  	v59 =	vadd.f32 v61, v63;
	v61 =	vadd.f32 $9.999999740e-06, v0;
	v0 =	vld [tilespmem:$0x1FF80];
	_ =	sdelay $0x4  }
0xcc: {  	v62 =	vmul.f32 v45, v0;
	v0 =	vld [tilespmem:$0x1FF90]  }
0xcd: {  	v40 =	vmul.f32 v21, v21;
	v49 =	vmul.f32 v15, v15;
	_ =	sdelay $0x1  }
0xce: {  	v49 =	vadd.f32 v40, v49;
	v40 =	vbroadcast v1, $0xF;
	_ =	sdelay $0x1  }
0xcf: {  	v43 =	vsub.f32 v0, v40;
	v0 =	vld [tilespmem:$0x1FFA0];
	_ =	sdelay $0x3  }
0xd0: {  	[tilespmem:s8+$0x0] =	vst v60  }
0xd1: {  	v63 =	vadd.f32 $9.999999740e-06, v0;
	v0 =	vld [tilespmem:$0x1FFB0];
	_ =	sdelay $0x4  }
0xd2: {  	v42 =	vsub.f32 v0, v40;
	v0 =	vld [tilespmem:$0x1FFC0];
	_ =	sdelay $0x3  }
0xd3: {  	[tilespmem:s8+$0x10] =	vst v62  }
0xd4: {  	v57 =	vmul.f32 v45, v0;
	v0 =	vld [tilespmem:$0x1FFD0];
	_ =	sdelay $0x4  }
0xd5: {  	v41 =	vsub.f32 v0, v40;
	v0 =	vld [tilespmem:$0x1FFE0];
	_ =	sdelay $0x3  }
0xd6: {  	v44 =	vbroadcast v61, $0xF;
	v61 =	vmul.f32 v45, v2  }
0xd7: {  	[tilespmem:s8+$0x20] =	vst v57;
	v60 =	vmul.f32 v45, v0  }
0xd8: {  	[tilespmem:s8+$0x40] =	vst v61  }
0xd9: {  	[tilespmem:s8+$0x30] =	vst v60  }
0xda: {  	v0 =	vld [tilespmem:$0x1FFF0]  }
0xdb: {  	v46 =	vadd.f32 v46, v55;
	v51 =	vbroadcast v63, $0xF  }
0xdc: {  	v58 =	vadd.f32 v58, v53;
	v47 =	vadd.f32 v49, v56;
	v55 =	vmul.f32 $5.000000000e-01, v44  }
0xdd: {  	v63 =	vshra.s32 v51, $0x1;
	v54 =	vmul.f32 $5.000000000e-01, v51;
	v62 =	vshra.s32 v44, $0x1  }
0xde: {  	v51 =	vadd.f32 v50, v46;
	v52 =	vsub.s32 $0x5F3759DF, v63;
	v53 =	vsub.s32 $0x5F3759DF, v62  }
0xdf: {  	s25 =	simm.s32 $0x6;
	s26 =	simm.s32 $0x1D80;
	(xrf2) =	vadd.scan.msk.f32 $0xffff, v48;
	v49 =	vmul.f32 v52, v54;
	v50 =	vmul.f32 v53, v55;
	v44 =	vsub.f32 v0, v40  }
.LBB2_3:
0xe0: {  	v0 =	vld [tilespmem:$0x1FEC0]  }
0xe1: {  	v1 =	vld [tilespmem:$0x1FED0]  }
0xe2: {  	v2 =	vld [tilespmem:$0x1FEE0];
	_ =	sdelay $0x1  }
0xe3: {  	v46 =	vld [tilespmem:s26+$0xFFFFFF80];
	v60 =	vmul.f32 v39, v20;
	v57 =	vadd.f32 v47, v59  }
0xe4: {  	v48 =	vld [tilespmem:s26+$0xFFFFFFA0];
	v63 =	vmul.f32 v53, v50;
	v59 =	vsub.f32 v3, v40;
	v56 =	vsub.f32 v0, v40  }
0xe5: {  	v47 =	vld [tilespmem:s26+$0xFFFFFF90];
	(xrf2) =	vadd.scan.msk.f32 $0xffff, v58;
	v0 =	vmul.f32 v45, v28;
	v58 =	vsub.f32 v1, v40;
	v1 =	vmul.f32 v52, v49  }
0xe6: {  	v3 =	vmul.f32 v45, v30;
	v50 =	vld [tilespmem:s26+$0xFFFFFFC0];
	v40 =	vsub.f32 v2, v40;
	v2 =	vsub.f32 $1.500000000e+00, v63  }
0xe7: {  	(xrf2) =	vadd.scan.msk.f32 $0xffff, v51;
	v51 =	vld [tilespmem:s26+$0xFFFFFFD0];
	[tilespmem:s8+$0x50] =	vst v0;
	v0 =	vmul.f32 v45, v31;
	v1 =	vsub.f32 $1.500000000e+00, v1  }
0xe8: {  	v61 =	vmul.f32 v39, v27;
	[tilespmem:s8+$0x70] =	vst v3;
	v28 =	vmov v34;
	v49 =	vld [tilespmem:s26+$0xFFFFFFB0];
	v34 =	vmul.f32 v53, v2  }
0xe9: {  	v20 =	vmov v43;
	v2 =	vmul.f32 v39, v12;
	v53 =	vld [tilespmem:s26+$0xFFFFFFF0];
	[tilespmem:s8+$0x60] =	vst v0;
	v43 =	vmul.f32 v52, v1;
	s8 =	smov.u32 s2  }
0xea: {  	(xrf2) =	vadd.scan.msk.f32 $0xffff, v57;
	s2 =	smov.u32 s12;
	s12 =	smov.u32 s10;
	v52 =	vld [tilespmem:s26+$0xFFFFFFE0];
	v1 =	vmul.f32 v39, v17;
	v62 =	vmul.f32 v34, v55;
	v57, _, _ =	vpop (xrf2);
	[tilespmem:s8+$0xFFFFFF80] =	vst v60  }
0xeb: {  	v27 =	vmovc v42;
	v55 =	vmovc v37;
	[tilespmem:s8+$0xFFFFFF90] =	vst v61;
	v37 =	vld [tilespmem:s12+$0x0];
	v0 =	vmov v38;
	v63 =	vmul.f32 v43, v54;
	v38 =	vmul.f32 $7.812500000e-03, v57  }
0xec: {  	v30 =	vmovc v32;
	v3 =	vmov v35;
	[tilespmem:s8+$0xFFFFFFA0] =	vst v2;
	v2 =	vmul.f32 v39, v13;
	v35 =	vld [tilespmem:s12+$0x20];
	v32 =	vmul.f32 v62, v34  }
0xed: {  	v31 =	vmovc v33;
	v12 =	vmovc v41;
	v17 =	vmov v44;
	[tilespmem:$0x1FED0] =	vst v55;
	v55 =	vld [tilespmem:s12+$0x30];
	v33 =	vmul.f32 v63, v43;
	v44 =	vbroadcast v38, $0xF  }
0xee: {  	s24 =	sadd.s32 $0x1, s24;
	v60 =	vmul.f32 v39, v16;
	v13 =	vmovc v56;
	v16 =	vmovc v58;
	v61 =	vmul.f32 v39, v10;
	v56 =	vld [tilespmem:s12+$0x40];
	v32 =	vsub.f32 $1.500000000e+00, v32  }
0xef: {  	p2 =	sgt.s32 s24, $0xC8;
	v58 =	vld [tilespmem:s12+$0x60];
	[tilespmem:s8+$0xFFFFFFB0] =	vst v1;
	v62, _, _ =	vpop (xrf2);
	v63 =	vmul.f32 v39, v9;
	v33 =	vsub.f32 $1.500000000e+00, v33;
	v24 =	vsub.f32 v24, v44  }
0xf0: {  	s24 =	simm.s32 @p2 $0x1;
	v10 =	vmovc v59;
	v59 =	vld [tilespmem:s12+$0x70];
	[tilespmem:$0x1FEC0] =	vst v0;
	v41 =	vmul.f32 $7.812500000e-03, v62;
	v23 =	vsub.f32 v23, v44;
	v18 =	vsub.f32 v18, v44  }
0xf1: {  	s28 =	sshll.u32 s24, $0x9;
	v54 =	vld [tilespmem:s12+$0x10];
	[tilespmem:s8+$0xFFFFFFC0] =	vst v2;
	v42, _, _ =	vpop (xrf2);
	v39 =	vmul.f32 v32, v34;
	v11 =	vsub.f32 v11, v44;
	v45 =	vmul.f32 v33, v43  }
0xf2: {  	s29 =	sshra.s32 s28, $0x2;
	v57 =	vld [tilespmem:s12+$0x50];
	[tilespmem:s8+$0xFFFFFFD0] =	vst v60;
	v14 =	vsub.f32 v14, v44;
	v33 =	vmul.f32 v41, v41;
	v43 =	vmul.f32 $7.812500000e-03, v42  }
0xf3: {  	v60 =	vld [tilespmem:s29+$0x15900];
	v9 =	vmovc v40;
	v0 =	vmovc v36;
	v34 =	vsub.f32 v19, v44;
	v40 =	vbroadcast v41, $0xF;
	v19 =	vmul.f32 v45, v6  }
0xf4: {  	v36 =	vld [tilespmem:s29+$0x15910];
	v32 =	vsub.f32 v21, v44;
	v6 =	vmovc v24;
	v24 =	vsub.f32 v43, v33;
	v62 =	vmul.f32 v45, v8  }
0xf5: {  	v38 =	vmul.f32 v38, v38;
	v33 =	vsub.f32 v15, v44;
	v43 =	vsub.f32 v25, v40;
	v25 =	vld [tilespmem:s29+$0x15920];
	[tilespmem:s8+$0x0] =	vst v19  }
0xf6: {  	s24 =	sadd.s32 $0x1, s24;
	v15, _, _ =	vpop (xrf2);
	v8 =	vmov v23;
	v23 =	vmul.f32 v45, v4;
	v19 =	vadd.f32 $9.999999740e-06, v24;
	v21 =	vld [tilespmem:s29+$0x15930];
	[tilespmem:s8+$0x10] =	vst v62  }
0xf7: {  	p2 =	sgt.s32 s24, $0xC8;
	[tilespmem:s8+$0xFFFFFFE0] =	vst v61;
	v41 =	vsub.f32 v22, v40;
	v4 =	vmovc v18;
	v18 =	vmul.f32 v45, v7;
	v15 =	vmul.f32 $7.812500000e-03, v15;
	v22 =	vld [tilespmem:s29+$0x15940]  }
0xf8: {  	s24 =	simm.s32 @p2 $0x1;
	v42 =	vsub.f32 v26, v40;
	v44 =	vsub.f32 v29, v40;
	v61 =	vbroadcast v19, $0xF;
	v19 =	vld [tilespmem:s29+$0x15950];
	[tilespmem:s8+$0x20] =	vst v23  }
0xf9: {  	s11 =	sshll.u32 s24, $0x9;
	v24 =	vadd.f32 v60, v37;
	v15 =	vsub.f32 v15, v38;
	v26 =	vld [tilespmem:s29+$0x15960];
	[tilespmem:s8+$0x30] =	vst v18  }
0xfa: {  	s28 =	sshra.s32 s11, $0x2;
	[tilespmem:s8+$0xFFFFFFF0] =	vst v63;
	v29 =	vmul.f32 v45, v5;
	v23 =	vadd.f32 v36, v54;
	v18 =	vadd.f32 v25, v35;
	v25 =	vld [tilespmem:s29+$0x15970]  }
0xfb: {  	v7 =	vmovc v11;
	v63 =	vmul.f32 v24, v24;
	v36 =	vld [tilespmem:s28+$0x15900];
	v15 =	vadd.f32 $9.999999740e-06, v15;
	v60 =	vshra.s32 v61, $0x1  }
0xfc: {  	v37 =	vadd.f32 v23, v24;
	[tilespmem:s8+$0x40] =	vst v29;
	v29 =	vld [tilespmem:s28+$0x15910];
	v38 =	vmul.f32 v18, v18;
	v11 =	vadd.f32 v21, v55  }
0xfd: {  	v5 =	vmovc v14;
	v35 =	vld [tilespmem:s28+$0x15940];
	v21 =	vmul.f32 v23, v23;
	v14 =	vadd.f32 v22, v56;
	v19 =	vadd.f32 v19, v57  }
0xfe: {  	v54 =	vbroadcast v15, $0xF;
	v22 =	vld [tilespmem:s28+$0x15920];
	v55 =	vadd.f32 v11, v18;
	v15 =	vadd.f32 v26, v58  }
0xff: {  	v57 =	vld [tilespmem:s28+$0x15930];
	v56 =	vmul.f32 v11, v11;
	v62 =	vadd.f32 v21, v63;
	v21 =	vadd.f32 v25, v59  }
0x100: {  	v58 =	vmul.f32 v14, v14;
	v59 =	vadd.f32 v19, v14;
	v25 =	vadd.f32 v36, v46  }
0x101: {  	v63 =	vmul.f32 v19, v19;
	v36 =	vld [tilespmem:s28+$0x15950];
	v26 =	vadd.f32 v29, v47;
	v46 =	vadd.f32 v55, v37  }
0x102: {  	v47 =	vld [tilespmem:s28+$0x15960];
	v55 =	vmul.f32 v15, v15;
	v56 =	vadd.f32 v56, v38;
	v38 =	vadd.f32 v35, v50  }
0x103: {  	[tilespmem:$0x1FEE0] =	vst v0;
	v37 =	vadd.f32 v21, v15;
	v0 =	vmul.f32 v21, v21;
	v22 =	vadd.f32 v22, v48;
	v48 =	vld [tilespmem:s28+$0x15970]  }
0x104: {  	v1 =	vmul.f32 v25, v25;
	v29 =	vadd.f32 v57, v49;
	v49 =	vadd.f32 v26, v25  }
0x105: {  	v57 =	vmul.f32 v26, v26;
	v59 =	vadd.f32 v37, v59;
	v0 =	vadd.f32 v0, v55  }
0x106: {  	v55 =	vmul.f32 $5.000000000e-01, v61;
	v50 =	vmul.f32 v22, v22;
	v37 =	vadd.f32 v36, v51  }
0x107: {  	v51 =	vadd.f32 v29, v22;
	v2 =	vmul.f32 v29, v29;
	v35 =	vadd.f32 v47, v52  }
0x108: {  	v47 =	vmul.f32 v38, v38;
	v1 =	vadd.f32 v57, v1;
	v36 =	vadd.f32 v48, v53  }
0x109: {  	v57 =	vmul.f32 v37, v37;
	v49 =	vadd.f32 v51, v49;
	v51 =	vmul.f32 v35, v35  }
0x10a: {  	s25 =	sadd.s32 $0x2, s25;
	v2 =	vadd.f32 v2, v50;
	v48 =	vadd.f32 v37, v38;
	v53 =	vmul.f32 v36, v36  }
0x10b: {  	p1 =	slt.u32 s25, $0x7E;
	v52 =	vshra.s32 v54, $0x1;
	v47 =	vadd.f32 v57, v47;
	v50 =	vadd.f32 v36, v35  }
.Ltmp0:
0x10c: {  	v54 =	vmul.f32 $5.000000000e-01, v54;
	v57 =	vadd.f32 v63, v58;
	v63 =	vadd.f32 v53, v51;
	(pc) =	sbr.rel @p1 .LBB2_3-.Ltmp0, $4  }
0x10d: {  	v52 =	vsub.s32 $0x5F3759DF, v52;
	v1 =	vadd.f32 v2, v1;
	v48 =	vadd.f32 v50, v48  }
0x10e: {  	v2 =	vadd.f32 v59, v46;
	v53 =	vsub.s32 $0x5F3759DF, v60;
	v63 =	vadd.f32 v63, v47  }
0x10f: {  	v59 =	vadd.f32 v56, v62;
	v50 =	vmul.f32 v53, v55;
	v58 =	vadd.f32 v48, v49  }
0x110: {  	s10 =	smov.u32 s26;
	s26 =	sadd.s32 $0x100, s26;
	(xrf2) =	vadd.scan.msk.f32 $0xffff, v2;
	v47 =	vadd.f32 v0, v57;
	v49 =	vmul.f32 v52, v54;
	v51 =	vadd.f32 v63, v1  }
0x111: {  	(xrf2) =	vadd.scan.msk.f32 $0xffff, v58  }
0x112: {  	(xrf2) =	vadd.scan.msk.f32 $0xffff, v51;
	_ =	sdelay $0x1  }
0x113: {  	v0 =	vadd.f32 v47, v59  }
0x114: {  	v57 =	vld [tilespmem:s10+$0x10]  }
0x115: {  	v56 =	vld [tilespmem:s10+$0x20];
	(xrf2) =	vadd.scan.msk.f32 $0xffff, v0  }
0x116: {  	s24 =	sadd.s32 $0x1, s24;
	v62 =	vld [tilespmem:s10+$0x30]  }
0x117: {  	v61 =	vld [tilespmem:s10+$0x50];
	p1 =	sgt.s32 s24, $0xC8  }
0x118: {  	v58 =	vld [tilespmem:s10+$0x60];
	s24 =	simm.s32 @p1 $0x1  }
0x119: {  	v51 =	vld [tilespmem:s10+$0x0];
	s25 =	sshll.u32 s24, $0x9;
	v46, _, _ =	vpop (xrf2)  }
0x11a: {  	v59 =	vld [tilespmem:s10+$0x40];
	s25 =	sshra.s32 s25, $0x2;
	v0, _, _ =	vpop (xrf2)  }
0x11b: {  	v47 =	vld [tilespmem:s25+$0x15900];
	[tilespmem:$0x1FD50] =	vst v0;
	v0 =	vmul.f32 $7.812500000e-03, v46;
	v1, _, _ =	vpop (xrf2)  }
0x11c: {  	v60 =	vld [tilespmem:s25+$0x15910];
	[tilespmem:$0x1FD60] =	vst v1  }
0x11d: {  	[tilespmem:$0x1FD70] =	vst v0  }
0x11e: {  	v46 =	vld [tilespmem:s25+$0x15920]  }
0x11f: {  	v48, _, _ =	vpop (xrf2);
	v63 =	vld [tilespmem:s25+$0x15930]  }
0x120: {  	v0 =	vmul.f32 v0, v0;
	v48 =	vmul.f32 $7.812500000e-03, v48;
	v1 =	vld [tilespmem:s25+$0x15940]  }
0x121: {  	v2 =	vld [tilespmem:s25+$0x15950]  }
0x122: {  	v50 =	vmul.f32 v53, v50;
	v0 =	vsub.f32 v48, v0  }
0x123: {  	v30 =	vmul.f32 v45, v30;
	v48 =	vadd.f32 v47, v51;
	v51 =	vld [tilespmem:s25+$0x15960];
	v47 =	vadd.f32 v60, v57  }
0x124: {  	v57 =	vld [tilespmem:s10+$0x70];
	v60 =	vmul.f32 v45, v31;
	v46 =	vadd.f32 v46, v56;
	v56 =	vmul.f32 v45, v28  }
0x125: {  	v28 =	vmul.f32 v52, v49;
	v49 =	vsub.f32 $1.500000000e+00, v50;
	v50 =	vld [tilespmem:s25+$0x15970];
	v45 =	vadd.f32 v63, v62  }
0x126: {  	v31 =	vadd.f32 v1, v59;
	v1 =	vadd.f32 v2, v61;
	v63 =	vmul.f32 v47, v47  }
0x127: {  	v61 =	vadd.f32 v47, v48;
	v53 =	vmul.f32 v53, v49;
	v49 =	vmul.f32 v48, v48  }
0x128: {  	v20 =	vmul.f32 v39, v20;
	v2 =	vsub.f32 $1.500000000e+00, v28;
	v62 =	vadd.f32 v45, v46  }
0x129: {  	v28 =	vadd.f32 v51, v58;
	v51 =	vadd.f32 v63, v49;
	v63 =	vmul.f32 v46, v46  }
0x12a: {  	[tilespmem:s8+$0x60] =	vst v60;
	v49 =	vadd.f32 v50, v57;
	v50 =	vadd.f32 v62, v61;
	v61 =	vmul.f32 v45, v45  }
0x12b: {  	v27 =	vmul.f32 v39, v27;
	[tilespmem:s8+$0x50] =	vst v56;
	v2 =	vmul.f32 v52, v2  }
0x12c: {  	v57 =	vmul.f32 v31, v31;
	v52 =	vadd.f32 v61, v63;
	v61 =	vmul.f32 v1, v1;
	v63 =	vld [tilespmem:$0x1FD50];
	[tilespmem:s8+$0x70] =	vst v30  }
0x12d: {  	v12 =	vmul.f32 v39, v12;
	v58 =	vadd.f32 v1, v31;
	v59 =	vadd.f32 v49, v28;
	[tilespmem:s2+$0xFFFFFF80] =	vst v20  }
0x12e: {  	v17 =	vmul.f32 v39, v17;
	v13 =	vmul.f32 v39, v13;
	v57 =	vadd.f32 v61, v57;
	v61 =	vld [tilespmem:$0x1FD60]  }
0x12f: {  	v62 =	vmul.f32 v49, v49;
	v58 =	vadd.f32 v59, v58;
	v59 =	vmul.f32 v28, v28  }
0x130: {  	v16 =	vmul.f32 v39, v16;
	v0 =	vadd.f32 $9.999999740e-06, v0;
	v54 =	vmul.f32 v2, v54  }
0x131: {  	v62 =	vadd.f32 v62, v59;
	v50 =	vadd.f32 v58, v50;
	v58 =	vmul.f32 $7.812500000e-03, v63  }
0x132: {  	v55 =	vmul.f32 v53, v55;
	v20 =	vmul.f32 v54, v2;
	v30 =	vadd.f32 v52, v51  }
0x133: {  	[tilespmem:s2+$0xFFFFFF90] =	vst v27;
	v59 =	vadd.f32 v62, v57;
	v60 =	vmul.f32 v58, v58;
	v54 =	vmul.f32 $7.812500000e-03, v61  }
0x134: {  	v0 =	vbroadcast v0, $0xF;
	v27 =	vmul.f32 v55, v53;
	v62 =	vld [tilespmem:$0x1FD70];
	[tilespmem:s2+$0xFFFFFFA0] =	vst v12;
	v12 =	vsub.f32 $1.500000000e+00, v20  }
0x135: {  	v10 =	vmul.f32 v39, v10;
	(xrf2) =	vadd.scan.msk.f32 $0xffff, v50;
	v30 =	vadd.f32 v59, v30;
	v63 =	vsub.f32 v54, v60  }
0x136: {  	v20 =	vsub.f32 $1.500000000e+00, v27;
	[tilespmem:s2+$0xFFFFFFB0] =	vst v17;
	v27 =	vshra.s32 v0, $0x1;
	v2 =	vmul.f32 v12, v2  }
0x137: {  	v0 =	vmul.f32 $5.000000000e-01, v0;
	[tilespmem:s2+$0xFFFFFFC0] =	vst v13;
	(xrf2) =	vadd.scan.msk.f32 $0xffff, v30;
	v17 =	vadd.f32 $9.999999740e-06, v63  }
0x138: {  	v9 =	vmul.f32 v39, v9;
	[tilespmem:s2+$0xFFFFFFD0] =	vst v16;
	v13 =	vsub.s32 $0x5F3759DF, v27;
	v6 =	vmul.f32 v2, v6  }
0x139: {  	[tilespmem:s2+$0xFFFFFFE0] =	vst v10;
	v16 =	vbroadcast v17, $0xF;
	v17 =	vmul.f32 v13, v0  }
0x13a: {  	[tilespmem:s2+$0xFFFFFFF0] =	vst v9;
	v8 =	vmul.f32 v2, v8;
	v4 =	vmul.f32 v2, v4  }
0x13b: {  	[tilespmem:s2+$0x0] =	vst v6;
	v9 =	vshra.s32 v16, $0x1;
	v10 =	vmul.f32 $5.000000000e-01, v16;
	v16 =	vmul.f32 v13, v17  }
0x13c: {  	v12 =	vmul.f32 v20, v53;
	v6 =	vmul.f32 v2, v7;
	[tilespmem:s2+$0x10] =	vst v8  }
0x13d: {  	v5 =	vmul.f32 v2, v5;
	v50 =	vbroadcast v62, $0xF;
	v17 =	vld [tilespmem:$0x1FEC0];
	[tilespmem:s2+$0x20] =	vst v4  }
0x13e: {  	v4 =	vmul.f32 v2, v34;
	v7 =	vsub.s32 $0x5F3759DF, v9;
	v20 =	vld [tilespmem:$0x1FED0];
	[tilespmem:s2+$0x30] =	vst v6;
	v6 =	vmul.f32 v2, v33  }
0x13f: {  	[tilespmem:s2+$0x40] =	vst v5;
	v2 =	vmul.f32 v2, v32;
	v8 =	vmul.f32 v7, v10;
	v9 =	vsub.f32 $1.500000000e+00, v16;
	v16, _, _ =	vpop (xrf2)  }
0x140: {  	v30 =	vsub.f32 v3, v40;
	v3 =	vld [tilespmem:$0x1FEE0];
	[tilespmem:s2+$0x50] =	vst v4;
	v4 =	vmul.f32 v12, v43;
	v16 =	vmul.f32 $7.812500000e-03, v16  }
0x141: {  	[tilespmem:s2+$0x60] =	vst v6;
	v6 =	vbroadcast v58, $0xF;
	v9 =	vmul.f32 v13, v9;
	v13, _, _ =	vpop (xrf2)  }
0x142: {  	v13 =	vmul.f32 $7.812500000e-03, v13;
	v5 =	vmul.f32 v16, v16  }
0x143: {  	[tilespmem:s2+$0x70] =	vst v2;
	v2 =	vmul.f32 v12, v41;
	v8 =	vmul.f32 v7, v8;
	v17 =	vsub.f32 v17, v40  }
0x144: {  	v20 =	vsub.f32 v20, v40;
	v0 =	vmul.f32 v9, v0;
	v5 =	vsub.f32 v13, v5  }
0x145: {  	[tilespmem:s12+$0xFFFFFFA0] =	vst v2;
	v8 =	vsub.f32 $1.500000000e+00, v8;
	v27 =	vsub.f32 v3, v40;
	v2 =	vmul.f32 v12, v17  }
0x146: {  	[tilespmem:s12+$0xFFFFFF80] =	vst v4;
	v3 =	vmul.f32 v12, v30;
	v0 =	vmul.f32 v0, v9;
	v4 =	vadd.f32 $9.999999740e-06, v5  }
0x147: {  	v7 =	vmul.f32 v7, v8;
	v8 =	vmul.f32 v12, v44  }
0x148: {  	v17 =	vmul.f32 v12, v20;
	[tilespmem:s12+$0xFFFFFFC0] =	vst v2;
	v0 =	vsub.f32 $1.500000000e+00, v0;
	v4 =	vbroadcast v4, $0xF  }
0x149: {  	v13 =	vmul.f32 v12, v42;
	[tilespmem:s12+$0xFFFFFFB0] =	vst v8;
	v8 =	vmul.f32 v7, v10;
	v5 =	vsub.f32 v24, v50  }
0x14a: {  	[tilespmem:s12+$0xFFFFFFE0] =	vst v3;
	v0 =	vmul.f32 v0, v9;
	v2 =	vshra.s32 v4, $0x1;
	v4 =	vmul.f32 $5.000000000e-01, v4  }
0x14b: {  	[tilespmem:s12+$0xFFFFFF90] =	vst v13;
	v13 =	vsub.f32 v23, v50;
	v9 =	vmul.f32 v12, v27;
	v2 =	vsub.s32 $0x5F3759DF, v2  }
0x14c: {  	[tilespmem:s12+$0xFFFFFFD0] =	vst v17;
	v10 =	vsub.f32 v18, v50;
	v3 =	vmul.f32 v0, v5;
	v5 =	vmul.f32 v2, v4  }
0x14d: {  	v11 =	vsub.f32 v11, v50;
	v8 =	vmul.f32 v8, v7;
	[tilespmem:s12+$0xFFFFFFF0] =	vst v9;
	v9 =	vmul.f32 v0, v13  }
0x14e: {  	v12 =	vsub.f32 v14, v50;
	[tilespmem:s12+$0x0] =	vst v3;
	v3 =	vmul.f32 v0, v10;
	v5 =	vmul.f32 v2, v5  }
0x14f: {  	v8 =	vsub.f32 $1.500000000e+00, v8;
	v10 =	vsub.f32 v19, v50;
	[tilespmem:s12+$0x10] =	vst v9;
	v9 =	vmul.f32 v0, v11  }
0x150: {  	v11 =	vsub.f32 v15, v50;
	[tilespmem:s12+$0x20] =	vst v3;
	v3 =	vmul.f32 v0, v12;
	v5 =	vsub.f32 $1.500000000e+00, v5  }
0x151: {  	v7 =	vmul.f32 v8, v7;
	v12 =	vsub.f32 v21, v50;
	[tilespmem:s12+$0x30] =	vst v9;
	v8 =	vmul.f32 v0, v10  }
0x152: {  	v9 =	vsub.f32 v25, v6;
	[tilespmem:s12+$0x40] =	vst v3;
	v3 =	vmul.f32 v0, v11;
	v2 =	vmul.f32 v2, v5  }
0x153: {  	[tilespmem:s12+$0x50] =	vst v8;
	v0 =	vmul.f32 v0, v12;
	v8 =	vsub.f32 v22, v6  }
0x154: {  	v9 =	vmul.f32 v7, v9;
	[tilespmem:s12+$0x60] =	vst v3;
	v5 =	vsub.f32 v26, v6;
	v3 =	vmul.f32 v2, v4  }
0x155: {  	[tilespmem:s12+$0x70] =	vst v0;
	v0 =	vsub.f32 v38, v6;
	v8 =	vmul.f32 v7, v8  }
0x156: {  	[tilespmem:s10+$0xFFFFFF80] =	vst v9;
	v4 =	vsub.f32 v29, v6;
	v5 =	vmul.f32 v7, v5;
	v3 =	vmul.f32 v3, v2  }
0x157: {  	v10 =	vsub.f32 v35, v6;
	v9 =	vsub.f32 v37, v6;
	[tilespmem:s10+$0xFFFFFFA0] =	vst v8;
	v0 =	vmul.f32 v7, v0  }
0x158: {  	v4 =	vmul.f32 v7, v4;
	[tilespmem:s10+$0xFFFFFF90] =	vst v5;
	v5 =	vbroadcast v16, $0xF;
	v3 =	vsub.f32 $1.500000000e+00, v3  }
0x159: {  	v8 =	vmul.f32 v7, v9;
	v6 =	vsub.f32 v36, v6;
	[tilespmem:s10+$0xFFFFFFC0] =	vst v0  }
0x15a: {  	v0 =	vmul.f32 v7, v10;
	[tilespmem:s10+$0xFFFFFFB0] =	vst v4;
	v4 =	vsub.f32 v48, v5;
	v2 =	vmul.f32 v3, v2  }
0x15b: {  	[tilespmem:s10+$0xFFFFFFD0] =	vst v8;
	v6 =	vmul.f32 v7, v6;
	v3 =	vsub.f32 v47, v5  }
0x15c: {  	[tilespmem:s10+$0xFFFFFFE0] =	vst v0;
	v1 =	vsub.f32 v1, v5;
	v0 =	vmul.f32 v2, v4  }
0x15d: {  	v7 =	vsub.f32 v46, v5;
	[tilespmem:s10+$0xFFFFFFF0] =	vst v6;
	v3 =	vmul.f32 v2, v3  }
0x15e: {  	v4 =	vsub.f32 v45, v5;
	v1 =	vmul.f32 v2, v1;
	[tilespmem:s10+$0x0] =	vst v0  }
0x15f: {  	v6 =	vsub.f32 v31, v5;
	v0 =	vmul.f32 v2, v7;
	[tilespmem:s10+$0x10] =	vst v3  }
0x160: {  	v3 =	vmul.f32 v2, v4;
	v4 =	vsub.f32 v28, v5;
	v5 =	vsub.f32 v49, v5;
	[tilespmem:s10+$0x50] =	vst v1  }
0x161: {  	s11 =	smul.u32 $0x280, s31;
	[tilespmem:s10+$0x20] =	vst v0;
	v0 =	vmul.f32 v2, v6  }
0x162: {  	[tilespmem:s10+$0x30] =	vst v3;
	v1 =	vmul.f32 v2, v5  }
0x163: {  	s2 =	sadd.s32 s5, s11;
	[tilespmem:s10+$0x40] =	vst v0;
	v0 =	vmul.f32 v2, v4  }
0x164: {  	s2 =	sshll.u32 s2, $0x4;
	[tilespmem:s10+$0x70] =	vst v1  }
0x165: {  	s2 =	sadd.s32 s4, s2;
	[tilespmem:s10+$0x60] =	vst v0  }
0x166: {  	[hbm4b:s2+s6] =	stream.linear.scatter [tilespmem:s14], [sflag:$0x6], $0x4000, $0x38;
	[tilespmem:$0x1C100] =	vst v63  }
0x167: {  	_ =	swait.ge [sflag:s18], $0x4000  }
0x168: {  	[sflag:s18] =	ssyncset.done $0x0  }
0x169: {  	s8 =	simm.s32 @!p0 $0x9;
	[sflag:s18] =	ssyncadd.s32 $0xFFFFC000  }
0x16a: {  	s2 =	sadd.s32 $0x3, s0;
	_ =	swait.ge @!p0 [sflag:s8], $0x4000  }
0x16b: {  	s12 =	sshll.u32 s2, $0x7;
	[sflag:s8] =	ssyncset.done @!p0 $0x0  }
0x16c: {  	s10 =	simm.s32 $0x5900;
	s25 =	sand.u32 $0x3FFFFF80, s12;
	[sflag:s8] =	ssyncadd.s32 @!p0 $0xFFFFC000  }
0x16d: {  	[tilespmem:s19], [sflag:$0x4] =	stream.indirect.gather [hbm4b:s1+s13], $0x80, s25, s13, $0xb8;
	[tilespmem:$0x1C100] =	vst v63  }
0x16e: {  	v0 =	vld [tilespmem:s10+$0x0]  }
0x16f: {  	v1 =	vld [tilespmem:s10+$0x10]  }
0x170: {  	v2 =	vld [tilespmem:s10+$0x20]  }
0x171: {  	s8 =	sadd.s32 $0x1, s24;
	v3 =	vld [tilespmem:s10+$0x30]  }
0x172: {  	p1 =	sgt.s32 s8, $0xC8;
	v4 =	vld [tilespmem:s10+$0x40]  }
0x173: {  	s8 =	simm.s32 @p1 $0x1;
	v5 =	vld [tilespmem:s10+$0x50]  }
0x174: {  	v7 =	vld [tilespmem:s10+$0x60];
	s26 =	sshll.u32 s8, $0x9  }
0x175: {  	v8 =	vld [tilespmem:s10+$0x70];
	s12 =	sshra.s32 s26, $0x2  }
0x176: {  	v6 =	vld [tilespmem:s12+$0x15900]  }
0x177: {  	v9 =	vld [tilespmem:s12+$0x15910]  }
0x178: {  	v10 =	vld [tilespmem:s12+$0x15920]  }
0x179: {  	v11 =	vld [tilespmem:s12+$0x15930]  }
0x17a: {  	v12 =	vld [tilespmem:s12+$0x15940]  }
0x17b: {  	v13 =	vld [tilespmem:s12+$0x15950]  }
0x17c: {  	v14 =	vld [tilespmem:s12+$0x15960]  }
0x17d: {  	v16 =	vld [tilespmem:s12+$0x15970];
	_ =	sdelay $0x1  }
0x17e: {  	v27 =	vld [tilespmem:s10+$0xF0];
	s12 =	simm.s32 $0x5A00;
	v15 =	vadd.f32 v6, v0;
	v1 =	vadd.f32 v9, v1  }
0x17f: {  	v17 =	vld [tilespmem:s12+$0x0];
	v2 =	vadd.f32 v10, v2;
	v3 =	vadd.f32 v11, v3  }
0x180: {  	v19 =	vld [tilespmem:s12+$0x10];
	v0 =	vadd.f32 v12, v4;
	v6 =	vadd.f32 v13, v5  }
0x181: {  	v21 =	vld [tilespmem:s12+$0x20];
	v5 =	vadd.f32 v14, v7;
	v4 =	vadd.f32 v16, v8  }
0x182: {  	s8 =	sadd.s32 $0x1, s8;
	v22 =	vld [tilespmem:s12+$0x30];
	v10 =	vadd.f32 v1, v15;
	v13 =	vadd.f32 v3, v2  }
0x183: {  	p1 =	sgt.s32 s8, $0xC8;
	v23 =	vld [tilespmem:s12+$0x40];
	v8 =	vadd.f32 v6, v0;
	v14 =	vadd.f32 v4, v5  }
0x184: {  	s8 =	simm.s32 @p1 $0x1;
	v24 =	vld [tilespmem:s12+$0x50]  }
0x185: {  	v25 =	vld [tilespmem:s12+$0x60];
	s29 =	sshll.u32 s8, $0x9;
	v10 =	vadd.f32 v13, v10;
	v8 =	vadd.f32 v14, v8  }
0x186: {  	v26 =	vld [tilespmem:s12+$0x70];
	s11 =	sshra.s32 s29, $0x2;
	v9 =	vmul.f32 v15, v15;
	v11 =	vmul.f32 v1, v1  }
0x187: {  	v28 =	vld [tilespmem:s11+$0x15920];
	v12 =	vmul.f32 v2, v2;
	v18 =	vmul.f32 v3, v3;
	v8 =	vadd.f32 v8, v10  }
0x188: {  	s24 =	sadd.s32 $0x1, s8;
	v29 =	vld [tilespmem:s11+$0x15930];
	v7 =	vmul.f32 v0, v0;
	v16 =	vmul.f32 v4, v4  }
0x189: {  	p1 =	sgt.s32 s24, $0xC8;
	v30 =	vld [tilespmem:s11+$0x15940];
	v9 =	vadd.f32 v11, v9;
	v11 =	vmul.f32 v6, v6;
	v13 =	vmul.f32 v5, v5;
	(xrf2) =	vadd.scan.msk.f32 $0xffff, v8  }
0x18a: {  	s24 =	simm.s32 @p1 $0x1;
	v31 =	vld [tilespmem:s11+$0x15950];
	v12 =	vadd.f32 v18, v12  }
0x18b: {  	v50 =	vld [tilespmem:s11+$0x15960];
	s26 =	sshll.u32 s24, $0x9;
	v7 =	vadd.f32 v11, v7;
	v13 =	vadd.f32 v16, v13  }
0x18c: {  	v51 =	vld [tilespmem:s11+$0x15970];
	s8 =	sshra.s32 s26, $0x2  }
0x18d: {  	v52 =	vld [tilespmem:s8+$0x15900];
	v9 =	vadd.f32 v12, v9;
	v7 =	vadd.f32 v13, v7  }
0x18e: {  	v56 =	vld [tilespmem:s8+$0x15910]  }
0x18f: {  	v58 =	vld [tilespmem:s8+$0x15920];
	v7 =	vadd.f32 v7, v9  }
0x190: {  	v59 =	vld [tilespmem:s8+$0x15930]  }
0x191: {  	v42 =	vld [tilespmem:s8+$0x15940]  }
0x192: {  	v14 =	vld [tilespmem:s10+$0x90]  }
0x193: {  	v18 =	vld [tilespmem:s10+$0xE0];
	(xrf2) =	vadd.scan.msk.f32 $0xffff, v7;
	v7, _, _ =	vpop (xrf2)  }
0x194: {  	v11 =	vld [tilespmem:s10+$0x80];
	v7 =	vmul.f32 $7.812500000e-03, v7  }
0x195: {  	v12 =	vld [tilespmem:s10+$0xA0]  }
0x196: {  	v10 =	vld [tilespmem:s10+$0xB0];
	v57 =	vmul.f32 v7, v7;
	v7 =	vbroadcast v7, $0xF  }
0x197: {  	v16 =	vld [tilespmem:s10+$0xD0]  }
0x198: {  	v13 =	vld [tilespmem:s10+$0xC0];
	v15 =	vsub.f32 v15, v7  }
0x199: {  	v8 =	vld [tilespmem:s11+$0x15900];
	v1 =	vsub.f32 v1, v7  }
0x19a: {  	v9 =	vld [tilespmem:s11+$0x15910];
	v2 =	vsub.f32 v2, v7;
	[tilespmem:$0x1FDB0] =	vst v15  }
0x19b: {  	v63 =	vadd.f32 v52, v17;
	v3 =	vsub.f32 v3, v7;
	v43 =	vld [tilespmem:s8+$0x15950];
	[tilespmem:$0x1FDC0] =	vst v1  }
0x19c: {  	v21 =	vadd.f32 v58, v21;
	v17 =	vadd.f32 v59, v22;
	v1 =	vld [tilespmem:s8+$0x15960];
	[tilespmem:$0x1FDD0] =	vst v2  }
0x19d: {  	v2 =	vld [tilespmem:s8+$0x15970];
	s8 =	simm.s32 $0x5B00;
	[tilespmem:$0x1FDE0] =	vst v3  }
0x19e: {  	v60 =	vadd.f32 v17, v21;
	v3 =	vld [tilespmem:s8+$0x0]  }
0x19f: {  	v62 =	vadd.f32 v29, v10;
	v8 =	vadd.f32 v8, v11;
	v44 =	vld [tilespmem:s8+$0x10]  }
0x1a0: {  	v11 =	vadd.f32 v30, v13;
	v14 =	vadd.f32 v9, v14;
	v30 =	vld [tilespmem:s8+$0x20]  }
0x1a1: {  	v55 =	vmul.f32 v62, v62;
	v9 =	vadd.f32 v28, v12;
	v15 =	vadd.f32 v31, v16;
	v31 =	vld [tilespmem:s8+$0x30]  }
0x1a2: {  	v13 =	vadd.f32 v51, v27;
	v28 =	vmul.f32 v8, v8;
	v53 =	vmul.f32 v14, v14;
	v45 =	vld [tilespmem:s8+$0x40]  }
0x1a3: {  	v12 =	vadd.f32 v50, v18;
	v29 =	vadd.f32 v14, v8;
	v54 =	vmul.f32 v9, v9;
	v48 =	vld [tilespmem:s8+$0x50]  }
0x1a4: {  	v28 =	vadd.f32 v53, v28;
	v16 =	vadd.f32 v62, v9;
	v49 =	vld [tilespmem:s8+$0x60]  }
0x1a5: {  	v37 =	vadd.f32 v55, v54;
	v20, _, _ =	vpop (xrf2);
	v0 =	vsub.f32 v0, v7;
	v50 =	vld [tilespmem:s8+$0x70]  }
0x1a6: {  	v20 =	vmul.f32 $7.812500000e-03, v20;
	v27 =	vadd.f32 v15, v11;
	v29 =	vadd.f32 v16, v29;
	v46 =	vld [tilespmem:s12+$0x80]  }
0x1a7: {  	v61 =	vmul.f32 v17, v17;
	v16 =	vadd.f32 v56, v19;
	v56 =	vadd.f32 v13, v12;
	v52 =	vld [tilespmem:s12+$0x90]  }
0x1a8: {  	v20 =	vsub.f32 v20, v57;
	v19 =	vadd.f32 v42, v23;
	v42 =	vmul.f32 v21, v21;
	v35 =	vld [tilespmem:s12+$0xA0]  }
0x1a9: {  	s24 =	sadd.s32 $0x1, s24;
	v32 =	vmul.f32 v11, v11;
	v58 =	vadd.f32 v16, v63;
	v27 =	vadd.f32 v56, v27;
	v54 =	vld [tilespmem:s12+$0xB0]  }
0x1aa: {  	p1 =	sgt.s32 s24, $0xC8;
	v57 =	vmul.f32 v63, v63;
	v47 =	vld [tilespmem:s12+$0xC0];
	v42 =	vadd.f32 v61, v42;
	v22 =	vadd.f32 v43, v24  }
0x1ab: {  	s24 =	simm.s32 @p1 $0x1;
	v59 =	vmul.f32 v16, v16;
	v53 =	vld [tilespmem:s12+$0xD0];
	v10 =	vadd.f32 v1, v25;
	v24 =	vadd.f32 v2, v26  }
0x1ac: {  	s29 =	sshll.u32 s24, $0x9;
	v56 =	vld [tilespmem:s12+$0xE0];
	v38 =	vadd.f32 v60, v58;
	v25 =	vmul.f32 v19, v19;
	v26 =	vmul.f32 v22, v22  }
0x1ad: {  	s26 =	sshra.s32 s29, $0x2;
	v58 =	vld [tilespmem:s12+$0xF0];
	v1 =	vadd.f32 v59, v57;
	v60 =	vmul.f32 v10, v10;
	v36 =	vmul.f32 v24, v24  }
0x1ae: {  	v33 =	vmul.f32 v15, v15;
	v57 =	vld [tilespmem:s26+$0x15910];
	v2 =	vadd.f32 v22, v19;
	v61 =	vadd.f32 v24, v10  }
0x1af: {  	v51 =	vmul.f32 v13, v13;
	v59 =	vld [tilespmem:s26+$0x15920];
	v25 =	vadd.f32 v26, v25;
	v39 =	vadd.f32 v36, v60  }
0x1b0: {  	v34 =	vmul.f32 v12, v12;
	v1 =	vadd.f32 v42, v1;
	v26 =	vadd.f32 v33, v32;
	v32 =	vld [tilespmem:s26+$0x15900]  }
0x1b1: {  	s25 =	sadd.s32 $0x1, s24;
	v2 =	vadd.f32 v61, v2;
	v60 =	vld [tilespmem:s26+$0x15930];
	v25 =	vadd.f32 v39, v25  }
0x1b2: {  	p1 =	sgt.s32 s25, $0xC8;
	v33 =	vadd.f32 v51, v34;
	v61 =	vld [tilespmem:s26+$0x15940]  }
0x1b3: {  	s25 =	simm.s32 @p1 $0x1;
	v2 =	vadd.f32 v2, v38;
	v38 =	vadd.f32 v25, v1;
	v1 =	vld [tilespmem:s26+$0x15950];
	[tilespmem:$0x1FDF0] =	vst v0  }
0x1b4: {  	s11 =	sshll.u32 s25, $0x9;
	v28 =	vadd.f32 v37, v28;
	v20 =	vadd.f32 $9.999999740e-06, v20;
	v0 =	vld [tilespmem:s26+$0x15960]  }
0x1b5: {  	s24 =	sshra.s32 s11, $0x2;
	v27 =	vadd.f32 v27, v29;
	v26 =	vadd.f32 v33, v26;
	v36 =	vld [tilespmem:s26+$0x15970]  }
0x1b6: {  	v25 =	vadd.f32 v32, v46;
	v32 =	vadd.f32 v57, v52;
	v51 =	vld [tilespmem:s24+$0x15900]  }
0x1b7: {  	v29 =	vadd.f32 v59, v35;
	v28 =	vadd.f32 v26, v28;
	v41 =	vld [tilespmem:s24+$0x15910]  }
0x1b8: {  	v26 =	vadd.f32 v60, v54;
	v43 =	vld [tilespmem:s24+$0x15920];
	v39 =	vmul.f32 v25, v25;
	v40 =	vmul.f32 v32, v32  }
0x1b9: {  	v33 =	vadd.f32 v61, v47;
	v60 =	vld [tilespmem:s24+$0x15930];
	v52 =	vadd.f32 v32, v25  }
0x1ba: {  	v54 =	vadd.f32 v40, v39;
	v34 =	vadd.f32 v1, v53  }
0x1bb: {  	v1 =	vadd.f32 v26, v29;
	v23 =	vadd.f32 v51, v3  }
0x1bc: {  	v57 =	vmul.f32 v29, v29;
	v35 =	vadd.f32 v0, v56;
	v47 =	vadd.f32 v41, v44  }
0x1bd: {  	v53 =	vmul.f32 v26, v26;
	v0 =	vld [tilespmem:s24+$0x15940];
	v37 =	vadd.f32 v36, v58;
	v42 =	vadd.f32 v43, v30;
	[tilespmem:$0x1FE50] =	vst v23  }
0x1be: {  	v18 =	vadd.f32 v60, v31;
	v58 =	vadd.f32 v34, v33;
	v3 =	vld [tilespmem:s24+$0x15950];
	[tilespmem:$0x1FE70] =	vst v47  }
0x1bf: {  	(xrf2) =	vadd.scan.msk.f32 $0xffff, v27;
	v51 =	vadd.f32 v1, v52;
	v53 =	vadd.f32 v53, v57;
	v41 =	vld [tilespmem:s24+$0x15960]  }
0x1c0: {  	v1 =	vadd.f32 v37, v35;
	v43 =	vmul.f32 v23, v23;
	v27 =	vadd.f32 v47, v23;
	v30 =	vld [tilespmem:s24+$0x15970]  }
0x1c1: {  	v31 =	vmul.f32 v47, v47;
	v39 =	vadd.f32 v18, v42;
	v40 =	vmul.f32 v18, v18  }
0x1c2: {  	v60 =	vadd.f32 v1, v58;
	v0 =	vadd.f32 v0, v45;
	v45 =	vmul.f32 v42, v42  }
0x1c3: {  	v31 =	vadd.f32 v31, v43;
	v27 =	vadd.f32 v39, v27  }
0x1c4: {  	v20 =	vbroadcast v20, $0xF;
	(xrf2) =	vadd.scan.msk.f32 $0xffff, v2;
	v45 =	vadd.f32 v40, v45;
	v1 =	vadd.f32 v3, v48  }
0x1c5: {  	v56 =	vmul.f32 v33, v33;
	[tilespmem:$0x1FEB0] =	vst v18;
	v18 =	vadd.f32 v41, v49;
	v2 =	vadd.f32 v30, v50  }
0x1c6: {  	[tilespmem:$0x1FE90] =	vst v42;
	v41 =	vmul.f32 v0, v0;
	v30 =	vadd.f32 v1, v0;
	v42 =	vmul.f32 v1, v1  }
0x1c7: {  	(xrf2) =	vadd.scan.msk.f32 $0xffff, v38;
	v43 =	vmul.f32 v18, v18;
	v44 =	vadd.f32 v2, v18;
	v46 =	vmul.f32 v2, v2  }
0x1c8: {  	v61 =	vmul.f32 v34, v34;
	[tilespmem:$0x1FD80] =	vst v0;
	v0 =	vsub.f32 v6, v7;
	v49 =	vadd.f32 v42, v41  }
0x1c9: {  	(xrf2) =	vadd.scan.msk.f32 $0xffff, v28;
	v52 =	vmul.f32 v35, v35;
	v40, _, _ =	vpop (xrf2);
	v28 =	vadd.f32 v44, v30;
	v30 =	vadd.f32 v46, v43  }
0x1ca: {  	v51 =	vadd.f32 v60, v51;
	v6 =	vmul.f32 $7.812500000e-03, v40;
	[tilespmem:$0x1FE00] =	vst v0;
	v0 =	vsub.f32 v4, v7  }
0x1cb: {  	v47 =	vmul.f32 v37, v37;
	v27 =	vadd.f32 v28, v27;
	v28 =	vadd.f32 v30, v49  }
0x1cc: {  	v30 =	vadd.f32 v53, v54;
	v54 =	vsub.f32 v5, v7;
	v5 =	vbroadcast v6, $0xF  }
0x1cd: {  	v56 =	vadd.f32 v61, v56;
	v60 =	vadd.f32 v47, v52;
	[tilespmem:$0x1FD90] =	vst v1  }
0x1ce: {  	(xrf2) =	vadd.scan.msk.f32 $0xffff, v51;
	v31 =	vadd.f32 v45, v31;
	[tilespmem:$0x1FE10] =	vst v0;
	v0 =	vsub.f32 v8, v5  }
0x1cf: {  	v61 =	vshra.s32 v20, $0x1;
	v58 =	vmul.f32 $5.000000000e-01, v20;
	s24 =	simm.s32 $0x5C00;
	v38 =	vadd.f32 v60, v56;
	[tilespmem:$0x1FDA0] =	vst v2  }
0x1d0: {  	v20, _, _ =	vpop (xrf2);
	v60 =	vld [tilespmem:s24+$0x0];
	v28 =	vadd.f32 v28, v31;
	(xrf2) =	vadd.scan.msk.f32 $0xffff, v27;
	[tilespmem:$0x1FE20] =	vst v0;
	v0 =	vsub.f32 v14, v5  }
0x1d1: {  	v20 =	vmul.f32 $7.812500000e-03, v20  }
0x1d2: {  	v4 =	vadd.f32 v38, v30;
	(xrf2) =	vadd.scan.msk.f32 $0xffff, v28;
	[tilespmem:$0x1FE40] =	vst v0;
	v0 =	vsub.f32 v9, v5;
	_ =	sdelay $0x1  }
0x1d3: {  	v7 =	vmul.f32 v20, v20;
	v8, _, _ =	vpop (xrf2);
	(xrf2) =	vadd.scan.msk.f32 $0xffff, v4;
	v46 =	vld [tilespmem:s24+$0x10];
	[tilespmem:$0x1FE80] =	vst v0;
	v0 =	vsub.f32 v62, v5  }
0x1d4: {  	v6 =	vmul.f32 v6, v6;
	v2 =	vsub.f32 v11, v5;
	v8 =	vmul.f32 $7.812500000e-03, v8  }
0x1d5: {  	v3 =	vmovc v18;
	v31 =	vsub.f32 v12, v5;
	v30 =	vsub.f32 v13, v5;
	v4 =	vbroadcast v20, $0xF;
	[tilespmem:$0x1FEA0] =	vst v0  }
0x1d6: {  	v41 =	vsub.s32 $0x5F3759DF, v61;
	v28 =	vsub.f32 v15, v5;
	v18 =	vsub.f32 v8, v7;
	v9, _, _ =	vpop (xrf2);
	v61 =	vld [tilespmem:s24+$0x20]  }
0x1d7: {  	v20 =	vsub.f32 v63, v4;
	v7 =	vmul.f32 $7.812500000e-03, v9;
	v27 =	vsub.f32 v16, v4;
	v5, _, _ =	vpop (xrf2);
	v42 =	vld [tilespmem:s8+$0x80]  }
0x1d8: {  	v12 =	vsub.f32 v21, v4;
	v17 =	vsub.f32 v17, v4;
	v5 =	vmul.f32 $7.812500000e-03, v5;
	v23 =	vld [tilespmem:s8+$0x90]  }
0x1d9: {  	s25 =	sadd.s32 $0x1, s25;
	v13 =	vsub.f32 v19, v4;
	v44 =	vsub.f32 v7, v6;
	v43 =	vld [tilespmem:s8+$0xA0];
	v6, _, _ =	vpop (xrf2)  }
0x1da: {  	p1 =	sgt.s32 s25, $0xC8;
	v16 =	vsub.f32 v22, v4;
	v21 =	vld [tilespmem:s8+$0xB0];
	v19 =	vbroadcast v5, $0xF;
	v1 =	vmul.f32 $7.812500000e-03, v6  }
0x1db: {  	s25 =	simm.s32 @p1 $0x1;
	v8 =	vmul.f32 v41, v58;
	v10 =	vsub.f32 v10, v4;
	v9 =	vsub.f32 v24, v4;
	v45 =	vld [tilespmem:s8+$0xC0];
	v7, _, _ =	vpop (xrf2)  }
0x1dc: {  	s29 =	sshll.u32 s25, $0x9;
	v22 =	vld [tilespmem:s8+$0xD0];
	v4 =	vsub.f32 v29, v19;
	v47 =	vmul.f32 v1, v1;
	v29 =	vmul.f32 $7.812500000e-03, v7  }
0x1dd: {  	s26 =	sshra.s32 s29, $0x2;
	v24 =	vmul.f32 v41, v8;
	v50 =	vadd.f32 $9.999999740e-06, v18;
	v15 =	vld [tilespmem:s8+$0xE0];
	v7 =	vsub.f32 v26, v19;
	v26, _, _ =	vpop (xrf2)  }
0x1de: {  	v11 =	vld [tilespmem:s26+$0x15910];
	v48 =	vmul.f32 v5, v5;
	v26 =	vmul.f32 $7.812500000e-03, v26;
	v0 =	vsub.f32 v29, v47  }
0x1df: {  	v49 =	vsub.f32 $1.500000000e+00, v24;
	v6 =	vsub.f32 v25, v19;
	v25 =	vld [tilespmem:s26+$0x15900]  }
0x1e0: {  	v14 =	vld [tilespmem:s26+$0x15920];
	v8 =	vsub.f32 v32, v19;
	[tilespmem:$0x1FE30] =	vst v0;
	v0 =	vsub.f32 v26, v48  }
0x1e1: {  	v5 =	vsub.f32 v33, v19;
	v34 =	vsub.f32 v34, v19;
	v29 =	vld [tilespmem:s26+$0x15930]  }
0x1e2: {  	s25 =	sadd.s32 $0x1, s25;
	v33 =	vsub.f32 v35, v19;
	v32 =	vsub.f32 v37, v19;
	v19 =	vld [tilespmem:s26+$0x15940];
	[tilespmem:$0x1FE60] =	vst v0  }
0x1e3: {  	p1 =	sgt.s32 s25, $0xC8;
	v39 =	vmul.f32 v41, v49;
	v26 =	vld [tilespmem:s26+$0x15950]  }
0x1e4: {  	s25 =	simm.s32 @p1 $0x1;
	v51 =	vadd.f32 $9.999999740e-06, v44;
	v37 =	vbroadcast v50, $0xF;
	v24 =	vadd.f32 v25, v42;
	v25 =	vld [tilespmem:s26+$0x15960]  }
0x1e5: {  	s28 =	sshll.u32 s25, $0x9;
	v41 =	vmul.f32 v39, v58;
	v23 =	vadd.f32 v11, v23  }
0x1e6: {  	s28 =	sshra.s32 s28, $0x2;
	v38 =	vbroadcast v51, $0xF;
	v50 =	vmul.f32 $5.000000000e-01, v37  }
0x1e7: {  	v41 =	vmul.f32 v41, v39;
	v18 =	vadd.f32 v14, v43;
	v52 =	vmul.f32 v23, v23;
	v53 =	vld [tilespmem:s28+$0x15900]  }
0x1e8: {  	v58 =	vld [tilespmem:s28+$0x15910];
	v11 =	vadd.f32 v29, v21;
	v29 =	vmul.f32 v24, v24;
	v14 =	vadd.f32 v19, v45  }
0x1e9: {  	v43 =	vmul.f32 $5.000000000e-01, v38;
	v19 =	vadd.f32 v26, v22;
	v15 =	vadd.f32 v25, v15  }
0x1ea: {  	v0 =	vld [tilespmem:$0x1FDB0];
	v63 =	vadd.f32 v52, v29;
	v25 =	vshra.s32 v37, $0x1;
	v29 =	vshra.s32 v38, $0x1  }
0x1eb: {  	v55 =	vld [tilespmem:s28+$0x15920];
	v26 =	vadd.f32 v23, v24;
	v22 =	vadd.f32 v11, v18;
	v37 =	vsub.s32 $0x5F3759DF, v29  }
0x1ec: {  	v49 =	vld [tilespmem:s24+$0x50];
	v29 =	vsub.s32 $0x5F3759DF, v25;
	v25 =	vadd.f32 v53, v60;
	v53 =	vmul.f32 v37, v43  }
0x1ed: {  	v60 =	vadd.f32 v22, v26;
	v26 =	vadd.f32 v58, v46;
	v46 =	vld [tilespmem:s28+$0x15950]  }
0x1ee: {  	v41 =	vsub.f32 $1.500000000e+00, v41;
	v40 =	vmul.f32 v37, v53  }
0x1ef: {  	v48 =	vmul.f32 v11, v11;
	v58 =	vmul.f32 v18, v18  }
0x1f0: {  	v39 =	vmul.f32 v41, v39;
	v40 =	vsub.f32 $1.500000000e+00, v40  }
0x1f1: {  	v22 =	vadd.f32 v55, v61;
	v61 =	vadd.f32 v48, v58  }
0x1f2: {  	v48 =	vmul.f32 v37, v40;
	v37 =	vadd.f32 v46, v49;
	v49 =	vmul.f32 v39, v0;
	v0 =	vld [tilespmem:$0x1FDC0];
	_ =	sdelay $0x1  }
0x1f3: {  	v59 =	vld [tilespmem:s8+$0xF0]  }
0x1f4: {  	v47 =	vld [tilespmem:s24+$0x40]  }
0x1f5: {  	v38 =	vld [tilespmem:s28+$0x15940]  }
0x1f6: {  	v51 =	vmul.f32 v39, v0;
	v0 =	vld [tilespmem:$0x1FDD0]  }
0x1f7: {  	v21 =	vld [tilespmem:s26+$0x15970]  }
0x1f8: {  	v62 =	vld [tilespmem:s24+$0x30];
	v52 =	vmul.f32 v29, v50  }
0x1f9: {  	v44 =	vld [tilespmem:s28+$0x15930]  }
0x1fa: {  	v45 =	vld [tilespmem:s28+$0x15960];
	v35 =	vmul.f32 v29, v52  }
0x1fb: {  	v38 =	vadd.f32 v38, v47;
	v47 =	vmul.f32 v39, v0;
	v0 =	vld [tilespmem:$0x1FDE0]  }
0x1fc: {  	v21 =	vadd.f32 v21, v59;
	v59 =	vld [tilespmem:s24+$0x60];
	v55 =	vsub.f32 $1.500000000e+00, v35  }
0x1fd: {  	v36 =	vld [tilespmem:s24+$0x70]  }
0x1fe: {  	v52 =	vmul.f32 v29, v55;
	v29 =	vadd.f32 v44, v62;
	v40 =	vld [tilespmem:s28+$0x15970]  }
0x1ff: {  	v56 =	vadd.f32 v19, v14;
	v57 =	vadd.f32 v21, v15;
	v44 =	vmul.f32 v22, v22  }
0x200: {  	v46 =	vmul.f32 v29, v29;
	v58 =	vmul.f32 v39, v0;
	v0 =	vld [tilespmem:$0x1FDF0]  }
0x201: {  	v57 =	vadd.f32 v57, v56;
	v35 =	vadd.f32 v45, v59  }
0x202: {  	v59 =	vmul.f32 v38, v38;
	v56 =	vmul.f32 v37, v37;
	v46 =	vadd.f32 v46, v44  }
0x203: {  	v44 =	vmul.f32 v14, v14;
	v36 =	vadd.f32 v40, v36;
	v40 =	vmul.f32 v19, v19;
	_ =	sdelay $0x1  }
0x204: {  	v59 =	vadd.f32 v56, v59;
	v56 =	vadd.f32 v40, v44;
	v44 =	vmul.f32 v39, v0;
	v0 =	vld [tilespmem:$0x1FE00];
	_ =	sdelay $0x1  }
0x205: {  	[tilespmem:s10+$0x0] =	vst v49  }
0x206: {  	v53 =	vadd.f32 v26, v25;
	v62 =	vadd.f32 v29, v22;
	[tilespmem:s10+$0x10] =	vst v51  }
0x207: {  	[tilespmem:s10+$0x20] =	vst v47  }
0x208: {  	v53 =	vadd.f32 v62, v53;
	v62 =	vmul.f32 v39, v0;
	v0 =	vld [tilespmem:$0x1FE10]  }
0x209: {  	v54 =	vmul.f32 v39, v54;
	[tilespmem:s10+$0x30] =	vst v58  }
0x20a: {  	v45 =	vmul.f32 v48, v43;
	[tilespmem:s10+$0x40] =	vst v44  }
0x20b: {  	[tilespmem:s10+$0x60] =	vst v54  }
0x20c: {  	v45 =	vmul.f32 v45, v48;
	[tilespmem:s10+$0x50] =	vst v62  }
0x20d: {  	v47 =	vmul.f32 v39, v0;
	v0 =	vld [tilespmem:$0x1FE20]  }
0x20e: {  	v41 =	vmul.f32 v25, v25;
	v42 =	vmul.f32 v26, v26;
	v45 =	vsub.f32 $1.500000000e+00, v45  }
0x20f: {  	v50 =	vmul.f32 v52, v50  }
0x210: {  	v55 =	vadd.f32 v42, v41;
	v43 =	vadd.f32 v37, v38;
	v45 =	vmul.f32 v45, v48  }
0x211: {  	v50 =	vmul.f32 v50, v52;
	v41 =	vadd.f32 v36, v35;
	v42 =	vmul.f32 v36, v36  }
0x212: {  	v48 =	vadd.f32 v57, v60;
	v51 =	vmul.f32 v35, v35;
	v60 =	vmul.f32 v45, v0;
	v0 =	vld [tilespmem:$0x1FE30]  }
0x213: {  	v50 =	vsub.f32 $1.500000000e+00, v50  }
0x214: {  	v58 =	vadd.f32 v41, v43;
	v41 =	vadd.f32 v42, v51;
	_ =	sdelay $0x1  }
0x215: {  	v39 =	vmul.f32 v50, v52;
	v50 =	vadd.f32 v41, v59;
	[tilespmem:s10+$0x70] =	vst v47  }
0x216: {  	v59 =	vadd.f32 v61, v63;
	v61 =	vadd.f32 $9.999999740e-06, v0;
	v0 =	vld [tilespmem:$0x1FE40];
	_ =	sdelay $0x4  }
0x217: {  	v62 =	vmul.f32 v45, v0;
	v0 =	vld [tilespmem:$0x1FE50]  }
0x218: {  	v40 =	vmul.f32 v21, v21;
	v49 =	vmul.f32 v15, v15;
	_ =	sdelay $0x1  }
0x219: {  	v49 =	vadd.f32 v40, v49;
	v40 =	vbroadcast v1, $0xF;
	_ =	sdelay $0x1  }
0x21a: {  	v43 =	vsub.f32 v0, v40;
	v0 =	vld [tilespmem:$0x1FE60];
	_ =	sdelay $0x3  }
0x21b: {  	[tilespmem:s10+$0x80] =	vst v60  }
0x21c: {  	v63 =	vadd.f32 $9.999999740e-06, v0;
	v0 =	vld [tilespmem:$0x1FE70];
	_ =	sdelay $0x4  }
0x21d: {  	v42 =	vsub.f32 v0, v40;
	v0 =	vld [tilespmem:$0x1FE80];
	_ =	sdelay $0x3  }
0x21e: {  	[tilespmem:s10+$0x90] =	vst v62  }
0x21f: {  	v57 =	vmul.f32 v45, v0;
	v0 =	vld [tilespmem:$0x1FE90];
	_ =	sdelay $0x4  }
0x220: {  	v41 =	vsub.f32 v0, v40;
	v0 =	vld [tilespmem:$0x1FEA0];
	_ =	sdelay $0x3  }
0x221: {  	v44 =	vbroadcast v61, $0xF;
	v61 =	vmul.f32 v45, v2  }
0x222: {  	[tilespmem:s10+$0xA0] =	vst v57;
	v60 =	vmul.f32 v45, v0  }
0x223: {  	[tilespmem:s10+$0xC0] =	vst v61  }
0x224: {  	[tilespmem:s10+$0xB0] =	vst v60  }
0x225: {  	v0 =	vld [tilespmem:$0x1FEB0]  }
0x226: {  	v46 =	vadd.f32 v46, v55;
	v51 =	vbroadcast v63, $0xF  }
0x227: {  	v58 =	vadd.f32 v58, v53;
	v47 =	vadd.f32 v49, v56;
	v55 =	vmul.f32 $5.000000000e-01, v44  }
0x228: {  	v63 =	vshra.s32 v51, $0x1;
	v54 =	vmul.f32 $5.000000000e-01, v51;
	v62 =	vshra.s32 v44, $0x1  }
0x229: {  	v51 =	vadd.f32 v50, v46;
	v52 =	vsub.s32 $0x5F3759DF, v63;
	v53 =	vsub.s32 $0x5F3759DF, v62  }
0x22a: {  	s26 =	simm.s32 $0x6;
	s28 =	simm.s32 $0x5D00;
	(xrf2) =	vadd.scan.msk.f32 $0xffff, v48;
	v49 =	vmul.f32 v52, v54;
	v50 =	vmul.f32 v53, v55;
	v44 =	vsub.f32 v0, v40  }
.LBB2_5:
0x22b: {  	v0 =	vld [tilespmem:$0x1FD80]  }
0x22c: {  	v1 =	vld [tilespmem:$0x1FD90]  }
0x22d: {  	v2 =	vld [tilespmem:$0x1FDA0];
	_ =	sdelay $0x1  }
0x22e: {  	v46 =	vld [tilespmem:s28+$0x0];
	v60 =	vmul.f32 v39, v20;
	v57 =	vadd.f32 v47, v59  }
0x22f: {  	v48 =	vld [tilespmem:s28+$0x20];
	v63 =	vmul.f32 v53, v50;
	v59 =	vsub.f32 v3, v40;
	v56 =	vsub.f32 v0, v40  }
0x230: {  	v47 =	vld [tilespmem:s28+$0x10];
	(xrf2) =	vadd.scan.msk.f32 $0xffff, v58;
	v0 =	vmul.f32 v45, v28;
	v58 =	vsub.f32 v1, v40;
	v1 =	vmul.f32 v52, v49  }
0x231: {  	v3 =	vmul.f32 v45, v30;
	v50 =	vld [tilespmem:s28+$0x40];
	v40 =	vsub.f32 v2, v40;
	v2 =	vsub.f32 $1.500000000e+00, v63  }
0x232: {  	(xrf2) =	vadd.scan.msk.f32 $0xffff, v51;
	v51 =	vld [tilespmem:s28+$0x50];
	[tilespmem:s10+$0xD0] =	vst v0;
	v0 =	vmul.f32 v45, v31;
	v1 =	vsub.f32 $1.500000000e+00, v1  }
0x233: {  	v61 =	vmul.f32 v39, v27;
	[tilespmem:s10+$0xF0] =	vst v3;
	v28 =	vmov v34;
	v49 =	vld [tilespmem:s28+$0x30];
	v34 =	vmul.f32 v53, v2  }
0x234: {  	v20 =	vmov v43;
	v2 =	vmul.f32 v39, v12;
	v53 =	vld [tilespmem:s28+$0x70];
	[tilespmem:s10+$0xE0] =	vst v0;
	v43 =	vmul.f32 v52, v1;
	s10 =	smov.u32 s12  }
0x235: {  	(xrf2) =	vadd.scan.msk.f32 $0xffff, v57;
	s12 =	smov.u32 s8;
	s8 =	smov.u32 s24;
	v52 =	vld [tilespmem:s28+$0x60];
	v1 =	vmul.f32 v39, v17;
	v62 =	vmul.f32 v34, v55;
	v57, _, _ =	vpop (xrf2);
	[tilespmem:s10+$0x0] =	vst v60  }
0x236: {  	v27 =	vmovc v42;
	v55 =	vmovc v37;
	[tilespmem:s10+$0x10] =	vst v61;
	v37 =	vld [tilespmem:s8+$0x80];
	v0 =	vmov v38;
	v63 =	vmul.f32 v43, v54;
	v38 =	vmul.f32 $7.812500000e-03, v57  }
0x237: {  	v30 =	vmovc v32;
	v3 =	vmov v35;
	[tilespmem:s10+$0x20] =	vst v2;
	v2 =	vmul.f32 v39, v13;
	v35 =	vld [tilespmem:s8+$0xA0];
	v32 =	vmul.f32 v62, v34  }
0x238: {  	v31 =	vmovc v33;
	v12 =	vmovc v41;
	v17 =	vmov v44;
	[tilespmem:$0x1FD90] =	vst v55;
	v55 =	vld [tilespmem:s8+$0xB0];
	v33 =	vmul.f32 v63, v43;
	v44 =	vbroadcast v38, $0xF  }
0x239: {  	s25 =	sadd.s32 $0x1, s25;
	v60 =	vmul.f32 v39, v16;
	v13 =	vmovc v56;
	v16 =	vmovc v58;
	v61 =	vmul.f32 v39, v10;
	v56 =	vld [tilespmem:s8+$0xC0];
	v32 =	vsub.f32 $1.500000000e+00, v32  }
0x23a: {  	p2 =	sgt.s32 s25, $0xC8;
	v58 =	vld [tilespmem:s8+$0xE0];
	[tilespmem:s10+$0x30] =	vst v1;
	v62, _, _ =	vpop (xrf2);
	v63 =	vmul.f32 v39, v9;
	v33 =	vsub.f32 $1.500000000e+00, v33;
	v24 =	vsub.f32 v24, v44  }
0x23b: {  	s25 =	simm.s32 @p2 $0x1;
	v10 =	vmovc v59;
	v59 =	vld [tilespmem:s8+$0xF0];
	[tilespmem:$0x1FD80] =	vst v0;
	v41 =	vmul.f32 $7.812500000e-03, v62;
	v23 =	vsub.f32 v23, v44;
	v18 =	vsub.f32 v18, v44  }
0x23c: {  	s29 =	sshll.u32 s25, $0x9;
	v54 =	vld [tilespmem:s8+$0x90];
	[tilespmem:s10+$0x40] =	vst v2;
	v42, _, _ =	vpop (xrf2);
	v39 =	vmul.f32 v32, v34;
	v11 =	vsub.f32 v11, v44;
	v45 =	vmul.f32 v33, v43  }
0x23d: {  	s11 =	sshra.s32 s29, $0x2;
	v57 =	vld [tilespmem:s8+$0xD0];
	[tilespmem:s10+$0x50] =	vst v60;
	v14 =	vsub.f32 v14, v44;
	v33 =	vmul.f32 v41, v41;
	v43 =	vmul.f32 $7.812500000e-03, v42  }
0x23e: {  	v60 =	vld [tilespmem:s11+$0x15900];
	v9 =	vmovc v40;
	v0 =	vmovc v36;
	v34 =	vsub.f32 v19, v44;
	v40 =	vbroadcast v41, $0xF;
	v19 =	vmul.f32 v45, v6  }
0x23f: {  	v36 =	vld [tilespmem:s11+$0x15910];
	v32 =	vsub.f32 v21, v44;
	v6 =	vmovc v24;
	v24 =	vsub.f32 v43, v33;
	v62 =	vmul.f32 v45, v8  }
0x240: {  	v38 =	vmul.f32 v38, v38;
	v33 =	vsub.f32 v15, v44;
	v43 =	vsub.f32 v25, v40;
	v25 =	vld [tilespmem:s11+$0x15920];
	[tilespmem:s10+$0x80] =	vst v19  }
0x241: {  	s25 =	sadd.s32 $0x1, s25;
	v15, _, _ =	vpop (xrf2);
	v8 =	vmov v23;
	v23 =	vmul.f32 v45, v4;
	v19 =	vadd.f32 $9.999999740e-06, v24;
	v21 =	vld [tilespmem:s11+$0x15930];
	[tilespmem:s10+$0x90] =	vst v62  }
0x242: {  	p2 =	sgt.s32 s25, $0xC8;
	[tilespmem:s10+$0x60] =	vst v61;
	v41 =	vsub.f32 v22, v40;
	v4 =	vmovc v18;
	v18 =	vmul.f32 v45, v7;
	v15 =	vmul.f32 $7.812500000e-03, v15;
	v22 =	vld [tilespmem:s11+$0x15940]  }
0x243: {  	s25 =	simm.s32 @p2 $0x1;
	v42 =	vsub.f32 v26, v40;
	v44 =	vsub.f32 v29, v40;
	v61 =	vbroadcast v19, $0xF;
	v19 =	vld [tilespmem:s11+$0x15950];
	[tilespmem:s10+$0xA0] =	vst v23  }
0x244: {  	s29 =	sshll.u32 s25, $0x9;
	v24 =	vadd.f32 v60, v37;
	v15 =	vsub.f32 v15, v38;
	v26 =	vld [tilespmem:s11+$0x15960];
	[tilespmem:s10+$0xB0] =	vst v18  }
0x245: {  	s29 =	sshra.s32 s29, $0x2;
	[tilespmem:s10+$0x70] =	vst v63;
	v29 =	vmul.f32 v45, v5;
	v23 =	vadd.f32 v36, v54;
	v18 =	vadd.f32 v25, v35;
	v25 =	vld [tilespmem:s11+$0x15970]  }
0x246: {  	v7 =	vmovc v11;
	v63 =	vmul.f32 v24, v24;
	v36 =	vld [tilespmem:s29+$0x15900];
	v15 =	vadd.f32 $9.999999740e-06, v15;
	v60 =	vshra.s32 v61, $0x1  }
0x247: {  	v37 =	vadd.f32 v23, v24;
	[tilespmem:s10+$0xC0] =	vst v29;
	v29 =	vld [tilespmem:s29+$0x15910];
	v38 =	vmul.f32 v18, v18;
	v11 =	vadd.f32 v21, v55  }
0x248: {  	v5 =	vmovc v14;
	v35 =	vld [tilespmem:s29+$0x15940];
	v21 =	vmul.f32 v23, v23;
	v14 =	vadd.f32 v22, v56;
	v19 =	vadd.f32 v19, v57  }
0x249: {  	v54 =	vbroadcast v15, $0xF;
	v22 =	vld [tilespmem:s29+$0x15920];
	v55 =	vadd.f32 v11, v18;
	v15 =	vadd.f32 v26, v58  }
0x24a: {  	v57 =	vld [tilespmem:s29+$0x15930];
	v56 =	vmul.f32 v11, v11;
	v62 =	vadd.f32 v21, v63;
	v21 =	vadd.f32 v25, v59  }
0x24b: {  	v58 =	vmul.f32 v14, v14;
	v59 =	vadd.f32 v19, v14;
	v25 =	vadd.f32 v36, v46  }
0x24c: {  	v63 =	vmul.f32 v19, v19;
	v36 =	vld [tilespmem:s29+$0x15950];
	v26 =	vadd.f32 v29, v47;
	v46 =	vadd.f32 v55, v37  }
0x24d: {  	v47 =	vld [tilespmem:s29+$0x15960];
	v55 =	vmul.f32 v15, v15;
	v56 =	vadd.f32 v56, v38;
	v38 =	vadd.f32 v35, v50  }
0x24e: {  	[tilespmem:$0x1FDA0] =	vst v0;
	v37 =	vadd.f32 v21, v15;
	v0 =	vmul.f32 v21, v21;
	v22 =	vadd.f32 v22, v48;
	v48 =	vld [tilespmem:s29+$0x15970]  }
0x24f: {  	v1 =	vmul.f32 v25, v25;
	v29 =	vadd.f32 v57, v49;
	v49 =	vadd.f32 v26, v25  }
0x250: {  	v57 =	vmul.f32 v26, v26;
	v59 =	vadd.f32 v37, v59;
	v0 =	vadd.f32 v0, v55  }
0x251: {  	v55 =	vmul.f32 $5.000000000e-01, v61;
	v50 =	vmul.f32 v22, v22;
	v37 =	vadd.f32 v36, v51  }
0x252: {  	v51 =	vadd.f32 v29, v22;
	v2 =	vmul.f32 v29, v29;
	v35 =	vadd.f32 v47, v52  }
0x253: {  	v47 =	vmul.f32 v38, v38;
	v1 =	vadd.f32 v57, v1;
	v36 =	vadd.f32 v48, v53  }
0x254: {  	v57 =	vmul.f32 v37, v37;
	v49 =	vadd.f32 v51, v49;
	v51 =	vmul.f32 v35, v35  }
0x255: {  	s26 =	sadd.s32 $0x2, s26;
	v2 =	vadd.f32 v2, v50;
	v48 =	vadd.f32 v37, v38;
	v53 =	vmul.f32 v36, v36  }
0x256: {  	p1 =	slt.u32 s26, $0x7E;
	v52 =	vshra.s32 v54, $0x1;
	v47 =	vadd.f32 v57, v47;
	v50 =	vadd.f32 v36, v35  }
.Ltmp1:
0x257: {  	v54 =	vmul.f32 $5.000000000e-01, v54;
	v57 =	vadd.f32 v63, v58;
	v63 =	vadd.f32 v53, v51;
	(pc) =	sbr.rel @p1 .LBB2_5-.Ltmp1, $4  }
0x258: {  	v52 =	vsub.s32 $0x5F3759DF, v52;
	v1 =	vadd.f32 v2, v1;
	v48 =	vadd.f32 v50, v48  }
0x259: {  	v2 =	vadd.f32 v59, v46;
	v53 =	vsub.s32 $0x5F3759DF, v60;
	v63 =	vadd.f32 v63, v47  }
0x25a: {  	v59 =	vadd.f32 v56, v62;
	v50 =	vmul.f32 v53, v55;
	v58 =	vadd.f32 v48, v49  }
0x25b: {  	s24 =	smov.u32 s28;
	s28 =	sadd.s32 $0x100, s28;
	(xrf2) =	vadd.scan.msk.f32 $0xffff, v2;
	v47 =	vadd.f32 v0, v57;
	v49 =	vmul.f32 v52, v54;
	v51 =	vadd.f32 v63, v1  }
0x25c: {  	(xrf2) =	vadd.scan.msk.f32 $0xffff, v58  }
0x25d: {  	(xrf2) =	vadd.scan.msk.f32 $0xffff, v51;
	_ =	sdelay $0x1  }
0x25e: {  	v0 =	vadd.f32 v47, v59  }
0x25f: {  	v57 =	vld [tilespmem:s24+$0x90]  }
0x260: {  	v56 =	vld [tilespmem:s24+$0xA0];
	(xrf2) =	vadd.scan.msk.f32 $0xffff, v0  }
0x261: {  	s25 =	sadd.s32 $0x1, s25;
	v62 =	vld [tilespmem:s24+$0xB0]  }
0x262: {  	v61 =	vld [tilespmem:s24+$0xD0];
	p1 =	sgt.s32 s25, $0xC8  }
0x263: {  	v58 =	vld [tilespmem:s24+$0xE0];
	s25 =	simm.s32 @p1 $0x1  }
0x264: {  	v51 =	vld [tilespmem:s24+$0x80];
	s11 =	sshll.u32 s25, $0x9;
	v46, _, _ =	vpop (xrf2)  }
0x265: {  	v59 =	vld [tilespmem:s24+$0xC0];
	s11 =	sshra.s32 s11, $0x2;
	v0, _, _ =	vpop (xrf2)  }
0x266: {  	v47 =	vld [tilespmem:s11+$0x15900];
	[tilespmem:$0x1FBE0] =	vst v0;
	v0 =	vmul.f32 $7.812500000e-03, v46;
	v1, _, _ =	vpop (xrf2)  }
0x267: {  	v60 =	vld [tilespmem:s11+$0x15910];
	[tilespmem:$0x1FBF0] =	vst v1  }
0x268: {  	[tilespmem:$0x1FC00] =	vst v0  }
0x269: {  	v46 =	vld [tilespmem:s11+$0x15920]  }
0x26a: {  	v48, _, _ =	vpop (xrf2);
	v63 =	vld [tilespmem:s11+$0x15930]  }
0x26b: {  	v0 =	vmul.f32 v0, v0;
	v48 =	vmul.f32 $7.812500000e-03, v48;
	v1 =	vld [tilespmem:s11+$0x15940]  }
0x26c: {  	v2 =	vld [tilespmem:s11+$0x15950]  }
0x26d: {  	v50 =	vmul.f32 v53, v50;
	v0 =	vsub.f32 v48, v0  }
0x26e: {  	v30 =	vmul.f32 v45, v30;
	v48 =	vadd.f32 v47, v51;
	v51 =	vld [tilespmem:s11+$0x15960];
	v47 =	vadd.f32 v60, v57  }
0x26f: {  	v57 =	vld [tilespmem:s24+$0xF0];
	v60 =	vmul.f32 v45, v31;
	v46 =	vadd.f32 v46, v56;
	v56 =	vmul.f32 v45, v28  }
0x270: {  	v28 =	vmul.f32 v52, v49;
	v49 =	vsub.f32 $1.500000000e+00, v50;
	v50 =	vld [tilespmem:s11+$0x15970];
	v45 =	vadd.f32 v63, v62  }
0x271: {  	v31 =	vadd.f32 v1, v59;
	v1 =	vadd.f32 v2, v61;
	v63 =	vmul.f32 v47, v47  }
0x272: {  	v61 =	vadd.f32 v47, v48;
	v53 =	vmul.f32 v53, v49;
	v49 =	vmul.f32 v48, v48  }
0x273: {  	v20 =	vmul.f32 v39, v20;
	v2 =	vsub.f32 $1.500000000e+00, v28;
	v62 =	vadd.f32 v45, v46  }
0x274: {  	v28 =	vadd.f32 v51, v58;
	v51 =	vadd.f32 v63, v49;
	v63 =	vmul.f32 v46, v46  }
0x275: {  	[tilespmem:s10+$0xE0] =	vst v60;
	v49 =	vadd.f32 v50, v57;
	v50 =	vadd.f32 v62, v61;
	v61 =	vmul.f32 v45, v45  }
0x276: {  	v27 =	vmul.f32 v39, v27;
	[tilespmem:s10+$0xD0] =	vst v56;
	v2 =	vmul.f32 v52, v2  }
0x277: {  	v57 =	vmul.f32 v31, v31;
	v52 =	vadd.f32 v61, v63;
	v61 =	vmul.f32 v1, v1;
	v63 =	vld [tilespmem:$0x1FBE0];
	[tilespmem:s10+$0xF0] =	vst v30  }
0x278: {  	v12 =	vmul.f32 v39, v12;
	v58 =	vadd.f32 v1, v31;
	v59 =	vadd.f32 v49, v28;
	[tilespmem:s12+$0x0] =	vst v20  }
0x279: {  	v17 =	vmul.f32 v39, v17;
	v13 =	vmul.f32 v39, v13;
	v57 =	vadd.f32 v61, v57;
	v61 =	vld [tilespmem:$0x1FBF0]  }
0x27a: {  	v62 =	vmul.f32 v49, v49;
	v58 =	vadd.f32 v59, v58;
	v59 =	vmul.f32 v28, v28  }
0x27b: {  	v16 =	vmul.f32 v39, v16;
	v0 =	vadd.f32 $9.999999740e-06, v0;
	v54 =	vmul.f32 v2, v54  }
0x27c: {  	v62 =	vadd.f32 v62, v59;
	v50 =	vadd.f32 v58, v50;
	v58 =	vmul.f32 $7.812500000e-03, v63  }
0x27d: {  	v55 =	vmul.f32 v53, v55;
	v20 =	vmul.f32 v54, v2;
	v30 =	vadd.f32 v52, v51  }
0x27e: {  	[tilespmem:s12+$0x10] =	vst v27;
	v59 =	vadd.f32 v62, v57;
	v60 =	vmul.f32 v58, v58;
	v54 =	vmul.f32 $7.812500000e-03, v61  }
0x27f: {  	v0 =	vbroadcast v0, $0xF;
	v27 =	vmul.f32 v55, v53;
	v62 =	vld [tilespmem:$0x1FC00];
	[tilespmem:s12+$0x20] =	vst v12;
	v12 =	vsub.f32 $1.500000000e+00, v20  }
0x280: {  	v10 =	vmul.f32 v39, v10;
	(xrf2) =	vadd.scan.msk.f32 $0xffff, v50;
	v30 =	vadd.f32 v59, v30;
	v63 =	vsub.f32 v54, v60  }
0x281: {  	v20 =	vsub.f32 $1.500000000e+00, v27;
	[tilespmem:s12+$0x30] =	vst v17;
	v27 =	vshra.s32 v0, $0x1;
	v2 =	vmul.f32 v12, v2  }
0x282: {  	v0 =	vmul.f32 $5.000000000e-01, v0;
	[tilespmem:s12+$0x40] =	vst v13;
	(xrf2) =	vadd.scan.msk.f32 $0xffff, v30;
	v17 =	vadd.f32 $9.999999740e-06, v63  }
0x283: {  	v9 =	vmul.f32 v39, v9;
	[tilespmem:s12+$0x50] =	vst v16;
	v13 =	vsub.s32 $0x5F3759DF, v27;
	v6 =	vmul.f32 v2, v6  }
0x284: {  	[tilespmem:s12+$0x60] =	vst v10;
	v16 =	vbroadcast v17, $0xF;
	v17 =	vmul.f32 v13, v0  }
0x285: {  	[tilespmem:s12+$0x70] =	vst v9;
	v8 =	vmul.f32 v2, v8;
	v4 =	vmul.f32 v2, v4  }
0x286: {  	[tilespmem:s12+$0x80] =	vst v6;
	v9 =	vshra.s32 v16, $0x1;
	v10 =	vmul.f32 $5.000000000e-01, v16;
	v16 =	vmul.f32 v13, v17  }
0x287: {  	v12 =	vmul.f32 v20, v53;
	v6 =	vmul.f32 v2, v7;
	[tilespmem:s12+$0x90] =	vst v8  }
0x288: {  	v5 =	vmul.f32 v2, v5;
	v50 =	vbroadcast v62, $0xF;
	v17 =	vld [tilespmem:$0x1FD80];
	[tilespmem:s12+$0xA0] =	vst v4  }
0x289: {  	v4 =	vmul.f32 v2, v34;
	v7 =	vsub.s32 $0x5F3759DF, v9;
	v20 =	vld [tilespmem:$0x1FD90];
	[tilespmem:s12+$0xB0] =	vst v6;
	v6 =	vmul.f32 v2, v33  }
0x28a: {  	[tilespmem:s12+$0xC0] =	vst v5;
	v2 =	vmul.f32 v2, v32;
	v8 =	vmul.f32 v7, v10;
	v9 =	vsub.f32 $1.500000000e+00, v16;
	v16, _, _ =	vpop (xrf2)  }
0x28b: {  	v30 =	vsub.f32 v3, v40;
	v3 =	vld [tilespmem:$0x1FDA0];
	[tilespmem:s12+$0xD0] =	vst v4;
	v4 =	vmul.f32 v12, v43;
	v16 =	vmul.f32 $7.812500000e-03, v16  }
0x28c: {  	[tilespmem:s12+$0xE0] =	vst v6;
	v6 =	vbroadcast v58, $0xF;
	v9 =	vmul.f32 v13, v9;
	v13, _, _ =	vpop (xrf2)  }
0x28d: {  	v13 =	vmul.f32 $7.812500000e-03, v13;
	v5 =	vmul.f32 v16, v16  }
0x28e: {  	[tilespmem:s12+$0xF0] =	vst v2;
	v2 =	vmul.f32 v12, v41;
	v8 =	vmul.f32 v7, v8;
	v17 =	vsub.f32 v17, v40  }
0x28f: {  	v20 =	vsub.f32 v20, v40;
	v0 =	vmul.f32 v9, v0;
	v5 =	vsub.f32 v13, v5  }
0x290: {  	[tilespmem:s8+$0x20] =	vst v2;
	v8 =	vsub.f32 $1.500000000e+00, v8;
	v27 =	vsub.f32 v3, v40;
	v2 =	vmul.f32 v12, v17  }
0x291: {  	[tilespmem:s8+$0x0] =	vst v4;
	v3 =	vmul.f32 v12, v30;
	v0 =	vmul.f32 v0, v9;
	v4 =	vadd.f32 $9.999999740e-06, v5  }
0x292: {  	v7 =	vmul.f32 v7, v8;
	v8 =	vmul.f32 v12, v44  }
0x293: {  	v17 =	vmul.f32 v12, v20;
	[tilespmem:s8+$0x40] =	vst v2;
	v0 =	vsub.f32 $1.500000000e+00, v0;
	v4 =	vbroadcast v4, $0xF  }
0x294: {  	v13 =	vmul.f32 v12, v42;
	[tilespmem:s8+$0x30] =	vst v8;
	v8 =	vmul.f32 v7, v10;
	v5 =	vsub.f32 v24, v50  }
0x295: {  	[tilespmem:s8+$0x60] =	vst v3;
	v0 =	vmul.f32 v0, v9;
	v2 =	vshra.s32 v4, $0x1;
	v4 =	vmul.f32 $5.000000000e-01, v4  }
0x296: {  	[tilespmem:s8+$0x10] =	vst v13;
	v13 =	vsub.f32 v23, v50;
	v9 =	vmul.f32 v12, v27;
	v2 =	vsub.s32 $0x5F3759DF, v2  }
0x297: {  	[tilespmem:s8+$0x50] =	vst v17;
	v10 =	vsub.f32 v18, v50;
	v3 =	vmul.f32 v0, v5;
	v5 =	vmul.f32 v2, v4  }
0x298: {  	v11 =	vsub.f32 v11, v50;
	v8 =	vmul.f32 v8, v7;
	[tilespmem:s8+$0x70] =	vst v9;
	v9 =	vmul.f32 v0, v13  }
0x299: {  	v12 =	vsub.f32 v14, v50;
	[tilespmem:s8+$0x80] =	vst v3;
	v3 =	vmul.f32 v0, v10;
	v5 =	vmul.f32 v2, v5  }
0x29a: {  	v8 =	vsub.f32 $1.500000000e+00, v8;
	v10 =	vsub.f32 v19, v50;
	[tilespmem:s8+$0x90] =	vst v9;
	v9 =	vmul.f32 v0, v11  }
0x29b: {  	v11 =	vsub.f32 v15, v50;
	[tilespmem:s8+$0xA0] =	vst v3;
	v3 =	vmul.f32 v0, v12;
	v5 =	vsub.f32 $1.500000000e+00, v5  }
0x29c: {  	v7 =	vmul.f32 v8, v7;
	v12 =	vsub.f32 v21, v50;
	[tilespmem:s8+$0xB0] =	vst v9;
	v8 =	vmul.f32 v0, v10  }
0x29d: {  	v9 =	vsub.f32 v25, v6;
	[tilespmem:s8+$0xC0] =	vst v3;
	v3 =	vmul.f32 v0, v11;
	v2 =	vmul.f32 v2, v5  }
0x29e: {  	[tilespmem:s8+$0xD0] =	vst v8;
	v0 =	vmul.f32 v0, v12;
	v8 =	vsub.f32 v22, v6  }
0x29f: {  	v9 =	vmul.f32 v7, v9;
	[tilespmem:s8+$0xE0] =	vst v3;
	v5 =	vsub.f32 v26, v6;
	v3 =	vmul.f32 v2, v4  }
0x2a0: {  	[tilespmem:s8+$0xF0] =	vst v0;
	v0 =	vsub.f32 v38, v6;
	v8 =	vmul.f32 v7, v8  }
0x2a1: {  	[tilespmem:s24+$0x0] =	vst v9;
	v4 =	vsub.f32 v29, v6;
	v5 =	vmul.f32 v7, v5;
	v3 =	vmul.f32 v3, v2  }
0x2a2: {  	v10 =	vsub.f32 v35, v6;
	v9 =	vsub.f32 v37, v6;
	[tilespmem:s24+$0x20] =	vst v8;
	v0 =	vmul.f32 v7, v0  }
0x2a3: {  	v4 =	vmul.f32 v7, v4;
	[tilespmem:s24+$0x10] =	vst v5;
	v5 =	vbroadcast v16, $0xF;
	v3 =	vsub.f32 $1.500000000e+00, v3  }
0x2a4: {  	v8 =	vmul.f32 v7, v9;
	v6 =	vsub.f32 v36, v6;
	[tilespmem:s24+$0x40] =	vst v0  }
0x2a5: {  	v0 =	vmul.f32 v7, v10;
	[tilespmem:s24+$0x30] =	vst v4;
	v4 =	vsub.f32 v48, v5;
	v2 =	vmul.f32 v3, v2  }
0x2a6: {  	[tilespmem:s24+$0x50] =	vst v8;
	v6 =	vmul.f32 v7, v6;
	v3 =	vsub.f32 v47, v5  }
0x2a7: {  	[tilespmem:s24+$0x60] =	vst v0;
	v1 =	vsub.f32 v1, v5;
	v0 =	vmul.f32 v2, v4  }
0x2a8: {  	v7 =	vsub.f32 v46, v5;
	[tilespmem:s24+$0x70] =	vst v6;
	v3 =	vmul.f32 v2, v3  }
0x2a9: {  	v4 =	vsub.f32 v45, v5;
	v1 =	vmul.f32 v2, v1;
	[tilespmem:s24+$0x80] =	vst v0  }
0x2aa: {  	v6 =	vsub.f32 v31, v5;
	v0 =	vmul.f32 v2, v7;
	[tilespmem:s24+$0x90] =	vst v3  }
0x2ab: {  	v3 =	vmul.f32 v2, v4;
	v4 =	vsub.f32 v28, v5;
	v5 =	vsub.f32 v49, v5;
	[tilespmem:s24+$0xD0] =	vst v1  }
0x2ac: {  	s26 =	smul.u32 $0x14000, s31;
	[tilespmem:s24+$0xA0] =	vst v0;
	v0 =	vmul.f32 v2, v6  }
0x2ad: {  	[tilespmem:s24+$0xB0] =	vst v3;
	v1 =	vmul.f32 v2, v5  }
0x2ae: {  	s8 =	sadd.s32 s26, s9;
	[tilespmem:s24+$0xC0] =	vst v0;
	v0 =	vmul.f32 v2, v4  }
0x2af: {  	s8 =	sshrl.u32 s8, $0x3;
	[tilespmem:s24+$0xF0] =	vst v1  }
0x2b0: {  	s8 =	sadd.s32 s4, s8;
	[tilespmem:s24+$0xE0] =	vst v0  }
0x2b1: {  	[hbm4b:s8+s6] =	stream.linear.scatter [tilespmem:s15], [sflag:$0x7], $0x4000, $0x38;
	[tilespmem:$0x1C100] =	vst v63  }
0x2b2: {  	_ =	swait.ge [sflag:s20], $0x4000  }
0x2b3: {  	[sflag:s20] =	ssyncset.done $0x0  }
0x2b4: {  	s8 =	simm.s32 @!p0 $0xA;
	[sflag:s20] =	ssyncadd.s32 $0xFFFFC000  }
0x2b5: {  	s0 =	sadd.s32 $0x4, s0;
	_ =	swait.ge @!p0 [sflag:s8], $0x4000  }
0x2b6: {  	s29 =	sshll.u32 s0, $0x7;
	[sflag:s8] =	ssyncset.done @!p0 $0x0  }
0x2b7: {  	s11 =	sand.u32 $0x3FFFFF80, s29;
	s10 =	simm.s32 $0x9900;
	[sflag:s8] =	ssyncadd.s32 @!p0 $0xFFFFC000  }
0x2b8: {  	[tilespmem:s21], [sflag:$0x5] =	stream.indirect.gather [hbm4b:s1+s13], $0x80, s11, s13, $0xb8;
	[tilespmem:$0x1C100] =	vst v63  }
0x2b9: {  	v0 =	vld [tilespmem:s10+$0x0]  }
0x2ba: {  	v1 =	vld [tilespmem:s10+$0x10]  }
0x2bb: {  	v2 =	vld [tilespmem:s10+$0x20]  }
0x2bc: {  	s8 =	sadd.s32 $0x1, s25;
	v3 =	vld [tilespmem:s10+$0x30]  }
0x2bd: {  	p0 =	sgt.s32 s8, $0xC8;
	v4 =	vld [tilespmem:s10+$0x40]  }
0x2be: {  	s8 =	simm.s32 @p0 $0x1;
	v5 =	vld [tilespmem:s10+$0x50]  }
0x2bf: {  	v7 =	vld [tilespmem:s10+$0x60];
	s12 =	sshll.u32 s8, $0x9  }
0x2c0: {  	v8 =	vld [tilespmem:s10+$0x70];
	s11 =	sshra.s32 s12, $0x2  }
0x2c1: {  	v6 =	vld [tilespmem:s11+$0x15900]  }
0x2c2: {  	v9 =	vld [tilespmem:s11+$0x15910]  }
0x2c3: {  	v10 =	vld [tilespmem:s11+$0x15920]  }
0x2c4: {  	v11 =	vld [tilespmem:s11+$0x15930]  }
0x2c5: {  	v12 =	vld [tilespmem:s11+$0x15940]  }
0x2c6: {  	v13 =	vld [tilespmem:s11+$0x15950]  }
0x2c7: {  	v14 =	vld [tilespmem:s11+$0x15960]  }
0x2c8: {  	v16 =	vld [tilespmem:s11+$0x15970];
	_ =	sdelay $0x1  }
0x2c9: {  	v27 =	vld [tilespmem:s10+$0xF0];
	s12 =	simm.s32 $0x9A00;
	v15 =	vadd.f32 v6, v0;
	v1 =	vadd.f32 v9, v1  }
0x2ca: {  	v17 =	vld [tilespmem:s12+$0x0];
	v2 =	vadd.f32 v10, v2;
	v3 =	vadd.f32 v11, v3  }
0x2cb: {  	v19 =	vld [tilespmem:s12+$0x10];
	v0 =	vadd.f32 v12, v4;
	v6 =	vadd.f32 v13, v5  }
0x2cc: {  	v21 =	vld [tilespmem:s12+$0x20];
	v5 =	vadd.f32 v14, v7;
	v4 =	vadd.f32 v16, v8  }
0x2cd: {  	s8 =	sadd.s32 $0x1, s8;
	v22 =	vld [tilespmem:s12+$0x30];
	v10 =	vadd.f32 v1, v15;
	v13 =	vadd.f32 v3, v2  }
0x2ce: {  	p0 =	sgt.s32 s8, $0xC8;
	v23 =	vld [tilespmem:s12+$0x40];
	v8 =	vadd.f32 v6, v0;
	v14 =	vadd.f32 v4, v5  }
0x2cf: {  	v24 =	vld [tilespmem:s12+$0x50];
	s8 =	simm.s32 @p0 $0x1  }
0x2d0: {  	v25 =	vld [tilespmem:s12+$0x60];
	s24 =	sshll.u32 s8, $0x9;
	v10 =	vadd.f32 v13, v10;
	v8 =	vadd.f32 v14, v8  }
0x2d1: {  	v26 =	vld [tilespmem:s12+$0x70];
	s11 =	sshra.s32 s24, $0x2;
	v9 =	vmul.f32 v15, v15;
	v11 =	vmul.f32 v1, v1  }
0x2d2: {  	v28 =	vld [tilespmem:s11+$0x15920];
	v12 =	vmul.f32 v2, v2;
	v18 =	vmul.f32 v3, v3;
	v8 =	vadd.f32 v8, v10  }
0x2d3: {  	s24 =	sadd.s32 $0x1, s8;
	v29 =	vld [tilespmem:s11+$0x15930];
	v7 =	vmul.f32 v0, v0;
	v16 =	vmul.f32 v4, v4  }
0x2d4: {  	p0 =	sgt.s32 s24, $0xC8;
	v30 =	vld [tilespmem:s11+$0x15940];
	v9 =	vadd.f32 v11, v9;
	v11 =	vmul.f32 v6, v6;
	v13 =	vmul.f32 v5, v5;
	(xrf2) =	vadd.scan.msk.f32 $0xffff, v8  }
0x2d5: {  	v31 =	vld [tilespmem:s11+$0x15950];
	s24 =	simm.s32 @p0 $0x1;
	v12 =	vadd.f32 v18, v12  }
0x2d6: {  	v50 =	vld [tilespmem:s11+$0x15960];
	s25 =	sshll.u32 s24, $0x9;
	v7 =	vadd.f32 v11, v7;
	v13 =	vadd.f32 v16, v13  }
0x2d7: {  	v51 =	vld [tilespmem:s11+$0x15970];
	s8 =	sshra.s32 s25, $0x2  }
0x2d8: {  	v52 =	vld [tilespmem:s8+$0x15900];
	v9 =	vadd.f32 v12, v9;
	v7 =	vadd.f32 v13, v7  }
0x2d9: {  	v56 =	vld [tilespmem:s8+$0x15910]  }
0x2da: {  	v58 =	vld [tilespmem:s8+$0x15920];
	v7 =	vadd.f32 v7, v9  }
0x2db: {  	v59 =	vld [tilespmem:s8+$0x15930]  }
0x2dc: {  	v42 =	vld [tilespmem:s8+$0x15940]  }
0x2dd: {  	v14 =	vld [tilespmem:s10+$0x90]  }
0x2de: {  	v18 =	vld [tilespmem:s10+$0xE0];
	(xrf2) =	vadd.scan.msk.f32 $0xffff, v7;
	v7, _, _ =	vpop (xrf2)  }
0x2df: {  	v11 =	vld [tilespmem:s10+$0x80];
	v7 =	vmul.f32 $7.812500000e-03, v7  }
0x2e0: {  	v12 =	vld [tilespmem:s10+$0xA0]  }
0x2e1: {  	v10 =	vld [tilespmem:s10+$0xB0];
	v57 =	vmul.f32 v7, v7;
	v7 =	vbroadcast v7, $0xF  }
0x2e2: {  	v16 =	vld [tilespmem:s10+$0xD0]  }
0x2e3: {  	v13 =	vld [tilespmem:s10+$0xC0];
	v15 =	vsub.f32 v15, v7  }
0x2e4: {  	v8 =	vld [tilespmem:s11+$0x15900];
	v1 =	vsub.f32 v1, v7  }
0x2e5: {  	v9 =	vld [tilespmem:s11+$0x15910];
	v2 =	vsub.f32 v2, v7;
	[tilespmem:$0x1FC40] =	vst v15  }
0x2e6: {  	v63 =	vadd.f32 v52, v17;
	v3 =	vsub.f32 v3, v7;
	v43 =	vld [tilespmem:s8+$0x15950];
	[tilespmem:$0x1FC50] =	vst v1  }
0x2e7: {  	v21 =	vadd.f32 v58, v21;
	v17 =	vadd.f32 v59, v22;
	v1 =	vld [tilespmem:s8+$0x15960];
	[tilespmem:$0x1FC60] =	vst v2  }
0x2e8: {  	v2 =	vld [tilespmem:s8+$0x15970];
	s8 =	simm.s32 $0x9B00;
	[tilespmem:$0x1FC70] =	vst v3  }
0x2e9: {  	v60 =	vadd.f32 v17, v21;
	v3 =	vld [tilespmem:s8+$0x0]  }
0x2ea: {  	v62 =	vadd.f32 v29, v10;
	v8 =	vadd.f32 v8, v11;
	v44 =	vld [tilespmem:s8+$0x10]  }
0x2eb: {  	v11 =	vadd.f32 v30, v13;
	v14 =	vadd.f32 v9, v14;
	v30 =	vld [tilespmem:s8+$0x20]  }
0x2ec: {  	v55 =	vmul.f32 v62, v62;
	v9 =	vadd.f32 v28, v12;
	v15 =	vadd.f32 v31, v16;
	v31 =	vld [tilespmem:s8+$0x30]  }
0x2ed: {  	v13 =	vadd.f32 v51, v27;
	v28 =	vmul.f32 v8, v8;
	v53 =	vmul.f32 v14, v14;
	v45 =	vld [tilespmem:s8+$0x40]  }
0x2ee: {  	v12 =	vadd.f32 v50, v18;
	v29 =	vadd.f32 v14, v8;
	v54 =	vmul.f32 v9, v9;
	v48 =	vld [tilespmem:s8+$0x50]  }
0x2ef: {  	v28 =	vadd.f32 v53, v28;
	v16 =	vadd.f32 v62, v9;
	v49 =	vld [tilespmem:s8+$0x60]  }
0x2f0: {  	v37 =	vadd.f32 v55, v54;
	v20, _, _ =	vpop (xrf2);
	v0 =	vsub.f32 v0, v7;
	v50 =	vld [tilespmem:s8+$0x70]  }
0x2f1: {  	v20 =	vmul.f32 $7.812500000e-03, v20;
	v27 =	vadd.f32 v15, v11;
	v29 =	vadd.f32 v16, v29;
	v46 =	vld [tilespmem:s12+$0x80]  }
0x2f2: {  	v61 =	vmul.f32 v17, v17;
	v16 =	vadd.f32 v56, v19;
	v56 =	vadd.f32 v13, v12;
	v52 =	vld [tilespmem:s12+$0x90]  }
0x2f3: {  	v20 =	vsub.f32 v20, v57;
	v19 =	vadd.f32 v42, v23;
	v42 =	vmul.f32 v21, v21;
	v35 =	vld [tilespmem:s12+$0xA0]  }
0x2f4: {  	s11 =	sadd.s32 $0x1, s24;
	v32 =	vmul.f32 v11, v11;
	v58 =	vadd.f32 v16, v63;
	v27 =	vadd.f32 v56, v27;
	v54 =	vld [tilespmem:s12+$0xB0]  }
0x2f5: {  	p0 =	sgt.s32 s11, $0xC8;
	v57 =	vmul.f32 v63, v63;
	v47 =	vld [tilespmem:s12+$0xC0];
	v42 =	vadd.f32 v61, v42;
	v22 =	vadd.f32 v43, v24  }
0x2f6: {  	s11 =	simm.s32 @p0 $0x1;
	v59 =	vmul.f32 v16, v16;
	v53 =	vld [tilespmem:s12+$0xD0];
	v10 =	vadd.f32 v1, v25;
	v24 =	vadd.f32 v2, v26  }
0x2f7: {  	s26 =	sshll.u32 s11, $0x9;
	v56 =	vld [tilespmem:s12+$0xE0];
	v38 =	vadd.f32 v60, v58;
	v25 =	vmul.f32 v19, v19;
	v26 =	vmul.f32 v22, v22  }
0x2f8: {  	s24 =	sshra.s32 s26, $0x2;
	v58 =	vld [tilespmem:s12+$0xF0];
	v1 =	vadd.f32 v59, v57;
	v60 =	vmul.f32 v10, v10;
	v36 =	vmul.f32 v24, v24  }
0x2f9: {  	v33 =	vmul.f32 v15, v15;
	v57 =	vld [tilespmem:s24+$0x15910];
	v2 =	vadd.f32 v22, v19;
	v61 =	vadd.f32 v24, v10  }
0x2fa: {  	v51 =	vmul.f32 v13, v13;
	v59 =	vld [tilespmem:s24+$0x15920];
	v25 =	vadd.f32 v26, v25;
	v39 =	vadd.f32 v36, v60  }
0x2fb: {  	v34 =	vmul.f32 v12, v12;
	v1 =	vadd.f32 v42, v1;
	v26 =	vadd.f32 v33, v32;
	v32 =	vld [tilespmem:s24+$0x15900]  }
0x2fc: {  	s25 =	sadd.s32 $0x1, s11;
	v2 =	vadd.f32 v61, v2;
	v60 =	vld [tilespmem:s24+$0x15930];
	v25 =	vadd.f32 v39, v25  }
0x2fd: {  	p0 =	sgt.s32 s25, $0xC8;
	v33 =	vadd.f32 v51, v34;
	v61 =	vld [tilespmem:s24+$0x15940]  }
0x2fe: {  	s25 =	simm.s32 @p0 $0x1;
	v2 =	vadd.f32 v2, v38;
	v38 =	vadd.f32 v25, v1;
	v1 =	vld [tilespmem:s24+$0x15950];
	[tilespmem:$0x1FC80] =	vst v0  }
0x2ff: {  	s29 =	sshll.u32 s25, $0x9;
	v28 =	vadd.f32 v37, v28;
	v20 =	vadd.f32 $9.999999740e-06, v20;
	v0 =	vld [tilespmem:s24+$0x15960]  }
0x300: {  	s11 =	sshra.s32 s29, $0x2;
	v27 =	vadd.f32 v27, v29;
	v26 =	vadd.f32 v33, v26;
	v36 =	vld [tilespmem:s24+$0x15970]  }
0x301: {  	v25 =	vadd.f32 v32, v46;
	v32 =	vadd.f32 v57, v52;
	v51 =	vld [tilespmem:s11+$0x15900]  }
0x302: {  	v29 =	vadd.f32 v59, v35;
	v28 =	vadd.f32 v26, v28;
	v41 =	vld [tilespmem:s11+$0x15910]  }
0x303: {  	v26 =	vadd.f32 v60, v54;
	v43 =	vld [tilespmem:s11+$0x15920];
	v39 =	vmul.f32 v25, v25;
	v40 =	vmul.f32 v32, v32  }
0x304: {  	v33 =	vadd.f32 v61, v47;
	v60 =	vld [tilespmem:s11+$0x15930];
	v52 =	vadd.f32 v32, v25  }
0x305: {  	v54 =	vadd.f32 v40, v39;
	v34 =	vadd.f32 v1, v53  }
0x306: {  	v1 =	vadd.f32 v26, v29;
	v23 =	vadd.f32 v51, v3  }
0x307: {  	v57 =	vmul.f32 v29, v29;
	v35 =	vadd.f32 v0, v56;
	v47 =	vadd.f32 v41, v44  }
0x308: {  	v53 =	vmul.f32 v26, v26;
	v0 =	vld [tilespmem:s11+$0x15940];
	v37 =	vadd.f32 v36, v58;
	v42 =	vadd.f32 v43, v30;
	[tilespmem:$0x1FCE0] =	vst v23  }
0x309: {  	v18 =	vadd.f32 v60, v31;
	v58 =	vadd.f32 v34, v33;
	v3 =	vld [tilespmem:s11+$0x15950];
	[tilespmem:$0x1FD00] =	vst v47  }
0x30a: {  	(xrf2) =	vadd.scan.msk.f32 $0xffff, v27;
	v51 =	vadd.f32 v1, v52;
	v53 =	vadd.f32 v53, v57;
	v41 =	vld [tilespmem:s11+$0x15960]  }
0x30b: {  	v1 =	vadd.f32 v37, v35;
	v43 =	vmul.f32 v23, v23;
	v27 =	vadd.f32 v47, v23;
	v30 =	vld [tilespmem:s11+$0x15970]  }
0x30c: {  	v31 =	vmul.f32 v47, v47;
	v39 =	vadd.f32 v18, v42;
	v40 =	vmul.f32 v18, v18  }
0x30d: {  	v60 =	vadd.f32 v1, v58;
	v0 =	vadd.f32 v0, v45;
	v45 =	vmul.f32 v42, v42  }
0x30e: {  	v31 =	vadd.f32 v31, v43;
	v27 =	vadd.f32 v39, v27  }
0x30f: {  	v20 =	vbroadcast v20, $0xF;
	(xrf2) =	vadd.scan.msk.f32 $0xffff, v2;
	v45 =	vadd.f32 v40, v45;
	v1 =	vadd.f32 v3, v48  }
0x310: {  	v56 =	vmul.f32 v33, v33;
	[tilespmem:$0x1FD40] =	vst v18;
	v18 =	vadd.f32 v41, v49;
	v2 =	vadd.f32 v30, v50  }
0x311: {  	[tilespmem:$0x1FD20] =	vst v42;
	v41 =	vmul.f32 v0, v0;
	v30 =	vadd.f32 v1, v0;
	v42 =	vmul.f32 v1, v1  }
0x312: {  	(xrf2) =	vadd.scan.msk.f32 $0xffff, v38;
	v43 =	vmul.f32 v18, v18;
	v44 =	vadd.f32 v2, v18;
	v46 =	vmul.f32 v2, v2  }
0x313: {  	v61 =	vmul.f32 v34, v34;
	[tilespmem:$0x1FC10] =	vst v0;
	v0 =	vsub.f32 v6, v7;
	v49 =	vadd.f32 v42, v41  }
0x314: {  	(xrf2) =	vadd.scan.msk.f32 $0xffff, v28;
	v52 =	vmul.f32 v35, v35;
	v40, _, _ =	vpop (xrf2);
	v28 =	vadd.f32 v44, v30;
	v30 =	vadd.f32 v46, v43  }
0x315: {  	v51 =	vadd.f32 v60, v51;
	v6 =	vmul.f32 $7.812500000e-03, v40;
	[tilespmem:$0x1FC90] =	vst v0;
	v0 =	vsub.f32 v4, v7  }
0x316: {  	v47 =	vmul.f32 v37, v37;
	v27 =	vadd.f32 v28, v27;
	v28 =	vadd.f32 v30, v49  }
0x317: {  	v30 =	vadd.f32 v53, v54;
	v54 =	vsub.f32 v5, v7;
	v5 =	vbroadcast v6, $0xF  }
0x318: {  	v56 =	vadd.f32 v61, v56;
	v60 =	vadd.f32 v47, v52;
	[tilespmem:$0x1FC20] =	vst v1  }
0x319: {  	(xrf2) =	vadd.scan.msk.f32 $0xffff, v51;
	v31 =	vadd.f32 v45, v31;
	[tilespmem:$0x1FCA0] =	vst v0;
	v0 =	vsub.f32 v8, v5  }
0x31a: {  	s24 =	simm.s32 $0x9C00;
	v61 =	vshra.s32 v20, $0x1;
	v58 =	vmul.f32 $5.000000000e-01, v20;
	v38 =	vadd.f32 v60, v56;
	[tilespmem:$0x1FC30] =	vst v2  }
0x31b: {  	v20, _, _ =	vpop (xrf2);
	v60 =	vld [tilespmem:s24+$0x0];
	v28 =	vadd.f32 v28, v31;
	(xrf2) =	vadd.scan.msk.f32 $0xffff, v27;
	[tilespmem:$0x1FCB0] =	vst v0;
	v0 =	vsub.f32 v14, v5  }
0x31c: {  	v20 =	vmul.f32 $7.812500000e-03, v20  }
0x31d: {  	v4 =	vadd.f32 v38, v30;
	(xrf2) =	vadd.scan.msk.f32 $0xffff, v28;
	[tilespmem:$0x1FCD0] =	vst v0;
	v0 =	vsub.f32 v9, v5;
	_ =	sdelay $0x1  }
0x31e: {  	v7 =	vmul.f32 v20, v20;
	v8, _, _ =	vpop (xrf2);
	(xrf2) =	vadd.scan.msk.f32 $0xffff, v4;
	v46 =	vld [tilespmem:s24+$0x10];
	[tilespmem:$0x1FD10] =	vst v0;
	v0 =	vsub.f32 v62, v5  }
0x31f: {  	v6 =	vmul.f32 v6, v6;
	v2 =	vsub.f32 v11, v5;
	v8 =	vmul.f32 $7.812500000e-03, v8  }
0x320: {  	v3 =	vmovc v18;
	v31 =	vsub.f32 v12, v5;
	v30 =	vsub.f32 v13, v5;
	v4 =	vbroadcast v20, $0xF;
	[tilespmem:$0x1FD30] =	vst v0  }
0x321: {  	v41 =	vsub.s32 $0x5F3759DF, v61;
	v28 =	vsub.f32 v15, v5;
	v18 =	vsub.f32 v8, v7;
	v9, _, _ =	vpop (xrf2);
	v61 =	vld [tilespmem:s24+$0x20]  }
0x322: {  	v20 =	vsub.f32 v63, v4;
	v7 =	vmul.f32 $7.812500000e-03, v9;
	v27 =	vsub.f32 v16, v4;
	v5, _, _ =	vpop (xrf2);
	v42 =	vld [tilespmem:s8+$0x80]  }
0x323: {  	v12 =	vsub.f32 v21, v4;
	v17 =	vsub.f32 v17, v4;
	v5 =	vmul.f32 $7.812500000e-03, v5;
	v23 =	vld [tilespmem:s8+$0x90]  }
0x324: {  	s11 =	sadd.s32 $0x1, s25;
	v13 =	vsub.f32 v19, v4;
	v44 =	vsub.f32 v7, v6;
	v43 =	vld [tilespmem:s8+$0xA0];
	v6, _, _ =	vpop (xrf2)  }
0x325: {  	p0 =	sgt.s32 s11, $0xC8;
	v16 =	vsub.f32 v22, v4;
	v21 =	vld [tilespmem:s8+$0xB0];
	v19 =	vbroadcast v5, $0xF;
	v1 =	vmul.f32 $7.812500000e-03, v6  }
0x326: {  	s11 =	simm.s32 @p0 $0x1;
	v8 =	vmul.f32 v41, v58;
	v10 =	vsub.f32 v10, v4;
	v9 =	vsub.f32 v24, v4;
	v45 =	vld [tilespmem:s8+$0xC0];
	v7, _, _ =	vpop (xrf2)  }
0x327: {  	s26 =	sshll.u32 s11, $0x9;
	v22 =	vld [tilespmem:s8+$0xD0];
	v4 =	vsub.f32 v29, v19;
	v47 =	vmul.f32 v1, v1;
	v29 =	vmul.f32 $7.812500000e-03, v7  }
0x328: {  	s26 =	sshra.s32 s26, $0x2;
	v24 =	vmul.f32 v41, v8;
	v50 =	vadd.f32 $9.999999740e-06, v18;
	v15 =	vld [tilespmem:s8+$0xE0];
	v7 =	vsub.f32 v26, v19;
	v26, _, _ =	vpop (xrf2)  }
0x329: {  	v11 =	vld [tilespmem:s26+$0x15910];
	v48 =	vmul.f32 v5, v5;
	v26 =	vmul.f32 $7.812500000e-03, v26;
	v0 =	vsub.f32 v29, v47  }
0x32a: {  	v49 =	vsub.f32 $1.500000000e+00, v24;
	v6 =	vsub.f32 v25, v19;
	v25 =	vld [tilespmem:s26+$0x15900]  }
0x32b: {  	v14 =	vld [tilespmem:s26+$0x15920];
	v8 =	vsub.f32 v32, v19;
	[tilespmem:$0x1FCC0] =	vst v0;
	v0 =	vsub.f32 v26, v48  }
0x32c: {  	v5 =	vsub.f32 v33, v19;
	v34 =	vsub.f32 v34, v19;
	v29 =	vld [tilespmem:s26+$0x15930]  }
0x32d: {  	s25 =	sadd.s32 $0x1, s11;
	v33 =	vsub.f32 v35, v19;
	v32 =	vsub.f32 v37, v19;
	v19 =	vld [tilespmem:s26+$0x15940];
	[tilespmem:$0x1FCF0] =	vst v0  }
0x32e: {  	p0 =	sgt.s32 s25, $0xC8;
	v39 =	vmul.f32 v41, v49;
	v26 =	vld [tilespmem:s26+$0x15950]  }
0x32f: {  	s25 =	simm.s32 @p0 $0x1;
	v51 =	vadd.f32 $9.999999740e-06, v44;
	v37 =	vbroadcast v50, $0xF;
	v24 =	vadd.f32 v25, v42;
	v25 =	vld [tilespmem:s26+$0x15960]  }
0x330: {  	s29 =	sshll.u32 s25, $0x9;
	v41 =	vmul.f32 v39, v58;
	v23 =	vadd.f32 v11, v23  }
0x331: {  	s11 =	sshra.s32 s29, $0x2;
	v38 =	vbroadcast v51, $0xF;
	v50 =	vmul.f32 $5.000000000e-01, v37  }
0x332: {  	v41 =	vmul.f32 v41, v39;
	v18 =	vadd.f32 v14, v43;
	v52 =	vmul.f32 v23, v23;
	v53 =	vld [tilespmem:s11+$0x15900]  }
0x333: {  	v58 =	vld [tilespmem:s11+$0x15910];
	v11 =	vadd.f32 v29, v21;
	v29 =	vmul.f32 v24, v24;
	v14 =	vadd.f32 v19, v45  }
0x334: {  	v43 =	vmul.f32 $5.000000000e-01, v38;
	v19 =	vadd.f32 v26, v22;
	v15 =	vadd.f32 v25, v15  }
0x335: {  	v0 =	vld [tilespmem:$0x1FC40];
	v63 =	vadd.f32 v52, v29;
	v25 =	vshra.s32 v37, $0x1;
	v29 =	vshra.s32 v38, $0x1  }
0x336: {  	v55 =	vld [tilespmem:s11+$0x15920];
	v26 =	vadd.f32 v23, v24;
	v22 =	vadd.f32 v11, v18;
	v37 =	vsub.s32 $0x5F3759DF, v29  }
0x337: {  	v49 =	vld [tilespmem:s24+$0x50];
	v29 =	vsub.s32 $0x5F3759DF, v25;
	v25 =	vadd.f32 v53, v60;
	v53 =	vmul.f32 v37, v43  }
0x338: {  	v60 =	vadd.f32 v22, v26;
	v26 =	vadd.f32 v58, v46;
	v46 =	vld [tilespmem:s11+$0x15950]  }
0x339: {  	v41 =	vsub.f32 $1.500000000e+00, v41;
	v40 =	vmul.f32 v37, v53  }
0x33a: {  	v48 =	vmul.f32 v11, v11;
	v58 =	vmul.f32 v18, v18  }
0x33b: {  	v39 =	vmul.f32 v41, v39;
	v40 =	vsub.f32 $1.500000000e+00, v40  }
0x33c: {  	v22 =	vadd.f32 v55, v61;
	v61 =	vadd.f32 v48, v58  }
0x33d: {  	v48 =	vmul.f32 v37, v40;
	v37 =	vadd.f32 v46, v49;
	v49 =	vmul.f32 v39, v0;
	v0 =	vld [tilespmem:$0x1FC50];
	_ =	sdelay $0x1  }
0x33e: {  	v59 =	vld [tilespmem:s8+$0xF0]  }
0x33f: {  	v47 =	vld [tilespmem:s24+$0x40]  }
0x340: {  	v38 =	vld [tilespmem:s11+$0x15940]  }
0x341: {  	v51 =	vmul.f32 v39, v0;
	v0 =	vld [tilespmem:$0x1FC60]  }
0x342: {  	v21 =	vld [tilespmem:s26+$0x15970]  }
0x343: {  	v62 =	vld [tilespmem:s24+$0x30];
	v52 =	vmul.f32 v29, v50  }
0x344: {  	v44 =	vld [tilespmem:s11+$0x15930]  }
0x345: {  	v45 =	vld [tilespmem:s11+$0x15960];
	v35 =	vmul.f32 v29, v52  }
0x346: {  	v38 =	vadd.f32 v38, v47;
	v47 =	vmul.f32 v39, v0;
	v0 =	vld [tilespmem:$0x1FC70]  }
0x347: {  	v21 =	vadd.f32 v21, v59;
	v59 =	vld [tilespmem:s24+$0x60];
	v55 =	vsub.f32 $1.500000000e+00, v35  }
0x348: {  	v36 =	vld [tilespmem:s24+$0x70]  }
0x349: {  	v52 =	vmul.f32 v29, v55;
	v29 =	vadd.f32 v44, v62;
	v40 =	vld [tilespmem:s11+$0x15970]  }
0x34a: {  	v56 =	vadd.f32 v19, v14;
	v57 =	vadd.f32 v21, v15;
	v44 =	vmul.f32 v22, v22  }
0x34b: {  	v46 =	vmul.f32 v29, v29;
	v58 =	vmul.f32 v39, v0;
	v0 =	vld [tilespmem:$0x1FC80]  }
0x34c: {  	v57 =	vadd.f32 v57, v56;
	v35 =	vadd.f32 v45, v59  }
0x34d: {  	v59 =	vmul.f32 v38, v38;
	v56 =	vmul.f32 v37, v37;
	v46 =	vadd.f32 v46, v44  }
0x34e: {  	v44 =	vmul.f32 v14, v14;
	v36 =	vadd.f32 v40, v36;
	v40 =	vmul.f32 v19, v19;
	_ =	sdelay $0x1  }
0x34f: {  	v59 =	vadd.f32 v56, v59;
	v56 =	vadd.f32 v40, v44;
	v44 =	vmul.f32 v39, v0;
	v0 =	vld [tilespmem:$0x1FC90];
	_ =	sdelay $0x1  }
0x350: {  	[tilespmem:s10+$0x0] =	vst v49  }
0x351: {  	v53 =	vadd.f32 v26, v25;
	v62 =	vadd.f32 v29, v22;
	[tilespmem:s10+$0x10] =	vst v51  }
0x352: {  	[tilespmem:s10+$0x20] =	vst v47  }
0x353: {  	v53 =	vadd.f32 v62, v53;
	v62 =	vmul.f32 v39, v0;
	v0 =	vld [tilespmem:$0x1FCA0]  }
0x354: {  	v54 =	vmul.f32 v39, v54;
	[tilespmem:s10+$0x30] =	vst v58  }
0x355: {  	v45 =	vmul.f32 v48, v43;
	[tilespmem:s10+$0x40] =	vst v44  }
0x356: {  	[tilespmem:s10+$0x60] =	vst v54  }
0x357: {  	v45 =	vmul.f32 v45, v48;
	[tilespmem:s10+$0x50] =	vst v62  }
0x358: {  	v47 =	vmul.f32 v39, v0;
	v0 =	vld [tilespmem:$0x1FCB0]  }
0x359: {  	v41 =	vmul.f32 v25, v25;
	v42 =	vmul.f32 v26, v26;
	v45 =	vsub.f32 $1.500000000e+00, v45  }
0x35a: {  	v50 =	vmul.f32 v52, v50  }
0x35b: {  	v55 =	vadd.f32 v42, v41;
	v43 =	vadd.f32 v37, v38;
	v45 =	vmul.f32 v45, v48  }
0x35c: {  	v50 =	vmul.f32 v50, v52;
	v41 =	vadd.f32 v36, v35;
	v42 =	vmul.f32 v36, v36  }
0x35d: {  	v48 =	vadd.f32 v57, v60;
	v51 =	vmul.f32 v35, v35;
	v60 =	vmul.f32 v45, v0;
	v0 =	vld [tilespmem:$0x1FCC0]  }
0x35e: {  	v50 =	vsub.f32 $1.500000000e+00, v50  }
0x35f: {  	v58 =	vadd.f32 v41, v43;
	v41 =	vadd.f32 v42, v51;
	_ =	sdelay $0x1  }
0x360: {  	v39 =	vmul.f32 v50, v52;
	v50 =	vadd.f32 v41, v59;
	[tilespmem:s10+$0x70] =	vst v47  }
0x361: {  	v59 =	vadd.f32 v61, v63;
	v61 =	vadd.f32 $9.999999740e-06, v0;
	v0 =	vld [tilespmem:$0x1FCD0];
	_ =	sdelay $0x4  }
0x362: {  	v62 =	vmul.f32 v45, v0;
	v0 =	vld [tilespmem:$0x1FCE0]  }
0x363: {  	v40 =	vmul.f32 v21, v21;
	v49 =	vmul.f32 v15, v15;
	_ =	sdelay $0x1  }
0x364: {  	v49 =	vadd.f32 v40, v49;
	v40 =	vbroadcast v1, $0xF;
	_ =	sdelay $0x1  }
0x365: {  	v43 =	vsub.f32 v0, v40;
	v0 =	vld [tilespmem:$0x1FCF0];
	_ =	sdelay $0x3  }
0x366: {  	[tilespmem:s10+$0x80] =	vst v60  }
0x367: {  	v63 =	vadd.f32 $9.999999740e-06, v0;
	v0 =	vld [tilespmem:$0x1FD00];
	_ =	sdelay $0x4  }
0x368: {  	v42 =	vsub.f32 v0, v40;
	v0 =	vld [tilespmem:$0x1FD10];
	_ =	sdelay $0x3  }
0x369: {  	[tilespmem:s10+$0x90] =	vst v62  }
0x36a: {  	v57 =	vmul.f32 v45, v0;
	v0 =	vld [tilespmem:$0x1FD20];
	_ =	sdelay $0x4  }
0x36b: {  	v41 =	vsub.f32 v0, v40;
	v0 =	vld [tilespmem:$0x1FD30];
	_ =	sdelay $0x3  }
0x36c: {  	v44 =	vbroadcast v61, $0xF;
	v61 =	vmul.f32 v45, v2  }
0x36d: {  	[tilespmem:s10+$0xA0] =	vst v57;
	v60 =	vmul.f32 v45, v0  }
0x36e: {  	[tilespmem:s10+$0xC0] =	vst v61  }
0x36f: {  	[tilespmem:s10+$0xB0] =	vst v60  }
0x370: {  	v0 =	vld [tilespmem:$0x1FD40]  }
0x371: {  	v46 =	vadd.f32 v46, v55;
	v51 =	vbroadcast v63, $0xF  }
0x372: {  	v58 =	vadd.f32 v58, v53;
	v47 =	vadd.f32 v49, v56;
	v55 =	vmul.f32 $5.000000000e-01, v44  }
0x373: {  	v63 =	vshra.s32 v51, $0x1;
	v54 =	vmul.f32 $5.000000000e-01, v51;
	v62 =	vshra.s32 v44, $0x1  }
0x374: {  	v51 =	vadd.f32 v50, v46;
	v52 =	vsub.s32 $0x5F3759DF, v63;
	v53 =	vsub.s32 $0x5F3759DF, v62  }
0x375: {  	s28 =	simm.s32 $0x9D00;
	s26 =	simm.s32 $0x6;
	(xrf2) =	vadd.scan.msk.f32 $0xffff, v48;
	v49 =	vmul.f32 v52, v54;
	v50 =	vmul.f32 v53, v55;
	v44 =	vsub.f32 v0, v40  }
.LBB2_7:
0x376: {  	v0 =	vld [tilespmem:$0x1FC10]  }
0x377: {  	v1 =	vld [tilespmem:$0x1FC20]  }
0x378: {  	v2 =	vld [tilespmem:$0x1FC30];
	_ =	sdelay $0x1  }
0x379: {  	v46 =	vld [tilespmem:s28+$0x0];
	v60 =	vmul.f32 v39, v20;
	v57 =	vadd.f32 v47, v59  }
0x37a: {  	v48 =	vld [tilespmem:s28+$0x20];
	v63 =	vmul.f32 v53, v50;
	v59 =	vsub.f32 v3, v40;
	v56 =	vsub.f32 v0, v40  }
0x37b: {  	v47 =	vld [tilespmem:s28+$0x10];
	(xrf2) =	vadd.scan.msk.f32 $0xffff, v58;
	v0 =	vmul.f32 v45, v28;
	v58 =	vsub.f32 v1, v40;
	v1 =	vmul.f32 v52, v49  }
0x37c: {  	v3 =	vmul.f32 v45, v30;
	v50 =	vld [tilespmem:s28+$0x40];
	v40 =	vsub.f32 v2, v40;
	v2 =	vsub.f32 $1.500000000e+00, v63  }
0x37d: {  	(xrf2) =	vadd.scan.msk.f32 $0xffff, v51;
	v51 =	vld [tilespmem:s28+$0x50];
	[tilespmem:s10+$0xD0] =	vst v0;
	v0 =	vmul.f32 v45, v31;
	v1 =	vsub.f32 $1.500000000e+00, v1  }
0x37e: {  	v61 =	vmul.f32 v39, v27;
	[tilespmem:s10+$0xF0] =	vst v3;
	v28 =	vmov v34;
	v49 =	vld [tilespmem:s28+$0x30];
	v34 =	vmul.f32 v53, v2  }
0x37f: {  	v20 =	vmov v43;
	v2 =	vmul.f32 v39, v12;
	v53 =	vld [tilespmem:s28+$0x70];
	[tilespmem:s10+$0xE0] =	vst v0;
	v43 =	vmul.f32 v52, v1;
	s10 =	smov.u32 s12  }
0x380: {  	(xrf2) =	vadd.scan.msk.f32 $0xffff, v57;
	s12 =	smov.u32 s8;
	s8 =	smov.u32 s24;
	v52 =	vld [tilespmem:s28+$0x60];
	v1 =	vmul.f32 v39, v17;
	v62 =	vmul.f32 v34, v55;
	v57, _, _ =	vpop (xrf2);
	[tilespmem:s10+$0x0] =	vst v60  }
0x381: {  	v27 =	vmovc v42;
	v55 =	vmovc v37;
	[tilespmem:s10+$0x10] =	vst v61;
	v37 =	vld [tilespmem:s8+$0x80];
	v0 =	vmov v38;
	v63 =	vmul.f32 v43, v54;
	v38 =	vmul.f32 $7.812500000e-03, v57  }
0x382: {  	v30 =	vmovc v32;
	v3 =	vmov v35;
	[tilespmem:s10+$0x20] =	vst v2;
	v2 =	vmul.f32 v39, v13;
	v35 =	vld [tilespmem:s8+$0xA0];
	v32 =	vmul.f32 v62, v34  }
0x383: {  	v31 =	vmovc v33;
	v12 =	vmovc v41;
	v17 =	vmov v44;
	[tilespmem:$0x1FC20] =	vst v55;
	v55 =	vld [tilespmem:s8+$0xB0];
	v33 =	vmul.f32 v63, v43;
	v44 =	vbroadcast v38, $0xF  }
0x384: {  	s11 =	sadd.s32 $0x1, s25;
	v60 =	vmul.f32 v39, v16;
	v13 =	vmovc v56;
	v16 =	vmovc v58;
	v61 =	vmul.f32 v39, v10;
	v56 =	vld [tilespmem:s8+$0xC0];
	v32 =	vsub.f32 $1.500000000e+00, v32  }
0x385: {  	p1 =	sgt.s32 s11, $0xC8;
	v58 =	vld [tilespmem:s8+$0xE0];
	[tilespmem:s10+$0x30] =	vst v1;
	v62, _, _ =	vpop (xrf2);
	v63 =	vmul.f32 v39, v9;
	v33 =	vsub.f32 $1.500000000e+00, v33;
	v24 =	vsub.f32 v24, v44  }
0x386: {  	s11 =	simm.s32 @p1 $0x1;
	v10 =	vmovc v59;
	v59 =	vld [tilespmem:s8+$0xF0];
	[tilespmem:$0x1FC10] =	vst v0;
	v41 =	vmul.f32 $7.812500000e-03, v62;
	v23 =	vsub.f32 v23, v44;
	v18 =	vsub.f32 v18, v44  }
0x387: {  	s29 =	sshll.u32 s11, $0x9;
	v54 =	vld [tilespmem:s8+$0x90];
	[tilespmem:s10+$0x40] =	vst v2;
	v42, _, _ =	vpop (xrf2);
	v39 =	vmul.f32 v32, v34;
	v11 =	vsub.f32 v11, v44;
	v45 =	vmul.f32 v33, v43  }
0x388: {  	s25 =	sadd.s32 $0x1, s11;
	s11 =	sshra.s32 s29, $0x2;
	v57 =	vld [tilespmem:s8+$0xD0];
	[tilespmem:s10+$0x50] =	vst v60;
	v14 =	vsub.f32 v14, v44;
	v33 =	vmul.f32 v41, v41;
	v43 =	vmul.f32 $7.812500000e-03, v42  }
0x389: {  	v60 =	vld [tilespmem:s11+$0x15900];
	v9 =	vmovc v40;
	v0 =	vmovc v36;
	v34 =	vsub.f32 v19, v44;
	v40 =	vbroadcast v41, $0xF;
	v19 =	vmul.f32 v45, v6  }
0x38a: {  	v36 =	vld [tilespmem:s11+$0x15910];
	v32 =	vsub.f32 v21, v44;
	v6 =	vmovc v24;
	v24 =	vsub.f32 v43, v33;
	v62 =	vmul.f32 v45, v8  }
0x38b: {  	v38 =	vmul.f32 v38, v38;
	v33 =	vsub.f32 v15, v44;
	v43 =	vsub.f32 v25, v40;
	v25 =	vld [tilespmem:s11+$0x15920];
	[tilespmem:s10+$0x80] =	vst v19  }
0x38c: {  	v15, _, _ =	vpop (xrf2);
	v8 =	vmov v23;
	v23 =	vmul.f32 v45, v4;
	v19 =	vadd.f32 $9.999999740e-06, v24;
	v21 =	vld [tilespmem:s11+$0x15930];
	[tilespmem:s10+$0x90] =	vst v62  }
0x38d: {  	p1 =	sgt.s32 s25, $0xC8;
	[tilespmem:s10+$0x60] =	vst v61;
	v41 =	vsub.f32 v22, v40;
	v4 =	vmovc v18;
	v18 =	vmul.f32 v45, v7;
	v15 =	vmul.f32 $7.812500000e-03, v15;
	v22 =	vld [tilespmem:s11+$0x15940]  }
0x38e: {  	s25 =	simm.s32 @p1 $0x1;
	v42 =	vsub.f32 v26, v40;
	v44 =	vsub.f32 v29, v40;
	v61 =	vbroadcast v19, $0xF;
	v19 =	vld [tilespmem:s11+$0x15950];
	[tilespmem:s10+$0xA0] =	vst v23  }
0x38f: {  	s29 =	sshll.u32 s25, $0x9;
	v24 =	vadd.f32 v60, v37;
	v15 =	vsub.f32 v15, v38;
	v26 =	vld [tilespmem:s11+$0x15960];
	[tilespmem:s10+$0xB0] =	vst v18  }
0x390: {  	s29 =	sshra.s32 s29, $0x2;
	[tilespmem:s10+$0x70] =	vst v63;
	v29 =	vmul.f32 v45, v5;
	v23 =	vadd.f32 v36, v54;
	v18 =	vadd.f32 v25, v35;
	v25 =	vld [tilespmem:s11+$0x15970]  }
0x391: {  	v7 =	vmovc v11;
	v63 =	vmul.f32 v24, v24;
	v36 =	vld [tilespmem:s29+$0x15900];
	v15 =	vadd.f32 $9.999999740e-06, v15;
	v60 =	vshra.s32 v61, $0x1  }
0x392: {  	v37 =	vadd.f32 v23, v24;
	[tilespmem:s10+$0xC0] =	vst v29;
	v29 =	vld [tilespmem:s29+$0x15910];
	v38 =	vmul.f32 v18, v18;
	v11 =	vadd.f32 v21, v55  }
0x393: {  	v5 =	vmovc v14;
	v35 =	vld [tilespmem:s29+$0x15940];
	v21 =	vmul.f32 v23, v23;
	v14 =	vadd.f32 v22, v56;
	v19 =	vadd.f32 v19, v57  }
0x394: {  	v54 =	vbroadcast v15, $0xF;
	v22 =	vld [tilespmem:s29+$0x15920];
	v55 =	vadd.f32 v11, v18;
	v15 =	vadd.f32 v26, v58  }
0x395: {  	v57 =	vld [tilespmem:s29+$0x15930];
	v56 =	vmul.f32 v11, v11;
	v62 =	vadd.f32 v21, v63;
	v21 =	vadd.f32 v25, v59  }
0x396: {  	v58 =	vmul.f32 v14, v14;
	v59 =	vadd.f32 v19, v14;
	v25 =	vadd.f32 v36, v46  }
0x397: {  	v63 =	vmul.f32 v19, v19;
	v36 =	vld [tilespmem:s29+$0x15950];
	v26 =	vadd.f32 v29, v47;
	v46 =	vadd.f32 v55, v37  }
0x398: {  	v47 =	vld [tilespmem:s29+$0x15960];
	v55 =	vmul.f32 v15, v15;
	v56 =	vadd.f32 v56, v38;
	v38 =	vadd.f32 v35, v50  }
0x399: {  	[tilespmem:$0x1FC30] =	vst v0;
	v37 =	vadd.f32 v21, v15;
	v0 =	vmul.f32 v21, v21;
	v22 =	vadd.f32 v22, v48;
	v48 =	vld [tilespmem:s29+$0x15970]  }
0x39a: {  	v1 =	vmul.f32 v25, v25;
	v29 =	vadd.f32 v57, v49;
	v49 =	vadd.f32 v26, v25  }
0x39b: {  	v57 =	vmul.f32 v26, v26;
	v59 =	vadd.f32 v37, v59;
	v0 =	vadd.f32 v0, v55  }
0x39c: {  	v55 =	vmul.f32 $5.000000000e-01, v61;
	v50 =	vmul.f32 v22, v22;
	v37 =	vadd.f32 v36, v51  }
0x39d: {  	v51 =	vadd.f32 v29, v22;
	v2 =	vmul.f32 v29, v29;
	v35 =	vadd.f32 v47, v52  }
0x39e: {  	v47 =	vmul.f32 v38, v38;
	v1 =	vadd.f32 v57, v1;
	v36 =	vadd.f32 v48, v53  }
0x39f: {  	v57 =	vmul.f32 v37, v37;
	v49 =	vadd.f32 v51, v49;
	v51 =	vmul.f32 v35, v35  }
0x3a0: {  	s26 =	sadd.s32 $0x2, s26;
	v2 =	vadd.f32 v2, v50;
	v48 =	vadd.f32 v37, v38;
	v53 =	vmul.f32 v36, v36  }
0x3a1: {  	p0 =	slt.u32 s26, $0x7E;
	v52 =	vshra.s32 v54, $0x1;
	v47 =	vadd.f32 v57, v47;
	v50 =	vadd.f32 v36, v35  }
.Ltmp2:
0x3a2: {  	v54 =	vmul.f32 $5.000000000e-01, v54;
	v57 =	vadd.f32 v63, v58;
	v63 =	vadd.f32 v53, v51;
	(pc) =	sbr.rel @p0 .LBB2_7-.Ltmp2, $4  }
0x3a3: {  	v52 =	vsub.s32 $0x5F3759DF, v52;
	v1 =	vadd.f32 v2, v1;
	v48 =	vadd.f32 v50, v48  }
0x3a4: {  	v2 =	vadd.f32 v59, v46;
	v53 =	vsub.s32 $0x5F3759DF, v60;
	v63 =	vadd.f32 v63, v47  }
0x3a5: {  	v59 =	vadd.f32 v56, v62;
	v50 =	vmul.f32 v53, v55;
	v58 =	vadd.f32 v48, v49  }
0x3a6: {  	s24 =	smov.u32 s28;
	s28 =	sadd.s32 $0x100, s28;
	(xrf2) =	vadd.scan.msk.f32 $0xffff, v2;
	v47 =	vadd.f32 v0, v57;
	v49 =	vmul.f32 v52, v54;
	v51 =	vadd.f32 v63, v1  }
0x3a7: {  	(xrf2) =	vadd.scan.msk.f32 $0xffff, v58  }
0x3a8: {  	(xrf2) =	vadd.scan.msk.f32 $0xffff, v51;
	_ =	sdelay $0x1  }
0x3a9: {  	v0 =	vadd.f32 v47, v59  }
0x3aa: {  	v57 =	vld [tilespmem:s24+$0x90]  }
0x3ab: {  	v56 =	vld [tilespmem:s24+$0xA0];
	(xrf2) =	vadd.scan.msk.f32 $0xffff, v0  }
0x3ac: {  	s25 =	sadd.s32 $0x1, s25;
	v62 =	vld [tilespmem:s24+$0xB0]  }
0x3ad: {  	v61 =	vld [tilespmem:s24+$0xD0];
	p0 =	sgt.s32 s25, $0xC8  }
0x3ae: {  	v58 =	vld [tilespmem:s24+$0xE0];
	s25 =	simm.s32 @p0 $0x1  }
0x3af: {  	v51 =	vld [tilespmem:s24+$0x80];
	s11 =	sshll.u32 s25, $0x9;
	v46, _, _ =	vpop (xrf2)  }
0x3b0: {  	v59 =	vld [tilespmem:s24+$0xC0];
	s11 =	sshra.s32 s11, $0x2;
	v0, _, _ =	vpop (xrf2)  }
0x3b1: {  	v47 =	vld [tilespmem:s11+$0x15900];
	[tilespmem:$0x1FA70] =	vst v0;
	v0 =	vmul.f32 $7.812500000e-03, v46;
	v1, _, _ =	vpop (xrf2)  }
0x3b2: {  	v60 =	vld [tilespmem:s11+$0x15910];
	[tilespmem:$0x1FA80] =	vst v1  }
0x3b3: {  	[tilespmem:$0x1FA90] =	vst v0  }
0x3b4: {  	v46 =	vld [tilespmem:s11+$0x15920]  }
0x3b5: {  	v48, _, _ =	vpop (xrf2);
	v63 =	vld [tilespmem:s11+$0x15930]  }
0x3b6: {  	v0 =	vmul.f32 v0, v0;
	v48 =	vmul.f32 $7.812500000e-03, v48;
	v1 =	vld [tilespmem:s11+$0x15940]  }
0x3b7: {  	v2 =	vld [tilespmem:s11+$0x15950]  }
0x3b8: {  	v50 =	vmul.f32 v53, v50;
	v0 =	vsub.f32 v48, v0  }
0x3b9: {  	v30 =	vmul.f32 v45, v30;
	v48 =	vadd.f32 v47, v51;
	v51 =	vld [tilespmem:s11+$0x15960];
	v47 =	vadd.f32 v60, v57  }
0x3ba: {  	v57 =	vld [tilespmem:s24+$0xF0];
	v60 =	vmul.f32 v45, v31;
	v46 =	vadd.f32 v46, v56;
	v56 =	vmul.f32 v45, v28  }
0x3bb: {  	v28 =	vmul.f32 v52, v49;
	v49 =	vsub.f32 $1.500000000e+00, v50;
	v50 =	vld [tilespmem:s11+$0x15970];
	v45 =	vadd.f32 v63, v62  }
0x3bc: {  	v31 =	vadd.f32 v1, v59;
	v1 =	vadd.f32 v2, v61;
	v63 =	vmul.f32 v47, v47  }
0x3bd: {  	v61 =	vadd.f32 v47, v48;
	v53 =	vmul.f32 v53, v49;
	v49 =	vmul.f32 v48, v48  }
0x3be: {  	v20 =	vmul.f32 v39, v20;
	v2 =	vsub.f32 $1.500000000e+00, v28;
	v62 =	vadd.f32 v45, v46  }
0x3bf: {  	v28 =	vadd.f32 v51, v58;
	v51 =	vadd.f32 v63, v49;
	v63 =	vmul.f32 v46, v46  }
0x3c0: {  	[tilespmem:s10+$0xE0] =	vst v60;
	v49 =	vadd.f32 v50, v57;
	v50 =	vadd.f32 v62, v61;
	v61 =	vmul.f32 v45, v45  }
0x3c1: {  	v27 =	vmul.f32 v39, v27;
	[tilespmem:s10+$0xD0] =	vst v56;
	v2 =	vmul.f32 v52, v2  }
0x3c2: {  	v57 =	vmul.f32 v31, v31;
	v52 =	vadd.f32 v61, v63;
	v61 =	vmul.f32 v1, v1;
	v63 =	vld [tilespmem:$0x1FA70];
	[tilespmem:s10+$0xF0] =	vst v30  }
0x3c3: {  	v12 =	vmul.f32 v39, v12;
	v58 =	vadd.f32 v1, v31;
	v59 =	vadd.f32 v49, v28;
	[tilespmem:s12+$0x0] =	vst v20  }
0x3c4: {  	v17 =	vmul.f32 v39, v17;
	v13 =	vmul.f32 v39, v13;
	v57 =	vadd.f32 v61, v57;
	v61 =	vld [tilespmem:$0x1FA80]  }
0x3c5: {  	v62 =	vmul.f32 v49, v49;
	v58 =	vadd.f32 v59, v58;
	v59 =	vmul.f32 v28, v28  }
0x3c6: {  	v16 =	vmul.f32 v39, v16;
	v0 =	vadd.f32 $9.999999740e-06, v0;
	v54 =	vmul.f32 v2, v54  }
0x3c7: {  	v62 =	vadd.f32 v62, v59;
	v50 =	vadd.f32 v58, v50;
	v58 =	vmul.f32 $7.812500000e-03, v63  }
0x3c8: {  	v55 =	vmul.f32 v53, v55;
	v20 =	vmul.f32 v54, v2;
	v30 =	vadd.f32 v52, v51  }
0x3c9: {  	[tilespmem:s12+$0x10] =	vst v27;
	v59 =	vadd.f32 v62, v57;
	v60 =	vmul.f32 v58, v58;
	v54 =	vmul.f32 $7.812500000e-03, v61  }
0x3ca: {  	v0 =	vbroadcast v0, $0xF;
	v27 =	vmul.f32 v55, v53;
	v62 =	vld [tilespmem:$0x1FA90];
	[tilespmem:s12+$0x20] =	vst v12;
	v12 =	vsub.f32 $1.500000000e+00, v20  }
0x3cb: {  	v10 =	vmul.f32 v39, v10;
	(xrf2) =	vadd.scan.msk.f32 $0xffff, v50;
	v30 =	vadd.f32 v59, v30;
	v63 =	vsub.f32 v54, v60  }
0x3cc: {  	v20 =	vsub.f32 $1.500000000e+00, v27;
	[tilespmem:s12+$0x30] =	vst v17;
	v27 =	vshra.s32 v0, $0x1;
	v2 =	vmul.f32 v12, v2  }
0x3cd: {  	v0 =	vmul.f32 $5.000000000e-01, v0;
	[tilespmem:s12+$0x40] =	vst v13;
	(xrf2) =	vadd.scan.msk.f32 $0xffff, v30;
	v17 =	vadd.f32 $9.999999740e-06, v63  }
0x3ce: {  	v9 =	vmul.f32 v39, v9;
	[tilespmem:s12+$0x50] =	vst v16;
	v13 =	vsub.s32 $0x5F3759DF, v27;
	v6 =	vmul.f32 v2, v6  }
0x3cf: {  	[tilespmem:s12+$0x60] =	vst v10;
	v16 =	vbroadcast v17, $0xF;
	v17 =	vmul.f32 v13, v0  }
0x3d0: {  	[tilespmem:s12+$0x70] =	vst v9;
	v8 =	vmul.f32 v2, v8;
	v4 =	vmul.f32 v2, v4  }
0x3d1: {  	[tilespmem:s12+$0x80] =	vst v6;
	v9 =	vshra.s32 v16, $0x1;
	v10 =	vmul.f32 $5.000000000e-01, v16;
	v16 =	vmul.f32 v13, v17  }
0x3d2: {  	v12 =	vmul.f32 v20, v53;
	v6 =	vmul.f32 v2, v7;
	[tilespmem:s12+$0x90] =	vst v8  }
0x3d3: {  	v5 =	vmul.f32 v2, v5;
	v50 =	vbroadcast v62, $0xF;
	v17 =	vld [tilespmem:$0x1FC10];
	[tilespmem:s12+$0xA0] =	vst v4  }
0x3d4: {  	v4 =	vmul.f32 v2, v34;
	v7 =	vsub.s32 $0x5F3759DF, v9;
	v20 =	vld [tilespmem:$0x1FC20];
	[tilespmem:s12+$0xB0] =	vst v6;
	v6 =	vmul.f32 v2, v33  }
0x3d5: {  	[tilespmem:s12+$0xC0] =	vst v5;
	v2 =	vmul.f32 v2, v32;
	v8 =	vmul.f32 v7, v10;
	v9 =	vsub.f32 $1.500000000e+00, v16;
	v16, _, _ =	vpop (xrf2)  }
0x3d6: {  	v30 =	vsub.f32 v3, v40;
	v3 =	vld [tilespmem:$0x1FC30];
	[tilespmem:s12+$0xD0] =	vst v4;
	v4 =	vmul.f32 v12, v43;
	v16 =	vmul.f32 $7.812500000e-03, v16  }
0x3d7: {  	[tilespmem:s12+$0xE0] =	vst v6;
	v6 =	vbroadcast v58, $0xF;
	v9 =	vmul.f32 v13, v9;
	v13, _, _ =	vpop (xrf2)  }
0x3d8: {  	v13 =	vmul.f32 $7.812500000e-03, v13;
	v5 =	vmul.f32 v16, v16  }
0x3d9: {  	[tilespmem:s12+$0xF0] =	vst v2;
	v2 =	vmul.f32 v12, v41;
	v8 =	vmul.f32 v7, v8;
	v17 =	vsub.f32 v17, v40  }
0x3da: {  	v20 =	vsub.f32 v20, v40;
	v0 =	vmul.f32 v9, v0;
	v5 =	vsub.f32 v13, v5  }
0x3db: {  	[tilespmem:s8+$0x20] =	vst v2;
	v8 =	vsub.f32 $1.500000000e+00, v8;
	v27 =	vsub.f32 v3, v40;
	v2 =	vmul.f32 v12, v17  }
0x3dc: {  	[tilespmem:s8+$0x0] =	vst v4;
	v3 =	vmul.f32 v12, v30;
	v0 =	vmul.f32 v0, v9;
	v4 =	vadd.f32 $9.999999740e-06, v5  }
0x3dd: {  	v7 =	vmul.f32 v7, v8;
	v8 =	vmul.f32 v12, v44  }
0x3de: {  	v17 =	vmul.f32 v12, v20;
	[tilespmem:s8+$0x40] =	vst v2;
	v0 =	vsub.f32 $1.500000000e+00, v0;
	v4 =	vbroadcast v4, $0xF  }
0x3df: {  	v13 =	vmul.f32 v12, v42;
	[tilespmem:s8+$0x30] =	vst v8;
	v8 =	vmul.f32 v7, v10;
	v5 =	vsub.f32 v24, v50  }
0x3e0: {  	[tilespmem:s8+$0x60] =	vst v3;
	v0 =	vmul.f32 v0, v9;
	v2 =	vshra.s32 v4, $0x1;
	v4 =	vmul.f32 $5.000000000e-01, v4  }
0x3e1: {  	[tilespmem:s8+$0x10] =	vst v13;
	v13 =	vsub.f32 v23, v50;
	v9 =	vmul.f32 v12, v27;
	v2 =	vsub.s32 $0x5F3759DF, v2  }
0x3e2: {  	[tilespmem:s8+$0x50] =	vst v17;
	v10 =	vsub.f32 v18, v50;
	v3 =	vmul.f32 v0, v5;
	v5 =	vmul.f32 v2, v4  }
0x3e3: {  	v11 =	vsub.f32 v11, v50;
	v8 =	vmul.f32 v8, v7;
	[tilespmem:s8+$0x70] =	vst v9;
	v9 =	vmul.f32 v0, v13  }
0x3e4: {  	v12 =	vsub.f32 v14, v50;
	[tilespmem:s8+$0x80] =	vst v3;
	v3 =	vmul.f32 v0, v10;
	v5 =	vmul.f32 v2, v5  }
0x3e5: {  	v8 =	vsub.f32 $1.500000000e+00, v8;
	v10 =	vsub.f32 v19, v50;
	[tilespmem:s8+$0x90] =	vst v9;
	v9 =	vmul.f32 v0, v11  }
0x3e6: {  	v11 =	vsub.f32 v15, v50;
	[tilespmem:s8+$0xA0] =	vst v3;
	v3 =	vmul.f32 v0, v12;
	v5 =	vsub.f32 $1.500000000e+00, v5  }
0x3e7: {  	v7 =	vmul.f32 v8, v7;
	v12 =	vsub.f32 v21, v50;
	[tilespmem:s8+$0xB0] =	vst v9;
	v8 =	vmul.f32 v0, v10  }
0x3e8: {  	v9 =	vsub.f32 v25, v6;
	[tilespmem:s8+$0xC0] =	vst v3;
	v3 =	vmul.f32 v0, v11;
	v2 =	vmul.f32 v2, v5  }
0x3e9: {  	[tilespmem:s8+$0xD0] =	vst v8;
	v0 =	vmul.f32 v0, v12;
	v8 =	vsub.f32 v22, v6  }
0x3ea: {  	v9 =	vmul.f32 v7, v9;
	[tilespmem:s8+$0xE0] =	vst v3;
	v5 =	vsub.f32 v26, v6;
	v3 =	vmul.f32 v2, v4  }
0x3eb: {  	[tilespmem:s8+$0xF0] =	vst v0;
	v0 =	vsub.f32 v38, v6;
	v8 =	vmul.f32 v7, v8  }
0x3ec: {  	[tilespmem:s24+$0x0] =	vst v9;
	v4 =	vsub.f32 v29, v6;
	v5 =	vmul.f32 v7, v5;
	v3 =	vmul.f32 v3, v2  }
0x3ed: {  	v10 =	vsub.f32 v35, v6;
	v9 =	vsub.f32 v37, v6;
	[tilespmem:s24+$0x20] =	vst v8;
	v0 =	vmul.f32 v7, v0  }
0x3ee: {  	v4 =	vmul.f32 v7, v4;
	[tilespmem:s24+$0x10] =	vst v5;
	v5 =	vbroadcast v16, $0xF;
	v3 =	vsub.f32 $1.500000000e+00, v3  }
0x3ef: {  	v8 =	vmul.f32 v7, v9;
	v6 =	vsub.f32 v36, v6;
	[tilespmem:s24+$0x40] =	vst v0  }
0x3f0: {  	v0 =	vmul.f32 v7, v10;
	[tilespmem:s24+$0x30] =	vst v4;
	v4 =	vsub.f32 v48, v5;
	v2 =	vmul.f32 v3, v2  }
0x3f1: {  	[tilespmem:s24+$0x50] =	vst v8;
	v6 =	vmul.f32 v7, v6;
	v3 =	vsub.f32 v47, v5  }
0x3f2: {  	[tilespmem:s24+$0x60] =	vst v0;
	v1 =	vsub.f32 v1, v5;
	v0 =	vmul.f32 v2, v4  }
0x3f3: {  	v7 =	vsub.f32 v46, v5;
	[tilespmem:s24+$0x70] =	vst v6;
	v3 =	vmul.f32 v2, v3  }
0x3f4: {  	v4 =	vsub.f32 v45, v5;
	v1 =	vmul.f32 v2, v1;
	[tilespmem:s24+$0x80] =	vst v0  }
0x3f5: {  	v6 =	vsub.f32 v31, v5;
	v0 =	vmul.f32 v2, v7;
	[tilespmem:s24+$0x90] =	vst v3  }
0x3f6: {  	v3 =	vmul.f32 v2, v4;
	v4 =	vsub.f32 v28, v5;
	v5 =	vsub.f32 v49, v5;
	[tilespmem:s24+$0xD0] =	vst v1  }
0x3f7: {  	[tilespmem:s24+$0xA0] =	vst v0;
	v0 =	vmul.f32 v2, v6  }
0x3f8: {  	s3 =	sshll.u32 s3, $0xE;
	[tilespmem:s24+$0xB0] =	vst v3;
	v1 =	vmul.f32 v2, v5  }
0x3f9: {  	s3 =	sadd.s32 s7, s3;
	[tilespmem:s24+$0xC0] =	vst v0;
	v0 =	vmul.f32 v2, v4  }
0x3fa: {  	s3 =	sshrl.u32 s3, $0x3;
	[tilespmem:s24+$0xF0] =	vst v1  }
0x3fb: {  	s3 =	sadd.s32 s4, s3;
	[tilespmem:s24+$0xE0] =	vst v0  }
0x3fc: {  	[hbm4b:s3+s6] =	stream.linear.scatter [tilespmem:s17], [sflag:$0x8], $0x4000, $0x38;
	[tilespmem:$0x1C100] =	vst v63  }
0x3fd: {  	_ =	swait.ge [sflag:s22], $0x4000  }
0x3fe: {  	p0 =	seq.s32 s31, $0x9;
	[sflag:s22] =	ssyncset.done $0x0  }
0x3ff: {  	s3 =	simm.s32 @!p0 $0x6;
	[sflag:s22] =	ssyncadd.s32 $0xFFFFC000  }
0x400: {  	s8 =	smul.u32 @!p0 $0xA00, s31;
	_ =	swait.ge @!p0 [sflag:s3], $0x4000  }
0x401: {  	[sflag:s3] =	ssyncset.done @!p0 $0x0  }
0x402: {  	[sflag:s3] =	ssyncadd.s32 @!p0 $0xFFFFC000;
	s3 =	sshra.s32 @!p0 s8, $0x2  }
0x403: {  	s11 =	simm.s32 @!p0 $0x1900;
	s10 =	simm.s32 @!p0 $0x80;
	s8 =	sadd.s32 @!p0 $0x280, s3  }
0x404: {  	[tilespmem:s11], [sflag:$0x1] =	stream.indirect.gather @!p0 [hbm4b:s1+s10], $0x80, s8, s10, $0xb8;
	[tilespmem:$0x1C100] =	vst v63  }
0x405: {  	s10 =	simm.s32 $0xD900  }
0x406: {  	v0 =	vld [tilespmem:s10+$0x0]  }
0x407: {  	v1 =	vld [tilespmem:s10+$0x10]  }
0x408: {  	v2 =	vld [tilespmem:s10+$0x20]  }
0x409: {  	s8 =	sadd.s32 $0x1, s25;
	v3 =	vld [tilespmem:s10+$0x30]  }
0x40a: {  	p1 =	sgt.s32 s8, $0xC8;
	v4 =	vld [tilespmem:s10+$0x40]  }
0x40b: {  	v5 =	vld [tilespmem:s10+$0x50];
	s8 =	simm.s32 @p1 $0x1  }
0x40c: {  	v7 =	vld [tilespmem:s10+$0x60];
	s12 =	sshll.u32 s8, $0x9  }
0x40d: {  	v8 =	vld [tilespmem:s10+$0x70];
	s11 =	sshra.s32 s12, $0x2  }
0x40e: {  	v6 =	vld [tilespmem:s11+$0x15900]  }
0x40f: {  	v9 =	vld [tilespmem:s11+$0x15910]  }
0x410: {  	v10 =	vld [tilespmem:s11+$0x15920]  }
0x411: {  	v11 =	vld [tilespmem:s11+$0x15930]  }
0x412: {  	v12 =	vld [tilespmem:s11+$0x15940]  }
0x413: {  	v13 =	vld [tilespmem:s11+$0x15950]  }
0x414: {  	v14 =	vld [tilespmem:s11+$0x15960]  }
0x415: {  	v16 =	vld [tilespmem:s11+$0x15970];
	_ =	sdelay $0x1  }
0x416: {  	v27 =	vld [tilespmem:s10+$0xF0];
	s12 =	simm.s32 $0xDA00;
	v15 =	vadd.f32 v6, v0;
	v1 =	vadd.f32 v9, v1  }
0x417: {  	v17 =	vld [tilespmem:s12+$0x0];
	v2 =	vadd.f32 v10, v2;
	v3 =	vadd.f32 v11, v3  }
0x418: {  	v19 =	vld [tilespmem:s12+$0x10];
	v0 =	vadd.f32 v12, v4;
	v6 =	vadd.f32 v13, v5  }
0x419: {  	v21 =	vld [tilespmem:s12+$0x20];
	v5 =	vadd.f32 v14, v7;
	v4 =	vadd.f32 v16, v8  }
0x41a: {  	s8 =	sadd.s32 $0x1, s8;
	v22 =	vld [tilespmem:s12+$0x30];
	v10 =	vadd.f32 v1, v15;
	v13 =	vadd.f32 v3, v2  }
0x41b: {  	p1 =	sgt.s32 s8, $0xC8;
	v23 =	vld [tilespmem:s12+$0x40];
	v8 =	vadd.f32 v6, v0;
	v14 =	vadd.f32 v4, v5  }
0x41c: {  	v24 =	vld [tilespmem:s12+$0x50];
	s8 =	simm.s32 @p1 $0x1  }
0x41d: {  	v25 =	vld [tilespmem:s12+$0x60];
	s24 =	sshll.u32 s8, $0x9;
	v10 =	vadd.f32 v13, v10;
	v8 =	vadd.f32 v14, v8  }
0x41e: {  	v26 =	vld [tilespmem:s12+$0x70];
	s11 =	sshra.s32 s24, $0x2;
	v9 =	vmul.f32 v15, v15;
	v11 =	vmul.f32 v1, v1  }
0x41f: {  	v28 =	vld [tilespmem:s11+$0x15920];
	v12 =	vmul.f32 v2, v2;
	v18 =	vmul.f32 v3, v3;
	v8 =	vadd.f32 v8, v10  }
0x420: {  	s24 =	sadd.s32 $0x1, s8;
	v29 =	vld [tilespmem:s11+$0x15930];
	v7 =	vmul.f32 v0, v0;
	v16 =	vmul.f32 v4, v4  }
0x421: {  	p1 =	sgt.s32 s24, $0xC8;
	v30 =	vld [tilespmem:s11+$0x15940];
	v9 =	vadd.f32 v11, v9;
	v11 =	vmul.f32 v6, v6;
	v13 =	vmul.f32 v5, v5;
	(xrf2) =	vadd.scan.msk.f32 $0xffff, v8  }
0x422: {  	v31 =	vld [tilespmem:s11+$0x15950];
	s24 =	simm.s32 @p1 $0x1;
	v12 =	vadd.f32 v18, v12  }
0x423: {  	v50 =	vld [tilespmem:s11+$0x15960];
	s25 =	sshll.u32 s24, $0x9;
	v7 =	vadd.f32 v11, v7;
	v13 =	vadd.f32 v16, v13  }
0x424: {  	v51 =	vld [tilespmem:s11+$0x15970];
	s8 =	sshra.s32 s25, $0x2  }
0x425: {  	v52 =	vld [tilespmem:s8+$0x15900];
	v9 =	vadd.f32 v12, v9;
	v7 =	vadd.f32 v13, v7  }
0x426: {  	v56 =	vld [tilespmem:s8+$0x15910]  }
0x427: {  	v58 =	vld [tilespmem:s8+$0x15920];
	v7 =	vadd.f32 v7, v9  }
0x428: {  	v59 =	vld [tilespmem:s8+$0x15930]  }
0x429: {  	v42 =	vld [tilespmem:s8+$0x15940]  }
0x42a: {  	v14 =	vld [tilespmem:s10+$0x90]  }
0x42b: {  	v18 =	vld [tilespmem:s10+$0xE0];
	(xrf2) =	vadd.scan.msk.f32 $0xffff, v7;
	v7, _, _ =	vpop (xrf2)  }
0x42c: {  	v11 =	vld [tilespmem:s10+$0x80];
	v7 =	vmul.f32 $7.812500000e-03, v7  }
0x42d: {  	v12 =	vld [tilespmem:s10+$0xA0]  }
0x42e: {  	v10 =	vld [tilespmem:s10+$0xB0];
	v57 =	vmul.f32 v7, v7;
	v7 =	vbroadcast v7, $0xF  }
0x42f: {  	v16 =	vld [tilespmem:s10+$0xD0]  }
0x430: {  	v13 =	vld [tilespmem:s10+$0xC0];
	v15 =	vsub.f32 v15, v7  }
0x431: {  	v8 =	vld [tilespmem:s11+$0x15900];
	v1 =	vsub.f32 v1, v7  }
0x432: {  	v9 =	vld [tilespmem:s11+$0x15910];
	v2 =	vsub.f32 v2, v7;
	[tilespmem:$0x1FAD0] =	vst v15  }
0x433: {  	v63 =	vadd.f32 v52, v17;
	v3 =	vsub.f32 v3, v7;
	v43 =	vld [tilespmem:s8+$0x15950];
	[tilespmem:$0x1FAE0] =	vst v1  }
0x434: {  	v21 =	vadd.f32 v58, v21;
	v17 =	vadd.f32 v59, v22;
	v1 =	vld [tilespmem:s8+$0x15960];
	[tilespmem:$0x1FAF0] =	vst v2  }
0x435: {  	v2 =	vld [tilespmem:s8+$0x15970];
	s8 =	simm.s32 $0xDB00;
	[tilespmem:$0x1FB00] =	vst v3  }
0x436: {  	v60 =	vadd.f32 v17, v21;
	v3 =	vld [tilespmem:s8+$0x0]  }
0x437: {  	v62 =	vadd.f32 v29, v10;
	v8 =	vadd.f32 v8, v11;
	v44 =	vld [tilespmem:s8+$0x10]  }
0x438: {  	v11 =	vadd.f32 v30, v13;
	v14 =	vadd.f32 v9, v14;
	v30 =	vld [tilespmem:s8+$0x20]  }
0x439: {  	v55 =	vmul.f32 v62, v62;
	v9 =	vadd.f32 v28, v12;
	v15 =	vadd.f32 v31, v16;
	v31 =	vld [tilespmem:s8+$0x30]  }
0x43a: {  	v13 =	vadd.f32 v51, v27;
	v28 =	vmul.f32 v8, v8;
	v53 =	vmul.f32 v14, v14;
	v45 =	vld [tilespmem:s8+$0x40]  }
0x43b: {  	v12 =	vadd.f32 v50, v18;
	v29 =	vadd.f32 v14, v8;
	v54 =	vmul.f32 v9, v9;
	v48 =	vld [tilespmem:s8+$0x50]  }
0x43c: {  	v28 =	vadd.f32 v53, v28;
	v16 =	vadd.f32 v62, v9;
	v49 =	vld [tilespmem:s8+$0x60]  }
0x43d: {  	v37 =	vadd.f32 v55, v54;
	v20, _, _ =	vpop (xrf2);
	v0 =	vsub.f32 v0, v7;
	v50 =	vld [tilespmem:s8+$0x70]  }
0x43e: {  	v20 =	vmul.f32 $7.812500000e-03, v20;
	v27 =	vadd.f32 v15, v11;
	v29 =	vadd.f32 v16, v29;
	v46 =	vld [tilespmem:s12+$0x80]  }
0x43f: {  	v61 =	vmul.f32 v17, v17;
	v16 =	vadd.f32 v56, v19;
	v56 =	vadd.f32 v13, v12;
	v52 =	vld [tilespmem:s12+$0x90]  }
0x440: {  	v20 =	vsub.f32 v20, v57;
	v19 =	vadd.f32 v42, v23;
	v42 =	vmul.f32 v21, v21;
	v35 =	vld [tilespmem:s12+$0xA0]  }
0x441: {  	s11 =	sadd.s32 $0x1, s24;
	v32 =	vmul.f32 v11, v11;
	v58 =	vadd.f32 v16, v63;
	v27 =	vadd.f32 v56, v27;
	v54 =	vld [tilespmem:s12+$0xB0]  }
0x442: {  	p1 =	sgt.s32 s11, $0xC8;
	v57 =	vmul.f32 v63, v63;
	v47 =	vld [tilespmem:s12+$0xC0];
	v42 =	vadd.f32 v61, v42;
	v22 =	vadd.f32 v43, v24  }
0x443: {  	s11 =	simm.s32 @p1 $0x1;
	v59 =	vmul.f32 v16, v16;
	v53 =	vld [tilespmem:s12+$0xD0];
	v10 =	vadd.f32 v1, v25;
	v24 =	vadd.f32 v2, v26  }
0x444: {  	s26 =	sshll.u32 s11, $0x9;
	v56 =	vld [tilespmem:s12+$0xE0];
	v38 =	vadd.f32 v60, v58;
	v25 =	vmul.f32 v19, v19;
	v26 =	vmul.f32 v22, v22  }
0x445: {  	s24 =	sshra.s32 s26, $0x2;
	v58 =	vld [tilespmem:s12+$0xF0];
	v1 =	vadd.f32 v59, v57;
	v60 =	vmul.f32 v10, v10;
	v36 =	vmul.f32 v24, v24  }
0x446: {  	v33 =	vmul.f32 v15, v15;
	v57 =	vld [tilespmem:s24+$0x15910];
	v2 =	vadd.f32 v22, v19;
	v61 =	vadd.f32 v24, v10  }
0x447: {  	v51 =	vmul.f32 v13, v13;
	v59 =	vld [tilespmem:s24+$0x15920];
	v25 =	vadd.f32 v26, v25;
	v39 =	vadd.f32 v36, v60  }
0x448: {  	v34 =	vmul.f32 v12, v12;
	v1 =	vadd.f32 v42, v1;
	v26 =	vadd.f32 v33, v32;
	v32 =	vld [tilespmem:s24+$0x15900]  }
0x449: {  	s25 =	sadd.s32 $0x1, s11;
	v2 =	vadd.f32 v61, v2;
	v60 =	vld [tilespmem:s24+$0x15930];
	v25 =	vadd.f32 v39, v25  }
0x44a: {  	p1 =	sgt.s32 s25, $0xC8;
	v33 =	vadd.f32 v51, v34;
	v61 =	vld [tilespmem:s24+$0x15940]  }
0x44b: {  	s25 =	simm.s32 @p1 $0x1;
	v2 =	vadd.f32 v2, v38;
	v38 =	vadd.f32 v25, v1;
	v1 =	vld [tilespmem:s24+$0x15950];
	[tilespmem:$0x1FB10] =	vst v0  }
0x44c: {  	s29 =	sshll.u32 s25, $0x9;
	v28 =	vadd.f32 v37, v28;
	v20 =	vadd.f32 $9.999999740e-06, v20;
	v0 =	vld [tilespmem:s24+$0x15960]  }
0x44d: {  	s11 =	sshra.s32 s29, $0x2;
	v27 =	vadd.f32 v27, v29;
	v26 =	vadd.f32 v33, v26;
	v36 =	vld [tilespmem:s24+$0x15970]  }
0x44e: {  	v25 =	vadd.f32 v32, v46;
	v32 =	vadd.f32 v57, v52;
	v51 =	vld [tilespmem:s11+$0x15900]  }
0x44f: {  	v29 =	vadd.f32 v59, v35;
	v28 =	vadd.f32 v26, v28;
	v41 =	vld [tilespmem:s11+$0x15910]  }
0x450: {  	v26 =	vadd.f32 v60, v54;
	v43 =	vld [tilespmem:s11+$0x15920];
	v39 =	vmul.f32 v25, v25;
	v40 =	vmul.f32 v32, v32  }
0x451: {  	v33 =	vadd.f32 v61, v47;
	v60 =	vld [tilespmem:s11+$0x15930];
	v52 =	vadd.f32 v32, v25  }
0x452: {  	v54 =	vadd.f32 v40, v39;
	v34 =	vadd.f32 v1, v53  }
0x453: {  	v1 =	vadd.f32 v26, v29;
	v23 =	vadd.f32 v51, v3  }
0x454: {  	v57 =	vmul.f32 v29, v29;
	v35 =	vadd.f32 v0, v56;
	v47 =	vadd.f32 v41, v44  }
0x455: {  	v53 =	vmul.f32 v26, v26;
	v0 =	vld [tilespmem:s11+$0x15940];
	v37 =	vadd.f32 v36, v58;
	v42 =	vadd.f32 v43, v30;
	[tilespmem:$0x1FB70] =	vst v23  }
0x456: {  	v18 =	vadd.f32 v60, v31;
	v58 =	vadd.f32 v34, v33;
	v3 =	vld [tilespmem:s11+$0x15950];
	[tilespmem:$0x1FB90] =	vst v47  }
0x457: {  	(xrf2) =	vadd.scan.msk.f32 $0xffff, v27;
	v51 =	vadd.f32 v1, v52;
	v53 =	vadd.f32 v53, v57;
	v41 =	vld [tilespmem:s11+$0x15960]  }
0x458: {  	v1 =	vadd.f32 v37, v35;
	v43 =	vmul.f32 v23, v23;
	v27 =	vadd.f32 v47, v23;
	v30 =	vld [tilespmem:s11+$0x15970]  }
0x459: {  	v31 =	vmul.f32 v47, v47;
	v39 =	vadd.f32 v18, v42;
	v40 =	vmul.f32 v18, v18  }
0x45a: {  	v60 =	vadd.f32 v1, v58;
	v0 =	vadd.f32 v0, v45;
	v45 =	vmul.f32 v42, v42  }
0x45b: {  	v31 =	vadd.f32 v31, v43;
	v27 =	vadd.f32 v39, v27  }
0x45c: {  	v20 =	vbroadcast v20, $0xF;
	(xrf2) =	vadd.scan.msk.f32 $0xffff, v2;
	v45 =	vadd.f32 v40, v45;
	v1 =	vadd.f32 v3, v48  }
0x45d: {  	v56 =	vmul.f32 v33, v33;
	[tilespmem:$0x1FBD0] =	vst v18;
	v18 =	vadd.f32 v41, v49;
	v2 =	vadd.f32 v30, v50  }
0x45e: {  	[tilespmem:$0x1FBB0] =	vst v42;
	v41 =	vmul.f32 v0, v0;
	v30 =	vadd.f32 v1, v0;
	v42 =	vmul.f32 v1, v1  }
0x45f: {  	(xrf2) =	vadd.scan.msk.f32 $0xffff, v38;
	v43 =	vmul.f32 v18, v18;
	v44 =	vadd.f32 v2, v18;
	v46 =	vmul.f32 v2, v2  }
0x460: {  	v61 =	vmul.f32 v34, v34;
	[tilespmem:$0x1FAA0] =	vst v0;
	v0 =	vsub.f32 v6, v7;
	v49 =	vadd.f32 v42, v41  }
0x461: {  	(xrf2) =	vadd.scan.msk.f32 $0xffff, v28;
	v52 =	vmul.f32 v35, v35;
	v40, _, _ =	vpop (xrf2);
	v28 =	vadd.f32 v44, v30;
	v30 =	vadd.f32 v46, v43  }
0x462: {  	v51 =	vadd.f32 v60, v51;
	v6 =	vmul.f32 $7.812500000e-03, v40;
	[tilespmem:$0x1FB20] =	vst v0;
	v0 =	vsub.f32 v4, v7  }
0x463: {  	v47 =	vmul.f32 v37, v37;
	v27 =	vadd.f32 v28, v27;
	v28 =	vadd.f32 v30, v49  }
0x464: {  	v30 =	vadd.f32 v53, v54;
	v54 =	vsub.f32 v5, v7;
	v5 =	vbroadcast v6, $0xF  }
0x465: {  	v56 =	vadd.f32 v61, v56;
	v60 =	vadd.f32 v47, v52;
	[tilespmem:$0x1FAB0] =	vst v1  }
0x466: {  	(xrf2) =	vadd.scan.msk.f32 $0xffff, v51;
	v31 =	vadd.f32 v45, v31;
	[tilespmem:$0x1FB30] =	vst v0;
	v0 =	vsub.f32 v8, v5  }
0x467: {  	s24 =	simm.s32 $0xDC00;
	v61 =	vshra.s32 v20, $0x1;
	v58 =	vmul.f32 $5.000000000e-01, v20;
	v38 =	vadd.f32 v60, v56;
	[tilespmem:$0x1FAC0] =	vst v2  }
0x468: {  	v20, _, _ =	vpop (xrf2);
	v60 =	vld [tilespmem:s24+$0x0];
	v28 =	vadd.f32 v28, v31;
	(xrf2) =	vadd.scan.msk.f32 $0xffff, v27;
	[tilespmem:$0x1FB40] =	vst v0;
	v0 =	vsub.f32 v14, v5  }
0x469: {  	v20 =	vmul.f32 $7.812500000e-03, v20  }
0x46a: {  	v4 =	vadd.f32 v38, v30;
	(xrf2) =	vadd.scan.msk.f32 $0xffff, v28;
	[tilespmem:$0x1FB60] =	vst v0;
	v0 =	vsub.f32 v9, v5;
	_ =	sdelay $0x1  }
0x46b: {  	v7 =	vmul.f32 v20, v20;
	v8, _, _ =	vpop (xrf2);
	(xrf2) =	vadd.scan.msk.f32 $0xffff, v4;
	v46 =	vld [tilespmem:s24+$0x10];
	[tilespmem:$0x1FBA0] =	vst v0;
	v0 =	vsub.f32 v62, v5  }
0x46c: {  	v6 =	vmul.f32 v6, v6;
	v2 =	vsub.f32 v11, v5;
	v8 =	vmul.f32 $7.812500000e-03, v8  }
0x46d: {  	v3 =	vmovc v18;
	v31 =	vsub.f32 v12, v5;
	v30 =	vsub.f32 v13, v5;
	v4 =	vbroadcast v20, $0xF;
	[tilespmem:$0x1FBC0] =	vst v0  }
0x46e: {  	v41 =	vsub.s32 $0x5F3759DF, v61;
	v28 =	vsub.f32 v15, v5;
	v18 =	vsub.f32 v8, v7;
	v9, _, _ =	vpop (xrf2);
	v61 =	vld [tilespmem:s24+$0x20]  }
0x46f: {  	v20 =	vsub.f32 v63, v4;
	v7 =	vmul.f32 $7.812500000e-03, v9;
	v27 =	vsub.f32 v16, v4;
	v5, _, _ =	vpop (xrf2);
	v42 =	vld [tilespmem:s8+$0x80]  }
0x470: {  	v12 =	vsub.f32 v21, v4;
	v17 =	vsub.f32 v17, v4;
	v5 =	vmul.f32 $7.812500000e-03, v5;
	v23 =	vld [tilespmem:s8+$0x90]  }
0x471: {  	s11 =	sadd.s32 $0x1, s25;
	v13 =	vsub.f32 v19, v4;
	v44 =	vsub.f32 v7, v6;
	v43 =	vld [tilespmem:s8+$0xA0];
	v6, _, _ =	vpop (xrf2)  }
0x472: {  	p1 =	sgt.s32 s11, $0xC8;
	v16 =	vsub.f32 v22, v4;
	v21 =	vld [tilespmem:s8+$0xB0];
	v19 =	vbroadcast v5, $0xF;
	v1 =	vmul.f32 $7.812500000e-03, v6  }
0x473: {  	s11 =	simm.s32 @p1 $0x1;
	v8 =	vmul.f32 v41, v58;
	v10 =	vsub.f32 v10, v4;
	v9 =	vsub.f32 v24, v4;
	v45 =	vld [tilespmem:s8+$0xC0];
	v7, _, _ =	vpop (xrf2)  }
0x474: {  	s26 =	sshll.u32 s11, $0x9;
	v22 =	vld [tilespmem:s8+$0xD0];
	v4 =	vsub.f32 v29, v19;
	v47 =	vmul.f32 v1, v1;
	v29 =	vmul.f32 $7.812500000e-03, v7  }
0x475: {  	s26 =	sshra.s32 s26, $0x2;
	v24 =	vmul.f32 v41, v8;
	v50 =	vadd.f32 $9.999999740e-06, v18;
	v15 =	vld [tilespmem:s8+$0xE0];
	v7 =	vsub.f32 v26, v19;
	v26, _, _ =	vpop (xrf2)  }
0x476: {  	v11 =	vld [tilespmem:s26+$0x15910];
	v48 =	vmul.f32 v5, v5;
	v26 =	vmul.f32 $7.812500000e-03, v26;
	v0 =	vsub.f32 v29, v47  }
0x477: {  	v49 =	vsub.f32 $1.500000000e+00, v24;
	v6 =	vsub.f32 v25, v19;
	v25 =	vld [tilespmem:s26+$0x15900]  }
0x478: {  	v14 =	vld [tilespmem:s26+$0x15920];
	v8 =	vsub.f32 v32, v19;
	[tilespmem:$0x1FB50] =	vst v0;
	v0 =	vsub.f32 v26, v48  }
0x479: {  	v5 =	vsub.f32 v33, v19;
	v34 =	vsub.f32 v34, v19;
	v29 =	vld [tilespmem:s26+$0x15930]  }
0x47a: {  	s25 =	sadd.s32 $0x1, s11;
	v33 =	vsub.f32 v35, v19;
	v32 =	vsub.f32 v37, v19;
	v19 =	vld [tilespmem:s26+$0x15940];
	[tilespmem:$0x1FB80] =	vst v0  }
0x47b: {  	p1 =	sgt.s32 s25, $0xC8;
	v39 =	vmul.f32 v41, v49;
	v26 =	vld [tilespmem:s26+$0x15950]  }
0x47c: {  	s25 =	simm.s32 @p1 $0x1;
	v51 =	vadd.f32 $9.999999740e-06, v44;
	v37 =	vbroadcast v50, $0xF;
	v24 =	vadd.f32 v25, v42;
	v25 =	vld [tilespmem:s26+$0x15960]  }
0x47d: {  	s29 =	sshll.u32 s25, $0x9;
	v41 =	vmul.f32 v39, v58;
	v23 =	vadd.f32 v11, v23  }
0x47e: {  	s11 =	sshra.s32 s29, $0x2;
	v38 =	vbroadcast v51, $0xF;
	v50 =	vmul.f32 $5.000000000e-01, v37  }
0x47f: {  	v41 =	vmul.f32 v41, v39;
	v18 =	vadd.f32 v14, v43;
	v52 =	vmul.f32 v23, v23;
	v53 =	vld [tilespmem:s11+$0x15900]  }
0x480: {  	v58 =	vld [tilespmem:s11+$0x15910];
	v11 =	vadd.f32 v29, v21;
	v29 =	vmul.f32 v24, v24;
	v14 =	vadd.f32 v19, v45  }
0x481: {  	v43 =	vmul.f32 $5.000000000e-01, v38;
	v19 =	vadd.f32 v26, v22;
	v15 =	vadd.f32 v25, v15  }
0x482: {  	v0 =	vld [tilespmem:$0x1FAD0];
	v63 =	vadd.f32 v52, v29;
	v25 =	vshra.s32 v37, $0x1;
	v29 =	vshra.s32 v38, $0x1  }
0x483: {  	v55 =	vld [tilespmem:s11+$0x15920];
	v26 =	vadd.f32 v23, v24;
	v22 =	vadd.f32 v11, v18;
	v37 =	vsub.s32 $0x5F3759DF, v29  }
0x484: {  	v49 =	vld [tilespmem:s24+$0x50];
	v29 =	vsub.s32 $0x5F3759DF, v25;
	v25 =	vadd.f32 v53, v60;
	v53 =	vmul.f32 v37, v43  }
0x485: {  	v60 =	vadd.f32 v22, v26;
	v26 =	vadd.f32 v58, v46;
	v46 =	vld [tilespmem:s11+$0x15950]  }
0x486: {  	v41 =	vsub.f32 $1.500000000e+00, v41;
	v40 =	vmul.f32 v37, v53  }
0x487: {  	v48 =	vmul.f32 v11, v11;
	v58 =	vmul.f32 v18, v18  }
0x488: {  	v39 =	vmul.f32 v41, v39;
	v40 =	vsub.f32 $1.500000000e+00, v40  }
0x489: {  	v22 =	vadd.f32 v55, v61;
	v61 =	vadd.f32 v48, v58  }
0x48a: {  	v48 =	vmul.f32 v37, v40;
	v37 =	vadd.f32 v46, v49;
	v49 =	vmul.f32 v39, v0;
	v0 =	vld [tilespmem:$0x1FAE0];
	_ =	sdelay $0x1  }
0x48b: {  	v59 =	vld [tilespmem:s8+$0xF0]  }
0x48c: {  	v47 =	vld [tilespmem:s24+$0x40]  }
0x48d: {  	v38 =	vld [tilespmem:s11+$0x15940]  }
0x48e: {  	v51 =	vmul.f32 v39, v0;
	v0 =	vld [tilespmem:$0x1FAF0]  }
0x48f: {  	v21 =	vld [tilespmem:s26+$0x15970]  }
0x490: {  	v62 =	vld [tilespmem:s24+$0x30];
	v52 =	vmul.f32 v29, v50  }
0x491: {  	v44 =	vld [tilespmem:s11+$0x15930]  }
0x492: {  	v45 =	vld [tilespmem:s11+$0x15960];
	v35 =	vmul.f32 v29, v52  }
0x493: {  	v38 =	vadd.f32 v38, v47;
	v47 =	vmul.f32 v39, v0;
	v0 =	vld [tilespmem:$0x1FB00]  }
0x494: {  	v21 =	vadd.f32 v21, v59;
	v59 =	vld [tilespmem:s24+$0x60];
	v55 =	vsub.f32 $1.500000000e+00, v35  }
0x495: {  	v36 =	vld [tilespmem:s24+$0x70]  }
0x496: {  	v52 =	vmul.f32 v29, v55;
	v29 =	vadd.f32 v44, v62;
	v40 =	vld [tilespmem:s11+$0x15970]  }
0x497: {  	v56 =	vadd.f32 v19, v14;
	v57 =	vadd.f32 v21, v15;
	v44 =	vmul.f32 v22, v22  }
0x498: {  	v46 =	vmul.f32 v29, v29;
	v58 =	vmul.f32 v39, v0;
	v0 =	vld [tilespmem:$0x1FB10]  }
0x499: {  	v57 =	vadd.f32 v57, v56;
	v35 =	vadd.f32 v45, v59  }
0x49a: {  	v59 =	vmul.f32 v38, v38;
	v56 =	vmul.f32 v37, v37;
	v46 =	vadd.f32 v46, v44  }
0x49b: {  	v44 =	vmul.f32 v14, v14;
	v36 =	vadd.f32 v40, v36;
	v40 =	vmul.f32 v19, v19;
	_ =	sdelay $0x1  }
0x49c: {  	v59 =	vadd.f32 v56, v59;
	v56 =	vadd.f32 v40, v44;
	v44 =	vmul.f32 v39, v0;
	v0 =	vld [tilespmem:$0x1FB20];
	_ =	sdelay $0x1  }
0x49d: {  	[tilespmem:s10+$0x0] =	vst v49  }
0x49e: {  	v53 =	vadd.f32 v26, v25;
	v62 =	vadd.f32 v29, v22;
	[tilespmem:s10+$0x10] =	vst v51  }
0x49f: {  	[tilespmem:s10+$0x20] =	vst v47  }
0x4a0: {  	v53 =	vadd.f32 v62, v53;
	v62 =	vmul.f32 v39, v0;
	v0 =	vld [tilespmem:$0x1FB30]  }
0x4a1: {  	v54 =	vmul.f32 v39, v54;
	[tilespmem:s10+$0x30] =	vst v58  }
0x4a2: {  	v45 =	vmul.f32 v48, v43;
	[tilespmem:s10+$0x40] =	vst v44  }
0x4a3: {  	[tilespmem:s10+$0x60] =	vst v54  }
0x4a4: {  	v45 =	vmul.f32 v45, v48;
	[tilespmem:s10+$0x50] =	vst v62  }
0x4a5: {  	v47 =	vmul.f32 v39, v0;
	v0 =	vld [tilespmem:$0x1FB40]  }
0x4a6: {  	v41 =	vmul.f32 v25, v25;
	v42 =	vmul.f32 v26, v26;
	v45 =	vsub.f32 $1.500000000e+00, v45  }
0x4a7: {  	v50 =	vmul.f32 v52, v50  }
0x4a8: {  	v55 =	vadd.f32 v42, v41;
	v43 =	vadd.f32 v37, v38;
	v45 =	vmul.f32 v45, v48  }
0x4a9: {  	v50 =	vmul.f32 v50, v52;
	v41 =	vadd.f32 v36, v35;
	v42 =	vmul.f32 v36, v36  }
0x4aa: {  	v48 =	vadd.f32 v57, v60;
	v51 =	vmul.f32 v35, v35;
	v60 =	vmul.f32 v45, v0;
	v0 =	vld [tilespmem:$0x1FB50]  }
0x4ab: {  	v50 =	vsub.f32 $1.500000000e+00, v50  }
0x4ac: {  	v58 =	vadd.f32 v41, v43;
	v41 =	vadd.f32 v42, v51;
	_ =	sdelay $0x1  }
0x4ad: {  	v39 =	vmul.f32 v50, v52;
	v50 =	vadd.f32 v41, v59;
	[tilespmem:s10+$0x70] =	vst v47  }
0x4ae: {  	v59 =	vadd.f32 v61, v63;
	v61 =	vadd.f32 $9.999999740e-06, v0;
	v0 =	vld [tilespmem:$0x1FB60];
	_ =	sdelay $0x4  }
0x4af: {  	v62 =	vmul.f32 v45, v0;
	v0 =	vld [tilespmem:$0x1FB70]  }
0x4b0: {  	v40 =	vmul.f32 v21, v21;
	v49 =	vmul.f32 v15, v15;
	_ =	sdelay $0x1  }
0x4b1: {  	v49 =	vadd.f32 v40, v49;
	v40 =	vbroadcast v1, $0xF;
	_ =	sdelay $0x1  }
0x4b2: {  	v43 =	vsub.f32 v0, v40;
	v0 =	vld [tilespmem:$0x1FB80];
	_ =	sdelay $0x3  }
0x4b3: {  	[tilespmem:s10+$0x80] =	vst v60  }
0x4b4: {  	v63 =	vadd.f32 $9.999999740e-06, v0;
	v0 =	vld [tilespmem:$0x1FB90];
	_ =	sdelay $0x4  }
0x4b5: {  	v42 =	vsub.f32 v0, v40;
	v0 =	vld [tilespmem:$0x1FBA0];
	_ =	sdelay $0x3  }
0x4b6: {  	[tilespmem:s10+$0x90] =	vst v62  }
0x4b7: {  	v57 =	vmul.f32 v45, v0;
	v0 =	vld [tilespmem:$0x1FBB0];
	_ =	sdelay $0x4  }
0x4b8: {  	v41 =	vsub.f32 v0, v40;
	v0 =	vld [tilespmem:$0x1FBC0];
	_ =	sdelay $0x3  }
0x4b9: {  	v44 =	vbroadcast v61, $0xF;
	v61 =	vmul.f32 v45, v2  }
0x4ba: {  	[tilespmem:s10+$0xA0] =	vst v57;
	v60 =	vmul.f32 v45, v0  }
0x4bb: {  	[tilespmem:s10+$0xC0] =	vst v61  }
0x4bc: {  	[tilespmem:s10+$0xB0] =	vst v60  }
0x4bd: {  	v0 =	vld [tilespmem:$0x1FBD0]  }
0x4be: {  	v46 =	vadd.f32 v46, v55;
	v51 =	vbroadcast v63, $0xF  }
0x4bf: {  	v58 =	vadd.f32 v58, v53;
	v47 =	vadd.f32 v49, v56;
	v55 =	vmul.f32 $5.000000000e-01, v44  }
0x4c0: {  	v63 =	vshra.s32 v51, $0x1;
	v54 =	vmul.f32 $5.000000000e-01, v51;
	v62 =	vshra.s32 v44, $0x1  }
0x4c1: {  	v51 =	vadd.f32 v50, v46;
	v52 =	vsub.s32 $0x5F3759DF, v63;
	v53 =	vsub.s32 $0x5F3759DF, v62  }
0x4c2: {  	s28 =	simm.s32 $0xDD00;
	s26 =	simm.s32 $0x6;
	(xrf2) =	vadd.scan.msk.f32 $0xffff, v48;
	v49 =	vmul.f32 v52, v54;
	v50 =	vmul.f32 v53, v55;
	v44 =	vsub.f32 v0, v40  }
.LBB2_9:
0x4c3: {  	v0 =	vld [tilespmem:$0x1FAA0]  }
0x4c4: {  	v1 =	vld [tilespmem:$0x1FAB0]  }
0x4c5: {  	v2 =	vld [tilespmem:$0x1FAC0];
	_ =	sdelay $0x1  }
0x4c6: {  	v46 =	vld [tilespmem:s28+$0x0];
	v60 =	vmul.f32 v39, v20;
	v57 =	vadd.f32 v47, v59  }
0x4c7: {  	v48 =	vld [tilespmem:s28+$0x20];
	v63 =	vmul.f32 v53, v50;
	v59 =	vsub.f32 v3, v40;
	v56 =	vsub.f32 v0, v40  }
0x4c8: {  	v47 =	vld [tilespmem:s28+$0x10];
	(xrf2) =	vadd.scan.msk.f32 $0xffff, v58;
	v0 =	vmul.f32 v45, v28;
	v58 =	vsub.f32 v1, v40;
	v1 =	vmul.f32 v52, v49  }
0x4c9: {  	v3 =	vmul.f32 v45, v30;
	v50 =	vld [tilespmem:s28+$0x40];
	v40 =	vsub.f32 v2, v40;
	v2 =	vsub.f32 $1.500000000e+00, v63  }
0x4ca: {  	(xrf2) =	vadd.scan.msk.f32 $0xffff, v51;
	v51 =	vld [tilespmem:s28+$0x50];
	[tilespmem:s10+$0xD0] =	vst v0;
	v0 =	vmul.f32 v45, v31;
	v1 =	vsub.f32 $1.500000000e+00, v1  }
0x4cb: {  	v61 =	vmul.f32 v39, v27;
	[tilespmem:s10+$0xF0] =	vst v3;
	v28 =	vmov v34;
	v49 =	vld [tilespmem:s28+$0x30];
	v34 =	vmul.f32 v53, v2  }
0x4cc: {  	v20 =	vmov v43;
	v2 =	vmul.f32 v39, v12;
	v53 =	vld [tilespmem:s28+$0x70];
	[tilespmem:s10+$0xE0] =	vst v0;
	v43 =	vmul.f32 v52, v1;
	s10 =	smov.u32 s12  }
0x4cd: {  	(xrf2) =	vadd.scan.msk.f32 $0xffff, v57;
	s12 =	smov.u32 s8;
	s8 =	smov.u32 s24;
	v52 =	vld [tilespmem:s28+$0x60];
	v1 =	vmul.f32 v39, v17;
	v62 =	vmul.f32 v34, v55;
	v57, _, _ =	vpop (xrf2);
	[tilespmem:s10+$0x0] =	vst v60  }
0x4ce: {  	v27 =	vmovc v42;
	v55 =	vmovc v37;
	[tilespmem:s10+$0x10] =	vst v61;
	v37 =	vld [tilespmem:s8+$0x80];
	v0 =	vmov v38;
	v63 =	vmul.f32 v43, v54;
	v38 =	vmul.f32 $7.812500000e-03, v57  }
0x4cf: {  	v30 =	vmovc v32;
	v3 =	vmov v35;
	[tilespmem:s10+$0x20] =	vst v2;
	v2 =	vmul.f32 v39, v13;
	v35 =	vld [tilespmem:s8+$0xA0];
	v32 =	vmul.f32 v62, v34  }
0x4d0: {  	v31 =	vmovc v33;
	v12 =	vmovc v41;
	v17 =	vmov v44;
	[tilespmem:$0x1FAB0] =	vst v55;
	v55 =	vld [tilespmem:s8+$0xB0];
	v33 =	vmul.f32 v63, v43;
	v44 =	vbroadcast v38, $0xF  }
0x4d1: {  	s11 =	sadd.s32 $0x1, s25;
	v60 =	vmul.f32 v39, v16;
	v13 =	vmovc v56;
	v16 =	vmovc v58;
	v61 =	vmul.f32 v39, v10;
	v56 =	vld [tilespmem:s8+$0xC0];
	v32 =	vsub.f32 $1.500000000e+00, v32  }
0x4d2: {  	p2 =	sgt.s32 s11, $0xC8;
	v58 =	vld [tilespmem:s8+$0xE0];
	[tilespmem:s10+$0x30] =	vst v1;
	v62, _, _ =	vpop (xrf2);
	v63 =	vmul.f32 v39, v9;
	v33 =	vsub.f32 $1.500000000e+00, v33;
	v24 =	vsub.f32 v24, v44  }
0x4d3: {  	s11 =	simm.s32 @p2 $0x1;
	v10 =	vmovc v59;
	v59 =	vld [tilespmem:s8+$0xF0];
	[tilespmem:$0x1FAA0] =	vst v0;
	v41 =	vmul.f32 $7.812500000e-03, v62;
	v23 =	vsub.f32 v23, v44;
	v18 =	vsub.f32 v18, v44  }
0x4d4: {  	s29 =	sshll.u32 s11, $0x9;
	v54 =	vld [tilespmem:s8+$0x90];
	[tilespmem:s10+$0x40] =	vst v2;
	v42, _, _ =	vpop (xrf2);
	v39 =	vmul.f32 v32, v34;
	v11 =	vsub.f32 v11, v44;
	v45 =	vmul.f32 v33, v43  }
0x4d5: {  	s25 =	sadd.s32 $0x1, s11;
	s11 =	sshra.s32 s29, $0x2;
	v57 =	vld [tilespmem:s8+$0xD0];
	[tilespmem:s10+$0x50] =	vst v60;
	v14 =	vsub.f32 v14, v44;
	v33 =	vmul.f32 v41, v41;
	v43 =	vmul.f32 $7.812500000e-03, v42  }
0x4d6: {  	v60 =	vld [tilespmem:s11+$0x15900];
	v9 =	vmovc v40;
	v0 =	vmovc v36;
	v34 =	vsub.f32 v19, v44;
	v40 =	vbroadcast v41, $0xF;
	v19 =	vmul.f32 v45, v6  }
0x4d7: {  	v36 =	vld [tilespmem:s11+$0x15910];
	v32 =	vsub.f32 v21, v44;
	v6 =	vmovc v24;
	v24 =	vsub.f32 v43, v33;
	v62 =	vmul.f32 v45, v8  }
0x4d8: {  	v38 =	vmul.f32 v38, v38;
	v33 =	vsub.f32 v15, v44;
	v43 =	vsub.f32 v25, v40;
	v25 =	vld [tilespmem:s11+$0x15920];
	[tilespmem:s10+$0x80] =	vst v19  }
0x4d9: {  	v15, _, _ =	vpop (xrf2);
	v8 =	vmov v23;
	v23 =	vmul.f32 v45, v4;
	v19 =	vadd.f32 $9.999999740e-06, v24;
	v21 =	vld [tilespmem:s11+$0x15930];
	[tilespmem:s10+$0x90] =	vst v62  }
0x4da: {  	p2 =	sgt.s32 s25, $0xC8;
	[tilespmem:s10+$0x60] =	vst v61;
	v41 =	vsub.f32 v22, v40;
	v4 =	vmovc v18;
	v18 =	vmul.f32 v45, v7;
	v15 =	vmul.f32 $7.812500000e-03, v15;
	v22 =	vld [tilespmem:s11+$0x15940]  }
0x4db: {  	s25 =	simm.s32 @p2 $0x1;
	v42 =	vsub.f32 v26, v40;
	v44 =	vsub.f32 v29, v40;
	v61 =	vbroadcast v19, $0xF;
	v19 =	vld [tilespmem:s11+$0x15950];
	[tilespmem:s10+$0xA0] =	vst v23  }
0x4dc: {  	s29 =	sshll.u32 s25, $0x9;
	v24 =	vadd.f32 v60, v37;
	v15 =	vsub.f32 v15, v38;
	v26 =	vld [tilespmem:s11+$0x15960];
	[tilespmem:s10+$0xB0] =	vst v18  }
0x4dd: {  	s29 =	sshra.s32 s29, $0x2;
	[tilespmem:s10+$0x70] =	vst v63;
	v29 =	vmul.f32 v45, v5;
	v23 =	vadd.f32 v36, v54;
	v18 =	vadd.f32 v25, v35;
	v25 =	vld [tilespmem:s11+$0x15970]  }
0x4de: {  	v7 =	vmovc v11;
	v63 =	vmul.f32 v24, v24;
	v36 =	vld [tilespmem:s29+$0x15900];
	v15 =	vadd.f32 $9.999999740e-06, v15;
	v60 =	vshra.s32 v61, $0x1  }
0x4df: {  	v37 =	vadd.f32 v23, v24;
	[tilespmem:s10+$0xC0] =	vst v29;
	v29 =	vld [tilespmem:s29+$0x15910];
	v38 =	vmul.f32 v18, v18;
	v11 =	vadd.f32 v21, v55  }
0x4e0: {  	v5 =	vmovc v14;
	v35 =	vld [tilespmem:s29+$0x15940];
	v21 =	vmul.f32 v23, v23;
	v14 =	vadd.f32 v22, v56;
	v19 =	vadd.f32 v19, v57  }
0x4e1: {  	v54 =	vbroadcast v15, $0xF;
	v22 =	vld [tilespmem:s29+$0x15920];
	v55 =	vadd.f32 v11, v18;
	v15 =	vadd.f32 v26, v58  }
0x4e2: {  	v57 =	vld [tilespmem:s29+$0x15930];
	v56 =	vmul.f32 v11, v11;
	v62 =	vadd.f32 v21, v63;
	v21 =	vadd.f32 v25, v59  }
0x4e3: {  	v58 =	vmul.f32 v14, v14;
	v59 =	vadd.f32 v19, v14;
	v25 =	vadd.f32 v36, v46  }
0x4e4: {  	v63 =	vmul.f32 v19, v19;
	v36 =	vld [tilespmem:s29+$0x15950];
	v26 =	vadd.f32 v29, v47;
	v46 =	vadd.f32 v55, v37  }
0x4e5: {  	v47 =	vld [tilespmem:s29+$0x15960];
	v55 =	vmul.f32 v15, v15;
	v56 =	vadd.f32 v56, v38;
	v38 =	vadd.f32 v35, v50  }
0x4e6: {  	[tilespmem:$0x1FAC0] =	vst v0;
	v37 =	vadd.f32 v21, v15;
	v0 =	vmul.f32 v21, v21;
	v22 =	vadd.f32 v22, v48;
	v48 =	vld [tilespmem:s29+$0x15970]  }
0x4e7: {  	v1 =	vmul.f32 v25, v25;
	v29 =	vadd.f32 v57, v49;
	v49 =	vadd.f32 v26, v25  }
0x4e8: {  	v57 =	vmul.f32 v26, v26;
	v59 =	vadd.f32 v37, v59;
	v0 =	vadd.f32 v0, v55  }
0x4e9: {  	v55 =	vmul.f32 $5.000000000e-01, v61;
	v50 =	vmul.f32 v22, v22;
	v37 =	vadd.f32 v36, v51  }
0x4ea: {  	v51 =	vadd.f32 v29, v22;
	v2 =	vmul.f32 v29, v29;
	v35 =	vadd.f32 v47, v52  }
0x4eb: {  	v47 =	vmul.f32 v38, v38;
	v1 =	vadd.f32 v57, v1;
	v36 =	vadd.f32 v48, v53  }
0x4ec: {  	v57 =	vmul.f32 v37, v37;
	v49 =	vadd.f32 v51, v49;
	v51 =	vmul.f32 v35, v35  }
0x4ed: {  	s26 =	sadd.s32 $0x2, s26;
	v2 =	vadd.f32 v2, v50;
	v48 =	vadd.f32 v37, v38;
	v53 =	vmul.f32 v36, v36  }
0x4ee: {  	p1 =	slt.u32 s26, $0x7E;
	v52 =	vshra.s32 v54, $0x1;
	v47 =	vadd.f32 v57, v47;
	v50 =	vadd.f32 v36, v35  }
.Ltmp3:
0x4ef: {  	v54 =	vmul.f32 $5.000000000e-01, v54;
	v57 =	vadd.f32 v63, v58;
	v63 =	vadd.f32 v53, v51;
	(pc) =	sbr.rel @p1 .LBB2_9-.Ltmp3, $4  }
0x4f0: {  	v52 =	vsub.s32 $0x5F3759DF, v52;
	v1 =	vadd.f32 v2, v1;
	v48 =	vadd.f32 v50, v48  }
0x4f1: {  	v2 =	vadd.f32 v59, v46;
	v53 =	vsub.s32 $0x5F3759DF, v60;
	v63 =	vadd.f32 v63, v47  }
0x4f2: {  	v59 =	vadd.f32 v56, v62;
	v50 =	vmul.f32 v53, v55;
	v58 =	vadd.f32 v48, v49  }
0x4f3: {  	s24 =	smov.u32 s28;
	s28 =	sadd.s32 $0x100, s28;
	(xrf2) =	vadd.scan.msk.f32 $0xffff, v2;
	v47 =	vadd.f32 v0, v57;
	v49 =	vmul.f32 v52, v54;
	v51 =	vadd.f32 v63, v1  }
0x4f4: {  	(xrf2) =	vadd.scan.msk.f32 $0xffff, v58  }
0x4f5: {  	(xrf2) =	vadd.scan.msk.f32 $0xffff, v51;
	_ =	sdelay $0x1  }
0x4f6: {  	v0 =	vadd.f32 v47, v59  }
0x4f7: {  	v57 =	vld [tilespmem:s24+$0x90]  }
0x4f8: {  	v56 =	vld [tilespmem:s24+$0xA0];
	(xrf2) =	vadd.scan.msk.f32 $0xffff, v0  }
0x4f9: {  	s25 =	sadd.s32 $0x1, s25;
	v62 =	vld [tilespmem:s24+$0xB0]  }
0x4fa: {  	v61 =	vld [tilespmem:s24+$0xD0];
	p1 =	sgt.s32 s25, $0xC8  }
0x4fb: {  	v58 =	vld [tilespmem:s24+$0xE0];
	s25 =	simm.s32 @p1 $0x1  }
0x4fc: {  	v51 =	vld [tilespmem:s24+$0x80];
	s11 =	sshll.u32 s25, $0x9;
	v46, _, _ =	vpop (xrf2)  }
0x4fd: {  	v59 =	vld [tilespmem:s24+$0xC0];
	s11 =	sshra.s32 s11, $0x2;
	v0, _, _ =	vpop (xrf2)  }
0x4fe: {  	v47 =	vld [tilespmem:s11+$0x15900];
	[tilespmem:$0x1F900] =	vst v0;
	v0 =	vmul.f32 $7.812500000e-03, v46;
	v1, _, _ =	vpop (xrf2)  }
0x4ff: {  	v60 =	vld [tilespmem:s11+$0x15910];
	[tilespmem:$0x1F910] =	vst v1  }
0x500: {  	[tilespmem:$0x1F920] =	vst v0  }
0x501: {  	v46 =	vld [tilespmem:s11+$0x15920]  }
0x502: {  	v48, _, _ =	vpop (xrf2);
	v63 =	vld [tilespmem:s11+$0x15930]  }
0x503: {  	v0 =	vmul.f32 v0, v0;
	v48 =	vmul.f32 $7.812500000e-03, v48;
	v1 =	vld [tilespmem:s11+$0x15940]  }
0x504: {  	v2 =	vld [tilespmem:s11+$0x15950]  }
0x505: {  	v50 =	vmul.f32 v53, v50;
	v0 =	vsub.f32 v48, v0  }
0x506: {  	v30 =	vmul.f32 v45, v30;
	v48 =	vadd.f32 v47, v51;
	v51 =	vld [tilespmem:s11+$0x15960];
	v47 =	vadd.f32 v60, v57  }
0x507: {  	v57 =	vld [tilespmem:s24+$0xF0];
	v60 =	vmul.f32 v45, v31;
	v46 =	vadd.f32 v46, v56;
	v56 =	vmul.f32 v45, v28  }
0x508: {  	v28 =	vmul.f32 v52, v49;
	v49 =	vsub.f32 $1.500000000e+00, v50;
	v50 =	vld [tilespmem:s11+$0x15970];
	v45 =	vadd.f32 v63, v62  }
0x509: {  	v31 =	vadd.f32 v1, v59;
	v1 =	vadd.f32 v2, v61;
	v63 =	vmul.f32 v47, v47  }
0x50a: {  	v61 =	vadd.f32 v47, v48;
	v53 =	vmul.f32 v53, v49;
	v49 =	vmul.f32 v48, v48  }
0x50b: {  	v20 =	vmul.f32 v39, v20;
	v2 =	vsub.f32 $1.500000000e+00, v28;
	v62 =	vadd.f32 v45, v46  }
0x50c: {  	v28 =	vadd.f32 v51, v58;
	v51 =	vadd.f32 v63, v49;
	v63 =	vmul.f32 v46, v46  }
0x50d: {  	[tilespmem:s10+$0xE0] =	vst v60;
	v49 =	vadd.f32 v50, v57;
	v50 =	vadd.f32 v62, v61;
	v61 =	vmul.f32 v45, v45  }
0x50e: {  	v27 =	vmul.f32 v39, v27;
	[tilespmem:s10+$0xD0] =	vst v56;
	v2 =	vmul.f32 v52, v2  }
0x50f: {  	v57 =	vmul.f32 v31, v31;
	v52 =	vadd.f32 v61, v63;
	v61 =	vmul.f32 v1, v1;
	v63 =	vld [tilespmem:$0x1F900];
	[tilespmem:s10+$0xF0] =	vst v30  }
0x510: {  	v12 =	vmul.f32 v39, v12;
	v58 =	vadd.f32 v1, v31;
	v59 =	vadd.f32 v49, v28;
	[tilespmem:s12+$0x0] =	vst v20  }
0x511: {  	v17 =	vmul.f32 v39, v17;
	v13 =	vmul.f32 v39, v13;
	v57 =	vadd.f32 v61, v57;
	v61 =	vld [tilespmem:$0x1F910]  }
0x512: {  	v62 =	vmul.f32 v49, v49;
	v58 =	vadd.f32 v59, v58;
	v59 =	vmul.f32 v28, v28  }
0x513: {  	v16 =	vmul.f32 v39, v16;
	v0 =	vadd.f32 $9.999999740e-06, v0;
	v54 =	vmul.f32 v2, v54  }
0x514: {  	v62 =	vadd.f32 v62, v59;
	v50 =	vadd.f32 v58, v50;
	v58 =	vmul.f32 $7.812500000e-03, v63  }
0x515: {  	v55 =	vmul.f32 v53, v55;
	v20 =	vmul.f32 v54, v2;
	v30 =	vadd.f32 v52, v51  }
0x516: {  	[tilespmem:s12+$0x10] =	vst v27;
	v59 =	vadd.f32 v62, v57;
	v60 =	vmul.f32 v58, v58;
	v54 =	vmul.f32 $7.812500000e-03, v61  }
0x517: {  	v0 =	vbroadcast v0, $0xF;
	v27 =	vmul.f32 v55, v53;
	v62 =	vld [tilespmem:$0x1F920];
	[tilespmem:s12+$0x20] =	vst v12;
	v12 =	vsub.f32 $1.500000000e+00, v20  }
0x518: {  	v10 =	vmul.f32 v39, v10;
	(xrf2) =	vadd.scan.msk.f32 $0xffff, v50;
	v30 =	vadd.f32 v59, v30;
	v63 =	vsub.f32 v54, v60  }
0x519: {  	v20 =	vsub.f32 $1.500000000e+00, v27;
	[tilespmem:s12+$0x30] =	vst v17;
	v27 =	vshra.s32 v0, $0x1;
	v2 =	vmul.f32 v12, v2  }
0x51a: {  	v0 =	vmul.f32 $5.000000000e-01, v0;
	[tilespmem:s12+$0x40] =	vst v13;
	(xrf2) =	vadd.scan.msk.f32 $0xffff, v30;
	v17 =	vadd.f32 $9.999999740e-06, v63  }
0x51b: {  	v9 =	vmul.f32 v39, v9;
	[tilespmem:s12+$0x50] =	vst v16;
	v13 =	vsub.s32 $0x5F3759DF, v27;
	v6 =	vmul.f32 v2, v6  }
0x51c: {  	[tilespmem:s12+$0x60] =	vst v10;
	v16 =	vbroadcast v17, $0xF;
	v17 =	vmul.f32 v13, v0  }
0x51d: {  	[tilespmem:s12+$0x70] =	vst v9;
	v8 =	vmul.f32 v2, v8;
	v4 =	vmul.f32 v2, v4  }
0x51e: {  	[tilespmem:s12+$0x80] =	vst v6;
	v9 =	vshra.s32 v16, $0x1;
	v10 =	vmul.f32 $5.000000000e-01, v16;
	v16 =	vmul.f32 v13, v17  }
0x51f: {  	v12 =	vmul.f32 v20, v53;
	v6 =	vmul.f32 v2, v7;
	[tilespmem:s12+$0x90] =	vst v8  }
0x520: {  	v5 =	vmul.f32 v2, v5;
	v50 =	vbroadcast v62, $0xF;
	v17 =	vld [tilespmem:$0x1FAA0];
	[tilespmem:s12+$0xA0] =	vst v4  }
0x521: {  	v4 =	vmul.f32 v2, v34;
	v7 =	vsub.s32 $0x5F3759DF, v9;
	v20 =	vld [tilespmem:$0x1FAB0];
	[tilespmem:s12+$0xB0] =	vst v6;
	v6 =	vmul.f32 v2, v33  }
0x522: {  	[tilespmem:s12+$0xC0] =	vst v5;
	v2 =	vmul.f32 v2, v32;
	v8 =	vmul.f32 v7, v10;
	v9 =	vsub.f32 $1.500000000e+00, v16;
	v16, _, _ =	vpop (xrf2)  }
0x523: {  	v30 =	vsub.f32 v3, v40;
	v3 =	vld [tilespmem:$0x1FAC0];
	[tilespmem:s12+$0xD0] =	vst v4;
	v4 =	vmul.f32 v12, v43;
	v16 =	vmul.f32 $7.812500000e-03, v16  }
0x524: {  	[tilespmem:s12+$0xE0] =	vst v6;
	v6 =	vbroadcast v58, $0xF;
	v9 =	vmul.f32 v13, v9;
	v13, _, _ =	vpop (xrf2)  }
0x525: {  	v13 =	vmul.f32 $7.812500000e-03, v13;
	v5 =	vmul.f32 v16, v16  }
0x526: {  	[tilespmem:s12+$0xF0] =	vst v2;
	v2 =	vmul.f32 v12, v41;
	v8 =	vmul.f32 v7, v8;
	v17 =	vsub.f32 v17, v40  }
0x527: {  	v20 =	vsub.f32 v20, v40;
	v0 =	vmul.f32 v9, v0;
	v5 =	vsub.f32 v13, v5  }
0x528: {  	[tilespmem:s8+$0x20] =	vst v2;
	v8 =	vsub.f32 $1.500000000e+00, v8;
	v27 =	vsub.f32 v3, v40;
	v2 =	vmul.f32 v12, v17  }
0x529: {  	[tilespmem:s8+$0x0] =	vst v4;
	v3 =	vmul.f32 v12, v30;
	v0 =	vmul.f32 v0, v9;
	v4 =	vadd.f32 $9.999999740e-06, v5  }
0x52a: {  	v7 =	vmul.f32 v7, v8;
	v8 =	vmul.f32 v12, v44  }
0x52b: {  	v17 =	vmul.f32 v12, v20;
	[tilespmem:s8+$0x40] =	vst v2;
	v0 =	vsub.f32 $1.500000000e+00, v0;
	v4 =	vbroadcast v4, $0xF  }
0x52c: {  	v13 =	vmul.f32 v12, v42;
	[tilespmem:s8+$0x30] =	vst v8;
	v8 =	vmul.f32 v7, v10;
	v5 =	vsub.f32 v24, v50  }
0x52d: {  	[tilespmem:s8+$0x60] =	vst v3;
	v0 =	vmul.f32 v0, v9;
	v2 =	vshra.s32 v4, $0x1;
	v4 =	vmul.f32 $5.000000000e-01, v4  }
0x52e: {  	[tilespmem:s8+$0x10] =	vst v13;
	v13 =	vsub.f32 v23, v50;
	v9 =	vmul.f32 v12, v27;
	v2 =	vsub.s32 $0x5F3759DF, v2  }
0x52f: {  	[tilespmem:s8+$0x50] =	vst v17;
	v10 =	vsub.f32 v18, v50;
	v3 =	vmul.f32 v0, v5;
	v5 =	vmul.f32 v2, v4  }
0x530: {  	v11 =	vsub.f32 v11, v50;
	v8 =	vmul.f32 v8, v7;
	[tilespmem:s8+$0x70] =	vst v9;
	v9 =	vmul.f32 v0, v13  }
0x531: {  	v12 =	vsub.f32 v14, v50;
	[tilespmem:s8+$0x80] =	vst v3;
	v3 =	vmul.f32 v0, v10;
	v5 =	vmul.f32 v2, v5  }
0x532: {  	v8 =	vsub.f32 $1.500000000e+00, v8;
	v10 =	vsub.f32 v19, v50;
	[tilespmem:s8+$0x90] =	vst v9;
	v9 =	vmul.f32 v0, v11  }
0x533: {  	v11 =	vsub.f32 v15, v50;
	[tilespmem:s8+$0xA0] =	vst v3;
	v3 =	vmul.f32 v0, v12;
	v5 =	vsub.f32 $1.500000000e+00, v5  }
0x534: {  	v7 =	vmul.f32 v8, v7;
	v12 =	vsub.f32 v21, v50;
	[tilespmem:s8+$0xB0] =	vst v9;
	v8 =	vmul.f32 v0, v10  }
0x535: {  	v9 =	vsub.f32 v25, v6;
	[tilespmem:s8+$0xC0] =	vst v3;
	v3 =	vmul.f32 v0, v11;
	v2 =	vmul.f32 v2, v5  }
0x536: {  	[tilespmem:s8+$0xD0] =	vst v8;
	v0 =	vmul.f32 v0, v12;
	v8 =	vsub.f32 v22, v6  }
0x537: {  	v9 =	vmul.f32 v7, v9;
	[tilespmem:s8+$0xE0] =	vst v3;
	v5 =	vsub.f32 v26, v6;
	v3 =	vmul.f32 v2, v4  }
0x538: {  	[tilespmem:s8+$0xF0] =	vst v0;
	v0 =	vsub.f32 v38, v6;
	v8 =	vmul.f32 v7, v8  }
0x539: {  	[tilespmem:s24+$0x0] =	vst v9;
	v4 =	vsub.f32 v29, v6;
	v5 =	vmul.f32 v7, v5;
	v3 =	vmul.f32 v3, v2  }
0x53a: {  	v10 =	vsub.f32 v35, v6;
	v9 =	vsub.f32 v37, v6;
	[tilespmem:s24+$0x20] =	vst v8;
	v0 =	vmul.f32 v7, v0  }
0x53b: {  	v4 =	vmul.f32 v7, v4;
	[tilespmem:s24+$0x10] =	vst v5;
	v5 =	vbroadcast v16, $0xF;
	v3 =	vsub.f32 $1.500000000e+00, v3  }
0x53c: {  	v8 =	vmul.f32 v7, v9;
	v6 =	vsub.f32 v36, v6;
	[tilespmem:s24+$0x40] =	vst v0  }
0x53d: {  	v0 =	vmul.f32 v7, v10;
	[tilespmem:s24+$0x30] =	vst v4;
	v4 =	vsub.f32 v48, v5;
	v2 =	vmul.f32 v3, v2  }
0x53e: {  	[tilespmem:s24+$0x50] =	vst v8;
	v6 =	vmul.f32 v7, v6;
	v3 =	vsub.f32 v47, v5  }
0x53f: {  	[tilespmem:s24+$0x60] =	vst v0;
	v1 =	vsub.f32 v1, v5;
	v0 =	vmul.f32 v2, v4  }
0x540: {  	v7 =	vsub.f32 v46, v5;
	[tilespmem:s24+$0x70] =	vst v6;
	v3 =	vmul.f32 v2, v3  }
0x541: {  	v4 =	vsub.f32 v45, v5;
	v1 =	vmul.f32 v2, v1;
	[tilespmem:s24+$0x80] =	vst v0  }
0x542: {  	v6 =	vsub.f32 v31, v5;
	v0 =	vmul.f32 v2, v7;
	[tilespmem:s24+$0x90] =	vst v3  }
0x543: {  	v3 =	vmul.f32 v2, v4;
	v4 =	vsub.f32 v28, v5;
	v5 =	vsub.f32 v49, v5;
	[tilespmem:s24+$0xD0] =	vst v1  }
0x544: {  	[tilespmem:s24+$0xA0] =	vst v0;
	v0 =	vmul.f32 v2, v6  }
0x545: {  	s2 =	sshll.u32 s2, $0xE;
	[tilespmem:s24+$0xB0] =	vst v3;
	v1 =	vmul.f32 v2, v5  }
0x546: {  	s2 =	sadd.s32 s7, s2;
	[tilespmem:s24+$0xC0] =	vst v0;
	v0 =	vmul.f32 v2, v4  }
0x547: {  	s2 =	sshrl.u32 s2, $0x3;
	[tilespmem:s24+$0xF0] =	vst v1  }
0x548: {  	s2 =	sadd.s32 s4, s2;
	[tilespmem:s24+$0xE0] =	vst v0  }
0x549: {  	[hbm4b:s2+s6] =	stream.linear.scatter [tilespmem:s19], [sflag:$0x9], $0x4000, $0x38;
	[tilespmem:$0x1C100] =	vst v63  }
0x54a: {  	_ =	swait.ge [sflag:s23], $0x4000  }
0x54b: {  	[sflag:s23] =	ssyncset.done $0x0  }
0x54c: {  	s2 =	simm.s32 @!p0 $0x7;
	[sflag:s23] =	ssyncadd.s32 $0xFFFFC000  }
0x54d: {  	_ =	swait.ge @!p0 [sflag:s2], $0x4000  }
0x54e: {  	s8 =	simm.s32 @!p0 $0x5900;
	[sflag:s2] =	ssyncset.done @!p0 $0x0  }
0x54f: {  	[sflag:s2] =	ssyncadd.s32 @!p0 $0xFFFFC000;
	s2 =	sadd.s32 @!p0 $0x300, s3;
	s3 =	simm.s32 @!p0 $0x80  }
0x550: {  	[tilespmem:s8], [sflag:$0x2] =	stream.indirect.gather @!p0 [hbm4b:s1+s3], $0x80, s2, s3, $0xb8;
	[tilespmem:$0x1C100] =	vst v63  }
0x551: {  	s8 =	simm.s32 $0x11900  }
0x552: {  	v0 =	vld [tilespmem:s8+$0x0]  }
0x553: {  	v1 =	vld [tilespmem:s8+$0x10]  }
0x554: {  	v2 =	vld [tilespmem:s8+$0x20]  }
0x555: {  	s3 =	sadd.s32 $0x1, s25;
	v3 =	vld [tilespmem:s8+$0x30]  }
0x556: {  	p0 =	sgt.s32 s3, $0xC8;
	v4 =	vld [tilespmem:s8+$0x40]  }
0x557: {  	v5 =	vld [tilespmem:s8+$0x50];
	s3 =	simm.s32 @p0 $0x1  }
0x558: {  	v7 =	vld [tilespmem:s8+$0x60];
	s26 =	sshll.u32 s3, $0x9  }
0x559: {  	v8 =	vld [tilespmem:s8+$0x70];
	s2 =	sshra.s32 s26, $0x2  }
0x55a: {  	v6 =	vld [tilespmem:s2+$0x15900]  }
0x55b: {  	v9 =	vld [tilespmem:s2+$0x15910]  }
0x55c: {  	v10 =	vld [tilespmem:s2+$0x15920]  }
0x55d: {  	v11 =	vld [tilespmem:s2+$0x15930]  }
0x55e: {  	v12 =	vld [tilespmem:s2+$0x15940]  }
0x55f: {  	v13 =	vld [tilespmem:s2+$0x15950]  }
0x560: {  	v14 =	vld [tilespmem:s2+$0x15960]  }
0x561: {  	v16 =	vld [tilespmem:s2+$0x15970];
	_ =	sdelay $0x1  }
0x562: {  	v27 =	vld [tilespmem:s8+$0xF0];
	s2 =	simm.s32 $0x11A00;
	v15 =	vadd.f32 v6, v0;
	v1 =	vadd.f32 v9, v1  }
0x563: {  	v17 =	vld [tilespmem:s2+$0x0];
	v2 =	vadd.f32 v10, v2;
	v3 =	vadd.f32 v11, v3  }
0x564: {  	v50 =	vld [tilespmem:s2+$0x10];
	v0 =	vadd.f32 v12, v4;
	v6 =	vadd.f32 v13, v5  }
0x565: {  	v21 =	vld [tilespmem:s2+$0x20];
	v5 =	vadd.f32 v14, v7;
	v4 =	vadd.f32 v16, v8  }
0x566: {  	s3 =	sadd.s32 $0x1, s3;
	v22 =	vld [tilespmem:s2+$0x30];
	v10 =	vadd.f32 v1, v15;
	v13 =	vadd.f32 v3, v2  }
0x567: {  	p0 =	sgt.s32 s3, $0xC8;
	v54 =	vld [tilespmem:s2+$0x40];
	v8 =	vadd.f32 v6, v0;
	v14 =	vadd.f32 v4, v5  }
0x568: {  	s3 =	simm.s32 @p0 $0x1;
	v24 =	vld [tilespmem:s2+$0x50]  }
0x569: {  	v25 =	vld [tilespmem:s2+$0x60];
	s28 =	sshll.u32 s3, $0x9;
	v10 =	vadd.f32 v13, v10;
	v8 =	vadd.f32 v14, v8  }
0x56a: {  	v26 =	vld [tilespmem:s2+$0x70];
	s29 =	sshra.s32 s28, $0x2;
	v9 =	vmul.f32 v15, v15;
	v11 =	vmul.f32 v1, v1  }
0x56b: {  	v28 =	vld [tilespmem:s29+$0x15920];
	v12 =	vmul.f32 v2, v2;
	v18 =	vmul.f32 v3, v3;
	v8 =	vadd.f32 v8, v10  }
0x56c: {  	s10 =	sadd.s32 $0x1, s3;
	v29 =	vld [tilespmem:s29+$0x15930];
	v7 =	vmul.f32 v0, v0;
	v16 =	vmul.f32 v4, v4  }
0x56d: {  	p0 =	sgt.s32 s10, $0xC8;
	v30 =	vld [tilespmem:s29+$0x15940];
	v9 =	vadd.f32 v11, v9;
	v11 =	vmul.f32 v6, v6;
	v13 =	vmul.f32 v5, v5;
	(xrf2) =	vadd.scan.msk.f32 $0xffff, v8  }
0x56e: {  	s10 =	simm.s32 @p0 $0x1;
	v31 =	vld [tilespmem:s29+$0x15950];
	v12 =	vadd.f32 v18, v12  }
0x56f: {  	v51 =	vld [tilespmem:s29+$0x15960];
	s12 =	sshll.u32 s10, $0x9;
	v7 =	vadd.f32 v11, v7;
	v13 =	vadd.f32 v16, v13  }
0x570: {  	v52 =	vld [tilespmem:s29+$0x15970];
	s3 =	sshra.s32 s12, $0x2  }
0x571: {  	v53 =	vld [tilespmem:s3+$0x15900];
	v9 =	vadd.f32 v12, v9;
	v7 =	vadd.f32 v13, v7  }
0x572: {  	v56 =	vld [tilespmem:s3+$0x15910]  }
0x573: {  	v58 =	vld [tilespmem:s3+$0x15920];
	v7 =	vadd.f32 v7, v9  }
0x574: {  	v59 =	vld [tilespmem:s3+$0x15930]  }
0x575: {  	v42 =	vld [tilespmem:s3+$0x15940]  }
0x576: {  	v14 =	vld [tilespmem:s8+$0x90]  }
0x577: {  	v18 =	vld [tilespmem:s8+$0xE0];
	(xrf2) =	vadd.scan.msk.f32 $0xffff, v7;
	v7, _, _ =	vpop (xrf2)  }
0x578: {  	v11 =	vld [tilespmem:s8+$0x80];
	v7 =	vmul.f32 $7.812500000e-03, v7  }
0x579: {  	v12 =	vld [tilespmem:s8+$0xA0]  }
0x57a: {  	v10 =	vld [tilespmem:s8+$0xB0];
	v57 =	vmul.f32 v7, v7;
	v7 =	vbroadcast v7, $0xF  }
0x57b: {  	v16 =	vld [tilespmem:s8+$0xD0]  }
0x57c: {  	v13 =	vld [tilespmem:s8+$0xC0];
	v15 =	vsub.f32 v15, v7  }
0x57d: {  	v8 =	vld [tilespmem:s29+$0x15900];
	v1 =	vsub.f32 v1, v7  }
0x57e: {  	v9 =	vld [tilespmem:s29+$0x15910];
	v2 =	vsub.f32 v2, v7;
	[tilespmem:$0x1F960] =	vst v15  }
0x57f: {  	v23 =	vadd.f32 v53, v17;
	v3 =	vsub.f32 v3, v7;
	v43 =	vld [tilespmem:s3+$0x15950];
	[tilespmem:$0x1F970] =	vst v1  }
0x580: {  	v21 =	vadd.f32 v58, v21;
	v17 =	vadd.f32 v59, v22;
	v1 =	vld [tilespmem:s3+$0x15960];
	[tilespmem:$0x1F980] =	vst v2  }
0x581: {  	v36 =	vadd.f32 v52, v27;
	v2 =	vld [tilespmem:s3+$0x15970];
	s3 =	simm.s32 $0x11B00;
	[tilespmem:$0x1F990] =	vst v3  }
0x582: {  	v60 =	vadd.f32 v17, v21;
	v62 =	vadd.f32 v29, v10;
	v3 =	vld [tilespmem:s3+$0x0]  }
0x583: {  	v8 =	vadd.f32 v8, v11;
	v11 =	vadd.f32 v30, v13;
	v44 =	vld [tilespmem:s3+$0x10]  }
0x584: {  	v61 =	vmul.f32 v17, v17;
	v13 =	vadd.f32 v42, v54;
	v14 =	vadd.f32 v9, v14;
	v30 =	vld [tilespmem:s3+$0x20]  }
0x585: {  	v42 =	vmul.f32 v21, v21;
	v9 =	vadd.f32 v28, v12;
	v15 =	vadd.f32 v31, v16;
	v31 =	vld [tilespmem:s3+$0x30]  }
0x586: {  	v28 =	vmul.f32 v8, v8;
	v12 =	vadd.f32 v51, v18;
	v40 =	vmul.f32 v14, v14;
	v45 =	vld [tilespmem:s3+$0x40]  }
0x587: {  	v55 =	vmul.f32 v62, v62;
	v29 =	vadd.f32 v14, v8;
	v16 =	vadd.f32 v62, v9;
	v48 =	vld [tilespmem:s3+$0x50]  }
0x588: {  	v42 =	vadd.f32 v61, v42;
	v41 =	vmul.f32 v9, v9;
	v28 =	vadd.f32 v40, v28;
	v34 =	vld [tilespmem:s3+$0x60]  }
0x589: {  	v19, _, _ =	vpop (xrf2);
	v29 =	vadd.f32 v16, v29;
	v16 =	vadd.f32 v56, v50;
	v50 =	vld [tilespmem:s3+$0x70]  }
0x58a: {  	v37 =	vadd.f32 v55, v41;
	v19 =	vmul.f32 $7.812500000e-03, v19;
	v0 =	vsub.f32 v0, v7;
	v46 =	vld [tilespmem:s2+$0x80]  }
0x58b: {  	v51 =	vmul.f32 v36, v36;
	v27 =	vadd.f32 v15, v11;
	v56 =	vadd.f32 v36, v12;
	v52 =	vld [tilespmem:s2+$0x90]  }
0x58c: {  	s10 =	sadd.s32 $0x1, s10;
	v19 =	vsub.f32 v19, v57;
	v57 =	vmul.f32 v23, v23;
	v58 =	vadd.f32 v16, v23;
	v35 =	vld [tilespmem:s2+$0xA0]  }
0x58d: {  	p0 =	sgt.s32 s10, $0xC8;
	v59 =	vmul.f32 v16, v16;
	v27 =	vadd.f32 v56, v27;
	v54 =	vld [tilespmem:s2+$0xB0];
	v22 =	vadd.f32 v43, v24  }
0x58e: {  	s10 =	simm.s32 @p0 $0x1;
	v49 =	vmul.f32 v12, v12;
	v47 =	vld [tilespmem:s2+$0xC0];
	v38 =	vadd.f32 v60, v58;
	v10 =	vadd.f32 v1, v25  }
0x58f: {  	s24 =	sshll.u32 s10, $0x9;
	v53 =	vld [tilespmem:s2+$0xD0];
	v1 =	vadd.f32 v59, v57;
	v18 =	vadd.f32 v2, v26  }
0x590: {  	s11 =	sshra.s32 s24, $0x2;
	v56 =	vld [tilespmem:s2+$0xE0];
	v25 =	vmul.f32 v13, v13;
	v59 =	vadd.f32 v51, v49;
	v26 =	vmul.f32 v22, v22  }
0x591: {  	v61 =	vld [tilespmem:s11+$0x15930];
	v51 =	vadd.f32 v27, v29;
	v63 =	vmul.f32 v10, v10;
	v41 =	vmul.f32 v18, v18  }
0x592: {  	v58 =	vld [tilespmem:s2+$0xF0];
	v2 =	vadd.f32 v22, v13;
	v39 =	vadd.f32 v18, v10  }
0x593: {  	v32 =	vmul.f32 v11, v11;
	v60 =	vld [tilespmem:s11+$0x15920];
	v25 =	vadd.f32 v26, v25;
	v43 =	vadd.f32 v41, v63  }
0x594: {  	v33 =	vmul.f32 v15, v15;
	v27 =	vadd.f32 v37, v28;
	v1 =	vadd.f32 v42, v1;
	v63 =	vld [tilespmem:s11+$0x15910]  }
0x595: {  	s12 =	sadd.s32 $0x1, s10;
	v28 =	vld [tilespmem:s11+$0x15940];
	v2 =	vadd.f32 v39, v2;
	v25 =	vadd.f32 v43, v25  }
0x596: {  	p0 =	sgt.s32 s12, $0xC8;
	v26 =	vadd.f32 v33, v32;
	v32 =	vld [tilespmem:s11+$0x15900]  }
0x597: {  	s12 =	simm.s32 @p0 $0x1;
	v2 =	vadd.f32 v2, v38;
	v38 =	vadd.f32 v25, v1;
	v1 =	vld [tilespmem:s11+$0x15950];
	[tilespmem:$0x1F9A0] =	vst v0  }
0x598: {  	s25 =	sshll.u32 s12, $0x9;
	v0 =	vld [tilespmem:s11+$0x15960]  }
0x599: {  	s10 =	sshra.s32 s25, $0x2;
	v29 =	vadd.f32 v63, v52;
	v63 =	vld [tilespmem:s11+$0x15970]  }
0x59a: {  	v19 =	vadd.f32 $9.999999740e-06, v19;
	v26 =	vadd.f32 v59, v26;
	v41 =	vld [tilespmem:s10+$0x15900]  }
0x59b: {  	v24 =	vadd.f32 v61, v54;
	v25 =	vadd.f32 v32, v46;
	v43 =	vld [tilespmem:s10+$0x15910]  }
0x59c: {  	v57 =	vadd.f32 v26, v27;
	v27 =	vadd.f32 v60, v35;
	v55 =	vld [tilespmem:s10+$0x15920]  }
0x59d: {  	v32 =	vadd.f32 v28, v47;
	v59 =	vld [tilespmem:s10+$0x15930];
	v39 =	vmul.f32 v25, v25;
	v52 =	vmul.f32 v29, v29  }
0x59e: {  	v49 =	vadd.f32 v29, v25;
	v33 =	vadd.f32 v1, v53  }
0x59f: {  	v1 =	vadd.f32 v24, v27;
	v52 =	vadd.f32 v52, v39  }
0x5a0: {  	v20 =	vadd.f32 v0, v56;
	v47 =	vadd.f32 v41, v3  }
0x5a1: {  	(xrf2) =	vadd.scan.msk.f32 $0xffff, v51;
	v28 =	vmul.f32 v27, v27;
	v37 =	vadd.f32 v63, v58;
	v63 =	vadd.f32 v43, v44  }
0x5a2: {  	v53 =	vmul.f32 v24, v24;
	v0 =	vld [tilespmem:s10+$0x15940];
	v39 =	vadd.f32 v55, v30;
	v26 =	vadd.f32 v59, v31;
	[tilespmem:$0x1FA00] =	vst v47  }
0x5a3: {  	v58 =	vadd.f32 v33, v32;
	v49 =	vadd.f32 v1, v49;
	v3 =	vld [tilespmem:s10+$0x15950];
	[tilespmem:$0x1FA20] =	vst v63  }
0x5a4: {  	v28 =	vadd.f32 v53, v28;
	v1 =	vadd.f32 v37, v20;
	v42 =	vmul.f32 v47, v47;
	v54 =	vld [tilespmem:s10+$0x15960]  }
0x5a5: {  	v31 =	vadd.f32 v63, v47;
	v43 =	vmul.f32 v63, v63;
	v40 =	vmul.f32 v26, v26;
	v30 =	vld [tilespmem:s10+$0x15970]  }
0x5a6: {  	v63 =	vmul.f32 v39, v39;
	[tilespmem:$0x1FA40] =	vst v39;
	v53 =	vadd.f32 v1, v58;
	v39 =	vadd.f32 v26, v39  }
0x5a7: {  	v19 =	vbroadcast v19, $0xF;
	v51 =	vadd.f32 v43, v42;
	v0 =	vadd.f32 v0, v45  }
0x5a8: {  	v56 =	vmul.f32 v32, v32;
	v45 =	vadd.f32 v40, v63;
	v31 =	vadd.f32 v39, v31  }
0x5a9: {  	(xrf2) =	vadd.scan.msk.f32 $0xffff, v2;
	v60 =	vmul.f32 v33, v33;
	v49 =	vadd.f32 v53, v49;
	v1 =	vadd.f32 v3, v48  }
0x5aa: {  	v61 =	vmul.f32 v20, v20;
	[tilespmem:$0x1FA60] =	vst v26;
	v26 =	vadd.f32 v54, v34;
	v2 =	vadd.f32 v30, v50  }
0x5ab: {  	(xrf2) =	vadd.scan.msk.f32 $0xffff, v38;
	v47, _, _ =	vpop (xrf2);
	v41 =	vmul.f32 v0, v0;
	v54 =	vsub.f32 v5, v7;
	v30 =	vadd.f32 v1, v0  }
0x5ac: {  	[tilespmem:$0x1F930] =	vst v0;
	v42 =	vmul.f32 v1, v1;
	v0 =	vsub.f32 v6, v7;
	v6 =	vmul.f32 $7.812500000e-03, v47  }
0x5ad: {  	v43 =	vmul.f32 v26, v26;
	v58 =	vadd.f32 v2, v26;
	v59 =	vmul.f32 v2, v2  }
0x5ae: {  	v34 =	vadd.f32 v42, v41;
	[tilespmem:$0x1F9B0] =	vst v0;
	v5 =	vbroadcast v6, $0xF;
	v0 =	vsub.f32 v4, v7  }
0x5af: {  	(xrf2) =	vadd.scan.msk.f32 $0xffff, v57;
	v63 =	vmul.f32 v37, v37;
	v30 =	vadd.f32 v58, v30;
	v38 =	vadd.f32 v59, v43  }
0x5b0: {  	v45 =	vadd.f32 v45, v51;
	(xrf2) =	vadd.scan.msk.f32 $0xffff, v49;
	[tilespmem:$0x1F9C0] =	vst v0;
	v0 =	vsub.f32 v8, v5  }
0x5b1: {  	[tilespmem:$0x1F940] =	vst v1;
	v30 =	vadd.f32 v30, v31;
	v31 =	vadd.f32 v38, v34  }
0x5b2: {  	v46 =	vshra.s32 v19, $0x1;
	v35 =	vadd.f32 v60, v56;
	s10 =	simm.s32 $0x11C00;
	v44 =	vadd.f32 v63, v61;
	[tilespmem:$0x1F950] =	vst v2  }
0x5b3: {  	v59 =	vld [tilespmem:s10+$0x0];
	[tilespmem:$0x1F9D0] =	vst v0;
	v0 =	vsub.f32 v14, v5;
	v31 =	vadd.f32 v31, v45;
	(xrf2) =	vadd.scan.msk.f32 $0xffff, v30  }
0x5b4: {  	v28 =	vadd.f32 v28, v52;
	v40 =	vmul.f32 $5.000000000e-01, v19;
	v19, _, _ =	vpop (xrf2);
	v51 =	vadd.f32 v44, v35  }
0x5b5: {  	v19 =	vmul.f32 $7.812500000e-03, v19;
	[tilespmem:$0x1F9F0] =	vst v0;
	v0 =	vsub.f32 v9, v5;
	(xrf2) =	vadd.scan.msk.f32 $0xffff, v31  }
0x5b6: {  	v4 =	vadd.f32 v51, v28;
	v8, _, _ =	vpop (xrf2)  }
0x5b7: {  	v7 =	vmul.f32 v19, v19;
	v8 =	vmul.f32 $7.812500000e-03, v8;
	v60 =	vld [tilespmem:s10+$0x10];
	[tilespmem:$0x1FA30] =	vst v0;
	v0 =	vsub.f32 v62, v5  }
0x5b8: {  	v55 =	vsub.s32 $0x5F3759DF, v46;
	v6 =	vmul.f32 v6, v6;
	v2 =	vsub.f32 v11, v5;
	(xrf2) =	vadd.scan.msk.f32 $0xffff, v4  }
0x5b9: {  	v28 =	vsub.f32 v15, v5;
	v43 =	vsub.f32 v8, v7;
	v9, _, _ =	vpop (xrf2);
	v4 =	vbroadcast v19, $0xF;
	[tilespmem:$0x1FA50] =	vst v0  }
0x5ba: {  	v30 =	vsub.f32 v36, v5;
	v31 =	vsub.f32 v12, v5;
	v7 =	vmul.f32 $7.812500000e-03, v9;
	v5, _, _ =	vpop (xrf2);
	v61 =	vld [tilespmem:s10+$0x20]  }
0x5bb: {  	v5 =	vmul.f32 $7.812500000e-03, v5;
	v11 =	vsub.f32 v23, v4;
	v19 =	vsub.f32 v16, v4;
	v42 =	vld [tilespmem:s3+$0x80]  }
0x5bc: {  	v8 =	vmul.f32 v55, v40;
	v12 =	vsub.f32 v21, v4;
	v21 =	vsub.f32 v7, v6;
	v44 =	vld [tilespmem:s3+$0x90]  }
0x5bd: {  	s11 =	sadd.s32 $0x1, s12;
	v17 =	vsub.f32 v17, v4;
	v15 =	vsub.f32 v22, v4;
	v45 =	vld [tilespmem:s3+$0xA0];
	v22 =	vbroadcast v5, $0xF;
	v6, _, _ =	vpop (xrf2)  }
0x5be: {  	p0 =	sgt.s32 s11, $0xC8;
	v13 =	vsub.f32 v13, v4;
	v10 =	vsub.f32 v10, v4;
	v46 =	vld [tilespmem:s3+$0xB0];
	v1 =	vmul.f32 $7.812500000e-03, v6  }
0x5bf: {  	s11 =	simm.s32 @p0 $0x1;
	v51 =	vmul.f32 v55, v8;
	v9 =	vsub.f32 v18, v4;
	v47 =	vld [tilespmem:s3+$0xC0];
	v8 =	vsub.f32 v29, v22;
	v7, _, _ =	vpop (xrf2)  }
0x5c0: {  	s26 =	sshll.u32 s11, $0x9;
	v3 =	vmovc v26;
	v26 =	vld [tilespmem:s3+$0xD0];
	v4 =	vsub.f32 v27, v22;
	v29 =	vmul.f32 v1, v1;
	v27 =	vmul.f32 $7.812500000e-03, v7  }
0x5c1: {  	s28 =	sshra.s32 s26, $0x2;
	v23 =	vld [tilespmem:s3+$0xE0]  }
0x5c2: {  	v16 =	vld [tilespmem:s28+$0x15910];
	v14 =	vmul.f32 v5, v5;
	v7 =	vsub.f32 v24, v22;
	v24, _, _ =	vpop (xrf2);
	v0 =	vsub.f32 v27, v29  }
0x5c3: {  	v34 =	vsub.f32 v33, v22;
	v6 =	vsub.f32 v25, v22;
	v25 =	vld [tilespmem:s28+$0x15900];
	v24 =	vmul.f32 $7.812500000e-03, v24  }
0x5c4: {  	v18 =	vld [tilespmem:s28+$0x15920];
	v33 =	vsub.f32 v20, v22;
	v20 =	vsub.f32 $1.500000000e+00, v51;
	[tilespmem:$0x1F9E0] =	vst v0  }
0x5c5: {  	v0 =	vsub.f32 v24, v14;
	v27 =	vld [tilespmem:s28+$0x15930]  }
0x5c6: {  	s12 =	sadd.s32 $0x1, s11;
	v5 =	vsub.f32 v32, v22;
	v32 =	vsub.f32 v37, v22;
	v58 =	vmul.f32 v55, v20;
	v22 =	vld [tilespmem:s28+$0x15940]  }
0x5c7: {  	p0 =	sgt.s32 s12, $0xC8;
	[tilespmem:$0x1FA10] =	vst v0;
	v0 =	vld [tilespmem:$0x1F960]  }
0x5c8: {  	s12 =	simm.s32 @p0 $0x1;
	v52 =	vadd.f32 $9.999999740e-06, v43;
	v38 =	vmul.f32 v58, v40;
	v25 =	vadd.f32 v25, v42;
	v29 =	vld [tilespmem:s28+$0x15950]  }
0x5c9: {  	s29 =	sshll.u32 s12, $0x9;
	v20 =	vadd.f32 v18, v45;
	v24 =	vadd.f32 v16, v44;
	v53 =	vld [tilespmem:s28+$0x15960]  }
0x5ca: {  	s11 =	sshra.s32 s29, $0x2;
	v38 =	vmul.f32 v38, v58;
	v45 =	vmul.f32 v25, v25;
	v42 =	vld [tilespmem:s10+$0x40];
	v14 =	vadd.f32 v27, v46  }
0x5cb: {  	v44 =	vld [tilespmem:s11+$0x15940];
	v16 =	vadd.f32 v22, v47;
	v22 =	vmul.f32 v24, v24;
	v46 =	vbroadcast v52, $0xF  }
0x5cc: {  	v21 =	vadd.f32 $9.999999740e-06, v21;
	v38 =	vsub.f32 $1.500000000e+00, v38;
	v55 =	vld [tilespmem:s3+$0xF0]  }
0x5cd: {  	v62 =	vld [tilespmem:s28+$0x15970];
	v57 =	vadd.f32 v22, v45;
	v22 =	vshra.s32 v46, $0x1;
	v49 =	vmul.f32 $5.000000000e-01, v46  }
0x5ce: {  	v58 =	vmul.f32 v38, v58;
	v48 =	vld [tilespmem:s10+$0x50];
	v37 =	vsub.s32 $0x5F3759DF, v22  }
0x5cf: {  	v43 =	vld [tilespmem:s11+$0x15950];
	v47 =	vbroadcast v21, $0xF;
	v21 =	vadd.f32 v29, v26;
	v29 =	vmul.f32 v37, v49  }
0x5d0: {  	v38 =	vadd.f32 v44, v42;
	v44 =	vmul.f32 v58, v0;
	v0 =	vld [tilespmem:$0x1F970]  }
0x5d1: {  	v29 =	vmul.f32 v37, v29  }
0x5d2: {  	v27 =	vadd.f32 v24, v25;
	v52 =	vshra.s32 v47, $0x1;
	v46 =	vmul.f32 $5.000000000e-01, v47  }
0x5d3: {  	v40 =	vld [tilespmem:s11+$0x15910];
	v18 =	vadd.f32 v53, v23;
	v35 =	vsub.s32 $0x5F3759DF, v52;
	v29 =	vsub.f32 $1.500000000e+00, v29  }
0x5d4: {  	v53 =	vld [tilespmem:s11+$0x15920];
	v23 =	vadd.f32 v14, v20;
	v22 =	vadd.f32 v62, v55;
	v55 =	vmul.f32 v35, v46  }
0x5d5: {  	v47 =	vmul.f32 v37, v29;
	v37 =	vadd.f32 v43, v48;
	v48 =	vmul.f32 v58, v0;
	v0 =	vld [tilespmem:$0x1F980]  }
0x5d6: {  	v26 =	vld [tilespmem:s11+$0x15900];
	v51 =	vmul.f32 v35, v55  }
0x5d7: {  	v63 =	vadd.f32 v23, v27;
	v56 =	vadd.f32 v21, v16  }
0x5d8: {  	v52 =	vsub.f32 $1.500000000e+00, v51;
	v51 =	vadd.f32 v22, v18  }
0x5d9: {  	v50 =	vld [tilespmem:s10+$0x30];
	v27 =	vadd.f32 v40, v60;
	v55 =	vmul.f32 v14, v14;
	v23 =	vadd.f32 v53, v61  }
0x5da: {  	v53 =	vmul.f32 v20, v20;
	v56 =	vadd.f32 v51, v56;
	v51 =	vmul.f32 v58, v0;
	v0 =	vld [tilespmem:$0x1F990]  }
0x5db: {  	v45 =	vld [tilespmem:s11+$0x15930];
	v26 =	vadd.f32 v26, v59  }
0x5dc: {  	v60 =	vadd.f32 v55, v53;
	v53 =	vmul.f32 v27, v27  }
0x5dd: {  	v62 =	vld [tilespmem:s11+$0x15960];
	v41 =	vmul.f32 v35, v52;
	v52 =	vmul.f32 v26, v26  }
0x5de: {  	v59 =	vld [tilespmem:s10+$0x60]  }
0x5df: {  	v53 =	vadd.f32 v53, v52;
	v52 =	vmul.f32 v58, v0;
	v0 =	vld [tilespmem:$0x1F9A0]  }
0x5e0: {  	v29 =	vadd.f32 v45, v50;
	_ =	sdelay $0x1  }
0x5e1: {  	v42 =	vmul.f32 v23, v23;
	v43 =	vmul.f32 v29, v29  }
0x5e2: {  	v35 =	vadd.f32 v62, v59  }
0x5e3: {  	v62 =	vadd.f32 v43, v42;
	v43 =	vmul.f32 v47, v49;
	v49 =	vmul.f32 v58, v0;
	v0 =	vld [tilespmem:$0x1F9B0]  }
0x5e4: {  	v55 =	vadd.f32 v27, v26;
	v40 =	vadd.f32 v29, v23  }
0x5e5: {  	[tilespmem:s8+$0x0] =	vst v44  }
0x5e6: {  	v36 =	vld [tilespmem:s11+$0x15970];
	v50 =	vmul.f32 v16, v16;
	v59 =	vadd.f32 v40, v55;
	v55 =	vmul.f32 v21, v21;
	[tilespmem:s8+$0x10] =	vst v48  }
0x5e7: {  	v45 =	vld [tilespmem:s10+$0x70];
	[tilespmem:s8+$0x20] =	vst v51  }
0x5e8: {  	v55 =	vadd.f32 v55, v50;
	v50 =	vmul.f32 v58, v0;
	v0 =	vld [tilespmem:$0x1F9C0]  }
0x5e9: {  	v54 =	vmul.f32 v58, v54;
	[tilespmem:s8+$0x30] =	vst v52  }
0x5ea: {  	v46 =	vmul.f32 v41, v46;
	[tilespmem:s8+$0x40] =	vst v49  }
0x5eb: {  	[tilespmem:s8+$0x60] =	vst v54  }
0x5ec: {  	v61 =	vmul.f32 v38, v38;
	v46 =	vmul.f32 v46, v41;
	v36 =	vadd.f32 v36, v45;
	[tilespmem:s8+$0x50] =	vst v50  }
0x5ed: {  	v39 =	vmul.f32 v37, v37;
	v51 =	vmul.f32 v58, v0;
	v0 =	vld [tilespmem:$0x1F9D0]  }
0x5ee: {  	v45 =	vsub.f32 $1.500000000e+00, v46;
	v40 =	vmul.f32 v36, v36;
	v48 =	vmul.f32 v35, v35;
	_ =	sdelay $0x1  }
0x5ef: {  	v61 =	vadd.f32 v39, v61;
	v45 =	vmul.f32 v45, v41;
	v40 =	vadd.f32 v40, v48;
	_ =	sdelay $0x1  }
0x5f0: {  	v49 =	vadd.f32 v40, v61;
	v61 =	vmul.f32 v45, v0;
	v0 =	vld [tilespmem:$0x1F9E0];
	_ =	sdelay $0x1  }
0x5f1: {  	v46 =	vmul.f32 v22, v22;
	v44 =	vmul.f32 v18, v18;
	_ =	sdelay $0x1  }
0x5f2: {  	v44 =	vadd.f32 v46, v44;
	[tilespmem:s8+$0x70] =	vst v51  }
0x5f3: {  	v46 =	vadd.f32 v62, v53;
	v62 =	vadd.f32 $9.999999740e-06, v0;
	v0 =	vld [tilespmem:$0x1F9F0];
	_ =	sdelay $0x4  }
0x5f4: {  	v48 =	vadd.f32 v56, v63;
	v63 =	vmul.f32 v45, v0;
	v0 =	vld [tilespmem:$0x1FA00]  }
0x5f5: {  	v43 =	vmul.f32 v43, v47  }
0x5f6: {  	v42 =	vadd.f32 v37, v38  }
0x5f7: {  	v39 =	vadd.f32 v36, v35;
	v43 =	vsub.f32 $1.500000000e+00, v43;
	v40 =	vbroadcast v1, $0xF;
	_ =	sdelay $0x1  }
0x5f8: {  	v58 =	vadd.f32 v39, v42;
	v39 =	vmul.f32 v43, v47;
	v43 =	vsub.f32 v0, v40;
	v0 =	vld [tilespmem:$0x1FA10];
	_ =	sdelay $0x3  }
0x5f9: {  	[tilespmem:s8+$0x80] =	vst v61  }
0x5fa: {  	v56 =	vadd.f32 $9.999999740e-06, v0;
	v0 =	vld [tilespmem:$0x1FA20];
	_ =	sdelay $0x4  }
0x5fb: {  	v42 =	vsub.f32 v0, v40;
	v0 =	vld [tilespmem:$0x1FA30];
	_ =	sdelay $0x3  }
0x5fc: {  	[tilespmem:s8+$0x90] =	vst v63  }
0x5fd: {  	v58 =	vadd.f32 v58, v59;
	v59 =	vadd.f32 v60, v57;
	v57 =	vmul.f32 v45, v0;
	v0 =	vld [tilespmem:$0x1FA40];
	_ =	sdelay $0x4  }
0x5fe: {  	v41 =	vsub.f32 v0, v40;
	v0 =	vld [tilespmem:$0x1FA50];
	_ =	sdelay $0x3  }
0x5ff: {  	v61 =	vmul.f32 v45, v2  }
0x600: {  	[tilespmem:s8+$0xA0] =	vst v57;
	v60 =	vmul.f32 v45, v0  }
0x601: {  	[tilespmem:s8+$0xC0] =	vst v61  }
0x602: {  	[tilespmem:s8+$0xB0] =	vst v60  }
0x603: {  	v53 =	vbroadcast v62, $0xF;
	v0 =	vld [tilespmem:$0x1FA60]  }
0x604: {  	v51 =	vbroadcast v56, $0xF  }
0x605: {  	v47 =	vadd.f32 v44, v55;
	v62 =	vshra.s32 v53, $0x1  }
0x606: {  	v55 =	vmul.f32 $5.000000000e-01, v53;
	v54 =	vmul.f32 $5.000000000e-01, v51;
	v63 =	vshra.s32 v51, $0x1  }
0x607: {  	v53 =	vsub.s32 $0x5F3759DF, v62;
	v56 =	vadd.f32 v49, v46;
	v52 =	vsub.s32 $0x5F3759DF, v63  }
0x608: {  	s24 =	simm.s32 $0x6;
	s25 =	simm.s32 $0x11D00;
	(xrf2) =	vadd.scan.msk.f32 $0xffff, v48;
	v51 =	vmul.f32 v53, v55;
	v50 =	vmul.f32 v52, v54;
	v44 =	vsub.f32 v0, v40  }
.LBB2_11:
0x609: {  	v0 =	vld [tilespmem:$0x1F930]  }
0x60a: {  	v1 =	vld [tilespmem:$0x1F940]  }
0x60b: {  	v2 =	vld [tilespmem:$0x1F950];
	_ =	sdelay $0x1  }
0x60c: {  	v46 =	vld [tilespmem:s25+$0x0];
	v60 =	vsub.f32 v3, v40;
	v3 =	vmul.f32 v45, v30  }
0x60d: {  	v48 =	vld [tilespmem:s25+$0x20];
	v57 =	vsub.f32 v0, v40;
	v0 =	vmul.f32 v45, v28;
	v28 =	vmovc v34;
	v34 =	vmul.f32 v53, v51  }
0x60e: {  	v49 =	vld [tilespmem:s25+$0x30];
	v59 =	vadd.f32 v47, v59;
	(xrf2) =	vadd.scan.msk.f32 $0xffff, v58;
	v58 =	vsub.f32 v1, v40;
	v1 =	vmul.f32 v52, v50  }
0x60f: {  	v61 =	vmul.f32 v39, v19;
	v47 =	vld [tilespmem:s25+$0x10];
	(xrf2) =	vadd.scan.msk.f32 $0xffff, v56;
	v40 =	vsub.f32 v2, v40;
	v2 =	vsub.f32 $1.500000000e+00, v34  }
0x610: {  	v56 =	vmul.f32 v39, v11;
	v50 =	vld [tilespmem:s25+$0x40];
	[tilespmem:s8+$0xD0] =	vst v0;
	v0 =	vmul.f32 v45, v31;
	v1 =	vsub.f32 $1.500000000e+00, v1  }
0x611: {  	[tilespmem:s8+$0xF0] =	vst v3;
	(xrf2) =	vadd.scan.msk.f32 $0xffff, v59;
	v59 =	vmul.f32 v39, v15;
	v51 =	vld [tilespmem:s25+$0x50];
	v34 =	vmul.f32 v53, v2  }
0x612: {  	v11 =	vmov v43;
	[tilespmem:s8+$0xE0] =	vst v0;
	v43 =	vmul.f32 v52, v1;
	s8 =	smov.u32 s2;
	v52 =	vld [tilespmem:s25+$0x60];
	v2 =	vmul.f32 v39, v12  }
0x613: {  	s2 =	smov.u32 s3;
	s3 =	smov.u32 s10;
	v1 =	vmul.f32 v39, v17;
	v12 =	vmov v41;
	v53 =	vld [tilespmem:s25+$0x70];
	[tilespmem:s8+$0x10] =	vst v61;
	v61 =	vmul.f32 v39, v10  }
0x614: {  	s11 =	sadd.s32 $0x1, s12;
	v41 =	vmov v37;
	v45, _, _ =	vpop (xrf2);
	v37 =	vld [tilespmem:s3+$0x80];
	v62 =	vmul.f32 v34, v55;
	v63 =	vmul.f32 v43, v54  }
0x615: {  	v30 =	vmovc v32;
	p1 =	sgt.s32 s11, $0xC8;
	v3 =	vmovc v35;
	v35 =	vld [tilespmem:s3+$0xA0];
	v0 =	vmov v38;
	[tilespmem:s8+$0x20] =	vst v2;
	v2 =	vmul.f32 v39, v13;
	v38 =	vmul.f32 $7.812500000e-03, v45  }
0x616: {  	v19 =	vmovc v42;
	s11 =	simm.s32 @p1 $0x1;
	v31 =	vmov v33;
	[tilespmem:s8+$0x0] =	vst v56;
	v56 =	vld [tilespmem:s3+$0xC0];
	v33 =	vmul.f32 v63, v43;
	v32 =	vmul.f32 v62, v34  }
0x617: {  	s26 =	sshll.u32 s11, $0x9;
	v15 =	vmovc v58;
	v17 =	vmovc v44;
	[tilespmem:$0x1F940] =	vst v41;
	v10 =	vmov v60;
	v58 =	vld [tilespmem:s3+$0xE0];
	v44 =	vbroadcast v38, $0xF;
	v38 =	vmul.f32 v38, v38  }
0x618: {  	s28 =	sshra.s32 s26, $0x2;
	[tilespmem:s8+$0x50] =	vst v59;
	v59 =	vld [tilespmem:s3+$0xF0];
	v63 =	vmul.f32 v39, v9;
	v62, _, _ =	vpop (xrf2);
	v33 =	vsub.f32 $1.500000000e+00, v33;
	v32 =	vsub.f32 $1.500000000e+00, v32  }
0x619: {  	v60 =	vld [tilespmem:s28+$0x15900];
	[tilespmem:s8+$0x30] =	vst v1;
	v25 =	vsub.f32 v25, v44;
	v24 =	vsub.f32 v24, v44;
	v41 =	vmul.f32 $7.812500000e-03, v62;
	v42, _, _ =	vpop (xrf2)  }
0x61a: {  	v13 =	vmovc v57;
	v54 =	vld [tilespmem:s3+$0x90];
	[tilespmem:$0x1F930] =	vst v0;
	v20 =	vsub.f32 v20, v44;
	v45 =	vmul.f32 v33, v43;
	v43 =	vmul.f32 $7.812500000e-03, v42  }
0x61b: {  	v55 =	vld [tilespmem:s3+$0xB0];
	[tilespmem:s8+$0x60] =	vst v61;
	v14 =	vsub.f32 v14, v44;
	v39 =	vmul.f32 v32, v34;
	v33 =	vmul.f32 v41, v41  }
0x61c: {  	v57 =	vld [tilespmem:s3+$0xD0];
	v9 =	vmovc v40;
	v0 =	vmovc v36;
	v34 =	vsub.f32 v21, v44;
	v40 =	vbroadcast v41, $0xF;
	v21 =	vmul.f32 v45, v6  }
0x61d: {  	v36 =	vld [tilespmem:s28+$0x15910];
	v16 =	vsub.f32 v16, v44;
	v6 =	vmovc v25;
	v62 =	vmul.f32 v45, v8;
	v25 =	vsub.f32 v43, v33  }
0x61e: {  	v32 =	vsub.f32 v22, v44;
	v8 =	vmov v24;
	v43 =	vsub.f32 v26, v40;
	v26 =	vld [tilespmem:s28+$0x15920];
	[tilespmem:s8+$0x80] =	vst v21  }
0x61f: {  	s12 =	sadd.s32 $0x1, s11;
	v24 =	vmul.f32 v45, v4;
	v33 =	vsub.f32 v18, v44;
	v18, _, _ =	vpop (xrf2);
	v21 =	vadd.f32 $9.999999740e-06, v25;
	v22 =	vld [tilespmem:s28+$0x15930];
	[tilespmem:s8+$0x90] =	vst v62  }
0x620: {  	p1 =	sgt.s32 s12, $0xC8;
	[tilespmem:s8+$0x40] =	vst v2;
	v4 =	vmovc v20;
	v20 =	vmul.f32 v45, v7;
	v41 =	vsub.f32 v23, v40;
	v18 =	vmul.f32 $7.812500000e-03, v18;
	v23 =	vld [tilespmem:s28+$0x15940]  }
0x621: {  	s12 =	simm.s32 @p1 $0x1;
	v42 =	vsub.f32 v27, v40;
	v44 =	vsub.f32 v29, v40;
	v61 =	vbroadcast v21, $0xF;
	v21 =	vld [tilespmem:s28+$0x15950];
	[tilespmem:s8+$0xA0] =	vst v24  }
0x622: {  	s29 =	sshll.u32 s12, $0x9;
	v25 =	vadd.f32 v60, v37;
	v18 =	vsub.f32 v18, v38;
	v27 =	vld [tilespmem:s28+$0x15960];
	[tilespmem:s8+$0xB0] =	vst v20  }
0x623: {  	s26 =	sshra.s32 s29, $0x2;
	[tilespmem:s8+$0x70] =	vst v63;
	v29 =	vmul.f32 v45, v5;
	v24 =	vadd.f32 v36, v54;
	v20 =	vadd.f32 v26, v35;
	v26 =	vld [tilespmem:s28+$0x15970]  }
0x624: {  	v7 =	vmovc v14;
	v63 =	vmul.f32 v25, v25;
	v36 =	vld [tilespmem:s26+$0x15900];
	v18 =	vadd.f32 $9.999999740e-06, v18;
	v60 =	vshra.s32 v61, $0x1  }
0x625: {  	v37 =	vadd.f32 v24, v25;
	[tilespmem:s8+$0xC0] =	vst v29;
	v29 =	vld [tilespmem:s26+$0x15910];
	v14 =	vadd.f32 v22, v55;
	v22 =	vmul.f32 v24, v24  }
0x626: {  	v5 =	vmovc v16;
	v35 =	vld [tilespmem:s26+$0x15940];
	v38 =	vmul.f32 v20, v20;
	v16 =	vadd.f32 v23, v56;
	v21 =	vadd.f32 v21, v57  }
0x627: {  	v54 =	vbroadcast v18, $0xF;
	v23 =	vld [tilespmem:s26+$0x15920];
	v55 =	vadd.f32 v14, v20;
	v62 =	vadd.f32 v22, v63  }
0x628: {  	v56 =	vmul.f32 v14, v14;
	v57 =	vld [tilespmem:s26+$0x15930];
	v18 =	vadd.f32 v27, v58;
	v22 =	vadd.f32 v26, v59  }
0x629: {  	v58 =	vmul.f32 v16, v16;
	v59 =	vadd.f32 v21, v16;
	v26 =	vadd.f32 v36, v46  }
0x62a: {  	v63 =	vmul.f32 v21, v21;
	v36 =	vld [tilespmem:s26+$0x15950];
	v46 =	vadd.f32 v55, v37;
	v27 =	vadd.f32 v29, v47  }
0x62b: {  	v47 =	vld [tilespmem:s26+$0x15960];
	v56 =	vadd.f32 v56, v38;
	v38 =	vadd.f32 v35, v50;
	v55 =	vmul.f32 v18, v18  }
0x62c: {  	[tilespmem:$0x1F950] =	vst v0;
	v37 =	vadd.f32 v22, v18;
	v0 =	vmul.f32 v22, v22;
	v23 =	vadd.f32 v23, v48;
	v48 =	vld [tilespmem:s26+$0x15970]  }
0x62d: {  	v1 =	vmul.f32 v26, v26;
	v29 =	vadd.f32 v57, v49;
	v49 =	vadd.f32 v27, v26  }
0x62e: {  	v57 =	vmul.f32 v27, v27;
	v59 =	vadd.f32 v37, v59;
	v0 =	vadd.f32 v0, v55  }
0x62f: {  	v50 =	vmul.f32 v23, v23;
	v37 =	vadd.f32 v36, v51;
	v51 =	vadd.f32 v29, v23  }
0x630: {  	v2 =	vmul.f32 v29, v29;
	v35 =	vadd.f32 v47, v52;
	v1 =	vadd.f32 v57, v1  }
0x631: {  	v47 =	vmul.f32 v38, v38;
	v36 =	vadd.f32 v48, v53;
	v48 =	vadd.f32 v37, v38  }
0x632: {  	v57 =	vmul.f32 v37, v37;
	v49 =	vadd.f32 v51, v49;
	v51 =	vmul.f32 v35, v35  }
0x633: {  	s24 =	sadd.s32 $0x2, s24;
	v2 =	vadd.f32 v2, v50;
	v50 =	vadd.f32 v36, v35;
	v53 =	vmul.f32 v36, v36  }
0x634: {  	p0 =	slt.u32 s24, $0x7E;
	v55 =	vmul.f32 $5.000000000e-01, v61;
	v47 =	vadd.f32 v57, v47;
	v57 =	vadd.f32 v63, v58  }
.Ltmp4:
0x635: {  	v52 =	vshra.s32 v54, $0x1;
	v1 =	vadd.f32 v2, v1;
	v63 =	vadd.f32 v53, v51;
	(pc) =	sbr.rel @p0 .LBB2_11-.Ltmp4, $4  }
0x636: {  	v54 =	vmul.f32 $5.000000000e-01, v54;
	v2 =	vadd.f32 v59, v46;
	v48 =	vadd.f32 v50, v48  }
0x637: {  	v52 =	vsub.s32 $0x5F3759DF, v52;
	v59 =	vadd.f32 v56, v62;
	v63 =	vadd.f32 v63, v47  }
0x638: {  	v53 =	vsub.s32 $0x5F3759DF, v60;
	v50 =	vmul.f32 v52, v54;
	v58 =	vadd.f32 v48, v49  }
0x639: {  	s10 =	smov.u32 s25;
	s25 =	sadd.s32 $0x100, s25;
	(xrf2) =	vadd.scan.msk.f32 $0xffff, v2;
	v51 =	vmul.f32 v53, v55;
	v47 =	vadd.f32 v0, v57;
	v56 =	vadd.f32 v63, v1  }
0x63a: {  	(xrf2) =	vadd.scan.msk.f32 $0xffff, v58;
	_ =	sdelay $0x1  }
0x63b: {  	(xrf2) =	vadd.scan.msk.f32 $0xffff, v56;
	_ =	sdelay $0x1  }
0x63c: {  	v57 =	vld [tilespmem:s10+$0xB0];
	v0 =	vadd.f32 v47, v59  }
0x63d: {  	s12 =	sadd.s32 $0x1, s12;
	v62 =	vld [tilespmem:s10+$0xC0]  }
0x63e: {  	v61 =	vld [tilespmem:s10+$0xD0];
	p0 =	sgt.s32 s12, $0xC8;
	(xrf2) =	vadd.scan.msk.f32 $0xffff, v0  }
0x63f: {  	v47 =	vld [tilespmem:s10+$0x80];
	s12 =	simm.s32 @p0 $0x1  }
0x640: {  	v59 =	vld [tilespmem:s10+$0x90];
	s11 =	sshll.u32 s12, $0x9  }
0x641: {  	v56 =	vld [tilespmem:s10+$0xA0];
	s11 =	sshra.s32 s11, $0x2;
	v48, _, _ =	vpop (xrf2)  }
0x642: {  	v46 =	vld [tilespmem:s11+$0x15900];
	v63, _, _ =	vpop (xrf2);
	v0 =	vmul.f32 $7.812500000e-03, v48  }
0x643: {  	v58 =	vld [tilespmem:s11+$0x15910];
	[tilespmem:$0x1F8C0] =	vst v63  }
0x644: {  	v1, _, _ =	vpop (xrf2);
	v60 =	vld [tilespmem:s11+$0x15920];
	[tilespmem:$0x1F8E0] =	vst v0  }
0x645: {  	[tilespmem:$0x1F8D0] =	vst v1  }
0x646: {  	v63 =	vld [tilespmem:s11+$0x15930]  }
0x647: {  	v49 =	vld [tilespmem:s11+$0x15940]  }
0x648: {  	v2, _, _ =	vpop (xrf2);
	v1 =	vld [tilespmem:s11+$0x15950]  }
0x649: {  	v58 =	vadd.f32 v58, v59;
	v0 =	vmul.f32 v0, v0;
	v59 =	vld [tilespmem:s10+$0xE0];
	v48 =	vmul.f32 $7.812500000e-03, v2  }
0x64a: {  	v2 =	vld [tilespmem:s11+$0x15960]  }
0x64b: {  	v11 =	vmul.f32 v39, v11;
	v47 =	vadd.f32 v46, v47;
	v48 =	vsub.f32 v48, v0  }
0x64c: {  	v51 =	vmul.f32 v53, v51;
	v46 =	vld [tilespmem:s11+$0x15970];
	v56 =	vadd.f32 v60, v56;
	v0 =	vadd.f32 v63, v57  }
0x64d: {  	v57 =	vmul.f32 v45, v28;
	v63 =	vld [tilespmem:s10+$0xF0];
	v28 =	vmul.f32 v45, v30;
	v30 =	vadd.f32 v49, v62  }
0x64e: {  	v60 =	vmul.f32 v45, v31;
	v62 =	vsub.f32 $1.500000000e+00, v51;
	v1 =	vadd.f32 v1, v61  }
0x64f: {  	v45 =	vmul.f32 v47, v47;
	v49 =	vmul.f32 v58, v58;
	v31 =	vadd.f32 v2, v59  }
0x650: {  	v51 =	vmul.f32 v53, v62;
	v53 =	vadd.f32 v58, v47;
	v62 =	vmul.f32 v52, v50  }
0x651: {  	[tilespmem:$0x1F8F0] =	vst v0;
	v61 =	vadd.f32 v0, v56;
	v50 =	vmul.f32 v56, v56;
	v0 =	vmul.f32 v0, v0  }
0x652: {  	v2 =	vadd.f32 v49, v45;
	v59 =	vmul.f32 v30, v30;
	v45 =	vadd.f32 v46, v63  }
0x653: {  	v49 =	vsub.f32 $1.500000000e+00, v62;
	v62 =	vmul.f32 v1, v1;
	v50 =	vadd.f32 v0, v50  }
0x654: {  	v46 =	vadd.f32 v61, v53;
	v53 =	vmul.f32 v31, v31;
	v0 =	vmul.f32 v45, v45  }
0x655: {  	v19 =	vmul.f32 v39, v19;
	[tilespmem:s8+$0xD0] =	vst v57;
	v61 =	vadd.f32 v1, v30;
	v59 =	vadd.f32 v62, v59  }
0x656: {  	[tilespmem:s8+$0xE0] =	vst v60;
	v49 =	vmul.f32 v52, v49;
	v63 =	vadd.f32 v45, v31;
	v0 =	vadd.f32 v0, v53  }
0x657: {  	v12 =	vmul.f32 v39, v12;
	v17 =	vmul.f32 v39, v17;
	[tilespmem:s8+$0xF0] =	vst v28  }
0x658: {  	v63 =	vadd.f32 v63, v61;
	v61 =	vld [tilespmem:$0x1F8C0];
	v0 =	vadd.f32 v0, v59;
	v59 =	vmul.f32 v49, v54  }
0x659: {  	v13 =	vmul.f32 v39, v13;
	v10 =	vmul.f32 v39, v10;
	[tilespmem:s2+$0x0] =	vst v11  }
0x65a: {  	v57 =	vmul.f32 v51, v55;
	v53 =	vld [tilespmem:$0x1F8D0];
	v60 =	vadd.f32 v63, v46;
	v63 =	vmul.f32 v59, v49  }
0x65b: {  	v9 =	vmul.f32 v39, v9;
	v48 =	vadd.f32 $9.999999740e-06, v48;
	v2 =	vadd.f32 v50, v2;
	[tilespmem:s2+$0x10] =	vst v19  }
0x65c: {  	v62 =	vmul.f32 v39, v15;
	v54 =	vmul.f32 v57, v51;
	v55 =	vld [tilespmem:$0x1F8E0];
	[tilespmem:s2+$0x20] =	vst v12;
	v11 =	vsub.f32 $1.500000000e+00, v63  }
0x65d: {  	v57 =	vbroadcast v48, $0xF;
	[tilespmem:s2+$0x30] =	vst v17;
	v46 =	vmul.f32 $7.812500000e-03, v61  }
0x65e: {  	[tilespmem:s2+$0x40] =	vst v13;
	v0 =	vadd.f32 v0, v2;
	(xrf2) =	vadd.scan.msk.f32 $0xffff, v60;
	v11 =	vmul.f32 v11, v49  }
0x65f: {  	[tilespmem:s2+$0x50] =	vst v62;
	v28 =	vmul.f32 $7.812500000e-03, v53;
	v52 =	vmul.f32 v46, v46  }
0x660: {  	[tilespmem:s2+$0x60] =	vst v10;
	v59 =	vsub.f32 $1.500000000e+00, v54;
	(xrf2) =	vadd.scan.msk.f32 $0xffff, v0;
	v6 =	vmul.f32 v11, v6  }
0x661: {  	[tilespmem:s2+$0x70] =	vst v9;
	v60 =	vshra.s32 v57, $0x1;
	v15 =	vsub.f32 v28, v52;
	v8 =	vmul.f32 v11, v8  }
0x662: {  	v19 =	vmul.f32 $5.000000000e-01, v57;
	v61 =	vsub.s32 $0x5F3759DF, v60;
	v4 =	vmul.f32 v11, v4;
	[tilespmem:s2+$0x80] =	vst v6  }
0x663: {  	v12 =	vmul.f32 v59, v51;
	v48 =	vmul.f32 v11, v7;
	v15 =	vadd.f32 $9.999999740e-06, v15;
	[tilespmem:s2+$0x90] =	vst v8  }
0x664: {  	v63 =	vmul.f32 v61, v19;
	v5 =	vmul.f32 v11, v5;
	v53 =	vld [tilespmem:$0x1F930];
	[tilespmem:s2+$0xA0] =	vst v4  }
0x665: {  	v0 =	vbroadcast v55, $0xF;
	v62 =	vbroadcast v15, $0xF;
	v55 =	vld [tilespmem:$0x1F940];
	[tilespmem:s2+$0xB0] =	vst v48  }
0x666: {  	v39 =	vmul.f32 v61, v63;
	v54 =	vmul.f32 v11, v34;
	[tilespmem:s2+$0xC0] =	vst v5  }
0x667: {  	v57 =	vmul.f32 v11, v33;
	v28 =	vshra.s32 v62, $0x1;
	v2 =	vmul.f32 $5.000000000e-01, v62;
	v62 =	vld [tilespmem:$0x1F950]  }
0x668: {  	v51 =	vsub.f32 $1.500000000e+00, v39;
	v34 =	vmul.f32 v11, v32;
	v39 =	vmul.f32 v12, v43;
	v52, _, _ =	vpop (xrf2)  }
0x669: {  	v43 =	vmul.f32 v12, v42;
	v10 =	vmul.f32 $7.812500000e-03, v52;
	v49 =	vsub.s32 $0x5F3759DF, v28  }
0x66a: {  	v60 =	vsub.f32 v3, v40;
	v9 =	vmul.f32 v61, v51;
	v59, _, _ =	vpop (xrf2);
	v50 =	vmul.f32 v49, v2  }
0x66b: {  	[tilespmem:s2+$0xD0] =	vst v54;
	v61 =	vmul.f32 v10, v10;
	v13 =	vmul.f32 $7.812500000e-03, v59;
	v15 =	vsub.f32 v53, v40  }
0x66c: {  	[tilespmem:s2+$0xE0] =	vst v57;
	v17 =	vsub.f32 v55, v40;
	v63 =	vsub.f32 v62, v40;
	v40 =	vmul.f32 v9, v19  }
0x66d: {  	[tilespmem:s2+$0xF0] =	vst v34;
	v52 =	vmul.f32 v12, v60;
	v8 =	vmul.f32 v49, v50;
	v5 =	vsub.f32 v13, v61  }
0x66e: {  	v51 =	vsub.f32 v24, v0;
	[tilespmem:s3+$0x0] =	vst v39;
	v13 =	vbroadcast v46, $0xF;
	v6 =	vmul.f32 v40, v9  }
0x66f: {  	[tilespmem:s3+$0x10] =	vst v43;
	v46 =	vmul.f32 v12, v41;
	v50 =	vmul.f32 v12, v15;
	v5 =	vadd.f32 $9.999999740e-06, v5  }
0x670: {  	[tilespmem:s3+$0x60] =	vst v52;
	v8 =	vsub.f32 $1.500000000e+00, v8;
	v17 =	vmul.f32 v12, v17;
	v6 =	vsub.f32 $1.500000000e+00, v6  }
0x671: {  	v48 =	vsub.f32 v25, v0;
	[tilespmem:s3+$0x20] =	vst v46;
	v55 =	vmul.f32 v12, v63;
	v5 =	vbroadcast v5, $0xF  }
0x672: {  	v57 =	vsub.f32 v20, v0;
	[tilespmem:s3+$0x40] =	vst v50;
	v7 =	vmul.f32 v49, v8;
	v53 =	vmul.f32 v6, v9  }
0x673: {  	v49 =	vmul.f32 v12, v44;
	[tilespmem:s3+$0x50] =	vst v17;
	v54 =	vshra.s32 v5, $0x1;
	v5 =	vmul.f32 $5.000000000e-01, v5  }
0x674: {  	[tilespmem:s3+$0x70] =	vst v55;
	v2 =	vmul.f32 v7, v2;
	v6 =	vsub.s32 $0x5F3759DF, v54;
	v59 =	vmul.f32 v53, v48  }
0x675: {  	v61 =	vsub.f32 v14, v0;
	[tilespmem:s3+$0x30] =	vst v49;
	v60 =	vmul.f32 v6, v5;
	v62 =	vmul.f32 v53, v51  }
0x676: {  	v63 =	vsub.f32 v16, v0;
	v2 =	vmul.f32 v2, v7;
	v16 =	vmul.f32 v53, v57;
	[tilespmem:s3+$0x80] =	vst v59  }
0x677: {  	v19 =	vsub.f32 v21, v0;
	v20 =	vmul.f32 v53, v61;
	v17 =	vmul.f32 v6, v60;
	[tilespmem:s3+$0x90] =	vst v62  }
0x678: {  	v21 =	vsub.f32 v18, v0;
	v24 =	vmul.f32 v53, v63;
	v2 =	vsub.f32 $1.500000000e+00, v2;
	[tilespmem:s3+$0xA0] =	vst v16  }
0x679: {  	v0 =	vsub.f32 v22, v0;
	v25 =	vmul.f32 v53, v19;
	[tilespmem:s3+$0xB0] =	vst v20;
	v9 =	vsub.f32 $1.500000000e+00, v17  }
0x67a: {  	v26 =	vsub.f32 v26, v13;
	v28 =	vmul.f32 v53, v21;
	[tilespmem:s3+$0xC0] =	vst v24;
	v2 =	vmul.f32 v2, v7  }
0x67b: {  	v32 =	vsub.f32 v27, v13;
	v0 =	vmul.f32 v53, v0;
	[tilespmem:s3+$0xD0] =	vst v25;
	v6 =	vmul.f32 v6, v9  }
0x67c: {  	v33 =	vsub.f32 v23, v13;
	[tilespmem:s3+$0xE0] =	vst v28;
	v34 =	vmul.f32 v2, v26  }
0x67d: {  	v42 =	vsub.f32 v38, v13;
	[tilespmem:s3+$0xF0] =	vst v0;
	v41 =	vmul.f32 v2, v32;
	v39 =	vmul.f32 v6, v5  }
0x67e: {  	v43 =	vsub.f32 v37, v13;
	v4 =	vmul.f32 v2, v33;
	[tilespmem:s10+$0x0] =	vst v34  }
0x67f: {  	v44 =	vsub.f32 v35, v13;
	v0 =	vmul.f32 v2, v42;
	[tilespmem:s10+$0x10] =	vst v41;
	v3 =	vmul.f32 v39, v6  }
0x680: {  	v40 =	vsub.f32 v29, v13;
	v7 =	vmul.f32 v2, v43;
	[tilespmem:s10+$0x20] =	vst v4  }
0x681: {  	v46 =	vbroadcast v10, $0xF;
	v50 =	vmul.f32 v2, v44;
	[tilespmem:s10+$0x40] =	vst v0;
	v3 =	vsub.f32 $1.500000000e+00, v3  }
0x682: {  	v48 =	vsub.f32 v36, v13;
	v5 =	vmul.f32 v2, v40;
	[tilespmem:s10+$0x50] =	vst v7  }
0x683: {  	v49 =	vsub.f32 v47, v46;
	[tilespmem:s10+$0x60] =	vst v50;
	v3 =	vmul.f32 v3, v6  }
0x684: {  	v51 =	vsub.f32 v58, v46;
	v2 =	vmul.f32 v2, v48;
	[tilespmem:s10+$0x30] =	vst v5  }
0x685: {  	v52 =	vsub.f32 v56, v46;
	v54 =	vld [tilespmem:$0x1F8F0];
	v53 =	vmul.f32 v3, v49  }
0x686: {  	v56 =	vsub.f32 v30, v46;
	[tilespmem:s10+$0x70] =	vst v2;
	v55 =	vmul.f32 v3, v51  }
0x687: {  	v1 =	vsub.f32 v1, v46;
	v57 =	vmul.f32 v3, v52;
	[tilespmem:s10+$0x80] =	vst v53  }
0x688: {  	v59 =	vsub.f32 v31, v46;
	v60 =	vmul.f32 v3, v56;
	[tilespmem:s10+$0x90] =	vst v55  }
0x689: {  	v61 =	vsub.f32 v45, v46;
	v1 =	vmul.f32 v3, v1;
	[tilespmem:s10+$0xA0] =	vst v57  }
0x68a: {  	v5 =	vsub.f32 v54, v46;
	v62 =	vmul.f32 v3, v59;
	[tilespmem:s10+$0xC0] =	vst v60  }
0x68b: {  	s0 =	sshll.u32 s0, $0xE;
	s31 =	sadd.s32 $0x1, s31;
	v63 =	vmul.f32 v3, v61;
	[tilespmem:s10+$0xD0] =	vst v1  }
0x68c: {  	s0 =	sadd.s32 s7, s0;
	p1 =	sne.s32 s31, $0xA;
	v58 =	vmul.f32 v3, v5;
	[tilespmem:s10+$0xE0] =	vst v62  }
.Ltmp5:
0x68d: {  	s0 =	sshrl.u32 s0, $0x3;
	[tilespmem:s10+$0xF0] =	vst v63;
	(pc) =	sbr.rel @p1 .LBB2_2-.Ltmp5, $4  }
0x68e: {  	s0 =	sadd.s32 s4, s0;
	[tilespmem:s10+$0xB0] =	vst v58;
	s10 =	sadd.s32 $0x1, s12  }
0x68f: {  	[hbm4b:s0+s6] =	stream.linear.scatter [tilespmem:s21], [sflag:$0xA], $0x4000, $0x38;
	[tilespmem:$0x1C100] =	vst v63  }
0x690: {  	p0 =	sgt.s32 s10, $0xC8  }
0x691: {  	s10 =	simm.s32 @p0 $0x1  }
0x692: {  	s0 =	simm.s32 $0x6  }
0x693: {  	_ =	swait.ge [sflag:s0], $0x4000  }
0x694: {  	[sflag:s0] =	ssyncset.done $0x0  }
0x695: {  	s26 =	simm.s32 $0x7;
	[sflag:s0] =	ssyncadd.s32 $0xFFFFC000  }
0x696: {  	_ =	swait.ge [sflag:s26], $0x4000  }
0x697: {  	[sflag:s26] =	ssyncset.done $0x0  }
0x698: {  	s28 =	simm.s32 $0x8;
	[sflag:s26] =	ssyncadd.s32 $0xFFFFC000  }
0x699: {  	_ =	swait.ge [sflag:s28], $0x4000  }
0x69a: {  	[sflag:s28] =	ssyncset.done $0x0  }
0x69b: {  	s29 =	simm.s32 $0x9;
	[sflag:s28] =	ssyncadd.s32 $0xFFFFC000  }
0x69c: {  	_ =	swait.ge [sflag:s29], $0x4000  }
0x69d: {  	[sflag:s29] =	ssyncset.done $0x0  }
0x69e: {  	s2 =	simm.s32 $0xA;
	[sflag:s29] =	ssyncadd.s32 $0xFFFFC000  }
0x69f: {  	_ =	swait.ge [sflag:s2], $0x4000  }
0x6a0: {  	s30 =	sadd.s32 $0x1, s30;
	s31 =	rddreg [dreg:$0x6]  }
0x6a1: {  	p0 =	sne.s32 s30, s31  }
.Ltmp6:
0x6a2: {  	_ = 	snop;
	(pc) =	sbr.rel @p0 .LBB2_1-.Ltmp6, $3  }
0x6a3: {  	_ =	sdelay $0x1  }
0x6a4: {  	[sflag:s2] =	ssyncset.done $0x0  }
0x6a5: {  	[sflag:s2] =	ssyncadd.s32 $0xFFFFC000  }
0x6a6: {  	_ =	sfence.sel $0x180000  }
0x6a7: {  	[bflag:$0x0] =	sbarrier.arrive $0xFFFF  }
0x6a8: {  	_ =	strace $0x90000047  }
0x6a9: {  	s0 =	stileid.u32;
	[bflag:$0x2] =	sbarrier.arrive $0xFFFF  }
0x6aa: {  	p0 =	sne.s32 s0, $0x0;
	s0 =	rddreg [dreg:$0x4]  }
0x6ab: {  	s0 =	sadd.s32 @!p0 $0x100000, s0  }
0x6ac: {  	[sflag:s0] =	ssyncadd.tile.s32 @!p0 $0x1;
	_ =	shalt  }
.Lfunc_end2:
_tile_overlayer_lowered:
.L_overlay_start_2:
0x6ad: {  	(tag) =	ssettag $0x2  }
0x6ae: {  	s0 =	rddreg [dreg:$0x0];
	s2 =	stileid.u32  }
0x6af: {  	s1 =	rddreg [dreg:$0x1];
	p0 =	sne.s32 s2, $0x0  }
0x6b0: {  	s3 =	rddreg [dreg:$0x2];
	[bflag:$0x3] =	sbarrier.arrive $0xFFFF;
	s2 =	simm.s32 @!p0 $0x1C0B  }
0x6b1: {  	[timem:s3], [sflag:s2] =	dma.local @!p0 [hbm:s0], s1  }
0x6b2: {  	s0 =	simm.s32 @!p0 $0xB  }
0x6b3: {  	_ =	swait.ge @!p0 [sflag:s0], s1  }
0x6b4: {  	s1 =	ssub.s32 @!p0 $0x0, s1;
	[sflag:s0] =	ssyncset.done @!p0 $0x0  }
0x6b5: {  	[sflag:s0] =	ssyncadd.s32 @!p0 s1  }
0x6b6: {  	[bflag:$0x3] =	sbarrier.arrive $0xFFFF  }
0x6b7: {  	_ =	shalt  }

</sc_bundles>
